<compile_context>
chip_gen: v7x
topology: tpu7x:2x2x1
jax: 0.10.2.dev20260603
libtpu: 0.0.44.dev20260713+nightly
codegen_flags: <defaults>
</compile_context>

<pallas_src>
import functools

import jax
import jax.numpy as jnp
from jax import lax
from jax.experimental import pallas as pl
from jax.experimental.pallas import tpu as pltpu
from jax.experimental.pallas import tpu_sc as plsc

_L = 16
_NW = 32
_IB = 128
_G = 2
_CH = _IB * _G
_R = 4


def kernel(indices, table):
    indices = jnp.transpose(indices)
    S, B = indices.shape
    V, D = table.shape
    N = B * S
    assert N % (_NW * _CH) == 0 and D % _L == 0
    n_ch = N // (_NW * _CH)
    n_ib = n_ch * _G
    assert n_ch % _R == 0
    idx2d = indices.reshape(N // _IB, _IB)

    mesh = plsc.VectorSubcoreMesh(core_axis_name="c", subcore_axis_name="s")

    @functools.partial(
        pl.kernel,
        mesh=mesh,
        out_type=jax.ShapeDtypeStruct((N, D), jnp.float32),
        compiler_params=pltpu.CompilerParams(use_tc_tiling_on_sc=False),
        scratch_types=[
            pltpu.VMEM((n_ib, _IB), jnp.int32),
            pltpu.VMEM((_R, _CH, D), jnp.float32),
        ]
        + [pltpu.SemaphoreType.DMA] * _R
        + [pltpu.SemaphoreType.DMA] * _R,
    )
    def _emb(idx_hbm, table_hbm, out_hbm, idx_v, rows_v, *sems):
        gsems = sems[:_R]
        wsems = sems[_R:]
        wid = lax.axis_index("s") * 2 + lax.axis_index("c")
        pltpu.sync_copy(idx_hbm.at[pl.ds(wid * n_ib, n_ib)], idx_v)

        def start_gather(j, b):
            for g in range(_G):
                pltpu.async_copy(
                    table_hbm.at[idx_v.at[j * _G + g]],
                    rows_v.at[b].at[pl.ds(g * _IB, _IB)],
                    gsems[b],
                )

        def wait_gather(j, b):
            for g in range(_G):
                pltpu.make_async_copy(
                    table_hbm.at[idx_v.at[j * _G + g]],
                    rows_v.at[b].at[pl.ds(g * _IB, _IB)],
                    gsems[b],
                ).wait()

        def out_slice(j):
            return out_hbm.at[pl.ds((wid * n_ch + j) * _CH, _CH)]

        def process(j, b):
            def cnt_group(i, accv):
                iv = idx_v[j * _G + i // (_IB // _L),
                           pl.ds((i % (_IB // _L)) * _L, _L)]
                return accv + (1 - jnp.minimum(iv, 1))

            accv = lax.fori_loop(
                0, _CH // _L, cnt_group, jnp.zeros((_L,), jnp.int32)
            )
            nzero = accv[0]
            for _k in range(1, _L):
                nzero = nzero + accv[_k]

            @pl.when(nzero > 0)
            def _fix():
                zeros = jnp.zeros((_L,), jnp.float32)

                def fix_group(i, carry2):
                    iv = idx_v[j * _G + i // (_IB // _L),
                               pl.ds((i % (_IB // _L)) * _L, _L)]
                    for l in range(_L):
                        val = iv[l]

                        @pl.when(val == 0)
                        def _zrow(l=l):
                            row = i * _L + l
                            for c in range(D // _L):
                                rows_v[b, row, pl.ds(c * _L, _L)] = zeros

                    return carry2

                lax.fori_loop(0, _CH // _L, fix_group, 0)

            pltpu.async_copy(rows_v.at[b], out_slice(j), wsems[b])

        def wait_write(j, b):
            pltpu.make_async_copy(
                rows_v.at[b], out_slice(j), wsems[b]
            ).wait()

        for b in range(_R):
            start_gather(b, b)

        n_steps = n_ch // _R

        def step_body(step, carry):
            for b in range(_R):
                j = step * _R + b
                wait_gather(j, b)
                process(j, b)

                @pl.when(step < n_steps - 1)
                def _next(j=j, b=b):
                    wait_write(j, b)
                    start_gather(j + _R, b)

            return carry

        lax.fori_loop(0, n_steps, step_body, 0)

        for b in range(_R):
            wait_write(n_ch - _R + b, b)

    out = _emb(idx2d, table)
    return jnp.transpose(out.reshape(S, B, D), (1, 0, 2))

# --- scband reference (transcript-rebuilt; emitter-appended) ---
"""Pipeline reference for scband-pretrained-embedding-16604343566368 (READ-ONLY COPY).

The authoritative reference and input builder live on the scoring server;
editing this copy changes nothing except your own understanding.
"""

import jax, jax.numpy as jnp
import numpy as np

NUM_EMBEDDINGS = 1000000
EMBEDDING_DIM = 64
BATCH = 16384
SEQ_LEN = 50


def setup_inputs(seed: int = 0) -> dict:
    key = jax.random.key(seed)
    k1, k2 = jax.random.split(key)
    # indices correspond to the word2idx-mapped token ids of the padded sentence batch
    indices = jax.random.randint(k1, (BATCH, SEQ_LEN), 0, NUM_EMBEDDINGS)
    # pretrained embedding table ('vectors' copied into nn.Embedding.weight)
    table = jax.random.normal(k2, (NUM_EMBEDDINGS, EMBEDDING_DIM), dtype=jnp.float32) * 0.02
    return {"indices": indices, "table": table}


def reference(indices, table):
    # nn.Embedding(num_embeddings, embedding_dim, padding_idx=0):
    # row 0 is the padding vector and is forced to zero.
    table = table.at[0].set(0.0)
    # word_embeddings = self.embedding(indicies)  -> pure row gather
    word_embeddings = jnp.take(table, indices, axis=0)
    # mean_sequence=False path: return [batch, seq_len, embedding_dim]
    # (lengths are a host-side numpy byproduct; all sequences here are full length)
    return word_embeddings

if __name__ == "__main__":
    import jax
    _d = setup_inputs()
    print(jax.jit(kernel)(*tuple(_d.values())))

</pallas_src>

<mosaic_0001>
#map = affine_map<(d0, d1) -> (0, 0)>
module attributes {stable_mosaic.version = 14 : i64} {
  func.func @_emb(%arg0: i32, %arg1: i32, %arg2: memref<6400x128xi32, #tpu.memory_space<hbm>>, %arg3: memref<1000000x64xf32, #tpu.memory_space<hbm>>, %arg4: memref<819200x64xf32, #tpu.memory_space<hbm>>, %arg5: memref<200x128xi32, #tpu.memory_space<vmem>>, %arg6: memref<4x256x64xf32, #tpu.memory_space<vmem>>, %arg7: memref<!tpu.dma_semaphore, #tpu.memory_space<semaphore_mem>>, %arg8: memref<!tpu.dma_semaphore, #tpu.memory_space<semaphore_mem>>, %arg9: memref<!tpu.dma_semaphore, #tpu.memory_space<semaphore_mem>>, %arg10: memref<!tpu.dma_semaphore, #tpu.memory_space<semaphore_mem>>, %arg11: memref<!tpu.dma_semaphore, #tpu.memory_space<semaphore_mem>>, %arg12: memref<!tpu.dma_semaphore, #tpu.memory_space<semaphore_mem>>, %arg13: memref<!tpu.dma_semaphore, #tpu.memory_space<semaphore_mem>>, %arg14: memref<!tpu.dma_semaphore, #tpu.memory_space<semaphore_mem>>) attributes {dimension_semantics = [#tpu.dimension_semantics<core_parallel>, #tpu.dimension_semantics<subcore_parallel>], iteration_bounds = array<i64: 2, 16>, scalar_prefetch = 0 : i64, scratch_operands = 10 : i64, tpu.core_type = #tpu.core_type<sc_vector_subcore>, window_params = [{transform_indices = #map}, {transform_indices = #map}, {transform_indices = #map}]} {
    %mul3A = arith.constant 2 : i32
    %mul3A_0 = arith.muli %arg1, %mul3A : i32
    %add3A = arith.addi %mul3A_0, %arg0 : i32
    %mul3A_1 = arith.constant 200 : i32
    %mul3A_2 = arith.muli %add3A, %mul3A_1 : i32
    "tpu.region"() ({
      %run_scoped3A = tpu.sem_alloc : memref<!tpu.dma_semaphore, #tpu.memory_space<semaphore_mem>>
      %dma_start3A_202 = arith.constant 0 : i32
      %dma_start3A_203 = tpu.memref_slice %arg2[%mul3A_2, %dma_start3A_202] : memref<6400x128xi32, #tpu.memory_space<hbm>> -> memref<200x128xi32, #tpu.memory_space<hbm>>
      %dma_start3A_204 = arith.constant 0 : i32
      %dma_start3A_205 = tpu.memref_slice %arg2[%mul3A_2, %dma_start3A_204] : memref<6400x128xi32, #tpu.memory_space<hbm>> -> memref<200x128xi32, #tpu.memory_space<hbm>>
      tpu.enqueue_dma source(%dma_start3A_205 : memref<200x128xi32, #tpu.memory_space<hbm>>) target(%arg5 : memref<200x128xi32, #tpu.memory_space<vmem>>) target_semaphore(%run_scoped3A : memref<!tpu.dma_semaphore, #tpu.memory_space<semaphore_mem>>)
      %dma_wait3A_206 = arith.constant 0 : i32
      %dma_wait3A_207 = tpu.memref_slice %arg2[%mul3A_2, %dma_wait3A_206] : memref<6400x128xi32, #tpu.memory_space<hbm>> -> memref<200x128xi32, #tpu.memory_space<hbm>>
      %dma_wait3A_208 = arith.constant 0 : i32
      %dma_wait3A_209 = tpu.memref_slice %arg2[%mul3A_2, %dma_wait3A_208] : memref<6400x128xi32, #tpu.memory_space<hbm>> -> memref<200x128xi32, #tpu.memory_space<hbm>>
      tpu.wait_dma2 semaphore(%run_scoped3A : memref<!tpu.dma_semaphore, #tpu.memory_space<semaphore_mem>>) src(%dma_wait3A_209 : memref<200x128xi32, #tpu.memory_space<hbm>>) dst(%arg5 : memref<200x128xi32, #tpu.memory_space<vmem>>)
      tpu.yield
    }) : () -> ()
    %dma_start3A = arith.constant 0 : i32
    %dma_start3A_3 = arith.constant 0 : i32
    %dma_start3A_4 = arith.constant 0 : i32
    %dma_start3A_5 = arith.constant 0 : i32
    %dma_start3A_6 = tpu.memref_slice %arg6[%dma_start3A_3, %dma_start3A_4, %dma_start3A_5] : memref<4x256x64xf32, #tpu.memory_space<vmem>> -> memref<1x256x64xf32, #tpu.memory_space<vmem>>
    %dma_start3A_7 = tpu.memref_squeeze %dma_start3A_6 : memref<1x256x64xf32, #tpu.memory_space<vmem>> -> memref<256x64xf32, #tpu.memory_space<vmem>>
    %dma_start3A_8 = arith.constant 0 : i32
    %dma_start3A_9 = arith.constant 0 : i32
    %dma_start3A_10 = tpu.memref_slice %dma_start3A_7[%dma_start3A_8, %dma_start3A_9] : memref<256x64xf32, #tpu.memory_space<vmem>> -> memref<128x64xf32, #tpu.memory_space<vmem>>
    %dma_start3A_11 = arith.constant 0 : i32
    %dma_start3A_12 = tpu.memref_slice %arg5[%dma_start3A, %dma_start3A_11] : memref<200x128xi32, #tpu.memory_space<vmem>> -> memref<1x128xi32, #tpu.memory_space<vmem>>
    %dma_start3A_13 = tpu.memref_squeeze %dma_start3A_12 : memref<1x128xi32, #tpu.memory_space<vmem>> -> memref<128xi32, #tpu.memory_space<vmem>>
    %dma_start3A_14 = arith.constant 0 : i32
    %dma_start3A_15 = arith.constant 0 : i32
    %dma_start3A_16 = tpu.memref_slice %arg3[%dma_start3A_14, %dma_start3A_15] : memref<1000000x64xf32, #tpu.memory_space<hbm>> -> memref<1000000x64xf32, #tpu.memory_space<hbm>>
    tpu.enqueue_indirect_dma source(%dma_start3A_16 : memref<1000000x64xf32, #tpu.memory_space<hbm>>) target(%dma_start3A_10 : memref<128x64xf32, #tpu.memory_space<vmem>>) offsets(%dma_start3A_13 : memref<128xi32, #tpu.memory_space<vmem>>) semaphore(%arg7 : memref<!tpu.dma_semaphore, #tpu.memory_space<semaphore_mem>>)
    %dma_start3A_17 = arith.constant 1 : i32
    %dma_start3A_18 = arith.constant 0 : i32
    %dma_start3A_19 = arith.constant 0 : i32
    %dma_start3A_20 = arith.constant 0 : i32
    %dma_start3A_21 = tpu.memref_slice %arg6[%dma_start3A_18, %dma_start3A_19, %dma_start3A_20] : memref<4x256x64xf32, #tpu.memory_space<vmem>> -> memref<1x256x64xf32, #tpu.memory_space<vmem>>
    %dma_start3A_22 = tpu.memref_squeeze %dma_start3A_21 : memref<1x256x64xf32, #tpu.memory_space<vmem>> -> memref<256x64xf32, #tpu.memory_space<vmem>>
    %dma_start3A_23 = arith.constant 128 : i32
    %dma_start3A_24 = arith.constant 0 : i32
    %dma_start3A_25 = tpu.memref_slice %dma_start3A_22[%dma_start3A_23, %dma_start3A_24] : memref<256x64xf32, #tpu.memory_space<vmem>> -> memref<128x64xf32, #tpu.memory_space<vmem>>
    %dma_start3A_26 = arith.constant 0 : i32
    %dma_start3A_27 = tpu.memref_slice %arg5[%dma_start3A_17, %dma_start3A_26] : memref<200x128xi32, #tpu.memory_space<vmem>> -> memref<1x128xi32, #tpu.memory_space<vmem>>
    %dma_start3A_28 = tpu.memref_squeeze %dma_start3A_27 : memref<1x128xi32, #tpu.memory_space<vmem>> -> memref<128xi32, #tpu.memory_space<vmem>>
    %dma_start3A_29 = arith.constant 0 : i32
    %dma_start3A_30 = arith.constant 0 : i32
    %dma_start3A_31 = tpu.memref_slice %arg3[%dma_start3A_29, %dma_start3A_30] : memref<1000000x64xf32, #tpu.memory_space<hbm>> -> memref<1000000x64xf32, #tpu.memory_space<hbm>>
    tpu.enqueue_indirect_dma source(%dma_start3A_31 : memref<1000000x64xf32, #tpu.memory_space<hbm>>) target(%dma_start3A_25 : memref<128x64xf32, #tpu.memory_space<vmem>>) offsets(%dma_start3A_28 : memref<128xi32, #tpu.memory_space<vmem>>) semaphore(%arg7 : memref<!tpu.dma_semaphore, #tpu.memory_space<semaphore_mem>>)
    %dma_start3A_32 = arith.constant 2 : i32
    %dma_start3A_33 = arith.constant 1 : i32
    %dma_start3A_34 = arith.constant 0 : i32
    %dma_start3A_35 = arith.constant 0 : i32
    %dma_start3A_36 = tpu.memref_slice %arg6[%dma_start3A_33, %dma_start3A_34, %dma_start3A_35] : memref<4x256x64xf32, #tpu.memory_space<vmem>> -> memref<1x256x64xf32, #tpu.memory_space<vmem>>
    %dma_start3A_37 = tpu.memref_squeeze %dma_start3A_36 : memref<1x256x64xf32, #tpu.memory_space<vmem>> -> memref<256x64xf32, #tpu.memory_space<vmem>>
    %dma_start3A_38 = arith.constant 0 : i32
    %dma_start3A_39 = arith.constant 0 : i32
    %dma_start3A_40 = tpu.memref_slice %dma_start3A_37[%dma_start3A_38, %dma_start3A_39] : memref<256x64xf32, #tpu.memory_space<vmem>> -> memref<128x64xf32, #tpu.memory_space<vmem>>
    %dma_start3A_41 = arith.constant 0 : i32
    %dma_start3A_42 = tpu.memref_slice %arg5[%dma_start3A_32, %dma_start3A_41] : memref<200x128xi32, #tpu.memory_space<vmem>> -> memref<1x128xi32, #tpu.memory_space<vmem>>
    %dma_start3A_43 = tpu.memref_squeeze %dma_start3A_42 : memref<1x128xi32, #tpu.memory_space<vmem>> -> memref<128xi32, #tpu.memory_space<vmem>>
    %dma_start3A_44 = arith.constant 0 : i32
    %dma_start3A_45 = arith.constant 0 : i32
    %dma_start3A_46 = tpu.memref_slice %arg3[%dma_start3A_44, %dma_start3A_45] : memref<1000000x64xf32, #tpu.memory_space<hbm>> -> memref<1000000x64xf32, #tpu.memory_space<hbm>>
    tpu.enqueue_indirect_dma source(%dma_start3A_46 : memref<1000000x64xf32, #tpu.memory_space<hbm>>) target(%dma_start3A_40 : memref<128x64xf32, #tpu.memory_space<vmem>>) offsets(%dma_start3A_43 : memref<128xi32, #tpu.memory_space<vmem>>) semaphore(%arg8 : memref<!tpu.dma_semaphore, #tpu.memory_space<semaphore_mem>>)
    %dma_start3A_47 = arith.constant 3 : i32
    %dma_start3A_48 = arith.constant 1 : i32
    %dma_start3A_49 = arith.constant 0 : i32
    %dma_start3A_50 = arith.constant 0 : i32
    %dma_start3A_51 = tpu.memref_slice %arg6[%dma_start3A_48, %dma_start3A_49, %dma_start3A_50] : memref<4x256x64xf32, #tpu.memory_space<vmem>> -> memref<1x256x64xf32, #tpu.memory_space<vmem>>
    %dma_start3A_52 = tpu.memref_squeeze %dma_start3A_51 : memref<1x256x64xf32, #tpu.memory_space<vmem>> -> memref<256x64xf32, #tpu.memory_space<vmem>>
    %dma_start3A_53 = arith.constant 128 : i32
    %dma_start3A_54 = arith.constant 0 : i32
    %dma_start3A_55 = tpu.memref_slice %dma_start3A_52[%dma_start3A_53, %dma_start3A_54] : memref<256x64xf32, #tpu.memory_space<vmem>> -> memref<128x64xf32, #tpu.memory_space<vmem>>
    %dma_start3A_56 = arith.constant 0 : i32
    %dma_start3A_57 = tpu.memref_slice %arg5[%dma_start3A_47, %dma_start3A_56] : memref<200x128xi32, #tpu.memory_space<vmem>> -> memref<1x128xi32, #tpu.memory_space<vmem>>
    %dma_start3A_58 = tpu.memref_squeeze %dma_start3A_57 : memref<1x128xi32, #tpu.memory_space<vmem>> -> memref<128xi32, #tpu.memory_space<vmem>>
    %dma_start3A_59 = arith.constant 0 : i32
    %dma_start3A_60 = arith.constant 0 : i32
    %dma_start3A_61 = tpu.memref_slice %arg3[%dma_start3A_59, %dma_start3A_60] : memref<1000000x64xf32, #tpu.memory_space<hbm>> -> memref<1000000x64xf32, #tpu.memory_space<hbm>>
    tpu.enqueue_indirect_dma source(%dma_start3A_61 : memref<1000000x64xf32, #tpu.memory_space<hbm>>) target(%dma_start3A_55 : memref<128x64xf32, #tpu.memory_space<vmem>>) offsets(%dma_start3A_58 : memref<128xi32, #tpu.memory_space<vmem>>) semaphore(%arg8 : memref<!tpu.dma_semaphore, #tpu.memory_space<semaphore_mem>>)
    %dma_start3A_62 = arith.constant 4 : i32
    %dma_start3A_63 = arith.constant 2 : i32
    %dma_start3A_64 = arith.constant 0 : i32
    %dma_start3A_65 = arith.constant 0 : i32
    %dma_start3A_66 = tpu.memref_slice %arg6[%dma_start3A_63, %dma_start3A_64, %dma_start3A_65] : memref<4x256x64xf32, #tpu.memory_space<vmem>> -> memref<1x256x64xf32, #tpu.memory_space<vmem>>
    %dma_start3A_67 = tpu.memref_squeeze %dma_start3A_66 : memref<1x256x64xf32, #tpu.memory_space<vmem>> -> memref<256x64xf32, #tpu.memory_space<vmem>>
    %dma_start3A_68 = arith.constant 0 : i32
    %dma_start3A_69 = arith.constant 0 : i32
    %dma_start3A_70 = tpu.memref_slice %dma_start3A_67[%dma_start3A_68, %dma_start3A_69] : memref<256x64xf32, #tpu.memory_space<vmem>> -> memref<128x64xf32, #tpu.memory_space<vmem>>
    %dma_start3A_71 = arith.constant 0 : i32
    %dma_start3A_72 = tpu.memref_slice %arg5[%dma_start3A_62, %dma_start3A_71] : memref<200x128xi32, #tpu.memory_space<vmem>> -> memref<1x128xi32, #tpu.memory_space<vmem>>
    %dma_start3A_73 = tpu.memref_squeeze %dma_start3A_72 : memref<1x128xi32, #tpu.memory_space<vmem>> -> memref<128xi32, #tpu.memory_space<vmem>>
    %dma_start3A_74 = arith.constant 0 : i32
    %dma_start3A_75 = arith.constant 0 : i32
    %dma_start3A_76 = tpu.memref_slice %arg3[%dma_start3A_74, %dma_start3A_75] : memref<1000000x64xf32, #tpu.memory_space<hbm>> -> memref<1000000x64xf32, #tpu.memory_space<hbm>>
    tpu.enqueue_indirect_dma source(%dma_start3A_76 : memref<1000000x64xf32, #tpu.memory_space<hbm>>) target(%dma_start3A_70 : memref<128x64xf32, #tpu.memory_space<vmem>>) offsets(%dma_start3A_73 : memref<128xi32, #tpu.memory_space<vmem>>) semaphore(%arg9 : memref<!tpu.dma_semaphore, #tpu.memory_space<semaphore_mem>>)
    %dma_start3A_77 = arith.constant 5 : i32
    %dma_start3A_78 = arith.constant 2 : i32
    %dma_start3A_79 = arith.constant 0 : i32
    %dma_start3A_80 = arith.constant 0 : i32
    %dma_start3A_81 = tpu.memref_slice %arg6[%dma_start3A_78, %dma_start3A_79, %dma_start3A_80] : memref<4x256x64xf32, #tpu.memory_space<vmem>> -> memref<1x256x64xf32, #tpu.memory_space<vmem>>
    %dma_start3A_82 = tpu.memref_squeeze %dma_start3A_81 : memref<1x256x64xf32, #tpu.memory_space<vmem>> -> memref<256x64xf32, #tpu.memory_space<vmem>>
    %dma_start3A_83 = arith.constant 128 : i32
    %dma_start3A_84 = arith.constant 0 : i32
    %dma_start3A_85 = tpu.memref_slice %dma_start3A_82[%dma_start3A_83, %dma_start3A_84] : memref<256x64xf32, #tpu.memory_space<vmem>> -> memref<128x64xf32, #tpu.memory_space<vmem>>
    %dma_start3A_86 = arith.constant 0 : i32
    %dma_start3A_87 = tpu.memref_slice %arg5[%dma_start3A_77, %dma_start3A_86] : memref<200x128xi32, #tpu.memory_space<vmem>> -> memref<1x128xi32, #tpu.memory_space<vmem>>
    %dma_start3A_88 = tpu.memref_squeeze %dma_start3A_87 : memref<1x128xi32, #tpu.memory_space<vmem>> -> memref<128xi32, #tpu.memory_space<vmem>>
    %dma_start3A_89 = arith.constant 0 : i32
    %dma_start3A_90 = arith.constant 0 : i32
    %dma_start3A_91 = tpu.memref_slice %arg3[%dma_start3A_89, %dma_start3A_90] : memref<1000000x64xf32, #tpu.memory_space<hbm>> -> memref<1000000x64xf32, #tpu.memory_space<hbm>>
    tpu.enqueue_indirect_dma source(%dma_start3A_91 : memref<1000000x64xf32, #tpu.memory_space<hbm>>) target(%dma_start3A_85 : memref<128x64xf32, #tpu.memory_space<vmem>>) offsets(%dma_start3A_88 : memref<128xi32, #tpu.memory_space<vmem>>) semaphore(%arg9 : memref<!tpu.dma_semaphore, #tpu.memory_space<semaphore_mem>>)
    %dma_start3A_92 = arith.constant 6 : i32
    %dma_start3A_93 = arith.constant 3 : i32
    %dma_start3A_94 = arith.constant 0 : i32
    %dma_start3A_95 = arith.constant 0 : i32
    %dma_start3A_96 = tpu.memref_slice %arg6[%dma_start3A_93, %dma_start3A_94, %dma_start3A_95] : memref<4x256x64xf32, #tpu.memory_space<vmem>> -> memref<1x256x64xf32, #tpu.memory_space<vmem>>
    %dma_start3A_97 = tpu.memref_squeeze %dma_start3A_96 : memref<1x256x64xf32, #tpu.memory_space<vmem>> -> memref<256x64xf32, #tpu.memory_space<vmem>>
    %dma_start3A_98 = arith.constant 0 : i32
    %dma_start3A_99 = arith.constant 0 : i32
    %dma_start3A_100 = tpu.memref_slice %dma_start3A_97[%dma_start3A_98, %dma_start3A_99] : memref<256x64xf32, #tpu.memory_space<vmem>> -> memref<128x64xf32, #tpu.memory_space<vmem>>
    %dma_start3A_101 = arith.constant 0 : i32
    %dma_start3A_102 = tpu.memref_slice %arg5[%dma_start3A_92, %dma_start3A_101] : memref<200x128xi32, #tpu.memory_space<vmem>> -> memref<1x128xi32, #tpu.memory_space<vmem>>
    %dma_start3A_103 = tpu.memref_squeeze %dma_start3A_102 : memref<1x128xi32, #tpu.memory_space<vmem>> -> memref<128xi32, #tpu.memory_space<vmem>>
    %dma_start3A_104 = arith.constant 0 : i32
    %dma_start3A_105 = arith.constant 0 : i32
    %dma_start3A_106 = tpu.memref_slice %arg3[%dma_start3A_104, %dma_start3A_105] : memref<1000000x64xf32, #tpu.memory_space<hbm>> -> memref<1000000x64xf32, #tpu.memory_space<hbm>>
    tpu.enqueue_indirect_dma source(%dma_start3A_106 : memref<1000000x64xf32, #tpu.memory_space<hbm>>) target(%dma_start3A_100 : memref<128x64xf32, #tpu.memory_space<vmem>>) offsets(%dma_start3A_103 : memref<128xi32, #tpu.memory_space<vmem>>) semaphore(%arg10 : memref<!tpu.dma_semaphore, #tpu.memory_space<semaphore_mem>>)
    %dma_start3A_107 = arith.constant 7 : i32
    %dma_start3A_108 = arith.constant 3 : i32
    %dma_start3A_109 = arith.constant 0 : i32
    %dma_start3A_110 = arith.constant 0 : i32
    %dma_start3A_111 = tpu.memref_slice %arg6[%dma_start3A_108, %dma_start3A_109, %dma_start3A_110] : memref<4x256x64xf32, #tpu.memory_space<vmem>> -> memref<1x256x64xf32, #tpu.memory_space<vmem>>
    %dma_start3A_112 = tpu.memref_squeeze %dma_start3A_111 : memref<1x256x64xf32, #tpu.memory_space<vmem>> -> memref<256x64xf32, #tpu.memory_space<vmem>>
    %dma_start3A_113 = arith.constant 128 : i32
    %dma_start3A_114 = arith.constant 0 : i32
    %dma_start3A_115 = tpu.memref_slice %dma_start3A_112[%dma_start3A_113, %dma_start3A_114] : memref<256x64xf32, #tpu.memory_space<vmem>> -> memref<128x64xf32, #tpu.memory_space<vmem>>
    %dma_start3A_116 = arith.constant 0 : i32
    %dma_start3A_117 = tpu.memref_slice %arg5[%dma_start3A_107, %dma_start3A_116] : memref<200x128xi32, #tpu.memory_space<vmem>> -> memref<1x128xi32, #tpu.memory_space<vmem>>
    %dma_start3A_118 = tpu.memref_squeeze %dma_start3A_117 : memref<1x128xi32, #tpu.memory_space<vmem>> -> memref<128xi32, #tpu.memory_space<vmem>>
    %dma_start3A_119 = arith.constant 0 : i32
    %dma_start3A_120 = arith.constant 0 : i32
    %dma_start3A_121 = tpu.memref_slice %arg3[%dma_start3A_119, %dma_start3A_120] : memref<1000000x64xf32, #tpu.memory_space<hbm>> -> memref<1000000x64xf32, #tpu.memory_space<hbm>>
    tpu.enqueue_indirect_dma source(%dma_start3A_121 : memref<1000000x64xf32, #tpu.memory_space<hbm>>) target(%dma_start3A_115 : memref<128x64xf32, #tpu.memory_space<vmem>>) offsets(%dma_start3A_118 : memref<128xi32, #tpu.memory_space<vmem>>) semaphore(%arg10 : memref<!tpu.dma_semaphore, #tpu.memory_space<semaphore_mem>>)
    %scan3A = arith.constant 0 : i32
    %scan3A_122 = arith.constant 0 : i32
    %scan3A_123 = arith.constant 25 : i32
    %scan3A_124 = arith.addi %scan3A_122, %scan3A_123 : i32
    %scan3A_125 = arith.constant 1 : i32
    scf.for %scan3A_202 = %scan3A_122 to %scan3A_124 step %scan3A_125  : i32 {
      %mul3A_203 = arith.constant 4 : i32
      %mul3A_204 = arith.muli %scan3A_202, %mul3A_203 : i32
      %add3A_205 = arith.constant 0 : i32
      %add3A_206 = arith.addi %mul3A_204, %add3A_205 : i32
      %mul3A_207 = arith.constant 2 : i32
      %mul3A_208 = arith.muli %add3A_206, %mul3A_207 : i32
      %add3A_209 = arith.constant 0 : i32
      %add3A_210 = arith.addi %mul3A_208, %add3A_209 : i32
      %dma_wait3A_211 = arith.constant 0 : i32
      %dma_wait3A_212 = arith.constant 0 : i32
      %dma_wait3A_213 = arith.constant 0 : i32
      %dma_wait3A_214 = tpu.memref_slice %arg6[%dma_wait3A_211, %dma_wait3A_212, %dma_wait3A_213] : memref<4x256x64xf32, #tpu.memory_space<vmem>> -> memref<1x256x64xf32, #tpu.memory_space<vmem>>
      %dma_wait3A_215 = tpu.memref_squeeze %dma_wait3A_214 : memref<1x256x64xf32, #tpu.memory_space<vmem>> -> memref<256x64xf32, #tpu.memory_space<vmem>>
      %dma_wait3A_216 = arith.constant 0 : i32
      %dma_wait3A_217 = arith.constant 0 : i32
      %dma_wait3A_218 = tpu.memref_slice %dma_wait3A_215[%dma_wait3A_216, %dma_wait3A_217] : memref<256x64xf32, #tpu.memory_space<vmem>> -> memref<128x64xf32, #tpu.memory_space<vmem>>
      %dma_wait3A_219 = arith.constant 0 : i32
      %dma_wait3A_220 = tpu.memref_slice %arg5[%add3A_210, %dma_wait3A_219] : memref<200x128xi32, #tpu.memory_space<vmem>> -> memref<1x128xi32, #tpu.memory_space<vmem>>
      %dma_wait3A_221 = tpu.memref_squeeze %dma_wait3A_220 : memref<1x128xi32, #tpu.memory_space<vmem>> -> memref<128xi32, #tpu.memory_space<vmem>>
      %dma_wait3A_222 = arith.constant 0 : i32
      %dma_wait3A_223 = arith.constant 0 : i32
      %dma_wait3A_224 = tpu.memref_slice %arg3[%dma_wait3A_222, %dma_wait3A_223] : memref<1000000x64xf32, #tpu.memory_space<hbm>> -> memref<1000000x64xf32, #tpu.memory_space<hbm>>
      tpu.wait_indirect_dma semaphore(%arg7 : memref<!tpu.dma_semaphore, #tpu.memory_space<semaphore_mem>>) src(%dma_wait3A_224 : memref<1000000x64xf32, #tpu.memory_space<hbm>>) dst(%dma_wait3A_218 : memref<128x64xf32, #tpu.memory_space<vmem>>)
      %mul3A_225 = arith.constant 2 : i32
      %mul3A_226 = arith.muli %add3A_206, %mul3A_225 : i32
      %add3A_227 = arith.constant 1 : i32
      %add3A_228 = arith.addi %mul3A_226, %add3A_227 : i32
      %dma_wait3A_229 = arith.constant 0 : i32
      %dma_wait3A_230 = arith.constant 0 : i32
      %dma_wait3A_231 = arith.constant 0 : i32
      %dma_wait3A_232 = tpu.memref_slice %arg6[%dma_wait3A_229, %dma_wait3A_230, %dma_wait3A_231] : memref<4x256x64xf32, #tpu.memory_space<vmem>> -> memref<1x256x64xf32, #tpu.memory_space<vmem>>
      %dma_wait3A_233 = tpu.memref_squeeze %dma_wait3A_232 : memref<1x256x64xf32, #tpu.memory_space<vmem>> -> memref<256x64xf32, #tpu.memory_space<vmem>>
      %dma_wait3A_234 = arith.constant 128 : i32
      %dma_wait3A_235 = arith.constant 0 : i32
      %dma_wait3A_236 = tpu.memref_slice %dma_wait3A_233[%dma_wait3A_234, %dma_wait3A_235] : memref<256x64xf32, #tpu.memory_space<vmem>> -> memref<128x64xf32, #tpu.memory_space<vmem>>
      %dma_wait3A_237 = arith.constant 0 : i32
      %dma_wait3A_238 = tpu.memref_slice %arg5[%add3A_228, %dma_wait3A_237] : memref<200x128xi32, #tpu.memory_space<vmem>> -> memref<1x128xi32, #tpu.memory_space<vmem>>
      %dma_wait3A_239 = tpu.memref_squeeze %dma_wait3A_238 : memref<1x128xi32, #tpu.memory_space<vmem>> -> memref<128xi32, #tpu.memory_space<vmem>>
      %dma_wait3A_240 = arith.constant 0 : i32
      %dma_wait3A_241 = arith.constant 0 : i32
      %dma_wait3A_242 = tpu.memref_slice %arg3[%dma_wait3A_240, %dma_wait3A_241] : memref<1000000x64xf32, #tpu.memory_space<hbm>> -> memref<1000000x64xf32, #tpu.memory_space<hbm>>
      tpu.wait_indirect_dma semaphore(%arg7 : memref<!tpu.dma_semaphore, #tpu.memory_space<semaphore_mem>>) src(%dma_wait3A_242 : memref<1000000x64xf32, #tpu.memory_space<hbm>>) dst(%dma_wait3A_236 : memref<128x64xf32, #tpu.memory_space<vmem>>)
      %broadcast_in_dim3A = arith.constant 0 : i32
      %broadcast_in_dim3A_243 = vector.broadcast %broadcast_in_dim3A : i32 to vector<16xi32>
      %scan3A_244 = arith.constant 0 : i32
      %scan3A_245 = arith.constant 16 : i32
      %scan3A_246 = arith.addi %scan3A_244, %scan3A_245 : i32
      %scan3A_247 = arith.constant 1 : i32
      %scan3A_248 = scf.for %scan3A_688 = %scan3A_244 to %scan3A_246 step %scan3A_247 iter_args(%scan3A_689 = %broadcast_in_dim3A_243) -> (vector<16xi32>)  : i32 {
        %mul3A_690 = arith.constant 2 : i32
        %mul3A_691 = arith.muli %add3A_206, %mul3A_690 : i32
        %jit3A = arith.constant 8 : i32
        %div3A = arith.divsi %scan3A_688, %jit3A : i32
        %sign3A = arith.constant 0 : i32
        %sign3A_692 = arith.cmpi sgt, %scan3A_688, %sign3A : i32
        %sign3A_693 = arith.extui %sign3A_692 : i1 to i32
        %sign3A_694 = arith.constant 0 : i32
        %sign3A_695 = arith.cmpi slt, %scan3A_688, %sign3A_694 : i32
        %sign3A_696 = arith.extui %sign3A_695 : i1 to i32
        %sign3A_697 = arith.subi %sign3A_693, %sign3A_696 : i32
        %sign3A_698 = arith.constant 0 : i32
        %sign3A_699 = arith.cmpi sgt, %jit3A, %sign3A_698 : i32
        %sign3A_700 = arith.extui %sign3A_699 : i1 to i32
        %sign3A_701 = arith.constant 0 : i32
        %sign3A_702 = arith.cmpi slt, %jit3A, %sign3A_701 : i32
        %sign3A_703 = arith.extui %sign3A_702 : i1 to i32
        %sign3A_704 = arith.subi %sign3A_700, %sign3A_703 : i32
        %ne3A = arith.cmpi ne, %sign3A_697, %sign3A_704 : i32
        %rem3A = arith.remsi %scan3A_688, %jit3A : i32
        %ne3A_705 = arith.constant 0 : i32
        %ne3A_706 = arith.cmpi ne, %rem3A, %ne3A_705 : i32
        %and3A = arith.andi %ne3A, %ne3A_706 : i1
        %sub3A = arith.constant 1 : i32
        %sub3A_707 = arith.subi %div3A, %sub3A : i32
        %select_n3A = arith.select %and3A, %sub3A_707, %div3A : i32
        %add3A_708 = arith.addi %mul3A_691, %select_n3A : i32
        %jit3A_709 = arith.constant 8 : i32
        %eq3A = arith.constant 0 : i32
        %eq3A_710 = arith.cmpi eq, %jit3A_709, %eq3A : i32
        %jit3A_711 = arith.constant 1 : i32
        %select_n3A_712 = arith.select %eq3A_710, %jit3A_711, %jit3A_709 : i32
        %rem3A_713 = arith.remsi %scan3A_688, %select_n3A_712 : i32
        %ne3A_714 = arith.constant 0 : i32
        %ne3A_715 = arith.cmpi ne, %rem3A_713, %ne3A_714 : i32
        %lt3A_716 = arith.constant 0 : i32
        %lt3A_717 = arith.cmpi slt, %rem3A_713, %lt3A_716 : i32
        %lt3A_718 = arith.constant 0 : i32
        %lt3A_719 = arith.cmpi slt, %select_n3A_712, %lt3A_718 : i32
        %ne3A_720 = arith.xori %lt3A_717, %lt3A_719 : i1
        %and3A_721 = arith.andi %ne3A_720, %ne3A_715 : i1
        %add3A_722 = arith.addi %rem3A_713, %select_n3A_712 : i32
        %select_n3A_723 = arith.select %and3A_721, %add3A_722, %rem3A_713 : i32
        %mul3A_724 = arith.constant 16 : i32
        %mul3A_725 = arith.muli %select_n3A_723, %mul3A_724 : i32
        %get3A = arith.index_cast %add3A_708 : i32 to index
        %get3A_726 = arith.index_cast %mul3A_725 : i32 to index
        %get3A_727 = tpu.vector_load %arg5[%get3A, %get3A_726] {strides = array<i32>} : memref<200x128xi32, #tpu.memory_space<vmem>>, vector<1x16xi32>,
        %get3A_728 = vector.shape_cast %get3A_727 : vector<1x16xi32> to vector<16xi32>
        %min3A = arith.constant 1 : i32
        %min3A_729 = vector.broadcast %min3A : i32 to vector<16xi32>
        %min3A_730 = arith.minsi %get3A_728, %min3A_729 : vector<16xi32>
        %sub3A_731 = arith.constant 1 : i32
        %sub3A_732 = vector.broadcast %sub3A_731 : i32 to vector<16xi32>
        %sub3A_733 = arith.subi %sub3A_732, %min3A_730 : vector<16xi32>
        %add3A_734 = arith.addi %scan3A_689, %sub3A_733 : vector<16xi32>
        scf.yield %add3A_734 : vector<16xi32>
      }
      %scan3A_249 = arith.constant 16 : i32
      %slice3A = vector.extract_strided_slice %scan3A_248 {offsets = [0], sizes = [1], strides = [1]} : vector<16xi32> to vector<1xi32>
      %squeeze3A = vector.extract %slice3A[0] : i32 from vector<1xi32>
      %slice3A_250 = vector.extract_strided_slice %scan3A_248 {offsets = [1], sizes = [1], strides = [1]} : vector<16xi32> to vector<1xi32>
      %squeeze3A_251 = vector.extract %slice3A_250[0] : i32 from vector<1xi32>
      %add3A_252 = arith.addi %squeeze3A, %squeeze3A_251 : i32
      %slice3A_253 = vector.extract_strided_slice %scan3A_248 {offsets = [2], sizes = [1], strides = [1]} : vector<16xi32> to vector<1xi32>
      %squeeze3A_254 = vector.extract %slice3A_253[0] : i32 from vector<1xi32>
      %add3A_255 = arith.addi %add3A_252, %squeeze3A_254 : i32
      %slice3A_256 = vector.extract_strided_slice %scan3A_248 {offsets = [3], sizes = [1], strides = [1]} : vector<16xi32> to vector<1xi32>
      %squeeze3A_257 = vector.extract %slice3A_256[0] : i32 from vector<1xi32>
      %add3A_258 = arith.addi %add3A_255, %squeeze3A_257 : i32
      %slice3A_259 = vector.extract_strided_slice %scan3A_248 {offsets = [4], sizes = [1], strides = [1]} : vector<16xi32> to vector<1xi32>
      %squeeze3A_260 = vector.extract %slice3A_259[0] : i32 from vector<1xi32>
      %add3A_261 = arith.addi %add3A_258, %squeeze3A_260 : i32
      %slice3A_262 = vector.extract_strided_slice %scan3A_248 {offsets = [5], sizes = [1], strides = [1]} : vector<16xi32> to vector<1xi32>
      %squeeze3A_263 = vector.extract %slice3A_262[0] : i32 from vector<1xi32>
      %add3A_264 = arith.addi %add3A_261, %squeeze3A_263 : i32
      %slice3A_265 = vector.extract_strided_slice %scan3A_248 {offsets = [6], sizes = [1], strides = [1]} : vector<16xi32> to vector<1xi32>
      %squeeze3A_266 = vector.extract %slice3A_265[0] : i32 from vector<1xi32>
      %add3A_267 = arith.addi %add3A_264, %squeeze3A_266 : i32
      %slice3A_268 = vector.extract_strided_slice %scan3A_248 {offsets = [7], sizes = [1], strides = [1]} : vector<16xi32> to vector<1xi32>
      %squeeze3A_269 = vector.extract %slice3A_268[0] : i32 from vector<1xi32>
      %add3A_270 = arith.addi %add3A_267, %squeeze3A_269 : i32
      %slice3A_271 = vector.extract_strided_slice %scan3A_248 {offsets = [8], sizes = [1], strides = [1]} : vector<16xi32> to vector<1xi32>
      %squeeze3A_272 = vector.extract %slice3A_271[0] : i32 from vector<1xi32>
      %add3A_273 = arith.addi %add3A_270, %squeeze3A_272 : i32
      %slice3A_274 = vector.extract_strided_slice %scan3A_248 {offsets = [9], sizes = [1], strides = [1]} : vector<16xi32> to vector<1xi32>
      %squeeze3A_275 = vector.extract %slice3A_274[0] : i32 from vector<1xi32>
      %add3A_276 = arith.addi %add3A_273, %squeeze3A_275 : i32
      %slice3A_277 = vector.extract_strided_slice %scan3A_248 {offsets = [10], sizes = [1], strides = [1]} : vector<16xi32> to vector<1xi32>
      %squeeze3A_278 = vector.extract %slice3A_277[0] : i32 from vector<1xi32>
      %add3A_279 = arith.addi %add3A_276, %squeeze3A_278 : i32
      %slice3A_280 = vector.extract_strided_slice %scan3A_248 {offsets = [11], sizes = [1], strides = [1]} : vector<16xi32> to vector<1xi32>
      %squeeze3A_281 = vector.extract %slice3A_280[0] : i32 from vector<1xi32>
      %add3A_282 = arith.addi %add3A_279, %squeeze3A_281 : i32
      %slice3A_283 = vector.extract_strided_slice %scan3A_248 {offsets = [12], sizes = [1], strides = [1]} : vector<16xi32> to vector<1xi32>
      %squeeze3A_284 = vector.extract %slice3A_283[0] : i32 from vector<1xi32>
      %add3A_285 = arith.addi %add3A_282, %squeeze3A_284 : i32
      %slice3A_286 = vector.extract_strided_slice %scan3A_248 {offsets = [13], sizes = [1], strides = [1]} : vector<16xi32> to vector<1xi32>
      %squeeze3A_287 = vector.extract %slice3A_286[0] : i32 from vector<1xi32>
      %add3A_288 = arith.addi %add3A_285, %squeeze3A_287 : i32
      %slice3A_289 = vector.extract_strided_slice %scan3A_248 {offsets = [14], sizes = [1], strides = [1]} : vector<16xi32> to vector<1xi32>
      %squeeze3A_290 = vector.extract %slice3A_289[0] : i32 from vector<1xi32>
      %add3A_291 = arith.addi %add3A_288, %squeeze3A_290 : i32
      %slice3A_292 = vector.extract_strided_slice %scan3A_248 {offsets = [15], sizes = [1], strides = [1]} : vector<16xi32> to vector<1xi32>
      %squeeze3A_293 = vector.extract %slice3A_292[0] : i32 from vector<1xi32>
      %add3A_294 = arith.addi %add3A_291, %squeeze3A_293 : i32
      %gt3A = arith.constant 0 : i32
      %gt3A_295 = arith.cmpi sgt, %add3A_294, %gt3A : i32
      %convert_element_type3A = arith.extui %gt3A_295 : i1 to i32
      %cond3A = arith.constant 0 : i32
      %cond3A_296 = arith.cmpi ne, %convert_element_type3A, %cond3A : i32
      scf.if %cond3A_296 {
        %broadcast_in_dim3A_688 = arith.constant 0.000000e+00 : f32
        %broadcast_in_dim3A_689 = vector.broadcast %broadcast_in_dim3A_688 : f32 to vector<16xf32>
        %scan3A_690 = arith.constant 0 : i32
        %scan3A_691 = arith.constant 0 : i32
        %scan3A_692 = arith.constant 16 : i32
        %scan3A_693 = arith.addi %scan3A_691, %scan3A_692 : i32
        %scan3A_694 = arith.constant 1 : i32
        scf.for %scan3A_696 = %scan3A_691 to %scan3A_693 step %scan3A_694  : i32 {
          %mul3A_697 = arith.constant 2 : i32
          %mul3A_698 = arith.muli %add3A_206, %mul3A_697 : i32
          %jit3A = arith.constant 8 : i32
          %div3A = arith.divsi %scan3A_696, %jit3A : i32
          %sign3A = arith.constant 0 : i32
          %sign3A_699 = arith.cmpi sgt, %scan3A_696, %sign3A : i32
          %sign3A_700 = arith.extui %sign3A_699 : i1 to i32
          %sign3A_701 = arith.constant 0 : i32
          %sign3A_702 = arith.cmpi slt, %scan3A_696, %sign3A_701 : i32
          %sign3A_703 = arith.extui %sign3A_702 : i1 to i32
          %sign3A_704 = arith.subi %sign3A_700, %sign3A_703 : i32
          %sign3A_705 = arith.constant 0 : i32
          %sign3A_706 = arith.cmpi sgt, %jit3A, %sign3A_705 : i32
          %sign3A_707 = arith.extui %sign3A_706 : i1 to i32
          %sign3A_708 = arith.constant 0 : i32
          %sign3A_709 = arith.cmpi slt, %jit3A, %sign3A_708 : i32
          %sign3A_710 = arith.extui %sign3A_709 : i1 to i32
          %sign3A_711 = arith.subi %sign3A_707, %sign3A_710 : i32
          %ne3A = arith.cmpi ne, %sign3A_704, %sign3A_711 : i32
          %rem3A = arith.remsi %scan3A_696, %jit3A : i32
          %ne3A_712 = arith.constant 0 : i32
          %ne3A_713 = arith.cmpi ne, %rem3A, %ne3A_712 : i32
          %and3A = arith.andi %ne3A, %ne3A_713 : i1
          %sub3A = arith.constant 1 : i32
          %sub3A_714 = arith.subi %div3A, %sub3A : i32
          %select_n3A = arith.select %and3A, %sub3A_714, %div3A : i32
          %add3A_715 = arith.addi %mul3A_698, %select_n3A : i32
          %jit3A_716 = arith.constant 8 : i32
          %eq3A = arith.constant 0 : i32
          %eq3A_717 = arith.cmpi eq, %jit3A_716, %eq3A : i32
          %jit3A_718 = arith.constant 1 : i32
          %select_n3A_719 = arith.select %eq3A_717, %jit3A_718, %jit3A_716 : i32
          %rem3A_720 = arith.remsi %scan3A_696, %select_n3A_719 : i32
          %ne3A_721 = arith.constant 0 : i32
          %ne3A_722 = arith.cmpi ne, %rem3A_720, %ne3A_721 : i32
          %lt3A_723 = arith.constant 0 : i32
          %lt3A_724 = arith.cmpi slt, %rem3A_720, %lt3A_723 : i32
          %lt3A_725 = arith.constant 0 : i32
          %lt3A_726 = arith.cmpi slt, %select_n3A_719, %lt3A_725 : i32
          %ne3A_727 = arith.xori %lt3A_724, %lt3A_726 : i1
          %and3A_728 = arith.andi %ne3A_727, %ne3A_722 : i1
          %add3A_729 = arith.addi %rem3A_720, %select_n3A_719 : i32
          %select_n3A_730 = arith.select %and3A_728, %add3A_729, %rem3A_720 : i32
          %mul3A_731 = arith.constant 16 : i32
          %mul3A_732 = arith.muli %select_n3A_730, %mul3A_731 : i32
          %get3A = arith.index_cast %add3A_715 : i32 to index
          %get3A_733 = arith.index_cast %mul3A_732 : i32 to index
          %get3A_734 = tpu.vector_load %arg5[%get3A, %get3A_733] {strides = array<i32>} : memref<200x128xi32, #tpu.memory_space<vmem>>, vector<1x16xi32>,
          %get3A_735 = vector.shape_cast %get3A_734 : vector<1x16xi32> to vector<16xi32>
          %slice3A_736 = vector.extract_strided_slice %get3A_735 {offsets = [0], sizes = [1], strides = [1]} : vector<16xi32> to vector<1xi32>
          %squeeze3A_737 = vector.extract %slice3A_736[0] : i32 from vector<1xi32>
          %eq3A_738 = arith.constant 0 : i32
          %eq3A_739 = arith.cmpi eq, %squeeze3A_737, %eq3A_738 : i32
          %convert_element_type3A_740 = arith.extui %eq3A_739 : i1 to i32
          %cond3A_741 = arith.constant 0 : i32
          %cond3A_742 = arith.cmpi ne, %convert_element_type3A_740, %cond3A_741 : i32
          scf.if %cond3A_742 {
            %mul3A_848 = arith.constant 16 : i32
            %mul3A_849 = arith.muli %scan3A_696, %mul3A_848 : i32
            %add3A_850 = arith.constant 0 : i32
            %add3A_851 = arith.addi %mul3A_849, %add3A_850 : i32
            %swap3A = arith.constant 0 : i32
            %swap3A_852 = arith.index_cast %swap3A : i32 to index
            %swap3A_853 = arith.index_cast %add3A_851 : i32 to index
            %swap3A_854 = arith.constant 0 : index
            %swap3A_855 = tpu.vector_load %arg6[%swap3A_852, %swap3A_853, %swap3A_854] {strides = array<i32>} : memref<4x256x64xf32, #tpu.memory_space<vmem>>, vector<1x1x16xf32>,
            %swap3A_856 = vector.shape_cast %swap3A_855 : vector<1x1x16xf32> to vector<16xf32>
            %swap3A_857 = vector.shape_cast %broadcast_in_dim3A_689 : vector<16xf32> to vector<1x1x16xf32>
            tpu.vector_store %arg6[%swap3A_852, %swap3A_853, %swap3A_854], %swap3A_857 {strides = array<i32>} : memref<4x256x64xf32, #tpu.memory_space<vmem>>, vector<1x1x16xf32>,
            %swap3A_858 = arith.constant 0 : i32
            %swap3A_859 = arith.index_cast %swap3A_858 : i32 to index
            %swap3A_860 = arith.index_cast %add3A_851 : i32 to index
            %swap3A_861 = arith.constant 16 : index
            %swap3A_862 = tpu.vector_load %arg6[%swap3A_859, %swap3A_860, %swap3A_861] {strides = array<i32>} : memref<4x256x64xf32, #tpu.memory_space<vmem>>, vector<1x1x16xf32>,
            %swap3A_863 = vector.shape_cast %swap3A_862 : vector<1x1x16xf32> to vector<16xf32>
            %swap3A_864 = vector.shape_cast %broadcast_in_dim3A_689 : vector<16xf32> to vector<1x1x16xf32>
            tpu.vector_store %arg6[%swap3A_859, %swap3A_860, %swap3A_861], %swap3A_864 {strides = array<i32>} : memref<4x256x64xf32, #tpu.memory_space<vmem>>, vector<1x1x16xf32>,
            %swap3A_865 = arith.constant 0 : i32
            %swap3A_866 = arith.index_cast %swap3A_865 : i32 to index
            %swap3A_867 = arith.index_cast %add3A_851 : i32 to index
            %swap3A_868 = arith.constant 32 : index
            %swap3A_869 = tpu.vector_load %arg6[%swap3A_866, %swap3A_867, %swap3A_868] {strides = array<i32>} : memref<4x256x64xf32, #tpu.memory_space<vmem>>, vector<1x1x16xf32>,
            %swap3A_870 = vector.shape_cast %swap3A_869 : vector<1x1x16xf32> to vector<16xf32>
            %swap3A_871 = vector.shape_cast %broadcast_in_dim3A_689 : vector<16xf32> to vector<1x1x16xf32>
            tpu.vector_store %arg6[%swap3A_866, %swap3A_867, %swap3A_868], %swap3A_871 {strides = array<i32>} : memref<4x256x64xf32, #tpu.memory_space<vmem>>, vector<1x1x16xf32>,
            %swap3A_872 = arith.constant 0 : i32
            %swap3A_873 = arith.index_cast %swap3A_872 : i32 to index
            %swap3A_874 = arith.index_cast %add3A_851 : i32 to index
            %swap3A_875 = arith.constant 48 : index
            %swap3A_876 = tpu.vector_load %arg6[%swap3A_873, %swap3A_874, %swap3A_875] {strides = array<i32>} : memref<4x256x64xf32, #tpu.memory_space<vmem>>, vector<1x1x16xf32>,
            %swap3A_877 = vector.shape_cast %swap3A_876 : vector<1x1x16xf32> to vector<16xf32>
            %swap3A_878 = vector.shape_cast %broadcast_in_dim3A_689 : vector<16xf32> to vector<1x1x16xf32>
            tpu.vector_store %arg6[%swap3A_873, %swap3A_874, %swap3A_875], %swap3A_878 {strides = array<i32>} : memref<4x256x64xf32, #tpu.memory_space<vmem>>, vector<1x1x16xf32>,
          } else {
          }
          %slice3A_743 = vector.extract_strided_slice %get3A_735 {offsets = [1], sizes = [1], strides = [1]} : vector<16xi32> to vector<1xi32>
          %squeeze3A_744 = vector.extract %slice3A_743[0] : i32 from vector<1xi32>
          %eq3A_745 = arith.constant 0 : i32
          %eq3A_746 = arith.cmpi eq, %squeeze3A_744, %eq3A_745 : i32
          %convert_element_type3A_747 = arith.extui %eq3A_746 : i1 to i32
          %cond3A_748 = arith.constant 0 : i32
          %cond3A_749 = arith.cmpi ne, %convert_element_type3A_747, %cond3A_748 : i32
          scf.if %cond3A_749 {
            %mul3A_848 = arith.constant 16 : i32
            %mul3A_849 = arith.muli %scan3A_696, %mul3A_848 : i32
            %add3A_850 = arith.constant 1 : i32
            %add3A_851 = arith.addi %mul3A_849, %add3A_850 : i32
            %swap3A = arith.constant 0 : i32
            %swap3A_852 = arith.index_cast %swap3A : i32 to index
            %swap3A_853 = arith.index_cast %add3A_851 : i32 to index
            %swap3A_854 = arith.constant 0 : index
            %swap3A_855 = tpu.vector_load %arg6[%swap3A_852, %swap3A_853, %swap3A_854] {strides = array<i32>} : memref<4x256x64xf32, #tpu.memory_space<vmem>>, vector<1x1x16xf32>,
            %swap3A_856 = vector.shape_cast %swap3A_855 : vector<1x1x16xf32> to vector<16xf32>
            %swap3A_857 = vector.shape_cast %broadcast_in_dim3A_689 : vector<16xf32> to vector<1x1x16xf32>
            tpu.vector_store %arg6[%swap3A_852, %swap3A_853, %swap3A_854], %swap3A_857 {strides = array<i32>} : memref<4x256x64xf32, #tpu.memory_space<vmem>>, vector<1x1x16xf32>,
            %swap3A_858 = arith.constant 0 : i32
            %swap3A_859 = arith.index_cast %swap3A_858 : i32 to index
            %swap3A_860 = arith.index_cast %add3A_851 : i32 to index
            %swap3A_861 = arith.constant 16 : index
            %swap3A_862 = tpu.vector_load %arg6[%swap3A_859, %swap3A_860, %swap3A_861] {strides = array<i32>} : memref<4x256x64xf32, #tpu.memory_space<vmem>>, vector<1x1x16xf32>,
            %swap3A_863 = vector.shape_cast %swap3A_862 : vector<1x1x16xf32> to vector<16xf32>
            %swap3A_864 = vector.shape_cast %broadcast_in_dim3A_689 : vector<16xf32> to vector<1x1x16xf32>
            tpu.vector_store %arg6[%swap3A_859, %swap3A_860, %swap3A_861], %swap3A_864 {strides = array<i32>} : memref<4x256x64xf32, #tpu.memory_space<vmem>>, vector<1x1x16xf32>,
            %swap3A_865 = arith.constant 0 : i32
            %swap3A_866 = arith.index_cast %swap3A_865 : i32 to index
            %swap3A_867 = arith.index_cast %add3A_851 : i32 to index
            %swap3A_868 = arith.constant 32 : index
            %swap3A_869 = tpu.vector_load %arg6[%swap3A_866, %swap3A_867, %swap3A_868] {strides = array<i32>} : memref<4x256x64xf32, #tpu.memory_space<vmem>>, vector<1x1x16xf32>,
            %swap3A_870 = vector.shape_cast %swap3A_869 : vector<1x1x16xf32> to vector<16xf32>
            %swap3A_871 = vector.shape_cast %broadcast_in_dim3A_689 : vector<16xf32> to vector<1x1x16xf32>
            tpu.vector_store %arg6[%swap3A_866, %swap3A_867, %swap3A_868], %swap3A_871 {strides = array<i32>} : memref<4x256x64xf32, #tpu.memory_space<vmem>>, vector<1x1x16xf32>,
            %swap3A_872 = arith.constant 0 : i32
            %swap3A_873 = arith.index_cast %swap3A_872 : i32 to index
            %swap3A_874 = arith.index_cast %add3A_851 : i32 to index
            %swap3A_875 = arith.constant 48 : index
            %swap3A_876 = tpu.vector_load %arg6[%swap3A_873, %swap3A_874, %swap3A_875] {strides = array<i32>} : memref<4x256x64xf32, #tpu.memory_space<vmem>>, vector<1x1x16xf32>,
            %swap3A_877 = vector.shape_cast %swap3A_876 : vector<1x1x16xf32> to vector<16xf32>
            %swap3A_878 = vector.shape_cast %broadcast_in_dim3A_689 : vector<16xf32> to vector<1x1x16xf32>
            tpu.vector_store %arg6[%swap3A_873, %swap3A_874, %swap3A_875], %swap3A_878 {strides = array<i32>} : memref<4x256x64xf32, #tpu.memory_space<vmem>>, vector<1x1x16xf32>,
          } else {
          }
          %slice3A_750 = vector.extract_strided_slice %get3A_735 {offsets = [2], sizes = [1], strides = [1]} : vector<16xi32> to vector<1xi32>
          %squeeze3A_751 = vector.extract %slice3A_750[0] : i32 from vector<1xi32>
          %eq3A_752 = arith.constant 0 : i32
          %eq3A_753 = arith.cmpi eq, %squeeze3A_751, %eq3A_752 : i32
          %convert_element_type3A_754 = arith.extui %eq3A_753 : i1 to i32
          %cond3A_755 = arith.constant 0 : i32
          %cond3A_756 = arith.cmpi ne, %convert_element_type3A_754, %cond3A_755 : i32
          scf.if %cond3A_756 {
            %mul3A_848 = arith.constant 16 : i32
            %mul3A_849 = arith.muli %scan3A_696, %mul3A_848 : i32
            %add3A_850 = arith.constant 2 : i32
            %add3A_851 = arith.addi %mul3A_849, %add3A_850 : i32
            %swap3A = arith.constant 0 : i32
            %swap3A_852 = arith.index_cast %swap3A : i32 to index
            %swap3A_853 = arith.index_cast %add3A_851 : i32 to index
            %swap3A_854 = arith.constant 0 : index
            %swap3A_855 = tpu.vector_load %arg6[%swap3A_852, %swap3A_853, %swap3A_854] {strides = array<i32>} : memref<4x256x64xf32, #tpu.memory_space<vmem>>, vector<1x1x16xf32>,
            %swap3A_856 = vector.shape_cast %swap3A_855 : vector<1x1x16xf32> to vector<16xf32>
            %swap3A_857 = vector.shape_cast %broadcast_in_dim3A_689 : vector<16xf32> to vector<1x1x16xf32>
            tpu.vector_store %arg6[%swap3A_852, %swap3A_853, %swap3A_854], %swap3A_857 {strides = array<i32>} : memref<4x256x64xf32, #tpu.memory_space<vmem>>, vector<1x1x16xf32>,
            %swap3A_858 = arith.constant 0 : i32
            %swap3A_859 = arith.index_cast %swap3A_858 : i32 to index
            %swap3A_860 = arith.index_cast %add3A_851 : i32 to index
            %swap3A_861 = arith.constant 16 : index
            %swap3A_862 = tpu.vector_load %arg6[%swap3A_859, %swap3A_860, %swap3A_861] {strides = array<i32>} : memref<4x256x64xf32, #tpu.memory_space<vmem>>, vector<1x1x16xf32>,
            %swap3A_863 = vector.shape_cast %swap3A_862 : vector<1x1x16xf32> to vector<16xf32>
            %swap3A_864 = vector.shape_cast %broadcast_in_dim3A_689 : vector<16xf32> to vector<1x1x16xf32>
            tpu.vector_store %arg6[%swap3A_859, %swap3A_860, %swap3A_861], %swap3A_864 {strides = array<i32>} : memref<4x256x64xf32, #tpu.memory_space<vmem>>, vector<1x1x16xf32>,
            %swap3A_865 = arith.constant 0 : i32
            %swap3A_866 = arith.index_cast %swap3A_865 : i32 to index
            %swap3A_867 = arith.index_cast %add3A_851 : i32 to index
            %swap3A_868 = arith.constant 32 : index
            %swap3A_869 = tpu.vector_load %arg6[%swap3A_866, %swap3A_867, %swap3A_868] {strides = array<i32>} : memref<4x256x64xf32, #tpu.memory_space<vmem>>, vector<1x1x16xf32>,
            %swap3A_870 = vector.shape_cast %swap3A_869 : vector<1x1x16xf32> to vector<16xf32>
            %swap3A_871 = vector.shape_cast %broadcast_in_dim3A_689 : vector<16xf32> to vector<1x1x16xf32>
            tpu.vector_store %arg6[%swap3A_866, %swap3A_867, %swap3A_868], %swap3A_871 {strides = array<i32>} : memref<4x256x64xf32, #tpu.memory_space<vmem>>, vector<1x1x16xf32>,
            %swap3A_872 = arith.constant 0 : i32
            %swap3A_873 = arith.index_cast %swap3A_872 : i32 to index
            %swap3A_874 = arith.index_cast %add3A_851 : i32 to index
            %swap3A_875 = arith.constant 48 : index
            %swap3A_876 = tpu.vector_load %arg6[%swap3A_873, %swap3A_874, %swap3A_875] {strides = array<i32>} : memref<4x256x64xf32, #tpu.memory_space<vmem>>, vector<1x1x16xf32>,
            %swap3A_877 = vector.shape_cast %swap3A_876 : vector<1x1x16xf32> to vector<16xf32>
            %swap3A_878 = vector.shape_cast %broadcast_in_dim3A_689 : vector<16xf32> to vector<1x1x16xf32>
            tpu.vector_store %arg6[%swap3A_873, %swap3A_874, %swap3A_875], %swap3A_878 {strides = array<i32>} : memref<4x256x64xf32, #tpu.memory_space<vmem>>, vector<1x1x16xf32>,
          } else {
          }
          %slice3A_757 = vector.extract_strided_slice %get3A_735 {offsets = [3], sizes = [1], strides = [1]} : vector<16xi32> to vector<1xi32>
          %squeeze3A_758 = vector.extract %slice3A_757[0] : i32 from vector<1xi32>
          %eq3A_759 = arith.constant 0 : i32
          %eq3A_760 = arith.cmpi eq, %squeeze3A_758, %eq3A_759 : i32
          %convert_element_type3A_761 = arith.extui %eq3A_760 : i1 to i32
          %cond3A_762 = arith.constant 0 : i32
          %cond3A_763 = arith.cmpi ne, %convert_element_type3A_761, %cond3A_762 : i32
          scf.if %cond3A_763 {
            %mul3A_848 = arith.constant 16 : i32
            %mul3A_849 = arith.muli %scan3A_696, %mul3A_848 : i32
            %add3A_850 = arith.constant 3 : i32
            %add3A_851 = arith.addi %mul3A_849, %add3A_850 : i32
            %swap3A = arith.constant 0 : i32
            %swap3A_852 = arith.index_cast %swap3A : i32 to index
            %swap3A_853 = arith.index_cast %add3A_851 : i32 to index
            %swap3A_854 = arith.constant 0 : index
            %swap3A_855 = tpu.vector_load %arg6[%swap3A_852, %swap3A_853, %swap3A_854] {strides = array<i32>} : memref<4x256x64xf32, #tpu.memory_space<vmem>>, vector<1x1x16xf32>,
            %swap3A_856 = vector.shape_cast %swap3A_855 : vector<1x1x16xf32> to vector<16xf32>
            %swap3A_857 = vector.shape_cast %broadcast_in_dim3A_689 : vector<16xf32> to vector<1x1x16xf32>
            tpu.vector_store %arg6[%swap3A_852, %swap3A_853, %swap3A_854], %swap3A_857 {strides = array<i32>} : memref<4x256x64xf32, #tpu.memory_space<vmem>>, vector<1x1x16xf32>,
            %swap3A_858 = arith.constant 0 : i32
            %swap3A_859 = arith.index_cast %swap3A_858 : i32 to index
            %swap3A_860 = arith.index_cast %add3A_851 : i32 to index
            %swap3A_861 = arith.constant 16 : index
            %swap3A_862 = tpu.vector_load %arg6[%swap3A_859, %swap3A_860, %swap3A_861] {strides = array<i32>} : memref<4x256x64xf32, #tpu.memory_space<vmem>>, vector<1x1x16xf32>,
            %swap3A_863 = vector.shape_cast %swap3A_862 : vector<1x1x16xf32> to vector<16xf32>
            %swap3A_864 = vector.shape_cast %broadcast_in_dim3A_689 : vector<16xf32> to vector<1x1x16xf32>
            tpu.vector_store %arg6[%swap3A_859, %swap3A_860, %swap3A_861], %swap3A_864 {strides = array<i32>} : memref<4x256x64xf32, #tpu.memory_space<vmem>>, vector<1x1x16xf32>,
            %swap3A_865 = arith.constant 0 : i32
            %swap3A_866 = arith.index_cast %swap3A_865 : i32 to index
            %swap3A_867 = arith.index_cast %add3A_851 : i32 to index
            %swap3A_868 = arith.constant 32 : index
            %swap3A_869 = tpu.vector_load %arg6[%swap3A_866, %swap3A_867, %swap3A_868] {strides = array<i32>} : memref<4x256x64xf32, #tpu.memory_space<vmem>>, vector<1x1x16xf32>,
            %swap3A_870 = vector.shape_cast %swap3A_869 : vector<1x1x16xf32> to vector<16xf32>
            %swap3A_871 = vector.shape_cast %broadcast_in_dim3A_689 : vector<16xf32> to vector<1x1x16xf32>
            tpu.vector_store %arg6[%swap3A_866, %swap3A_867, %swap3A_868], %swap3A_871 {strides = array<i32>} : memref<4x256x64xf32, #tpu.memory_space<vmem>>, vector<1x1x16xf32>,
            %swap3A_872 = arith.constant 0 : i32
            %swap3A_873 = arith.index_cast %swap3A_872 : i32 to index
            %swap3A_874 = arith.index_cast %add3A_851 : i32 to index
            %swap3A_875 = arith.constant 48 : index
            %swap3A_876 = tpu.vector_load %arg6[%swap3A_873, %swap3A_874, %swap3A_875] {strides = array<i32>} : memref<4x256x64xf32, #tpu.memory_space<vmem>>, vector<1x1x16xf32>,
            %swap3A_877 = vector.shape_cast %swap3A_876 : vector<1x1x16xf32> to vector<16xf32>
            %swap3A_878 = vector.shape_cast %broadcast_in_dim3A_689 : vector<16xf32> to vector<1x1x16xf32>
            tpu.vector_store %arg6[%swap3A_873, %swap3A_874, %swap3A_875], %swap3A_878 {strides = array<i32>} : memref<4x256x64xf32, #tpu.memory_space<vmem>>, vector<1x1x16xf32>,
          } else {
          }
          %slice3A_764 = vector.extract_strided_slice %get3A_735 {offsets = [4], sizes = [1], strides = [1]} : vector<16xi32> to vector<1xi32>
          %squeeze3A_765 = vector.extract %slice3A_764[0] : i32 from vector<1xi32>
          %eq3A_766 = arith.constant 0 : i32
          %eq3A_767 = arith.cmpi eq, %squeeze3A_765, %eq3A_766 : i32
          %convert_element_type3A_768 = arith.extui %eq3A_767 : i1 to i32
          %cond3A_769 = arith.constant 0 : i32
          %cond3A_770 = arith.cmpi ne, %convert_element_type3A_768, %cond3A_769 : i32
          scf.if %cond3A_770 {
            %mul3A_848 = arith.constant 16 : i32
            %mul3A_849 = arith.muli %scan3A_696, %mul3A_848 : i32
            %add3A_850 = arith.constant 4 : i32
            %add3A_851 = arith.addi %mul3A_849, %add3A_850 : i32
            %swap3A = arith.constant 0 : i32
            %swap3A_852 = arith.index_cast %swap3A : i32 to index
            %swap3A_853 = arith.index_cast %add3A_851 : i32 to index
            %swap3A_854 = arith.constant 0 : index
            %swap3A_855 = tpu.vector_load %arg6[%swap3A_852, %swap3A_853, %swap3A_854] {strides = array<i32>} : memref<4x256x64xf32, #tpu.memory_space<vmem>>, vector<1x1x16xf32>,
            %swap3A_856 = vector.shape_cast %swap3A_855 : vector<1x1x16xf32> to vector<16xf32>
            %swap3A_857 = vector.shape_cast %broadcast_in_dim3A_689 : vector<16xf32> to vector<1x1x16xf32>
            tpu.vector_store %arg6[%swap3A_852, %swap3A_853, %swap3A_854], %swap3A_857 {strides = array<i32>} : memref<4x256x64xf32, #tpu.memory_space<vmem>>, vector<1x1x16xf32>,
            %swap3A_858 = arith.constant 0 : i32
            %swap3A_859 = arith.index_cast %swap3A_858 : i32 to index
            %swap3A_860 = arith.index_cast %add3A_851 : i32 to index
            %swap3A_861 = arith.constant 16 : index
            %swap3A_862 = tpu.vector_load %arg6[%swap3A_859, %swap3A_860, %swap3A_861] {strides = array<i32>} : memref<4x256x64xf32, #tpu.memory_space<vmem>>, vector<1x1x16xf32>,
            %swap3A_863 = vector.shape_cast %swap3A_862 : vector<1x1x16xf32> to vector<16xf32>
            %swap3A_864 = vector.shape_cast %broadcast_in_dim3A_689 : vector<16xf32> to vector<1x1x16xf32>
            tpu.vector_store %arg6[%swap3A_859, %swap3A_860, %swap3A_861], %swap3A_864 {strides = array<i32>} : memref<4x256x64xf32, #tpu.memory_space<vmem>>, vector<1x1x16xf32>,
            %swap3A_865 = arith.constant 0 : i32
            %swap3A_866 = arith.index_cast %swap3A_865 : i32 to index
            %swap3A_867 = arith.index_cast %add3A_851 : i32 to index
            %swap3A_868 = arith.constant 32 : index
            %swap3A_869 = tpu.vector_load %arg6[%swap3A_866, %swap3A_867, %swap3A_868] {strides = array<i32>} : memref<4x256x64xf32, #tpu.memory_space<vmem>>, vector<1x1x16xf32>,
            %swap3A_870 = vector.shape_cast %swap3A_869 : vector<1x1x16xf32> to vector<16xf32>
            %swap3A_871 = vector.shape_cast %broadcast_in_dim3A_689 : vector<16xf32> to vector<1x1x16xf32>
            tpu.vector_store %arg6[%swap3A_866, %swap3A_867, %swap3A_868], %swap3A_871 {strides = array<i32>} : memref<4x256x64xf32, #tpu.memory_space<vmem>>, vector<1x1x16xf32>,
            %swap3A_872 = arith.constant 0 : i32
            %swap3A_873 = arith.index_cast %swap3A_872 : i32 to index
            %swap3A_874 = arith.index_cast %add3A_851 : i32 to index
            %swap3A_875 = arith.constant 48 : index
            %swap3A_876 = tpu.vector_load %arg6[%swap3A_873, %swap3A_874, %swap3A_875] {strides = array<i32>} : memref<4x256x64xf32, #tpu.memory_space<vmem>>, vector<1x1x16xf32>,
            %swap3A_877 = vector.shape_cast %swap3A_876 : vector<1x1x16xf32> to vector<16xf32>
            %swap3A_878 = vector.shape_cast %broadcast_in_dim3A_689 : vector<16xf32> to vector<1x1x16xf32>
            tpu.vector_store %arg6[%swap3A_873, %swap3A_874, %swap3A_875], %swap3A_878 {strides = array<i32>} : memref<4x256x64xf32, #tpu.memory_space<vmem>>, vector<1x1x16xf32>,
          } else {
          }
          %slice3A_771 = vector.extract_strided_slice %get3A_735 {offsets = [5], sizes = [1], strides = [1]} : vector<16xi32> to vector<1xi32>
          %squeeze3A_772 = vector.extract %slice3A_771[0] : i32 from vector<1xi32>
          %eq3A_773 = arith.constant 0 : i32
          %eq3A_774 = arith.cmpi eq, %squeeze3A_772, %eq3A_773 : i32
          %convert_element_type3A_775 = arith.extui %eq3A_774 : i1 to i32
          %cond3A_776 = arith.constant 0 : i32
          %cond3A_777 = arith.cmpi ne, %convert_element_type3A_775, %cond3A_776 : i32
          scf.if %cond3A_777 {
            %mul3A_848 = arith.constant 16 : i32
            %mul3A_849 = arith.muli %scan3A_696, %mul3A_848 : i32
            %add3A_850 = arith.constant 5 : i32
            %add3A_851 = arith.addi %mul3A_849, %add3A_850 : i32
            %swap3A = arith.constant 0 : i32
            %swap3A_852 = arith.index_cast %swap3A : i32 to index
            %swap3A_853 = arith.index_cast %add3A_851 : i32 to index
            %swap3A_854 = arith.constant 0 : index
            %swap3A_855 = tpu.vector_load %arg6[%swap3A_852, %swap3A_853, %swap3A_854] {strides = array<i32>} : memref<4x256x64xf32, #tpu.memory_space<vmem>>, vector<1x1x16xf32>,
            %swap3A_856 = vector.shape_cast %swap3A_855 : vector<1x1x16xf32> to vector<16xf32>
            %swap3A_857 = vector.shape_cast %broadcast_in_dim3A_689 : vector<16xf32> to vector<1x1x16xf32>
            tpu.vector_store %arg6[%swap3A_852, %swap3A_853, %swap3A_854], %swap3A_857 {strides = array<i32>} : memref<4x256x64xf32, #tpu.memory_space<vmem>>, vector<1x1x16xf32>,
            %swap3A_858 = arith.constant 0 : i32
            %swap3A_859 = arith.index_cast %swap3A_858 : i32 to index
            %swap3A_860 = arith.index_cast %add3A_851 : i32 to index
            %swap3A_861 = arith.constant 16 : index
            %swap3A_862 = tpu.vector_load %arg6[%swap3A_859, %swap3A_860, %swap3A_861] {strides = array<i32>} : memref<4x256x64xf32, #tpu.memory_space<vmem>>, vector<1x1x16xf32>,
            %swap3A_863 = vector.shape_cast %swap3A_862 : vector<1x1x16xf32> to vector<16xf32>
            %swap3A_864 = vector.shape_cast %broadcast_in_dim3A_689 : vector<16xf32> to vector<1x1x16xf32>
            tpu.vector_store %arg6[%swap3A_859, %swap3A_860, %swap3A_861], %swap3A_864 {strides = array<i32>} : memref<4x256x64xf32, #tpu.memory_space<vmem>>, vector<1x1x16xf32>,
            %swap3A_865 = arith.constant 0 : i32
            %swap3A_866 = arith.index_cast %swap3A_865 : i32 to index
            %swap3A_867 = arith.index_cast %add3A_851 : i32 to index
            %swap3A_868 = arith.constant 32 : index
            %swap3A_869 = tpu.vector_load %arg6[%swap3A_866, %swap3A_867, %swap3A_868] {strides = array<i32>} : memref<4x256x64xf32, #tpu.memory_space<vmem>>, vector<1x1x16xf32>,
            %swap3A_870 = vector.shape_cast %swap3A_869 : vector<1x1x16xf32> to vector<16xf32>
            %swap3A_871 = vector.shape_cast %broadcast_in_dim3A_689 : vector<16xf32> to vector<1x1x16xf32>
            tpu.vector_store %arg6[%swap3A_866, %swap3A_867, %swap3A_868], %swap3A_871 {strides = array<i32>} : memref<4x256x64xf32, #tpu.memory_space<vmem>>, vector<1x1x16xf32>,
            %swap3A_872 = arith.constant 0 : i32
            %swap3A_873 = arith.index_cast %swap3A_872 : i32 to index
            %swap3A_874 = arith.index_cast %add3A_851 : i32 to index
            %swap3A_875 = arith.constant 48 : index
            %swap3A_876 = tpu.vector_load %arg6[%swap3A_873, %swap3A_874, %swap3A_875] {strides = array<i32>} : memref<4x256x64xf32, #tpu.memory_space<vmem>>, vector<1x1x16xf32>,
            %swap3A_877 = vector.shape_cast %swap3A_876 : vector<1x1x16xf32> to vector<16xf32>
            %swap3A_878 = vector.shape_cast %broadcast_in_dim3A_689 : vector<16xf32> to vector<1x1x16xf32>
            tpu.vector_store %arg6[%swap3A_873, %swap3A_874, %swap3A_875], %swap3A_878 {strides = array<i32>} : memref<4x256x64xf32, #tpu.memory_space<vmem>>, vector<1x1x16xf32>,
          } else {
          }
          %slice3A_778 = vector.extract_strided_slice %get3A_735 {offsets = [6], sizes = [1], strides = [1]} : vector<16xi32> to vector<1xi32>
          %squeeze3A_779 = vector.extract %slice3A_778[0] : i32 from vector<1xi32>
          %eq3A_780 = arith.constant 0 : i32
          %eq3A_781 = arith.cmpi eq, %squeeze3A_779, %eq3A_780 : i32
          %convert_element_type3A_782 = arith.extui %eq3A_781 : i1 to i32
          %cond3A_783 = arith.constant 0 : i32
          %cond3A_784 = arith.cmpi ne, %convert_element_type3A_782, %cond3A_783 : i32
          scf.if %cond3A_784 {
            %mul3A_848 = arith.constant 16 : i32
            %mul3A_849 = arith.muli %scan3A_696, %mul3A_848 : i32
            %add3A_850 = arith.constant 6 : i32
            %add3A_851 = arith.addi %mul3A_849, %add3A_850 : i32
            %swap3A = arith.constant 0 : i32
            %swap3A_852 = arith.index_cast %swap3A : i32 to index
            %swap3A_853 = arith.index_cast %add3A_851 : i32 to index
            %swap3A_854 = arith.constant 0 : index
            %swap3A_855 = tpu.vector_load %arg6[%swap3A_852, %swap3A_853, %swap3A_854] {strides = array<i32>} : memref<4x256x64xf32, #tpu.memory_space<vmem>>, vector<1x1x16xf32>,
            %swap3A_856 = vector.shape_cast %swap3A_855 : vector<1x1x16xf32> to vector<16xf32>
            %swap3A_857 = vector.shape_cast %broadcast_in_dim3A_689 : vector<16xf32> to vector<1x1x16xf32>
            tpu.vector_store %arg6[%swap3A_852, %swap3A_853, %swap3A_854], %swap3A_857 {strides = array<i32>} : memref<4x256x64xf32, #tpu.memory_space<vmem>>, vector<1x1x16xf32>,
            %swap3A_858 = arith.constant 0 : i32
            %swap3A_859 = arith.index_cast %swap3A_858 : i32 to index
            %swap3A_860 = arith.index_cast %add3A_851 : i32 to index
            %swap3A_861 = arith.constant 16 : index
            %swap3A_862 = tpu.vector_load %arg6[%swap3A_859, %swap3A_860, %swap3A_861] {strides = array<i32>} : memref<4x256x64xf32, #tpu.memory_space<vmem>>, vector<1x1x16xf32>,
            %swap3A_863 = vector.shape_cast %swap3A_862 : vector<1x1x16xf32> to vector<16xf32>
            %swap3A_864 = vector.shape_cast %broadcast_in_dim3A_689 : vector<16xf32> to vector<1x1x16xf32>
            tpu.vector_store %arg6[%swap3A_859, %swap3A_860, %swap3A_861], %swap3A_864 {strides = array<i32>} : memref<4x256x64xf32, #tpu.memory_space<vmem>>, vector<1x1x16xf32>,
            %swap3A_865 = arith.constant 0 : i32
            %swap3A_866 = arith.index_cast %swap3A_865 : i32 to index
            %swap3A_867 = arith.index_cast %add3A_851 : i32 to index
            %swap3A_868 = arith.constant 32 : index
            %swap3A_869 = tpu.vector_load %arg6[%swap3A_866, %swap3A_867, %swap3A_868] {strides = array<i32>} : memref<4x256x64xf32, #tpu.memory_space<vmem>>, vector<1x1x16xf32>,
            %swap3A_870 = vector.shape_cast %swap3A_869 : vector<1x1x16xf32> to vector<16xf32>
            %swap3A_871 = vector.shape_cast %broadcast_in_dim3A_689 : vector<16xf32> to vector<1x1x16xf32>
            tpu.vector_store %arg6[%swap3A_866, %swap3A_867, %swap3A_868], %swap3A_871 {strides = array<i32>} : memref<4x256x64xf32, #tpu.memory_space<vmem>>, vector<1x1x16xf32>,
            %swap3A_872 = arith.constant 0 : i32
            %swap3A_873 = arith.index_cast %swap3A_872 : i32 to index
            %swap3A_874 = arith.index_cast %add3A_851 : i32 to index
            %swap3A_875 = arith.constant 48 : index
            %swap3A_876 = tpu.vector_load %arg6[%swap3A_873, %swap3A_874, %swap3A_875] {strides = array<i32>} : memref<4x256x64xf32, #tpu.memory_space<vmem>>, vector<1x1x16xf32>,
            %swap3A_877 = vector.shape_cast %swap3A_876 : vector<1x1x16xf32> to vector<16xf32>
            %swap3A_878 = vector.shape_cast %broadcast_in_dim3A_689 : vector<16xf32> to vector<1x1x16xf32>
            tpu.vector_store %arg6[%swap3A_873, %swap3A_874, %swap3A_875], %swap3A_878 {strides = array<i32>} : memref<4x256x64xf32, #tpu.memory_space<vmem>>, vector<1x1x16xf32>,
          } else {
          }
          %slice3A_785 = vector.extract_strided_slice %get3A_735 {offsets = [7], sizes = [1], strides = [1]} : vector<16xi32> to vector<1xi32>
          %squeeze3A_786 = vector.extract %slice3A_785[0] : i32 from vector<1xi32>
          %eq3A_787 = arith.constant 0 : i32
          %eq3A_788 = arith.cmpi eq, %squeeze3A_786, %eq3A_787 : i32
          %convert_element_type3A_789 = arith.extui %eq3A_788 : i1 to i32
          %cond3A_790 = arith.constant 0 : i32
          %cond3A_791 = arith.cmpi ne, %convert_element_type3A_789, %cond3A_790 : i32
          scf.if %cond3A_791 {
            %mul3A_848 = arith.constant 16 : i32
            %mul3A_849 = arith.muli %scan3A_696, %mul3A_848 : i32
            %add3A_850 = arith.constant 7 : i32
            %add3A_851 = arith.addi %mul3A_849, %add3A_850 : i32
            %swap3A = arith.constant 0 : i32
            %swap3A_852 = arith.index_cast %swap3A : i32 to index
            %swap3A_853 = arith.index_cast %add3A_851 : i32 to index
            %swap3A_854 = arith.constant 0 : index
            %swap3A_855 = tpu.vector_load %arg6[%swap3A_852, %swap3A_853, %swap3A_854] {strides = array<i32>} : memref<4x256x64xf32, #tpu.memory_space<vmem>>, vector<1x1x16xf32>,
            %swap3A_856 = vector.shape_cast %swap3A_855 : vector<1x1x16xf32> to vector<16xf32>
            %swap3A_857 = vector.shape_cast %broadcast_in_dim3A_689 : vector<16xf32> to vector<1x1x16xf32>
            tpu.vector_store %arg6[%swap3A_852, %swap3A_853, %swap3A_854], %swap3A_857 {strides = array<i32>} : memref<4x256x64xf32, #tpu.memory_space<vmem>>, vector<1x1x16xf32>,
            %swap3A_858 = arith.constant 0 : i32
            %swap3A_859 = arith.index_cast %swap3A_858 : i32 to index
            %swap3A_860 = arith.index_cast %add3A_851 : i32 to index
            %swap3A_861 = arith.constant 16 : index
            %swap3A_862 = tpu.vector_load %arg6[%swap3A_859, %swap3A_860, %swap3A_861] {strides = array<i32>} : memref<4x256x64xf32, #tpu.memory_space<vmem>>, vector<1x1x16xf32>,
            %swap3A_863 = vector.shape_cast %swap3A_862 : vector<1x1x16xf32> to vector<16xf32>
            %swap3A_864 = vector.shape_cast %broadcast_in_dim3A_689 : vector<16xf32> to vector<1x1x16xf32>
            tpu.vector_store %arg6[%swap3A_859, %swap3A_860, %swap3A_861], %swap3A_864 {strides = array<i32>} : memref<4x256x64xf32, #tpu.memory_space<vmem>>, vector<1x1x16xf32>,
            %swap3A_865 = arith.constant 0 : i32
            %swap3A_866 = arith.index_cast %swap3A_865 : i32 to index
            %swap3A_867 = arith.index_cast %add3A_851 : i32 to index
            %swap3A_868 = arith.constant 32 : index
            %swap3A_869 = tpu.vector_load %arg6[%swap3A_866, %swap3A_867, %swap3A_868] {strides = array<i32>} : memref<4x256x64xf32, #tpu.memory_space<vmem>>, vector<1x1x16xf32>,
            %swap3A_870 = vector.shape_cast %swap3A_869 : vector<1x1x16xf32> to vector<16xf32>
            %swap3A_871 = vector.shape_cast %broadcast_in_dim3A_689 : vector<16xf32> to vector<1x1x16xf32>
            tpu.vector_store %arg6[%swap3A_866, %swap3A_867, %swap3A_868], %swap3A_871 {strides = array<i32>} : memref<4x256x64xf32, #tpu.memory_space<vmem>>, vector<1x1x16xf32>,
            %swap3A_872 = arith.constant 0 : i32
            %swap3A_873 = arith.index_cast %swap3A_872 : i32 to index
            %swap3A_874 = arith.index_cast %add3A_851 : i32 to index
            %swap3A_875 = arith.constant 48 : index
            %swap3A_876 = tpu.vector_load %arg6[%swap3A_873, %swap3A_874, %swap3A_875] {strides = array<i32>} : memref<4x256x64xf32, #tpu.memory_space<vmem>>, vector<1x1x16xf32>,
            %swap3A_877 = vector.shape_cast %swap3A_876 : vector<1x1x16xf32> to vector<16xf32>
            %swap3A_878 = vector.shape_cast %broadcast_in_dim3A_689 : vector<16xf32> to vector<1x1x16xf32>
            tpu.vector_store %arg6[%swap3A_873, %swap3A_874, %swap3A_875], %swap3A_878 {strides = array<i32>} : memref<4x256x64xf32, #tpu.memory_space<vmem>>, vector<1x1x16xf32>,
          } else {
          }
          %slice3A_792 = vector.extract_strided_slice %get3A_735 {offsets = [8], sizes = [1], strides = [1]} : vector<16xi32> to vector<1xi32>
          %squeeze3A_793 = vector.extract %slice3A_792[0] : i32 from vector<1xi32>
          %eq3A_794 = arith.constant 0 : i32
          %eq3A_795 = arith.cmpi eq, %squeeze3A_793, %eq3A_794 : i32
          %convert_element_type3A_796 = arith.extui %eq3A_795 : i1 to i32
          %cond3A_797 = arith.constant 0 : i32
          %cond3A_798 = arith.cmpi ne, %convert_element_type3A_796, %cond3A_797 : i32
          scf.if %cond3A_798 {
            %mul3A_848 = arith.constant 16 : i32
            %mul3A_849 = arith.muli %scan3A_696, %mul3A_848 : i32
            %add3A_850 = arith.constant 8 : i32
            %add3A_851 = arith.addi %mul3A_849, %add3A_850 : i32
            %swap3A = arith.constant 0 : i32
            %swap3A_852 = arith.index_cast %swap3A : i32 to index
            %swap3A_853 = arith.index_cast %add3A_851 : i32 to index
            %swap3A_854 = arith.constant 0 : index
            %swap3A_855 = tpu.vector_load %arg6[%swap3A_852, %swap3A_853, %swap3A_854] {strides = array<i32>} : memref<4x256x64xf32, #tpu.memory_space<vmem>>, vector<1x1x16xf32>,
            %swap3A_856 = vector.shape_cast %swap3A_855 : vector<1x1x16xf32> to vector<16xf32>
            %swap3A_857 = vector.shape_cast %broadcast_in_dim3A_689 : vector<16xf32> to vector<1x1x16xf32>
            tpu.vector_store %arg6[%swap3A_852, %swap3A_853, %swap3A_854], %swap3A_857 {strides = array<i32>} : memref<4x256x64xf32, #tpu.memory_space<vmem>>, vector<1x1x16xf32>,
            %swap3A_858 = arith.constant 0 : i32
            %swap3A_859 = arith.index_cast %swap3A_858 : i32 to index
            %swap3A_860 = arith.index_cast %add3A_851 : i32 to index
            %swap3A_861 = arith.constant 16 : index
            %swap3A_862 = tpu.vector_load %arg6[%swap3A_859, %swap3A_860, %swap3A_861] {strides = array<i32>} : memref<4x256x64xf32, #tpu.memory_space<vmem>>, vector<1x1x16xf32>,
            %swap3A_863 = vector.shape_cast %swap3A_862 : vector<1x1x16xf32> to vector<16xf32>
            %swap3A_864 = vector.shape_cast %broadcast_in_dim3A_689 : vector<16xf32> to vector<1x1x16xf32>
            tpu.vector_store %arg6[%swap3A_859, %swap3A_860, %swap3A_861], %swap3A_864 {strides = array<i32>} : memref<4x256x64xf32, #tpu.memory_space<vmem>>, vector<1x1x16xf32>,
            %swap3A_865 = arith.constant 0 : i32
            %swap3A_866 = arith.index_cast %swap3A_865 : i32 to index
            %swap3A_867 = arith.index_cast %add3A_851 : i32 to index
            %swap3A_868 = arith.constant 32 : index
            %swap3A_869 = tpu.vector_load %arg6[%swap3A_866, %swap3A_867, %swap3A_868] {strides = array<i32>} : memref<4x256x64xf32, #tpu.memory_space<vmem>>, vector<1x1x16xf32>,
            %swap3A_870 = vector.shape_cast %swap3A_869 : vector<1x1x16xf32> to vector<16xf32>
            %swap3A_871 = vector.shape_cast %broadcast_in_dim3A_689 : vector<16xf32> to vector<1x1x16xf32>
            tpu.vector_store %arg6[%swap3A_866, %swap3A_867, %swap3A_868], %swap3A_871 {strides = array<i32>} : memref<4x256x64xf32, #tpu.memory_space<vmem>>, vector<1x1x16xf32>,
            %swap3A_872 = arith.constant 0 : i32
            %swap3A_873 = arith.index_cast %swap3A_872 : i32 to index
            %swap3A_874 = arith.index_cast %add3A_851 : i32 to index
            %swap3A_875 = arith.constant 48 : index
            %swap3A_876 = tpu.vector_load %arg6[%swap3A_873, %swap3A_874, %swap3A_875] {strides = array<i32>} : memref<4x256x64xf32, #tpu.memory_space<vmem>>, vector<1x1x16xf32>,
            %swap3A_877 = vector.shape_cast %swap3A_876 : vector<1x1x16xf32> to vector<16xf32>
            %swap3A_878 = vector.shape_cast %broadcast_in_dim3A_689 : vector<16xf32> to vector<1x1x16xf32>
            tpu.vector_store %arg6[%swap3A_873, %swap3A_874, %swap3A_875], %swap3A_878 {strides = array<i32>} : memref<4x256x64xf32, #tpu.memory_space<vmem>>, vector<1x1x16xf32>,
          } else {
          }
          %slice3A_799 = vector.extract_strided_slice %get3A_735 {offsets = [9], sizes = [1], strides = [1]} : vector<16xi32> to vector<1xi32>
          %squeeze3A_800 = vector.extract %slice3A_799[0] : i32 from vector<1xi32>
          %eq3A_801 = arith.constant 0 : i32
          %eq3A_802 = arith.cmpi eq, %squeeze3A_800, %eq3A_801 : i32
          %convert_element_type3A_803 = arith.extui %eq3A_802 : i1 to i32
          %cond3A_804 = arith.constant 0 : i32
          %cond3A_805 = arith.cmpi ne, %convert_element_type3A_803, %cond3A_804 : i32
          scf.if %cond3A_805 {
            %mul3A_848 = arith.constant 16 : i32
            %mul3A_849 = arith.muli %scan3A_696, %mul3A_848 : i32
            %add3A_850 = arith.constant 9 : i32
            %add3A_851 = arith.addi %mul3A_849, %add3A_850 : i32
            %swap3A = arith.constant 0 : i32
            %swap3A_852 = arith.index_cast %swap3A : i32 to index
            %swap3A_853 = arith.index_cast %add3A_851 : i32 to index
            %swap3A_854 = arith.constant 0 : index
            %swap3A_855 = tpu.vector_load %arg6[%swap3A_852, %swap3A_853, %swap3A_854] {strides = array<i32>} : memref<4x256x64xf32, #tpu.memory_space<vmem>>, vector<1x1x16xf32>,
            %swap3A_856 = vector.shape_cast %swap3A_855 : vector<1x1x16xf32> to vector<16xf32>
            %swap3A_857 = vector.shape_cast %broadcast_in_dim3A_689 : vector<16xf32> to vector<1x1x16xf32>
            tpu.vector_store %arg6[%swap3A_852, %swap3A_853, %swap3A_854], %swap3A_857 {strides = array<i32>} : memref<4x256x64xf32, #tpu.memory_space<vmem>>, vector<1x1x16xf32>,
            %swap3A_858 = arith.constant 0 : i32
            %swap3A_859 = arith.index_cast %swap3A_858 : i32 to index
            %swap3A_860 = arith.index_cast %add3A_851 : i32 to index
            %swap3A_861 = arith.constant 16 : index
            %swap3A_862 = tpu.vector_load %arg6[%swap3A_859, %swap3A_860, %swap3A_861] {strides = array<i32>} : memref<4x256x64xf32, #tpu.memory_space<vmem>>, vector<1x1x16xf32>,
            %swap3A_863 = vector.shape_cast %swap3A_862 : vector<1x1x16xf32> to vector<16xf32>
            %swap3A_864 = vector.shape_cast %broadcast_in_dim3A_689 : vector<16xf32> to vector<1x1x16xf32>
            tpu.vector_store %arg6[%swap3A_859, %swap3A_860, %swap3A_861], %swap3A_864 {strides = array<i32>} : memref<4x256x64xf32, #tpu.memory_space<vmem>>, vector<1x1x16xf32>,
            %swap3A_865 = arith.constant 0 : i32
            %swap3A_866 = arith.index_cast %swap3A_865 : i32 to index
            %swap3A_867 = arith.index_cast %add3A_851 : i32 to index
            %swap3A_868 = arith.constant 32 : index
            %swap3A_869 = tpu.vector_load %arg6[%swap3A_866, %swap3A_867, %swap3A_868] {strides = array<i32>} : memref<4x256x64xf32, #tpu.memory_space<vmem>>, vector<1x1x16xf32>,
            %swap3A_870 = vector.shape_cast %swap3A_869 : vector<1x1x16xf32> to vector<16xf32>
            %swap3A_871 = vector.shape_cast %broadcast_in_dim3A_689 : vector<16xf32> to vector<1x1x16xf32>
            tpu.vector_store %arg6[%swap3A_866, %swap3A_867, %swap3A_868], %swap3A_871 {strides = array<i32>} : memref<4x256x64xf32, #tpu.memory_space<vmem>>, vector<1x1x16xf32>,
            %swap3A_872 = arith.constant 0 : i32
            %swap3A_873 = arith.index_cast %swap3A_872 : i32 to index
            %swap3A_874 = arith.index_cast %add3A_851 : i32 to index
            %swap3A_875 = arith.constant 48 : index
            %swap3A_876 = tpu.vector_load %arg6[%swap3A_873, %swap3A_874, %swap3A_875] {strides = array<i32>} : memref<4x256x64xf32, #tpu.memory_space<vmem>>, vector<1x1x16xf32>,
            %swap3A_877 = vector.shape_cast %swap3A_876 : vector<1x1x16xf32> to vector<16xf32>
            %swap3A_878 = vector.shape_cast %broadcast_in_dim3A_689 : vector<16xf32> to vector<1x1x16xf32>
            tpu.vector_store %arg6[%swap3A_873, %swap3A_874, %swap3A_875], %swap3A_878 {strides = array<i32>} : memref<4x256x64xf32, #tpu.memory_space<vmem>>, vector<1x1x16xf32>,
          } else {
          }
          %slice3A_806 = vector.extract_strided_slice %get3A_735 {offsets = [10], sizes = [1], strides = [1]} : vector<16xi32> to vector<1xi32>
          %squeeze3A_807 = vector.extract %slice3A_806[0] : i32 from vector<1xi32>
          %eq3A_808 = arith.constant 0 : i32
          %eq3A_809 = arith.cmpi eq, %squeeze3A_807, %eq3A_808 : i32
          %convert_element_type3A_810 = arith.extui %eq3A_809 : i1 to i32
          %cond3A_811 = arith.constant 0 : i32
          %cond3A_812 = arith.cmpi ne, %convert_element_type3A_810, %cond3A_811 : i32
          scf.if %cond3A_812 {
            %mul3A_848 = arith.constant 16 : i32
            %mul3A_849 = arith.muli %scan3A_696, %mul3A_848 : i32
            %add3A_850 = arith.constant 10 : i32
            %add3A_851 = arith.addi %mul3A_849, %add3A_850 : i32
            %swap3A = arith.constant 0 : i32
            %swap3A_852 = arith.index_cast %swap3A : i32 to index
            %swap3A_853 = arith.index_cast %add3A_851 : i32 to index
            %swap3A_854 = arith.constant 0 : index
            %swap3A_855 = tpu.vector_load %arg6[%swap3A_852, %swap3A_853, %swap3A_854] {strides = array<i32>} : memref<4x256x64xf32, #tpu.memory_space<vmem>>, vector<1x1x16xf32>,
            %swap3A_856 = vector.shape_cast %swap3A_855 : vector<1x1x16xf32> to vector<16xf32>
            %swap3A_857 = vector.shape_cast %broadcast_in_dim3A_689 : vector<16xf32> to vector<1x1x16xf32>
            tpu.vector_store %arg6[%swap3A_852, %swap3A_853, %swap3A_854], %swap3A_857 {strides = array<i32>} : memref<4x256x64xf32, #tpu.memory_space<vmem>>, vector<1x1x16xf32>,
            %swap3A_858 = arith.constant 0 : i32
            %swap3A_859 = arith.index_cast %swap3A_858 : i32 to index
            %swap3A_860 = arith.index_cast %add3A_851 : i32 to index
            %swap3A_861 = arith.constant 16 : index
            %swap3A_862 = tpu.vector_load %arg6[%swap3A_859, %swap3A_860, %swap3A_861] {strides = array<i32>} : memref<4x256x64xf32, #tpu.memory_space<vmem>>, vector<1x1x16xf32>,
            %swap3A_863 = vector.shape_cast %swap3A_862 : vector<1x1x16xf32> to vector<16xf32>
            %swap3A_864 = vector.shape_cast %broadcast_in_dim3A_689 : vector<16xf32> to vector<1x1x16xf32>
            tpu.vector_store %arg6[%swap3A_859, %swap3A_860, %swap3A_861], %swap3A_864 {strides = array<i32>} : memref<4x256x64xf32, #tpu.memory_space<vmem>>, vector<1x1x16xf32>,
            %swap3A_865 = arith.constant 0 : i32
            %swap3A_866 = arith.index_cast %swap3A_865 : i32 to index
            %swap3A_867 = arith.index_cast %add3A_851 : i32 to index
            %swap3A_868 = arith.constant 32 : index
            %swap3A_869 = tpu.vector_load %arg6[%swap3A_866, %swap3A_867, %swap3A_868] {strides = array<i32>} : memref<4x256x64xf32, #tpu.memory_space<vmem>>, vector<1x1x16xf32>,
            %swap3A_870 = vector.shape_cast %swap3A_869 : vector<1x1x16xf32> to vector<16xf32>
            %swap3A_871 = vector.shape_cast %broadcast_in_dim3A_689 : vector<16xf32> to vector<1x1x16xf32>
            tpu.vector_store %arg6[%swap3A_866, %swap3A_867, %swap3A_868], %swap3A_871 {strides = array<i32>} : memref<4x256x64xf32, #tpu.memory_space<vmem>>, vector<1x1x16xf32>,
            %swap3A_872 = arith.constant 0 : i32
            %swap3A_873 = arith.index_cast %swap3A_872 : i32 to index
            %swap3A_874 = arith.index_cast %add3A_851 : i32 to index
            %swap3A_875 = arith.constant 48 : index
            %swap3A_876 = tpu.vector_load %arg6[%swap3A_873, %swap3A_874, %swap3A_875] {strides = array<i32>} : memref<4x256x64xf32, #tpu.memory_space<vmem>>, vector<1x1x16xf32>,
            %swap3A_877 = vector.shape_cast %swap3A_876 : vector<1x1x16xf32> to vector<16xf32>
            %swap3A_878 = vector.shape_cast %broadcast_in_dim3A_689 : vector<16xf32> to vector<1x1x16xf32>
            tpu.vector_store %arg6[%swap3A_873, %swap3A_874, %swap3A_875], %swap3A_878 {strides = array<i32>} : memref<4x256x64xf32, #tpu.memory_space<vmem>>, vector<1x1x16xf32>,
          } else {
          }
          %slice3A_813 = vector.extract_strided_slice %get3A_735 {offsets = [11], sizes = [1], strides = [1]} : vector<16xi32> to vector<1xi32>
          %squeeze3A_814 = vector.extract %slice3A_813[0] : i32 from vector<1xi32>
          %eq3A_815 = arith.constant 0 : i32
          %eq3A_816 = arith.cmpi eq, %squeeze3A_814, %eq3A_815 : i32
          %convert_element_type3A_817 = arith.extui %eq3A_816 : i1 to i32
          %cond3A_818 = arith.constant 0 : i32
          %cond3A_819 = arith.cmpi ne, %convert_element_type3A_817, %cond3A_818 : i32
          scf.if %cond3A_819 {
            %mul3A_848 = arith.constant 16 : i32
            %mul3A_849 = arith.muli %scan3A_696, %mul3A_848 : i32
            %add3A_850 = arith.constant 11 : i32
            %add3A_851 = arith.addi %mul3A_849, %add3A_850 : i32
            %swap3A = arith.constant 0 : i32
            %swap3A_852 = arith.index_cast %swap3A : i32 to index
            %swap3A_853 = arith.index_cast %add3A_851 : i32 to index
            %swap3A_854 = arith.constant 0 : index
            %swap3A_855 = tpu.vector_load %arg6[%swap3A_852, %swap3A_853, %swap3A_854] {strides = array<i32>} : memref<4x256x64xf32, #tpu.memory_space<vmem>>, vector<1x1x16xf32>,
            %swap3A_856 = vector.shape_cast %swap3A_855 : vector<1x1x16xf32> to vector<16xf32>
            %swap3A_857 = vector.shape_cast %broadcast_in_dim3A_689 : vector<16xf32> to vector<1x1x16xf32>
            tpu.vector_store %arg6[%swap3A_852, %swap3A_853, %swap3A_854], %swap3A_857 {strides = array<i32>} : memref<4x256x64xf32, #tpu.memory_space<vmem>>, vector<1x1x16xf32>,
            %swap3A_858 = arith.constant 0 : i32
            %swap3A_859 = arith.index_cast %swap3A_858 : i32 to index
            %swap3A_860 = arith.index_cast %add3A_851 : i32 to index
            %swap3A_861 = arith.constant 16 : index
            %swap3A_862 = tpu.vector_load %arg6[%swap3A_859, %swap3A_860, %swap3A_861] {strides = array<i32>} : memref<4x256x64xf32, #tpu.memory_space<vmem>>, vector<1x1x16xf32>,
            %swap3A_863 = vector.shape_cast %swap3A_862 : vector<1x1x16xf32> to vector<16xf32>
            %swap3A_864 = vector.shape_cast %broadcast_in_dim3A_689 : vector<16xf32> to vector<1x1x16xf32>
            tpu.vector_store %arg6[%swap3A_859, %swap3A_860, %swap3A_861], %swap3A_864 {strides = array<i32>} : memref<4x256x64xf32, #tpu.memory_space<vmem>>, vector<1x1x16xf32>,
            %swap3A_865 = arith.constant 0 : i32
            %swap3A_866 = arith.index_cast %swap3A_865 : i32 to index
            %swap3A_867 = arith.index_cast %add3A_851 : i32 to index
            %swap3A_868 = arith.constant 32 : index
            %swap3A_869 = tpu.vector_load %arg6[%swap3A_866, %swap3A_867, %swap3A_868] {strides = array<i32>} : memref<4x256x64xf32, #tpu.memory_space<vmem>>, vector<1x1x16xf32>,
            %swap3A_870 = vector.shape_cast %swap3A_869 : vector<1x1x16xf32> to vector<16xf32>
            %swap3A_871 = vector.shape_cast %broadcast_in_dim3A_689 : vector<16xf32> to vector<1x1x16xf32>
            tpu.vector_store %arg6[%swap3A_866, %swap3A_867, %swap3A_868], %swap3A_871 {strides = array<i32>} : memref<4x256x64xf32, #tpu.memory_space<vmem>>, vector<1x1x16xf32>,
            %swap3A_872 = arith.constant 0 : i32
            %swap3A_873 = arith.index_cast %swap3A_872 : i32 to index
            %swap3A_874 = arith.index_cast %add3A_851 : i32 to index
            %swap3A_875 = arith.constant 48 : index
            %swap3A_876 = tpu.vector_load %arg6[%swap3A_873, %swap3A_874, %swap3A_875] {strides = array<i32>} : memref<4x256x64xf32, #tpu.memory_space<vmem>>, vector<1x1x16xf32>,
            %swap3A_877 = vector.shape_cast %swap3A_876 : vector<1x1x16xf32> to vector<16xf32>
            %swap3A_878 = vector.shape_cast %broadcast_in_dim3A_689 : vector<16xf32> to vector<1x1x16xf32>
            tpu.vector_store %arg6[%swap3A_873, %swap3A_874, %swap3A_875], %swap3A_878 {strides = array<i32>} : memref<4x256x64xf32, #tpu.memory_space<vmem>>, vector<1x1x16xf32>,
          } else {
          }
          %slice3A_820 = vector.extract_strided_slice %get3A_735 {offsets = [12], sizes = [1], strides = [1]} : vector<16xi32> to vector<1xi32>
          %squeeze3A_821 = vector.extract %slice3A_820[0] : i32 from vector<1xi32>
          %eq3A_822 = arith.constant 0 : i32
          %eq3A_823 = arith.cmpi eq, %squeeze3A_821, %eq3A_822 : i32
          %convert_element_type3A_824 = arith.extui %eq3A_823 : i1 to i32
          %cond3A_825 = arith.constant 0 : i32
          %cond3A_826 = arith.cmpi ne, %convert_element_type3A_824, %cond3A_825 : i32
          scf.if %cond3A_826 {
            %mul3A_848 = arith.constant 16 : i32
            %mul3A_849 = arith.muli %scan3A_696, %mul3A_848 : i32
            %add3A_850 = arith.constant 12 : i32
            %add3A_851 = arith.addi %mul3A_849, %add3A_850 : i32
            %swap3A = arith.constant 0 : i32
            %swap3A_852 = arith.index_cast %swap3A : i32 to index
            %swap3A_853 = arith.index_cast %add3A_851 : i32 to index
            %swap3A_854 = arith.constant 0 : index
            %swap3A_855 = tpu.vector_load %arg6[%swap3A_852, %swap3A_853, %swap3A_854] {strides = array<i32>} : memref<4x256x64xf32, #tpu.memory_space<vmem>>, vector<1x1x16xf32>,
            %swap3A_856 = vector.shape_cast %swap3A_855 : vector<1x1x16xf32> to vector<16xf32>
            %swap3A_857 = vector.shape_cast %broadcast_in_dim3A_689 : vector<16xf32> to vector<1x1x16xf32>
            tpu.vector_store %arg6[%swap3A_852, %swap3A_853, %swap3A_854], %swap3A_857 {strides = array<i32>} : memref<4x256x64xf32, #tpu.memory_space<vmem>>, vector<1x1x16xf32>,
            %swap3A_858 = arith.constant 0 : i32
            %swap3A_859 = arith.index_cast %swap3A_858 : i32 to index
            %swap3A_860 = arith.index_cast %add3A_851 : i32 to index
            %swap3A_861 = arith.constant 16 : index
            %swap3A_862 = tpu.vector_load %arg6[%swap3A_859, %swap3A_860, %swap3A_861] {strides = array<i32>} : memref<4x256x64xf32, #tpu.memory_space<vmem>>, vector<1x1x16xf32>,
            %swap3A_863 = vector.shape_cast %swap3A_862 : vector<1x1x16xf32> to vector<16xf32>
            %swap3A_864 = vector.shape_cast %broadcast_in_dim3A_689 : vector<16xf32> to vector<1x1x16xf32>
            tpu.vector_store %arg6[%swap3A_859, %swap3A_860, %swap3A_861], %swap3A_864 {strides = array<i32>} : memref<4x256x64xf32, #tpu.memory_space<vmem>>, vector<1x1x16xf32>,
            %swap3A_865 = arith.constant 0 : i32
            %swap3A_866 = arith.index_cast %swap3A_865 : i32 to index
            %swap3A_867 = arith.index_cast %add3A_851 : i32 to index
            %swap3A_868 = arith.constant 32 : index
            %swap3A_869 = tpu.vector_load %arg6[%swap3A_866, %swap3A_867, %swap3A_868] {strides = array<i32>} : memref<4x256x64xf32, #tpu.memory_space<vmem>>, vector<1x1x16xf32>,
            %swap3A_870 = vector.shape_cast %swap3A_869 : vector<1x1x16xf32> to vector<16xf32>
            %swap3A_871 = vector.shape_cast %broadcast_in_dim3A_689 : vector<16xf32> to vector<1x1x16xf32>
            tpu.vector_store %arg6[%swap3A_866, %swap3A_867, %swap3A_868], %swap3A_871 {strides = array<i32>} : memref<4x256x64xf32, #tpu.memory_space<vmem>>, vector<1x1x16xf32>,
            %swap3A_872 = arith.constant 0 : i32
            %swap3A_873 = arith.index_cast %swap3A_872 : i32 to index
            %swap3A_874 = arith.index_cast %add3A_851 : i32 to index
            %swap3A_875 = arith.constant 48 : index
            %swap3A_876 = tpu.vector_load %arg6[%swap3A_873, %swap3A_874, %swap3A_875] {strides = array<i32>} : memref<4x256x64xf32, #tpu.memory_space<vmem>>, vector<1x1x16xf32>,
            %swap3A_877 = vector.shape_cast %swap3A_876 : vector<1x1x16xf32> to vector<16xf32>
            %swap3A_878 = vector.shape_cast %broadcast_in_dim3A_689 : vector<16xf32> to vector<1x1x16xf32>
            tpu.vector_store %arg6[%swap3A_873, %swap3A_874, %swap3A_875], %swap3A_878 {strides = array<i32>} : memref<4x256x64xf32, #tpu.memory_space<vmem>>, vector<1x1x16xf32>,
          } else {
          }
          %slice3A_827 = vector.extract_strided_slice %get3A_735 {offsets = [13], sizes = [1], strides = [1]} : vector<16xi32> to vector<1xi32>
          %squeeze3A_828 = vector.extract %slice3A_827[0] : i32 from vector<1xi32>
          %eq3A_829 = arith.constant 0 : i32
          %eq3A_830 = arith.cmpi eq, %squeeze3A_828, %eq3A_829 : i32
          %convert_element_type3A_831 = arith.extui %eq3A_830 : i1 to i32
          %cond3A_832 = arith.constant 0 : i32
          %cond3A_833 = arith.cmpi ne, %convert_element_type3A_831, %cond3A_832 : i32
          scf.if %cond3A_833 {
            %mul3A_848 = arith.constant 16 : i32
            %mul3A_849 = arith.muli %scan3A_696, %mul3A_848 : i32
            %add3A_850 = arith.constant 13 : i32
            %add3A_851 = arith.addi %mul3A_849, %add3A_850 : i32
            %swap3A = arith.constant 0 : i32
            %swap3A_852 = arith.index_cast %swap3A : i32 to index
            %swap3A_853 = arith.index_cast %add3A_851 : i32 to index
            %swap3A_854 = arith.constant 0 : index
            %swap3A_855 = tpu.vector_load %arg6[%swap3A_852, %swap3A_853, %swap3A_854] {strides = array<i32>} : memref<4x256x64xf32, #tpu.memory_space<vmem>>, vector<1x1x16xf32>,
            %swap3A_856 = vector.shape_cast %swap3A_855 : vector<1x1x16xf32> to vector<16xf32>
            %swap3A_857 = vector.shape_cast %broadcast_in_dim3A_689 : vector<16xf32> to vector<1x1x16xf32>
            tpu.vector_store %arg6[%swap3A_852, %swap3A_853, %swap3A_854], %swap3A_857 {strides = array<i32>} : memref<4x256x64xf32, #tpu.memory_space<vmem>>, vector<1x1x16xf32>,
            %swap3A_858 = arith.constant 0 : i32
            %swap3A_859 = arith.index_cast %swap3A_858 : i32 to index
            %swap3A_860 = arith.index_cast %add3A_851 : i32 to index
            %swap3A_861 = arith.constant 16 : index
            %swap3A_862 = tpu.vector_load %arg6[%swap3A_859, %swap3A_860, %swap3A_861] {strides = array<i32>} : memref<4x256x64xf32, #tpu.memory_space<vmem>>, vector<1x1x16xf32>,
            %swap3A_863 = vector.shape_cast %swap3A_862 : vector<1x1x16xf32> to vector<16xf32>
            %swap3A_864 = vector.shape_cast %broadcast_in_dim3A_689 : vector<16xf32> to vector<1x1x16xf32>
            tpu.vector_store %arg6[%swap3A_859, %swap3A_860, %swap3A_861], %swap3A_864 {strides = array<i32>} : memref<4x256x64xf32, #tpu.memory_space<vmem>>, vector<1x1x16xf32>,
            %swap3A_865 = arith.constant 0 : i32
            %swap3A_866 = arith.index_cast %swap3A_865 : i32 to index
            %swap3A_867 = arith.index_cast %add3A_851 : i32 to index
            %swap3A_868 = arith.constant 32 : index
            %swap3A_869 = tpu.vector_load %arg6[%swap3A_866, %swap3A_867, %swap3A_868] {strides = array<i32>} : memref<4x256x64xf32, #tpu.memory_space<vmem>>, vector<1x1x16xf32>,
            %swap3A_870 = vector.shape_cast %swap3A_869 : vector<1x1x16xf32> to vector<16xf32>
            %swap3A_871 = vector.shape_cast %broadcast_in_dim3A_689 : vector<16xf32> to vector<1x1x16xf32>
            tpu.vector_store %arg6[%swap3A_866, %swap3A_867, %swap3A_868], %swap3A_871 {strides = array<i32>} : memref<4x256x64xf32, #tpu.memory_space<vmem>>, vector<1x1x16xf32>,
            %swap3A_872 = arith.constant 0 : i32
            %swap3A_873 = arith.index_cast %swap3A_872 : i32 to index
            %swap3A_874 = arith.index_cast %add3A_851 : i32 to index
            %swap3A_875 = arith.constant 48 : index
            %swap3A_876 = tpu.vector_load %arg6[%swap3A_873, %swap3A_874, %swap3A_875] {strides = array<i32>} : memref<4x256x64xf32, #tpu.memory_space<vmem>>, vector<1x1x16xf32>,
            %swap3A_877 = vector.shape_cast %swap3A_876 : vector<1x1x16xf32> to vector<16xf32>
            %swap3A_878 = vector.shape_cast %broadcast_in_dim3A_689 : vector<16xf32> to vector<1x1x16xf32>
            tpu.vector_store %arg6[%swap3A_873, %swap3A_874, %swap3A_875], %swap3A_878 {strides = array<i32>} : memref<4x256x64xf32, #tpu.memory_space<vmem>>, vector<1x1x16xf32>,
          } else {
          }
          %slice3A_834 = vector.extract_strided_slice %get3A_735 {offsets = [14], sizes = [1], strides = [1]} : vector<16xi32> to vector<1xi32>
          %squeeze3A_835 = vector.extract %slice3A_834[0] : i32 from vector<1xi32>
          %eq3A_836 = arith.constant 0 : i32
          %eq3A_837 = arith.cmpi eq, %squeeze3A_835, %eq3A_836 : i32
          %convert_element_type3A_838 = arith.extui %eq3A_837 : i1 to i32
          %cond3A_839 = arith.constant 0 : i32
          %cond3A_840 = arith.cmpi ne, %convert_element_type3A_838, %cond3A_839 : i32
          scf.if %cond3A_840 {
            %mul3A_848 = arith.constant 16 : i32
            %mul3A_849 = arith.muli %scan3A_696, %mul3A_848 : i32
            %add3A_850 = arith.constant 14 : i32
            %add3A_851 = arith.addi %mul3A_849, %add3A_850 : i32
            %swap3A = arith.constant 0 : i32
            %swap3A_852 = arith.index_cast %swap3A : i32 to index
            %swap3A_853 = arith.index_cast %add3A_851 : i32 to index
            %swap3A_854 = arith.constant 0 : index
            %swap3A_855 = tpu.vector_load %arg6[%swap3A_852, %swap3A_853, %swap3A_854] {strides = array<i32>} : memref<4x256x64xf32, #tpu.memory_space<vmem>>, vector<1x1x16xf32>,
            %swap3A_856 = vector.shape_cast %swap3A_855 : vector<1x1x16xf32> to vector<16xf32>
            %swap3A_857 = vector.shape_cast %broadcast_in_dim3A_689 : vector<16xf32> to vector<1x1x16xf32>
            tpu.vector_store %arg6[%swap3A_852, %swap3A_853, %swap3A_854], %swap3A_857 {strides = array<i32>} : memref<4x256x64xf32, #tpu.memory_space<vmem>>, vector<1x1x16xf32>,
            %swap3A_858 = arith.constant 0 : i32
            %swap3A_859 = arith.index_cast %swap3A_858 : i32 to index
            %swap3A_860 = arith.index_cast %add3A_851 : i32 to index
            %swap3A_861 = arith.constant 16 : index
            %swap3A_862 = tpu.vector_load %arg6[%swap3A_859, %swap3A_860, %swap3A_861] {strides = array<i32>} : memref<4x256x64xf32, #tpu.memory_space<vmem>>, vector<1x1x16xf32>,
            %swap3A_863 = vector.shape_cast %swap3A_862 : vector<1x1x16xf32> to vector<16xf32>
            %swap3A_864 = vector.shape_cast %broadcast_in_dim3A_689 : vector<16xf32> to vector<1x1x16xf32>
            tpu.vector_store %arg6[%swap3A_859, %swap3A_860, %swap3A_861], %swap3A_864 {strides = array<i32>} : memref<4x256x64xf32, #tpu.memory_space<vmem>>, vector<1x1x16xf32>,
            %swap3A_865 = arith.constant 0 : i32
            %swap3A_866 = arith.index_cast %swap3A_865 : i32 to index
            %swap3A_867 = arith.index_cast %add3A_851 : i32 to index
            %swap3A_868 = arith.constant 32 : index
            %swap3A_869 = tpu.vector_load %arg6[%swap3A_866, %swap3A_867, %swap3A_868] {strides = array<i32>} : memref<4x256x64xf32, #tpu.memory_space<vmem>>, vector<1x1x16xf32>,
            %swap3A_870 = vector.shape_cast %swap3A_869 : vector<1x1x16xf32> to vector<16xf32>
            %swap3A_871 = vector.shape_cast %broadcast_in_dim3A_689 : vector<16xf32> to vector<1x1x16xf32>
            tpu.vector_store %arg6[%swap3A_866, %swap3A_867, %swap3A_868], %swap3A_871 {strides = array<i32>} : memref<4x256x64xf32, #tpu.memory_space<vmem>>, vector<1x1x16xf32>,
            %swap3A_872 = arith.constant 0 : i32
            %swap3A_873 = arith.index_cast %swap3A_872 : i32 to index
            %swap3A_874 = arith.index_cast %add3A_851 : i32 to index
            %swap3A_875 = arith.constant 48 : index
            %swap3A_876 = tpu.vector_load %arg6[%swap3A_873, %swap3A_874, %swap3A_875] {strides = array<i32>} : memref<4x256x64xf32, #tpu.memory_space<vmem>>, vector<1x1x16xf32>,
            %swap3A_877 = vector.shape_cast %swap3A_876 : vector<1x1x16xf32> to vector<16xf32>
            %swap3A_878 = vector.shape_cast %broadcast_in_dim3A_689 : vector<16xf32> to vector<1x1x16xf32>
            tpu.vector_store %arg6[%swap3A_873, %swap3A_874, %swap3A_875], %swap3A_878 {strides = array<i32>} : memref<4x256x64xf32, #tpu.memory_space<vmem>>, vector<1x1x16xf32>,
          } else {
          }
          %slice3A_841 = vector.extract_strided_slice %get3A_735 {offsets = [15], sizes = [1], strides = [1]} : vector<16xi32> to vector<1xi32>
          %squeeze3A_842 = vector.extract %slice3A_841[0] : i32 from vector<1xi32>
          %eq3A_843 = arith.constant 0 : i32
          %eq3A_844 = arith.cmpi eq, %squeeze3A_842, %eq3A_843 : i32
          %convert_element_type3A_845 = arith.extui %eq3A_844 : i1 to i32
          %cond3A_846 = arith.constant 0 : i32
          %cond3A_847 = arith.cmpi ne, %convert_element_type3A_845, %cond3A_846 : i32
          scf.if %cond3A_847 {
            %mul3A_848 = arith.constant 16 : i32
            %mul3A_849 = arith.muli %scan3A_696, %mul3A_848 : i32
            %add3A_850 = arith.constant 15 : i32
            %add3A_851 = arith.addi %mul3A_849, %add3A_850 : i32
            %swap3A = arith.constant 0 : i32
            %swap3A_852 = arith.index_cast %swap3A : i32 to index
            %swap3A_853 = arith.index_cast %add3A_851 : i32 to index
            %swap3A_854 = arith.constant 0 : index
            %swap3A_855 = tpu.vector_load %arg6[%swap3A_852, %swap3A_853, %swap3A_854] {strides = array<i32>} : memref<4x256x64xf32, #tpu.memory_space<vmem>>, vector<1x1x16xf32>,
            %swap3A_856 = vector.shape_cast %swap3A_855 : vector<1x1x16xf32> to vector<16xf32>
            %swap3A_857 = vector.shape_cast %broadcast_in_dim3A_689 : vector<16xf32> to vector<1x1x16xf32>
            tpu.vector_store %arg6[%swap3A_852, %swap3A_853, %swap3A_854], %swap3A_857 {strides = array<i32>} : memref<4x256x64xf32, #tpu.memory_space<vmem>>, vector<1x1x16xf32>,
            %swap3A_858 = arith.constant 0 : i32
            %swap3A_859 = arith.index_cast %swap3A_858 : i32 to index
            %swap3A_860 = arith.index_cast %add3A_851 : i32 to index
            %swap3A_861 = arith.constant 16 : index
            %swap3A_862 = tpu.vector_load %arg6[%swap3A_859, %swap3A_860, %swap3A_861] {strides = array<i32>} : memref<4x256x64xf32, #tpu.memory_space<vmem>>, vector<1x1x16xf32>,
            %swap3A_863 = vector.shape_cast %swap3A_862 : vector<1x1x16xf32> to vector<16xf32>
            %swap3A_864 = vector.shape_cast %broadcast_in_dim3A_689 : vector<16xf32> to vector<1x1x16xf32>
            tpu.vector_store %arg6[%swap3A_859, %swap3A_860, %swap3A_861], %swap3A_864 {strides = array<i32>} : memref<4x256x64xf32, #tpu.memory_space<vmem>>, vector<1x1x16xf32>,
            %swap3A_865 = arith.constant 0 : i32
            %swap3A_866 = arith.index_cast %swap3A_865 : i32 to index
            %swap3A_867 = arith.index_cast %add3A_851 : i32 to index
            %swap3A_868 = arith.constant 32 : index
            %swap3A_869 = tpu.vector_load %arg6[%swap3A_866, %swap3A_867, %swap3A_868] {strides = array<i32>} : memref<4x256x64xf32, #tpu.memory_space<vmem>>, vector<1x1x16xf32>,
            %swap3A_870 = vector.shape_cast %swap3A_869 : vector<1x1x16xf32> to vector<16xf32>
            %swap3A_871 = vector.shape_cast %broadcast_in_dim3A_689 : vector<16xf32> to vector<1x1x16xf32>
            tpu.vector_store %arg6[%swap3A_866, %swap3A_867, %swap3A_868], %swap3A_871 {strides = array<i32>} : memref<4x256x64xf32, #tpu.memory_space<vmem>>, vector<1x1x16xf32>,
            %swap3A_872 = arith.constant 0 : i32
            %swap3A_873 = arith.index_cast %swap3A_872 : i32 to index
            %swap3A_874 = arith.index_cast %add3A_851 : i32 to index
            %swap3A_875 = arith.constant 48 : index
            %swap3A_876 = tpu.vector_load %arg6[%swap3A_873, %swap3A_874, %swap3A_875] {strides = array<i32>} : memref<4x256x64xf32, #tpu.memory_space<vmem>>, vector<1x1x16xf32>,
            %swap3A_877 = vector.shape_cast %swap3A_876 : vector<1x1x16xf32> to vector<16xf32>
            %swap3A_878 = vector.shape_cast %broadcast_in_dim3A_689 : vector<16xf32> to vector<1x1x16xf32>
            tpu.vector_store %arg6[%swap3A_873, %swap3A_874, %swap3A_875], %swap3A_878 {strides = array<i32>} : memref<4x256x64xf32, #tpu.memory_space<vmem>>, vector<1x1x16xf32>,
          } else {
          }
        }
        %scan3A_695 = arith.constant 16 : i32
      } else {
      }
      %mul3A_297 = arith.constant 100 : i32
      %mul3A_298 = arith.muli %add3A, %mul3A_297 : i32
      %add3A_299 = arith.addi %mul3A_298, %add3A_206 : i32
      %mul3A_300 = arith.constant 256 : i32
      %mul3A_301 = arith.muli %add3A_299, %mul3A_300 : i32
      %dma_start3A_302 = arith.constant 0 : i32
      %dma_start3A_303 = arith.constant 0 : i32
      %dma_start3A_304 = arith.constant 0 : i32
      %dma_start3A_305 = tpu.memref_slice %arg6[%dma_start3A_302, %dma_start3A_303, %dma_start3A_304] : memref<4x256x64xf32, #tpu.memory_space<vmem>> -> memref<1x256x64xf32, #tpu.memory_space<vmem>>
      %dma_start3A_306 = tpu.memref_squeeze %dma_start3A_305 : memref<1x256x64xf32, #tpu.memory_space<vmem>> -> memref<256x64xf32, #tpu.memory_space<vmem>>
      %dma_start3A_307 = arith.constant 0 : i32
      %dma_start3A_308 = tpu.memref_slice %arg4[%mul3A_301, %dma_start3A_307] : memref<819200x64xf32, #tpu.memory_space<hbm>> -> memref<256x64xf32, #tpu.memory_space<hbm>>
      %dma_start3A_309 = arith.constant 0 : i32
      %dma_start3A_310 = tpu.memref_slice %arg4[%mul3A_301, %dma_start3A_309] : memref<819200x64xf32, #tpu.memory_space<hbm>> -> memref<256x64xf32, #tpu.memory_space<hbm>>
      %dma_start3A_311 = arith.constant 0 : i32
      %dma_start3A_312 = arith.constant 0 : i32
      %dma_start3A_313 = tpu.memref_slice %arg6[%dma_start3A_302, %dma_start3A_311, %dma_start3A_312] : memref<4x256x64xf32, #tpu.memory_space<vmem>> -> memref<1x256x64xf32, #tpu.memory_space<vmem>>
      %dma_start3A_314 = tpu.memref_squeeze %dma_start3A_313 : memref<1x256x64xf32, #tpu.memory_space<vmem>> -> memref<256x64xf32, #tpu.memory_space<vmem>>
      tpu.enqueue_dma source(%dma_start3A_314 : memref<256x64xf32, #tpu.memory_space<vmem>>) target(%dma_start3A_310 : memref<256x64xf32, #tpu.memory_space<hbm>>) target_semaphore(%arg11 : memref<!tpu.dma_semaphore, #tpu.memory_space<semaphore_mem>>)
      %lt3A = arith.constant 24 : i32
      %lt3A_315 = arith.cmpi slt, %scan3A_202, %lt3A : i32
      %convert_element_type3A_316 = arith.extui %lt3A_315 : i1 to i32
      %cond3A_317 = arith.constant 0 : i32
      %cond3A_318 = arith.cmpi ne, %convert_element_type3A_316, %cond3A_317 : i32
      scf.if %cond3A_318 {
        %mul3A_688 = arith.constant 100 : i32
        %mul3A_689 = arith.muli %add3A, %mul3A_688 : i32
        %add3A_690 = arith.addi %mul3A_689, %add3A_206 : i32
        %mul3A_691 = arith.constant 256 : i32
        %mul3A_692 = arith.muli %add3A_690, %mul3A_691 : i32
        %dma_wait3A_693 = arith.constant 0 : i32
        %dma_wait3A_694 = arith.constant 0 : i32
        %dma_wait3A_695 = arith.constant 0 : i32
        %dma_wait3A_696 = tpu.memref_slice %arg6[%dma_wait3A_693, %dma_wait3A_694, %dma_wait3A_695] : memref<4x256x64xf32, #tpu.memory_space<vmem>> -> memref<1x256x64xf32, #tpu.memory_space<vmem>>
        %dma_wait3A_697 = tpu.memref_squeeze %dma_wait3A_696 : memref<1x256x64xf32, #tpu.memory_space<vmem>> -> memref<256x64xf32, #tpu.memory_space<vmem>>
        %dma_wait3A_698 = arith.constant 0 : i32
        %dma_wait3A_699 = tpu.memref_slice %arg4[%mul3A_692, %dma_wait3A_698] : memref<819200x64xf32, #tpu.memory_space<hbm>> -> memref<256x64xf32, #tpu.memory_space<hbm>>
        %dma_wait3A_700 = arith.constant 0 : i32
        %dma_wait3A_701 = tpu.memref_slice %arg4[%mul3A_692, %dma_wait3A_700] : memref<819200x64xf32, #tpu.memory_space<hbm>> -> memref<256x64xf32, #tpu.memory_space<hbm>>
        %dma_wait3A_702 = arith.constant 0 : i32
        %dma_wait3A_703 = arith.constant 0 : i32
        %dma_wait3A_704 = tpu.memref_slice %arg6[%dma_wait3A_693, %dma_wait3A_702, %dma_wait3A_703] : memref<4x256x64xf32, #tpu.memory_space<vmem>> -> memref<1x256x64xf32, #tpu.memory_space<vmem>>
        %dma_wait3A_705 = tpu.memref_squeeze %dma_wait3A_704 : memref<1x256x64xf32, #tpu.memory_space<vmem>> -> memref<256x64xf32, #tpu.memory_space<vmem>>
        tpu.wait_dma2 semaphore(%arg11 : memref<!tpu.dma_semaphore, #tpu.memory_space<semaphore_mem>>) src(%dma_wait3A_705 : memref<256x64xf32, #tpu.memory_space<vmem>>) dst(%dma_wait3A_701 : memref<256x64xf32, #tpu.memory_space<hbm>>)
        %add3A_706 = arith.constant 4 : i32
        %add3A_707 = arith.addi %add3A_206, %add3A_706 : i32
        %mul3A_708 = arith.constant 2 : i32
        %mul3A_709 = arith.muli %add3A_707, %mul3A_708 : i32
        %add3A_710 = arith.constant 0 : i32
        %add3A_711 = arith.addi %mul3A_709, %add3A_710 : i32
        %dma_start3A_712 = arith.constant 0 : i32
        %dma_start3A_713 = arith.constant 0 : i32
        %dma_start3A_714 = arith.constant 0 : i32
        %dma_start3A_715 = tpu.memref_slice %arg6[%dma_start3A_712, %dma_start3A_713, %dma_start3A_714] : memref<4x256x64xf32, #tpu.memory_space<vmem>> -> memref<1x256x64xf32, #tpu.memory_space<vmem>>
        %dma_start3A_716 = tpu.memref_squeeze %dma_start3A_715 : memref<1x256x64xf32, #tpu.memory_space<vmem>> -> memref<256x64xf32, #tpu.memory_space<vmem>>
        %dma_start3A_717 = arith.constant 0 : i32
        %dma_start3A_718 = arith.constant 0 : i32
        %dma_start3A_719 = tpu.memref_slice %dma_start3A_716[%dma_start3A_717, %dma_start3A_718] : memref<256x64xf32, #tpu.memory_space<vmem>> -> memref<128x64xf32, #tpu.memory_space<vmem>>
        %dma_start3A_720 = arith.constant 0 : i32
        %dma_start3A_721 = tpu.memref_slice %arg5[%add3A_711, %dma_start3A_720] : memref<200x128xi32, #tpu.memory_space<vmem>> -> memref<1x128xi32, #tpu.memory_space<vmem>>
        %dma_start3A_722 = tpu.memref_squeeze %dma_start3A_721 : memref<1x128xi32, #tpu.memory_space<vmem>> -> memref<128xi32, #tpu.memory_space<vmem>>
        %dma_start3A_723 = arith.constant 0 : i32
        %dma_start3A_724 = arith.constant 0 : i32
        %dma_start3A_725 = tpu.memref_slice %arg3[%dma_start3A_723, %dma_start3A_724] : memref<1000000x64xf32, #tpu.memory_space<hbm>> -> memref<1000000x64xf32, #tpu.memory_space<hbm>>
        tpu.enqueue_indirect_dma source(%dma_start3A_725 : memref<1000000x64xf32, #tpu.memory_space<hbm>>) target(%dma_start3A_719 : memref<128x64xf32, #tpu.memory_space<vmem>>) offsets(%dma_start3A_722 : memref<128xi32, #tpu.memory_space<vmem>>) semaphore(%arg7 : memref<!tpu.dma_semaphore, #tpu.memory_space<semaphore_mem>>)
        %mul3A_726 = arith.constant 2 : i32
        %mul3A_727 = arith.muli %add3A_707, %mul3A_726 : i32
        %add3A_728 = arith.constant 1 : i32
        %add3A_729 = arith.addi %mul3A_727, %add3A_728 : i32
        %dma_start3A_730 = arith.constant 0 : i32
        %dma_start3A_731 = arith.constant 0 : i32
        %dma_start3A_732 = arith.constant 0 : i32
        %dma_start3A_733 = tpu.memref_slice %arg6[%dma_start3A_730, %dma_start3A_731, %dma_start3A_732] : memref<4x256x64xf32, #tpu.memory_space<vmem>> -> memref<1x256x64xf32, #tpu.memory_space<vmem>>
        %dma_start3A_734 = tpu.memref_squeeze %dma_start3A_733 : memref<1x256x64xf32, #tpu.memory_space<vmem>> -> memref<256x64xf32, #tpu.memory_space<vmem>>
        %dma_start3A_735 = arith.constant 128 : i32
        %dma_start3A_736 = arith.constant 0 : i32
        %dma_start3A_737 = tpu.memref_slice %dma_start3A_734[%dma_start3A_735, %dma_start3A_736] : memref<256x64xf32, #tpu.memory_space<vmem>> -> memref<128x64xf32, #tpu.memory_space<vmem>>
        %dma_start3A_738 = arith.constant 0 : i32
        %dma_start3A_739 = tpu.memref_slice %arg5[%add3A_729, %dma_start3A_738] : memref<200x128xi32, #tpu.memory_space<vmem>> -> memref<1x128xi32, #tpu.memory_space<vmem>>
        %dma_start3A_740 = tpu.memref_squeeze %dma_start3A_739 : memref<1x128xi32, #tpu.memory_space<vmem>> -> memref<128xi32, #tpu.memory_space<vmem>>
        %dma_start3A_741 = arith.constant 0 : i32
        %dma_start3A_742 = arith.constant 0 : i32
        %dma_start3A_743 = tpu.memref_slice %arg3[%dma_start3A_741, %dma_start3A_742] : memref<1000000x64xf32, #tpu.memory_space<hbm>> -> memref<1000000x64xf32, #tpu.memory_space<hbm>>
        tpu.enqueue_indirect_dma source(%dma_start3A_743 : memref<1000000x64xf32, #tpu.memory_space<hbm>>) target(%dma_start3A_737 : memref<128x64xf32, #tpu.memory_space<vmem>>) offsets(%dma_start3A_740 : memref<128xi32, #tpu.memory_space<vmem>>) semaphore(%arg7 : memref<!tpu.dma_semaphore, #tpu.memory_space<semaphore_mem>>)
      } else {
      }
      %mul3A_319 = arith.constant 4 : i32
      %mul3A_320 = arith.muli %scan3A_202, %mul3A_319 : i32
      %add3A_321 = arith.constant 1 : i32
      %add3A_322 = arith.addi %mul3A_320, %add3A_321 : i32
      %mul3A_323 = arith.constant 2 : i32
      %mul3A_324 = arith.muli %add3A_322, %mul3A_323 : i32
      %add3A_325 = arith.constant 0 : i32
      %add3A_326 = arith.addi %mul3A_324, %add3A_325 : i32
      %dma_wait3A_327 = arith.constant 1 : i32
      %dma_wait3A_328 = arith.constant 0 : i32
      %dma_wait3A_329 = arith.constant 0 : i32
      %dma_wait3A_330 = tpu.memref_slice %arg6[%dma_wait3A_327, %dma_wait3A_328, %dma_wait3A_329] : memref<4x256x64xf32, #tpu.memory_space<vmem>> -> memref<1x256x64xf32, #tpu.memory_space<vmem>>
      %dma_wait3A_331 = tpu.memref_squeeze %dma_wait3A_330 : memref<1x256x64xf32, #tpu.memory_space<vmem>> -> memref<256x64xf32, #tpu.memory_space<vmem>>
      %dma_wait3A_332 = arith.constant 0 : i32
      %dma_wait3A_333 = arith.constant 0 : i32
      %dma_wait3A_334 = tpu.memref_slice %dma_wait3A_331[%dma_wait3A_332, %dma_wait3A_333] : memref<256x64xf32, #tpu.memory_space<vmem>> -> memref<128x64xf32, #tpu.memory_space<vmem>>
      %dma_wait3A_335 = arith.constant 0 : i32
      %dma_wait3A_336 = tpu.memref_slice %arg5[%add3A_326, %dma_wait3A_335] : memref<200x128xi32, #tpu.memory_space<vmem>> -> memref<1x128xi32, #tpu.memory_space<vmem>>
      %dma_wait3A_337 = tpu.memref_squeeze %dma_wait3A_336 : memref<1x128xi32, #tpu.memory_space<vmem>> -> memref<128xi32, #tpu.memory_space<vmem>>
      %dma_wait3A_338 = arith.constant 0 : i32
      %dma_wait3A_339 = arith.constant 0 : i32
      %dma_wait3A_340 = tpu.memref_slice %arg3[%dma_wait3A_338, %dma_wait3A_339] : memref<1000000x64xf32, #tpu.memory_space<hbm>> -> memref<1000000x64xf32, #tpu.memory_space<hbm>>
      tpu.wait_indirect_dma semaphore(%arg8 : memref<!tpu.dma_semaphore, #tpu.memory_space<semaphore_mem>>) src(%dma_wait3A_340 : memref<1000000x64xf32, #tpu.memory_space<hbm>>) dst(%dma_wait3A_334 : memref<128x64xf32, #tpu.memory_space<vmem>>)
      %mul3A_341 = arith.constant 2 : i32
      %mul3A_342 = arith.muli %add3A_322, %mul3A_341 : i32
      %add3A_343 = arith.constant 1 : i32
      %add3A_344 = arith.addi %mul3A_342, %add3A_343 : i32
      %dma_wait3A_345 = arith.constant 1 : i32
      %dma_wait3A_346 = arith.constant 0 : i32
      %dma_wait3A_347 = arith.constant 0 : i32
      %dma_wait3A_348 = tpu.memref_slice %arg6[%dma_wait3A_345, %dma_wait3A_346, %dma_wait3A_347] : memref<4x256x64xf32, #tpu.memory_space<vmem>> -> memref<1x256x64xf32, #tpu.memory_space<vmem>>
      %dma_wait3A_349 = tpu.memref_squeeze %dma_wait3A_348 : memref<1x256x64xf32, #tpu.memory_space<vmem>> -> memref<256x64xf32, #tpu.memory_space<vmem>>
      %dma_wait3A_350 = arith.constant 128 : i32
      %dma_wait3A_351 = arith.constant 0 : i32
      %dma_wait3A_352 = tpu.memref_slice %dma_wait3A_349[%dma_wait3A_350, %dma_wait3A_351] : memref<256x64xf32, #tpu.memory_space<vmem>> -> memref<128x64xf32, #tpu.memory_space<vmem>>
      %dma_wait3A_353 = arith.constant 0 : i32
      %dma_wait3A_354 = tpu.memref_slice %arg5[%add3A_344, %dma_wait3A_353] : memref<200x128xi32, #tpu.memory_space<vmem>> -> memref<1x128xi32, #tpu.memory_space<vmem>>
      %dma_wait3A_355 = tpu.memref_squeeze %dma_wait3A_354 : memref<1x128xi32, #tpu.memory_space<vmem>> -> memref<128xi32, #tpu.memory_space<vmem>>
      %dma_wait3A_356 = arith.constant 0 : i32
      %dma_wait3A_357 = arith.constant 0 : i32
      %dma_wait3A_358 = tpu.memref_slice %arg3[%dma_wait3A_356, %dma_wait3A_357] : memref<1000000x64xf32, #tpu.memory_space<hbm>> -> memref<1000000x64xf32, #tpu.memory_space<hbm>>
      tpu.wait_indirect_dma semaphore(%arg8 : memref<!tpu.dma_semaphore, #tpu.memory_space<semaphore_mem>>) src(%dma_wait3A_358 : memref<1000000x64xf32, #tpu.memory_space<hbm>>) dst(%dma_wait3A_352 : memref<128x64xf32, #tpu.memory_space<vmem>>)
      %broadcast_in_dim3A_359 = arith.constant 0 : i32
      %broadcast_in_dim3A_360 = vector.broadcast %broadcast_in_dim3A_359 : i32 to vector<16xi32>
      %scan3A_361 = arith.constant 0 : i32
      %scan3A_362 = arith.constant 16 : i32
      %scan3A_363 = arith.addi %scan3A_361, %scan3A_362 : i32
      %scan3A_364 = arith.constant 1 : i32
      %scan3A_365 = scf.for %scan3A_688 = %scan3A_361 to %scan3A_363 step %scan3A_364 iter_args(%scan3A_689 = %broadcast_in_dim3A_360) -> (vector<16xi32>)  : i32 {
        %mul3A_690 = arith.constant 2 : i32
        %mul3A_691 = arith.muli %add3A_322, %mul3A_690 : i32
        %jit3A = arith.constant 8 : i32
        %div3A = arith.divsi %scan3A_688, %jit3A : i32
        %sign3A = arith.constant 0 : i32
        %sign3A_692 = arith.cmpi sgt, %scan3A_688, %sign3A : i32
        %sign3A_693 = arith.extui %sign3A_692 : i1 to i32
        %sign3A_694 = arith.constant 0 : i32
        %sign3A_695 = arith.cmpi slt, %scan3A_688, %sign3A_694 : i32
        %sign3A_696 = arith.extui %sign3A_695 : i1 to i32
        %sign3A_697 = arith.subi %sign3A_693, %sign3A_696 : i32
        %sign3A_698 = arith.constant 0 : i32
        %sign3A_699 = arith.cmpi sgt, %jit3A, %sign3A_698 : i32
        %sign3A_700 = arith.extui %sign3A_699 : i1 to i32
        %sign3A_701 = arith.constant 0 : i32
        %sign3A_702 = arith.cmpi slt, %jit3A, %sign3A_701 : i32
        %sign3A_703 = arith.extui %sign3A_702 : i1 to i32
        %sign3A_704 = arith.subi %sign3A_700, %sign3A_703 : i32
        %ne3A = arith.cmpi ne, %sign3A_697, %sign3A_704 : i32
        %rem3A = arith.remsi %scan3A_688, %jit3A : i32
        %ne3A_705 = arith.constant 0 : i32
        %ne3A_706 = arith.cmpi ne, %rem3A, %ne3A_705 : i32
        %and3A = arith.andi %ne3A, %ne3A_706 : i1
        %sub3A = arith.constant 1 : i32
        %sub3A_707 = arith.subi %div3A, %sub3A : i32
        %select_n3A = arith.select %and3A, %sub3A_707, %div3A : i32
        %add3A_708 = arith.addi %mul3A_691, %select_n3A : i32
        %jit3A_709 = arith.constant 8 : i32
        %eq3A = arith.constant 0 : i32
        %eq3A_710 = arith.cmpi eq, %jit3A_709, %eq3A : i32
        %jit3A_711 = arith.constant 1 : i32
        %select_n3A_712 = arith.select %eq3A_710, %jit3A_711, %jit3A_709 : i32
        %rem3A_713 = arith.remsi %scan3A_688, %select_n3A_712 : i32
        %ne3A_714 = arith.constant 0 : i32
        %ne3A_715 = arith.cmpi ne, %rem3A_713, %ne3A_714 : i32
        %lt3A_716 = arith.constant 0 : i32
        %lt3A_717 = arith.cmpi slt, %rem3A_713, %lt3A_716 : i32
        %lt3A_718 = arith.constant 0 : i32
        %lt3A_719 = arith.cmpi slt, %select_n3A_712, %lt3A_718 : i32
        %ne3A_720 = arith.xori %lt3A_717, %lt3A_719 : i1
        %and3A_721 = arith.andi %ne3A_720, %ne3A_715 : i1
        %add3A_722 = arith.addi %rem3A_713, %select_n3A_712 : i32
        %select_n3A_723 = arith.select %and3A_721, %add3A_722, %rem3A_713 : i32
        %mul3A_724 = arith.constant 16 : i32
        %mul3A_725 = arith.muli %select_n3A_723, %mul3A_724 : i32
        %get3A = arith.index_cast %add3A_708 : i32 to index
        %get3A_726 = arith.index_cast %mul3A_725 : i32 to index
        %get3A_727 = tpu.vector_load %arg5[%get3A, %get3A_726] {strides = array<i32>} : memref<200x128xi32, #tpu.memory_space<vmem>>, vector<1x16xi32>,
        %get3A_728 = vector.shape_cast %get3A_727 : vector<1x16xi32> to vector<16xi32>
        %min3A = arith.constant 1 : i32
        %min3A_729 = vector.broadcast %min3A : i32 to vector<16xi32>
        %min3A_730 = arith.minsi %get3A_728, %min3A_729 : vector<16xi32>
        %sub3A_731 = arith.constant 1 : i32
        %sub3A_732 = vector.broadcast %sub3A_731 : i32 to vector<16xi32>
        %sub3A_733 = arith.subi %sub3A_732, %min3A_730 : vector<16xi32>
        %add3A_734 = arith.addi %scan3A_689, %sub3A_733 : vector<16xi32>
        scf.yield %add3A_734 : vector<16xi32>
      }
      %scan3A_366 = arith.constant 16 : i32
      %slice3A_367 = vector.extract_strided_slice %scan3A_365 {offsets = [0], sizes = [1], strides = [1]} : vector<16xi32> to vector<1xi32>
      %squeeze3A_368 = vector.extract %slice3A_367[0] : i32 from vector<1xi32>
      %slice3A_369 = vector.extract_strided_slice %scan3A_365 {offsets = [1], sizes = [1], strides = [1]} : vector<16xi32> to vector<1xi32>
      %squeeze3A_370 = vector.extract %slice3A_369[0] : i32 from vector<1xi32>
      %add3A_371 = arith.addi %squeeze3A_368, %squeeze3A_370 : i32
      %slice3A_372 = vector.extract_strided_slice %scan3A_365 {offsets = [2], sizes = [1], strides = [1]} : vector<16xi32> to vector<1xi32>
      %squeeze3A_373 = vector.extract %slice3A_372[0] : i32 from vector<1xi32>
      %add3A_374 = arith.addi %add3A_371, %squeeze3A_373 : i32
      %slice3A_375 = vector.extract_strided_slice %scan3A_365 {offsets = [3], sizes = [1], strides = [1]} : vector<16xi32> to vector<1xi32>
      %squeeze3A_376 = vector.extract %slice3A_375[0] : i32 from vector<1xi32>
      %add3A_377 = arith.addi %add3A_374, %squeeze3A_376 : i32
      %slice3A_378 = vector.extract_strided_slice %scan3A_365 {offsets = [4], sizes = [1], strides = [1]} : vector<16xi32> to vector<1xi32>
      %squeeze3A_379 = vector.extract %slice3A_378[0] : i32 from vector<1xi32>
      %add3A_380 = arith.addi %add3A_377, %squeeze3A_379 : i32
      %slice3A_381 = vector.extract_strided_slice %scan3A_365 {offsets = [5], sizes = [1], strides = [1]} : vector<16xi32> to vector<1xi32>
      %squeeze3A_382 = vector.extract %slice3A_381[0] : i32 from vector<1xi32>
      %add3A_383 = arith.addi %add3A_380, %squeeze3A_382 : i32
      %slice3A_384 = vector.extract_strided_slice %scan3A_365 {offsets = [6], sizes = [1], strides = [1]} : vector<16xi32> to vector<1xi32>
      %squeeze3A_385 = vector.extract %slice3A_384[0] : i32 from vector<1xi32>
      %add3A_386 = arith.addi %add3A_383, %squeeze3A_385 : i32
      %slice3A_387 = vector.extract_strided_slice %scan3A_365 {offsets = [7], sizes = [1], strides = [1]} : vector<16xi32> to vector<1xi32>
      %squeeze3A_388 = vector.extract %slice3A_387[0] : i32 from vector<1xi32>
      %add3A_389 = arith.addi %add3A_386, %squeeze3A_388 : i32
      %slice3A_390 = vector.extract_strided_slice %scan3A_365 {offsets = [8], sizes = [1], strides = [1]} : vector<16xi32> to vector<1xi32>
      %squeeze3A_391 = vector.extract %slice3A_390[0] : i32 from vector<1xi32>
      %add3A_392 = arith.addi %add3A_389, %squeeze3A_391 : i32
      %slice3A_393 = vector.extract_strided_slice %scan3A_365 {offsets = [9], sizes = [1], strides = [1]} : vector<16xi32> to vector<1xi32>
      %squeeze3A_394 = vector.extract %slice3A_393[0] : i32 from vector<1xi32>
      %add3A_395 = arith.addi %add3A_392, %squeeze3A_394 : i32
      %slice3A_396 = vector.extract_strided_slice %scan3A_365 {offsets = [10], sizes = [1], strides = [1]} : vector<16xi32> to vector<1xi32>
      %squeeze3A_397 = vector.extract %slice3A_396[0] : i32 from vector<1xi32>
      %add3A_398 = arith.addi %add3A_395, %squeeze3A_397 : i32
      %slice3A_399 = vector.extract_strided_slice %scan3A_365 {offsets = [11], sizes = [1], strides = [1]} : vector<16xi32> to vector<1xi32>
      %squeeze3A_400 = vector.extract %slice3A_399[0] : i32 from vector<1xi32>
      %add3A_401 = arith.addi %add3A_398, %squeeze3A_400 : i32
      %slice3A_402 = vector.extract_strided_slice %scan3A_365 {offsets = [12], sizes = [1], strides = [1]} : vector<16xi32> to vector<1xi32>
      %squeeze3A_403 = vector.extract %slice3A_402[0] : i32 from vector<1xi32>
      %add3A_404 = arith.addi %add3A_401, %squeeze3A_403 : i32
      %slice3A_405 = vector.extract_strided_slice %scan3A_365 {offsets = [13], sizes = [1], strides = [1]} : vector<16xi32> to vector<1xi32>
      %squeeze3A_406 = vector.extract %slice3A_405[0] : i32 from vector<1xi32>
      %add3A_407 = arith.addi %add3A_404, %squeeze3A_406 : i32
      %slice3A_408 = vector.extract_strided_slice %scan3A_365 {offsets = [14], sizes = [1], strides = [1]} : vector<16xi32> to vector<1xi32>
      %squeeze3A_409 = vector.extract %slice3A_408[0] : i32 from vector<1xi32>
      %add3A_410 = arith.addi %add3A_407, %squeeze3A_409 : i32
      %slice3A_411 = vector.extract_strided_slice %scan3A_365 {offsets = [15], sizes = [1], strides = [1]} : vector<16xi32> to vector<1xi32>
      %squeeze3A_412 = vector.extract %slice3A_411[0] : i32 from vector<1xi32>
      %add3A_413 = arith.addi %add3A_410, %squeeze3A_412 : i32
      %gt3A_414 = arith.constant 0 : i32
      %gt3A_415 = arith.cmpi sgt, %add3A_413, %gt3A_414 : i32
      %convert_element_type3A_416 = arith.extui %gt3A_415 : i1 to i32
      %cond3A_417 = arith.constant 0 : i32
      %cond3A_418 = arith.cmpi ne, %convert_element_type3A_416, %cond3A_417 : i32
      scf.if %cond3A_418 {
        %broadcast_in_dim3A_688 = arith.constant 0.000000e+00 : f32
        %broadcast_in_dim3A_689 = vector.broadcast %broadcast_in_dim3A_688 : f32 to vector<16xf32>
        %scan3A_690 = arith.constant 0 : i32
        %scan3A_691 = arith.constant 0 : i32
        %scan3A_692 = arith.constant 16 : i32
        %scan3A_693 = arith.addi %scan3A_691, %scan3A_692 : i32
        %scan3A_694 = arith.constant 1 : i32
        scf.for %scan3A_696 = %scan3A_691 to %scan3A_693 step %scan3A_694  : i32 {
          %mul3A_697 = arith.constant 2 : i32
          %mul3A_698 = arith.muli %add3A_322, %mul3A_697 : i32
          %jit3A = arith.constant 8 : i32
          %div3A = arith.divsi %scan3A_696, %jit3A : i32
          %sign3A = arith.constant 0 : i32
          %sign3A_699 = arith.cmpi sgt, %scan3A_696, %sign3A : i32
          %sign3A_700 = arith.extui %sign3A_699 : i1 to i32
          %sign3A_701 = arith.constant 0 : i32
          %sign3A_702 = arith.cmpi slt, %scan3A_696, %sign3A_701 : i32
          %sign3A_703 = arith.extui %sign3A_702 : i1 to i32
          %sign3A_704 = arith.subi %sign3A_700, %sign3A_703 : i32
          %sign3A_705 = arith.constant 0 : i32
          %sign3A_706 = arith.cmpi sgt, %jit3A, %sign3A_705 : i32
          %sign3A_707 = arith.extui %sign3A_706 : i1 to i32
          %sign3A_708 = arith.constant 0 : i32
          %sign3A_709 = arith.cmpi slt, %jit3A, %sign3A_708 : i32
          %sign3A_710 = arith.extui %sign3A_709 : i1 to i32
          %sign3A_711 = arith.subi %sign3A_707, %sign3A_710 : i32
          %ne3A = arith.cmpi ne, %sign3A_704, %sign3A_711 : i32
          %rem3A = arith.remsi %scan3A_696, %jit3A : i32
          %ne3A_712 = arith.constant 0 : i32
          %ne3A_713 = arith.cmpi ne, %rem3A, %ne3A_712 : i32
          %and3A = arith.andi %ne3A, %ne3A_713 : i1
          %sub3A = arith.constant 1 : i32
          %sub3A_714 = arith.subi %div3A, %sub3A : i32
          %select_n3A = arith.select %and3A, %sub3A_714, %div3A : i32
          %add3A_715 = arith.addi %mul3A_698, %select_n3A : i32
          %jit3A_716 = arith.constant 8 : i32
          %eq3A = arith.constant 0 : i32
          %eq3A_717 = arith.cmpi eq, %jit3A_716, %eq3A : i32
          %jit3A_718 = arith.constant 1 : i32
          %select_n3A_719 = arith.select %eq3A_717, %jit3A_718, %jit3A_716 : i32
          %rem3A_720 = arith.remsi %scan3A_696, %select_n3A_719 : i32
          %ne3A_721 = arith.constant 0 : i32
          %ne3A_722 = arith.cmpi ne, %rem3A_720, %ne3A_721 : i32
          %lt3A_723 = arith.constant 0 : i32
          %lt3A_724 = arith.cmpi slt, %rem3A_720, %lt3A_723 : i32
          %lt3A_725 = arith.constant 0 : i32
          %lt3A_726 = arith.cmpi slt, %select_n3A_719, %lt3A_725 : i32
          %ne3A_727 = arith.xori %lt3A_724, %lt3A_726 : i1
          %and3A_728 = arith.andi %ne3A_727, %ne3A_722 : i1
          %add3A_729 = arith.addi %rem3A_720, %select_n3A_719 : i32
          %select_n3A_730 = arith.select %and3A_728, %add3A_729, %rem3A_720 : i32
          %mul3A_731 = arith.constant 16 : i32
          %mul3A_732 = arith.muli %select_n3A_730, %mul3A_731 : i32
          %get3A = arith.index_cast %add3A_715 : i32 to index
          %get3A_733 = arith.index_cast %mul3A_732 : i32 to index
          %get3A_734 = tpu.vector_load %arg5[%get3A, %get3A_733] {strides = array<i32>} : memref<200x128xi32, #tpu.memory_space<vmem>>, vector<1x16xi32>,
          %get3A_735 = vector.shape_cast %get3A_734 : vector<1x16xi32> to vector<16xi32>
          %slice3A_736 = vector.extract_strided_slice %get3A_735 {offsets = [0], sizes = [1], strides = [1]} : vector<16xi32> to vector<1xi32>
          %squeeze3A_737 = vector.extract %slice3A_736[0] : i32 from vector<1xi32>
          %eq3A_738 = arith.constant 0 : i32
          %eq3A_739 = arith.cmpi eq, %squeeze3A_737, %eq3A_738 : i32
          %convert_element_type3A_740 = arith.extui %eq3A_739 : i1 to i32
          %cond3A_741 = arith.constant 0 : i32
          %cond3A_742 = arith.cmpi ne, %convert_element_type3A_740, %cond3A_741 : i32
          scf.if %cond3A_742 {
            %mul3A_848 = arith.constant 16 : i32
            %mul3A_849 = arith.muli %scan3A_696, %mul3A_848 : i32
            %add3A_850 = arith.constant 0 : i32
            %add3A_851 = arith.addi %mul3A_849, %add3A_850 : i32
            %swap3A = arith.constant 1 : i32
            %swap3A_852 = arith.index_cast %swap3A : i32 to index
            %swap3A_853 = arith.index_cast %add3A_851 : i32 to index
            %swap3A_854 = arith.constant 0 : index
            %swap3A_855 = tpu.vector_load %arg6[%swap3A_852, %swap3A_853, %swap3A_854] {strides = array<i32>} : memref<4x256x64xf32, #tpu.memory_space<vmem>>, vector<1x1x16xf32>,
            %swap3A_856 = vector.shape_cast %swap3A_855 : vector<1x1x16xf32> to vector<16xf32>
            %swap3A_857 = vector.shape_cast %broadcast_in_dim3A_689 : vector<16xf32> to vector<1x1x16xf32>
            tpu.vector_store %arg6[%swap3A_852, %swap3A_853, %swap3A_854], %swap3A_857 {strides = array<i32>} : memref<4x256x64xf32, #tpu.memory_space<vmem>>, vector<1x1x16xf32>,
            %swap3A_858 = arith.constant 1 : i32
            %swap3A_859 = arith.index_cast %swap3A_858 : i32 to index
            %swap3A_860 = arith.index_cast %add3A_851 : i32 to index
            %swap3A_861 = arith.constant 16 : index
            %swap3A_862 = tpu.vector_load %arg6[%swap3A_859, %swap3A_860, %swap3A_861] {strides = array<i32>} : memref<4x256x64xf32, #tpu.memory_space<vmem>>, vector<1x1x16xf32>,
            %swap3A_863 = vector.shape_cast %swap3A_862 : vector<1x1x16xf32> to vector<16xf32>
            %swap3A_864 = vector.shape_cast %broadcast_in_dim3A_689 : vector<16xf32> to vector<1x1x16xf32>
            tpu.vector_store %arg6[%swap3A_859, %swap3A_860, %swap3A_861], %swap3A_864 {strides = array<i32>} : memref<4x256x64xf32, #tpu.memory_space<vmem>>, vector<1x1x16xf32>,
            %swap3A_865 = arith.constant 1 : i32
            %swap3A_866 = arith.index_cast %swap3A_865 : i32 to index
            %swap3A_867 = arith.index_cast %add3A_851 : i32 to index
            %swap3A_868 = arith.constant 32 : index
            %swap3A_869 = tpu.vector_load %arg6[%swap3A_866, %swap3A_867, %swap3A_868] {strides = array<i32>} : memref<4x256x64xf32, #tpu.memory_space<vmem>>, vector<1x1x16xf32>,
            %swap3A_870 = vector.shape_cast %swap3A_869 : vector<1x1x16xf32> to vector<16xf32>
            %swap3A_871 = vector.shape_cast %broadcast_in_dim3A_689 : vector<16xf32> to vector<1x1x16xf32>
            tpu.vector_store %arg6[%swap3A_866, %swap3A_867, %swap3A_868], %swap3A_871 {strides = array<i32>} : memref<4x256x64xf32, #tpu.memory_space<vmem>>, vector<1x1x16xf32>,
            %swap3A_872 = arith.constant 1 : i32
            %swap3A_873 = arith.index_cast %swap3A_872 : i32 to index
            %swap3A_874 = arith.index_cast %add3A_851 : i32 to index
            %swap3A_875 = arith.constant 48 : index
            %swap3A_876 = tpu.vector_load %arg6[%swap3A_873, %swap3A_874, %swap3A_875] {strides = array<i32>} : memref<4x256x64xf32, #tpu.memory_space<vmem>>, vector<1x1x16xf32>,
            %swap3A_877 = vector.shape_cast %swap3A_876 : vector<1x1x16xf32> to vector<16xf32>
            %swap3A_878 = vector.shape_cast %broadcast_in_dim3A_689 : vector<16xf32> to vector<1x1x16xf32>
            tpu.vector_store %arg6[%swap3A_873, %swap3A_874, %swap3A_875], %swap3A_878 {strides = array<i32>} : memref<4x256x64xf32, #tpu.memory_space<vmem>>, vector<1x1x16xf32>,
          } else {
          }
          %slice3A_743 = vector.extract_strided_slice %get3A_735 {offsets = [1], sizes = [1], strides = [1]} : vector<16xi32> to vector<1xi32>
          %squeeze3A_744 = vector.extract %slice3A_743[0] : i32 from vector<1xi32>
          %eq3A_745 = arith.constant 0 : i32
          %eq3A_746 = arith.cmpi eq, %squeeze3A_744, %eq3A_745 : i32
          %convert_element_type3A_747 = arith.extui %eq3A_746 : i1 to i32
          %cond3A_748 = arith.constant 0 : i32
          %cond3A_749 = arith.cmpi ne, %convert_element_type3A_747, %cond3A_748 : i32
          scf.if %cond3A_749 {
            %mul3A_848 = arith.constant 16 : i32
            %mul3A_849 = arith.muli %scan3A_696, %mul3A_848 : i32
            %add3A_850 = arith.constant 1 : i32
            %add3A_851 = arith.addi %mul3A_849, %add3A_850 : i32
            %swap3A = arith.constant 1 : i32
            %swap3A_852 = arith.index_cast %swap3A : i32 to index
            %swap3A_853 = arith.index_cast %add3A_851 : i32 to index
            %swap3A_854 = arith.constant 0 : index
            %swap3A_855 = tpu.vector_load %arg6[%swap3A_852, %swap3A_853, %swap3A_854] {strides = array<i32>} : memref<4x256x64xf32, #tpu.memory_space<vmem>>, vector<1x1x16xf32>,
            %swap3A_856 = vector.shape_cast %swap3A_855 : vector<1x1x16xf32> to vector<16xf32>
            %swap3A_857 = vector.shape_cast %broadcast_in_dim3A_689 : vector<16xf32> to vector<1x1x16xf32>
            tpu.vector_store %arg6[%swap3A_852, %swap3A_853, %swap3A_854], %swap3A_857 {strides = array<i32>} : memref<4x256x64xf32, #tpu.memory_space<vmem>>, vector<1x1x16xf32>,
            %swap3A_858 = arith.constant 1 : i32
            %swap3A_859 = arith.index_cast %swap3A_858 : i32 to index
            %swap3A_860 = arith.index_cast %add3A_851 : i32 to index
            %swap3A_861 = arith.constant 16 : index
            %swap3A_862 = tpu.vector_load %arg6[%swap3A_859, %swap3A_860, %swap3A_861] {strides = array<i32>} : memref<4x256x64xf32, #tpu.memory_space<vmem>>, vector<1x1x16xf32>,
            %swap3A_863 = vector.shape_cast %swap3A_862 : vector<1x1x16xf32> to vector<16xf32>
            %swap3A_864 = vector.shape_cast %broadcast_in_dim3A_689 : vector<16xf32> to vector<1x1x16xf32>
            tpu.vector_store %arg6[%swap3A_859, %swap3A_860, %swap3A_861], %swap3A_864 {strides = array<i32>} : memref<4x256x64xf32, #tpu.memory_space<vmem>>, vector<1x1x16xf32>,
            %swap3A_865 = arith.constant 1 : i32
            %swap3A_866 = arith.index_cast %swap3A_865 : i32 to index
            %swap3A_867 = arith.index_cast %add3A_851 : i32 to index
            %swap3A_868 = arith.constant 32 : index
            %swap3A_869 = tpu.vector_load %arg6[%swap3A_866, %swap3A_867, %swap3A_868] {strides = array<i32>} : memref<4x256x64xf32, #tpu.memory_space<vmem>>, vector<1x1x16xf32>,
            %swap3A_870 = vector.shape_cast %swap3A_869 : vector<1x1x16xf32> to vector<16xf32>
            %swap3A_871 = vector.shape_cast %broadcast_in_dim3A_689 : vector<16xf32> to vector<1x1x16xf32>
            tpu.vector_store %arg6[%swap3A_866, %swap3A_867, %swap3A_868], %swap3A_871 {strides = array<i32>} : memref<4x256x64xf32, #tpu.memory_space<vmem>>, vector<1x1x16xf32>,
            %swap3A_872 = arith.constant 1 : i32
            %swap3A_873 = arith.index_cast %swap3A_872 : i32 to index
            %swap3A_874 = arith.index_cast %add3A_851 : i32 to index
            %swap3A_875 = arith.constant 48 : index
            %swap3A_876 = tpu.vector_load %arg6[%swap3A_873, %swap3A_874, %swap3A_875] {strides = array<i32>} : memref<4x256x64xf32, #tpu.memory_space<vmem>>, vector<1x1x16xf32>,
            %swap3A_877 = vector.shape_cast %swap3A_876 : vector<1x1x16xf32> to vector<16xf32>
            %swap3A_878 = vector.shape_cast %broadcast_in_dim3A_689 : vector<16xf32> to vector<1x1x16xf32>
            tpu.vector_store %arg6[%swap3A_873, %swap3A_874, %swap3A_875], %swap3A_878 {strides = array<i32>} : memref<4x256x64xf32, #tpu.memory_space<vmem>>, vector<1x1x16xf32>,
          } else {
          }
          %slice3A_750 = vector.extract_strided_slice %get3A_735 {offsets = [2], sizes = [1], strides = [1]} : vector<16xi32> to vector<1xi32>
          %squeeze3A_751 = vector.extract %slice3A_750[0] : i32 from vector<1xi32>
          %eq3A_752 = arith.constant 0 : i32
          %eq3A_753 = arith.cmpi eq, %squeeze3A_751, %eq3A_752 : i32
          %convert_element_type3A_754 = arith.extui %eq3A_753 : i1 to i32
          %cond3A_755 = arith.constant 0 : i32
          %cond3A_756 = arith.cmpi ne, %convert_element_type3A_754, %cond3A_755 : i32
          scf.if %cond3A_756 {
            %mul3A_848 = arith.constant 16 : i32
            %mul3A_849 = arith.muli %scan3A_696, %mul3A_848 : i32
            %add3A_850 = arith.constant 2 : i32
            %add3A_851 = arith.addi %mul3A_849, %add3A_850 : i32
            %swap3A = arith.constant 1 : i32
            %swap3A_852 = arith.index_cast %swap3A : i32 to index
            %swap3A_853 = arith.index_cast %add3A_851 : i32 to index
            %swap3A_854 = arith.constant 0 : index
            %swap3A_855 = tpu.vector_load %arg6[%swap3A_852, %swap3A_853, %swap3A_854] {strides = array<i32>} : memref<4x256x64xf32, #tpu.memory_space<vmem>>, vector<1x1x16xf32>,
            %swap3A_856 = vector.shape_cast %swap3A_855 : vector<1x1x16xf32> to vector<16xf32>
            %swap3A_857 = vector.shape_cast %broadcast_in_dim3A_689 : vector<16xf32> to vector<1x1x16xf32>
            tpu.vector_store %arg6[%swap3A_852, %swap3A_853, %swap3A_854], %swap3A_857 {strides = array<i32>} : memref<4x256x64xf32, #tpu.memory_space<vmem>>, vector<1x1x16xf32>,
            %swap3A_858 = arith.constant 1 : i32
            %swap3A_859 = arith.index_cast %swap3A_858 : i32 to index
            %swap3A_860 = arith.index_cast %add3A_851 : i32 to index
            %swap3A_861 = arith.constant 16 : index
            %swap3A_862 = tpu.vector_load %arg6[%swap3A_859, %swap3A_860, %swap3A_861] {strides = array<i32>} : memref<4x256x64xf32, #tpu.memory_space<vmem>>, vector<1x1x16xf32>,
            %swap3A_863 = vector.shape_cast %swap3A_862 : vector<1x1x16xf32> to vector<16xf32>
            %swap3A_864 = vector.shape_cast %broadcast_in_dim3A_689 : vector<16xf32> to vector<1x1x16xf32>
            tpu.vector_store %arg6[%swap3A_859, %swap3A_860, %swap3A_861], %swap3A_864 {strides = array<i32>} : memref<4x256x64xf32, #tpu.memory_space<vmem>>, vector<1x1x16xf32>,
            %swap3A_865 = arith.constant 1 : i32
            %swap3A_866 = arith.index_cast %swap3A_865 : i32 to index
            %swap3A_867 = arith.index_cast %add3A_851 : i32 to index
            %swap3A_868 = arith.constant 32 : index
            %swap3A_869 = tpu.vector_load %arg6[%swap3A_866, %swap3A_867, %swap3A_868] {strides = array<i32>} : memref<4x256x64xf32, #tpu.memory_space<vmem>>, vector<1x1x16xf32>,
            %swap3A_870 = vector.shape_cast %swap3A_869 : vector<1x1x16xf32> to vector<16xf32>
            %swap3A_871 = vector.shape_cast %broadcast_in_dim3A_689 : vector<16xf32> to vector<1x1x16xf32>
            tpu.vector_store %arg6[%swap3A_866, %swap3A_867, %swap3A_868], %swap3A_871 {strides = array<i32>} : memref<4x256x64xf32, #tpu.memory_space<vmem>>, vector<1x1x16xf32>,
            %swap3A_872 = arith.constant 1 : i32
            %swap3A_873 = arith.index_cast %swap3A_872 : i32 to index
            %swap3A_874 = arith.index_cast %add3A_851 : i32 to index
            %swap3A_875 = arith.constant 48 : index
            %swap3A_876 = tpu.vector_load %arg6[%swap3A_873, %swap3A_874, %swap3A_875] {strides = array<i32>} : memref<4x256x64xf32, #tpu.memory_space<vmem>>, vector<1x1x16xf32>,
            %swap3A_877 = vector.shape_cast %swap3A_876 : vector<1x1x16xf32> to vector<16xf32>
            %swap3A_878 = vector.shape_cast %broadcast_in_dim3A_689 : vector<16xf32> to vector<1x1x16xf32>
            tpu.vector_store %arg6[%swap3A_873, %swap3A_874, %swap3A_875], %swap3A_878 {strides = array<i32>} : memref<4x256x64xf32, #tpu.memory_space<vmem>>, vector<1x1x16xf32>,
          } else {
          }
          %slice3A_757 = vector.extract_strided_slice %get3A_735 {offsets = [3], sizes = [1], strides = [1]} : vector<16xi32> to vector<1xi32>
          %squeeze3A_758 = vector.extract %slice3A_757[0] : i32 from vector<1xi32>
          %eq3A_759 = arith.constant 0 : i32
          %eq3A_760 = arith.cmpi eq, %squeeze3A_758, %eq3A_759 : i32
          %convert_element_type3A_761 = arith.extui %eq3A_760 : i1 to i32
          %cond3A_762 = arith.constant 0 : i32
          %cond3A_763 = arith.cmpi ne, %convert_element_type3A_761, %cond3A_762 : i32
          scf.if %cond3A_763 {
            %mul3A_848 = arith.constant 16 : i32
            %mul3A_849 = arith.muli %scan3A_696, %mul3A_848 : i32
            %add3A_850 = arith.constant 3 : i32
            %add3A_851 = arith.addi %mul3A_849, %add3A_850 : i32
            %swap3A = arith.constant 1 : i32
            %swap3A_852 = arith.index_cast %swap3A : i32 to index
            %swap3A_853 = arith.index_cast %add3A_851 : i32 to index
            %swap3A_854 = arith.constant 0 : index
            %swap3A_855 = tpu.vector_load %arg6[%swap3A_852, %swap3A_853, %swap3A_854] {strides = array<i32>} : memref<4x256x64xf32, #tpu.memory_space<vmem>>, vector<1x1x16xf32>,
            %swap3A_856 = vector.shape_cast %swap3A_855 : vector<1x1x16xf32> to vector<16xf32>
            %swap3A_857 = vector.shape_cast %broadcast_in_dim3A_689 : vector<16xf32> to vector<1x1x16xf32>
            tpu.vector_store %arg6[%swap3A_852, %swap3A_853, %swap3A_854], %swap3A_857 {strides = array<i32>} : memref<4x256x64xf32, #tpu.memory_space<vmem>>, vector<1x1x16xf32>,
            %swap3A_858 = arith.constant 1 : i32
            %swap3A_859 = arith.index_cast %swap3A_858 : i32 to index
            %swap3A_860 = arith.index_cast %add3A_851 : i32 to index
            %swap3A_861 = arith.constant 16 : index
            %swap3A_862 = tpu.vector_load %arg6[%swap3A_859, %swap3A_860, %swap3A_861] {strides = array<i32>} : memref<4x256x64xf32, #tpu.memory_space<vmem>>, vector<1x1x16xf32>,
            %swap3A_863 = vector.shape_cast %swap3A_862 : vector<1x1x16xf32> to vector<16xf32>
            %swap3A_864 = vector.shape_cast %broadcast_in_dim3A_689 : vector<16xf32> to vector<1x1x16xf32>
            tpu.vector_store %arg6[%swap3A_859, %swap3A_860, %swap3A_861], %swap3A_864 {strides = array<i32>} : memref<4x256x64xf32, #tpu.memory_space<vmem>>, vector<1x1x16xf32>,
            %swap3A_865 = arith.constant 1 : i32
            %swap3A_866 = arith.index_cast %swap3A_865 : i32 to index
            %swap3A_867 = arith.index_cast %add3A_851 : i32 to index
            %swap3A_868 = arith.constant 32 : index
            %swap3A_869 = tpu.vector_load %arg6[%swap3A_866, %swap3A_867, %swap3A_868] {strides = array<i32>} : memref<4x256x64xf32, #tpu.memory_space<vmem>>, vector<1x1x16xf32>,
            %swap3A_870 = vector.shape_cast %swap3A_869 : vector<1x1x16xf32> to vector<16xf32>
            %swap3A_871 = vector.shape_cast %broadcast_in_dim3A_689 : vector<16xf32> to vector<1x1x16xf32>
            tpu.vector_store %arg6[%swap3A_866, %swap3A_867, %swap3A_868], %swap3A_871 {strides = array<i32>} : memref<4x256x64xf32, #tpu.memory_space<vmem>>, vector<1x1x16xf32>,
            %swap3A_872 = arith.constant 1 : i32
            %swap3A_873 = arith.index_cast %swap3A_872 : i32 to index
            %swap3A_874 = arith.index_cast %add3A_851 : i32 to index
            %swap3A_875 = arith.constant 48 : index
            %swap3A_876 = tpu.vector_load %arg6[%swap3A_873, %swap3A_874, %swap3A_875] {strides = array<i32>} : memref<4x256x64xf32, #tpu.memory_space<vmem>>, vector<1x1x16xf32>,
            %swap3A_877 = vector.shape_cast %swap3A_876 : vector<1x1x16xf32> to vector<16xf32>
            %swap3A_878 = vector.shape_cast %broadcast_in_dim3A_689 : vector<16xf32> to vector<1x1x16xf32>
            tpu.vector_store %arg6[%swap3A_873, %swap3A_874, %swap3A_875], %swap3A_878 {strides = array<i32>} : memref<4x256x64xf32, #tpu.memory_space<vmem>>, vector<1x1x16xf32>,
          } else {
          }
          %slice3A_764 = vector.extract_strided_slice %get3A_735 {offsets = [4], sizes = [1], strides = [1]} : vector<16xi32> to vector<1xi32>
          %squeeze3A_765 = vector.extract %slice3A_764[0] : i32 from vector<1xi32>
          %eq3A_766 = arith.constant 0 : i32
          %eq3A_767 = arith.cmpi eq, %squeeze3A_765, %eq3A_766 : i32
          %convert_element_type3A_768 = arith.extui %eq3A_767 : i1 to i32
          %cond3A_769 = arith.constant 0 : i32
          %cond3A_770 = arith.cmpi ne, %convert_element_type3A_768, %cond3A_769 : i32
          scf.if %cond3A_770 {
            %mul3A_848 = arith.constant 16 : i32
            %mul3A_849 = arith.muli %scan3A_696, %mul3A_848 : i32
            %add3A_850 = arith.constant 4 : i32
            %add3A_851 = arith.addi %mul3A_849, %add3A_850 : i32
            %swap3A = arith.constant 1 : i32
            %swap3A_852 = arith.index_cast %swap3A : i32 to index
            %swap3A_853 = arith.index_cast %add3A_851 : i32 to index
            %swap3A_854 = arith.constant 0 : index
            %swap3A_855 = tpu.vector_load %arg6[%swap3A_852, %swap3A_853, %swap3A_854] {strides = array<i32>} : memref<4x256x64xf32, #tpu.memory_space<vmem>>, vector<1x1x16xf32>,
            %swap3A_856 = vector.shape_cast %swap3A_855 : vector<1x1x16xf32> to vector<16xf32>
            %swap3A_857 = vector.shape_cast %broadcast_in_dim3A_689 : vector<16xf32> to vector<1x1x16xf32>
            tpu.vector_store %arg6[%swap3A_852, %swap3A_853, %swap3A_854], %swap3A_857 {strides = array<i32>} : memref<4x256x64xf32, #tpu.memory_space<vmem>>, vector<1x1x16xf32>,
            %swap3A_858 = arith.constant 1 : i32
            %swap3A_859 = arith.index_cast %swap3A_858 : i32 to index
            %swap3A_860 = arith.index_cast %add3A_851 : i32 to index
            %swap3A_861 = arith.constant 16 : index
            %swap3A_862 = tpu.vector_load %arg6[%swap3A_859, %swap3A_860, %swap3A_861] {strides = array<i32>} : memref<4x256x64xf32, #tpu.memory_space<vmem>>, vector<1x1x16xf32>,
            %swap3A_863 = vector.shape_cast %swap3A_862 : vector<1x1x16xf32> to vector<16xf32>
            %swap3A_864 = vector.shape_cast %broadcast_in_dim3A_689 : vector<16xf32> to vector<1x1x16xf32>
            tpu.vector_store %arg6[%swap3A_859, %swap3A_860, %swap3A_861], %swap3A_864 {strides = array<i32>} : memref<4x256x64xf32, #tpu.memory_space<vmem>>, vector<1x1x16xf32>,
            %swap3A_865 = arith.constant 1 : i32
            %swap3A_866 = arith.index_cast %swap3A_865 : i32 to index
            %swap3A_867 = arith.index_cast %add3A_851 : i32 to index
            %swap3A_868 = arith.constant 32 : index
            %swap3A_869 = tpu.vector_load %arg6[%swap3A_866, %swap3A_867, %swap3A_868] {strides = array<i32>} : memref<4x256x64xf32, #tpu.memory_space<vmem>>, vector<1x1x16xf32>,
            %swap3A_870 = vector.shape_cast %swap3A_869 : vector<1x1x16xf32> to vector<16xf32>
            %swap3A_871 = vector.shape_cast %broadcast_in_dim3A_689 : vector<16xf32> to vector<1x1x16xf32>
            tpu.vector_store %arg6[%swap3A_866, %swap3A_867, %swap3A_868], %swap3A_871 {strides = array<i32>} : memref<4x256x64xf32, #tpu.memory_space<vmem>>, vector<1x1x16xf32>,
            %swap3A_872 = arith.constant 1 : i32
            %swap3A_873 = arith.index_cast %swap3A_872 : i32 to index
            %swap3A_874 = arith.index_cast %add3A_851 : i32 to index
            %swap3A_875 = arith.constant 48 : index
            %swap3A_876 = tpu.vector_load %arg6[%swap3A_873, %swap3A_874, %swap3A_875] {strides = array<i32>} : memref<4x256x64xf32, #tpu.memory_space<vmem>>, vector<1x1x16xf32>,
            %swap3A_877 = vector.shape_cast %swap3A_876 : vector<1x1x16xf32> to vector<16xf32>
            %swap3A_878 = vector.shape_cast %broadcast_in_dim3A_689 : vector<16xf32> to vector<1x1x16xf32>
            tpu.vector_store %arg6[%swap3A_873, %swap3A_874, %swap3A_875], %swap3A_878 {strides = array<i32>} : memref<4x256x64xf32, #tpu.memory_space<vmem>>, vector<1x1x16xf32>,
          } else {
          }
          %slice3A_771 = vector.extract_strided_slice %get3A_735 {offsets = [5], sizes = [1], strides = [1]} : vector<16xi32> to vector<1xi32>
          %squeeze3A_772 = vector.extract %slice3A_771[0] : i32 from vector<1xi32>
          %eq3A_773 = arith.constant 0 : i32
          %eq3A_774 = arith.cmpi eq, %squeeze3A_772, %eq3A_773 : i32
          %convert_element_type3A_775 = arith.extui %eq3A_774 : i1 to i32
          %cond3A_776 = arith.constant 0 : i32
          %cond3A_777 = arith.cmpi ne, %convert_element_type3A_775, %cond3A_776 : i32
          scf.if %cond3A_777 {
            %mul3A_848 = arith.constant 16 : i32
            %mul3A_849 = arith.muli %scan3A_696, %mul3A_848 : i32
            %add3A_850 = arith.constant 5 : i32
            %add3A_851 = arith.addi %mul3A_849, %add3A_850 : i32
            %swap3A = arith.constant 1 : i32
            %swap3A_852 = arith.index_cast %swap3A : i32 to index
            %swap3A_853 = arith.index_cast %add3A_851 : i32 to index
            %swap3A_854 = arith.constant 0 : index
            %swap3A_855 = tpu.vector_load %arg6[%swap3A_852, %swap3A_853, %swap3A_854] {strides = array<i32>} : memref<4x256x64xf32, #tpu.memory_space<vmem>>, vector<1x1x16xf32>,
            %swap3A_856 = vector.shape_cast %swap3A_855 : vector<1x1x16xf32> to vector<16xf32>
            %swap3A_857 = vector.shape_cast %broadcast_in_dim3A_689 : vector<16xf32> to vector<1x1x16xf32>
            tpu.vector_store %arg6[%swap3A_852, %swap3A_853, %swap3A_854], %swap3A_857 {strides = array<i32>} : memref<4x256x64xf32, #tpu.memory_space<vmem>>, vector<1x1x16xf32>,
            %swap3A_858 = arith.constant 1 : i32
            %swap3A_859 = arith.index_cast %swap3A_858 : i32 to index
            %swap3A_860 = arith.index_cast %add3A_851 : i32 to index
            %swap3A_861 = arith.constant 16 : index
            %swap3A_862 = tpu.vector_load %arg6[%swap3A_859, %swap3A_860, %swap3A_861] {strides = array<i32>} : memref<4x256x64xf32, #tpu.memory_space<vmem>>, vector<1x1x16xf32>,
            %swap3A_863 = vector.shape_cast %swap3A_862 : vector<1x1x16xf32> to vector<16xf32>
            %swap3A_864 = vector.shape_cast %broadcast_in_dim3A_689 : vector<16xf32> to vector<1x1x16xf32>
            tpu.vector_store %arg6[%swap3A_859, %swap3A_860, %swap3A_861], %swap3A_864 {strides = array<i32>} : memref<4x256x64xf32, #tpu.memory_space<vmem>>, vector<1x1x16xf32>,
            %swap3A_865 = arith.constant 1 : i32
            %swap3A_866 = arith.index_cast %swap3A_865 : i32 to index
            %swap3A_867 = arith.index_cast %add3A_851 : i32 to index
            %swap3A_868 = arith.constant 32 : index
            %swap3A_869 = tpu.vector_load %arg6[%swap3A_866, %swap3A_867, %swap3A_868] {strides = array<i32>} : memref<4x256x64xf32, #tpu.memory_space<vmem>>, vector<1x1x16xf32>,
            %swap3A_870 = vector.shape_cast %swap3A_869 : vector<1x1x16xf32> to vector<16xf32>
            %swap3A_871 = vector.shape_cast %broadcast_in_dim3A_689 : vector<16xf32> to vector<1x1x16xf32>
            tpu.vector_store %arg6[%swap3A_866, %swap3A_867, %swap3A_868], %swap3A_871 {strides = array<i32>} : memref<4x256x64xf32, #tpu.memory_space<vmem>>, vector<1x1x16xf32>,
            %swap3A_872 = arith.constant 1 : i32
            %swap3A_873 = arith.index_cast %swap3A_872 : i32 to index
            %swap3A_874 = arith.index_cast %add3A_851 : i32 to index
            %swap3A_875 = arith.constant 48 : index
            %swap3A_876 = tpu.vector_load %arg6[%swap3A_873, %swap3A_874, %swap3A_875] {strides = array<i32>} : memref<4x256x64xf32, #tpu.memory_space<vmem>>, vector<1x1x16xf32>,
            %swap3A_877 = vector.shape_cast %swap3A_876 : vector<1x1x16xf32> to vector<16xf32>
            %swap3A_878 = vector.shape_cast %broadcast_in_dim3A_689 : vector<16xf32> to vector<1x1x16xf32>
            tpu.vector_store %arg6[%swap3A_873, %swap3A_874, %swap3A_875], %swap3A_878 {strides = array<i32>} : memref<4x256x64xf32, #tpu.memory_space<vmem>>, vector<1x1x16xf32>,
          } else {
          }
          %slice3A_778 = vector.extract_strided_slice %get3A_735 {offsets = [6], sizes = [1], strides = [1]} : vector<16xi32> to vector<1xi32>
          %squeeze3A_779 = vector.extract %slice3A_778[0] : i32 from vector<1xi32>
          %eq3A_780 = arith.constant 0 : i32
          %eq3A_781 = arith.cmpi eq, %squeeze3A_779, %eq3A_780 : i32
          %convert_element_type3A_782 = arith.extui %eq3A_781 : i1 to i32
          %cond3A_783 = arith.constant 0 : i32
          %cond3A_784 = arith.cmpi ne, %convert_element_type3A_782, %cond3A_783 : i32
          scf.if %cond3A_784 {
            %mul3A_848 = arith.constant 16 : i32
            %mul3A_849 = arith.muli %scan3A_696, %mul3A_848 : i32
            %add3A_850 = arith.constant 6 : i32
            %add3A_851 = arith.addi %mul3A_849, %add3A_850 : i32
            %swap3A = arith.constant 1 : i32
            %swap3A_852 = arith.index_cast %swap3A : i32 to index
            %swap3A_853 = arith.index_cast %add3A_851 : i32 to index
            %swap3A_854 = arith.constant 0 : index
            %swap3A_855 = tpu.vector_load %arg6[%swap3A_852, %swap3A_853, %swap3A_854] {strides = array<i32>} : memref<4x256x64xf32, #tpu.memory_space<vmem>>, vector<1x1x16xf32>,
            %swap3A_856 = vector.shape_cast %swap3A_855 : vector<1x1x16xf32> to vector<16xf32>
            %swap3A_857 = vector.shape_cast %broadcast_in_dim3A_689 : vector<16xf32> to vector<1x1x16xf32>
            tpu.vector_store %arg6[%swap3A_852, %swap3A_853, %swap3A_854], %swap3A_857 {strides = array<i32>} : memref<4x256x64xf32, #tpu.memory_space<vmem>>, vector<1x1x16xf32>,
            %swap3A_858 = arith.constant 1 : i32
            %swap3A_859 = arith.index_cast %swap3A_858 : i32 to index
            %swap3A_860 = arith.index_cast %add3A_851 : i32 to index
            %swap3A_861 = arith.constant 16 : index
            %swap3A_862 = tpu.vector_load %arg6[%swap3A_859, %swap3A_860, %swap3A_861] {strides = array<i32>} : memref<4x256x64xf32, #tpu.memory_space<vmem>>, vector<1x1x16xf32>,
            %swap3A_863 = vector.shape_cast %swap3A_862 : vector<1x1x16xf32> to vector<16xf32>
            %swap3A_864 = vector.shape_cast %broadcast_in_dim3A_689 : vector<16xf32> to vector<1x1x16xf32>
            tpu.vector_store %arg6[%swap3A_859, %swap3A_860, %swap3A_861], %swap3A_864 {strides = array<i32>} : memref<4x256x64xf32, #tpu.memory_space<vmem>>, vector<1x1x16xf32>,
            %swap3A_865 = arith.constant 1 : i32
            %swap3A_866 = arith.index_cast %swap3A_865 : i32 to index
            %swap3A_867 = arith.index_cast %add3A_851 : i32 to index
            %swap3A_868 = arith.constant 32 : index
            %swap3A_869 = tpu.vector_load %arg6[%swap3A_866, %swap3A_867, %swap3A_868] {strides = array<i32>} : memref<4x256x64xf32, #tpu.memory_space<vmem>>, vector<1x1x16xf32>,
            %swap3A_870 = vector.shape_cast %swap3A_869 : vector<1x1x16xf32> to vector<16xf32>
            %swap3A_871 = vector.shape_cast %broadcast_in_dim3A_689 : vector<16xf32> to vector<1x1x16xf32>
            tpu.vector_store %arg6[%swap3A_866, %swap3A_867, %swap3A_868], %swap3A_871 {strides = array<i32>} : memref<4x256x64xf32, #tpu.memory_space<vmem>>, vector<1x1x16xf32>,
            %swap3A_872 = arith.constant 1 : i32
            %swap3A_873 = arith.index_cast %swap3A_872 : i32 to index
            %swap3A_874 = arith.index_cast %add3A_851 : i32 to index
            %swap3A_875 = arith.constant 48 : index
            %swap3A_876 = tpu.vector_load %arg6[%swap3A_873, %swap3A_874, %swap3A_875] {strides = array<i32>} : memref<4x256x64xf32, #tpu.memory_space<vmem>>, vector<1x1x16xf32>,
            %swap3A_877 = vector.shape_cast %swap3A_876 : vector<1x1x16xf32> to vector<16xf32>
            %swap3A_878 = vector.shape_cast %broadcast_in_dim3A_689 : vector<16xf32> to vector<1x1x16xf32>
            tpu.vector_store %arg6[%swap3A_873, %swap3A_874, %swap3A_875], %swap3A_878 {strides = array<i32>} : memref<4x256x64xf32, #tpu.memory_space<vmem>>, vector<1x1x16xf32>,
          } else {
          }
          %slice3A_785 = vector.extract_strided_slice %get3A_735 {offsets = [7], sizes = [1], strides = [1]} : vector<16xi32> to vector<1xi32>
          %squeeze3A_786 = vector.extract %slice3A_785[0] : i32 from vector<1xi32>
          %eq3A_787 = arith.constant 0 : i32
          %eq3A_788 = arith.cmpi eq, %squeeze3A_786, %eq3A_787 : i32
          %convert_element_type3A_789 = arith.extui %eq3A_788 : i1 to i32
          %cond3A_790 = arith.constant 0 : i32
          %cond3A_791 = arith.cmpi ne, %convert_element_type3A_789, %cond3A_790 : i32
          scf.if %cond3A_791 {
            %mul3A_848 = arith.constant 16 : i32
            %mul3A_849 = arith.muli %scan3A_696, %mul3A_848 : i32
            %add3A_850 = arith.constant 7 : i32
            %add3A_851 = arith.addi %mul3A_849, %add3A_850 : i32
            %swap3A = arith.constant 1 : i32
            %swap3A_852 = arith.index_cast %swap3A : i32 to index
            %swap3A_853 = arith.index_cast %add3A_851 : i32 to index
            %swap3A_854 = arith.constant 0 : index
            %swap3A_855 = tpu.vector_load %arg6[%swap3A_852, %swap3A_853, %swap3A_854] {strides = array<i32>} : memref<4x256x64xf32, #tpu.memory_space<vmem>>, vector<1x1x16xf32>,
            %swap3A_856 = vector.shape_cast %swap3A_855 : vector<1x1x16xf32> to vector<16xf32>
            %swap3A_857 = vector.shape_cast %broadcast_in_dim3A_689 : vector<16xf32> to vector<1x1x16xf32>
            tpu.vector_store %arg6[%swap3A_852, %swap3A_853, %swap3A_854], %swap3A_857 {strides = array<i32>} : memref<4x256x64xf32, #tpu.memory_space<vmem>>, vector<1x1x16xf32>,
            %swap3A_858 = arith.constant 1 : i32
            %swap3A_859 = arith.index_cast %swap3A_858 : i32 to index
            %swap3A_860 = arith.index_cast %add3A_851 : i32 to index
            %swap3A_861 = arith.constant 16 : index
            %swap3A_862 = tpu.vector_load %arg6[%swap3A_859, %swap3A_860, %swap3A_861] {strides = array<i32>} : memref<4x256x64xf32, #tpu.memory_space<vmem>>, vector<1x1x16xf32>,
            %swap3A_863 = vector.shape_cast %swap3A_862 : vector<1x1x16xf32> to vector<16xf32>
            %swap3A_864 = vector.shape_cast %broadcast_in_dim3A_689 : vector<16xf32> to vector<1x1x16xf32>
            tpu.vector_store %arg6[%swap3A_859, %swap3A_860, %swap3A_861], %swap3A_864 {strides = array<i32>} : memref<4x256x64xf32, #tpu.memory_space<vmem>>, vector<1x1x16xf32>,
            %swap3A_865 = arith.constant 1 : i32
            %swap3A_866 = arith.index_cast %swap3A_865 : i32 to index
            %swap3A_867 = arith.index_cast %add3A_851 : i32 to index
            %swap3A_868 = arith.constant 32 : index
            %swap3A_869 = tpu.vector_load %arg6[%swap3A_866, %swap3A_867, %swap3A_868] {strides = array<i32>} : memref<4x256x64xf32, #tpu.memory_space<vmem>>, vector<1x1x16xf32>,
            %swap3A_870 = vector.shape_cast %swap3A_869 : vector<1x1x16xf32> to vector<16xf32>
            %swap3A_871 = vector.shape_cast %broadcast_in_dim3A_689 : vector<16xf32> to vector<1x1x16xf32>
            tpu.vector_store %arg6[%swap3A_866, %swap3A_867, %swap3A_868], %swap3A_871 {strides = array<i32>} : memref<4x256x64xf32, #tpu.memory_space<vmem>>, vector<1x1x16xf32>,
            %swap3A_872 = arith.constant 1 : i32
            %swap3A_873 = arith.index_cast %swap3A_872 : i32 to index
            %swap3A_874 = arith.index_cast %add3A_851 : i32 to index
            %swap3A_875 = arith.constant 48 : index
            %swap3A_876 = tpu.vector_load %arg6[%swap3A_873, %swap3A_874, %swap3A_875] {strides = array<i32>} : memref<4x256x64xf32, #tpu.memory_space<vmem>>, vector<1x1x16xf32>,
            %swap3A_877 = vector.shape_cast %swap3A_876 : vector<1x1x16xf32> to vector<16xf32>
            %swap3A_878 = vector.shape_cast %broadcast_in_dim3A_689 : vector<16xf32> to vector<1x1x16xf32>
            tpu.vector_store %arg6[%swap3A_873, %swap3A_874, %swap3A_875], %swap3A_878 {strides = array<i32>} : memref<4x256x64xf32, #tpu.memory_space<vmem>>, vector<1x1x16xf32>,
          } else {
          }
          %slice3A_792 = vector.extract_strided_slice %get3A_735 {offsets = [8], sizes = [1], strides = [1]} : vector<16xi32> to vector<1xi32>
          %squeeze3A_793 = vector.extract %slice3A_792[0] : i32 from vector<1xi32>
          %eq3A_794 = arith.constant 0 : i32
          %eq3A_795 = arith.cmpi eq, %squeeze3A_793, %eq3A_794 : i32
          %convert_element_type3A_796 = arith.extui %eq3A_795 : i1 to i32
          %cond3A_797 = arith.constant 0 : i32
          %cond3A_798 = arith.cmpi ne, %convert_element_type3A_796, %cond3A_797 : i32
          scf.if %cond3A_798 {
            %mul3A_848 = arith.constant 16 : i32
            %mul3A_849 = arith.muli %scan3A_696, %mul3A_848 : i32
            %add3A_850 = arith.constant 8 : i32
            %add3A_851 = arith.addi %mul3A_849, %add3A_850 : i32
            %swap3A = arith.constant 1 : i32
            %swap3A_852 = arith.index_cast %swap3A : i32 to index
            %swap3A_853 = arith.index_cast %add3A_851 : i32 to index
            %swap3A_854 = arith.constant 0 : index
            %swap3A_855 = tpu.vector_load %arg6[%swap3A_852, %swap3A_853, %swap3A_854] {strides = array<i32>} : memref<4x256x64xf32, #tpu.memory_space<vmem>>, vector<1x1x16xf32>,
            %swap3A_856 = vector.shape_cast %swap3A_855 : vector<1x1x16xf32> to vector<16xf32>
            %swap3A_857 = vector.shape_cast %broadcast_in_dim3A_689 : vector<16xf32> to vector<1x1x16xf32>
            tpu.vector_store %arg6[%swap3A_852, %swap3A_853, %swap3A_854], %swap3A_857 {strides = array<i32>} : memref<4x256x64xf32, #tpu.memory_space<vmem>>, vector<1x1x16xf32>,
            %swap3A_858 = arith.constant 1 : i32
            %swap3A_859 = arith.index_cast %swap3A_858 : i32 to index
            %swap3A_860 = arith.index_cast %add3A_851 : i32 to index
            %swap3A_861 = arith.constant 16 : index
            %swap3A_862 = tpu.vector_load %arg6[%swap3A_859, %swap3A_860, %swap3A_861] {strides = array<i32>} : memref<4x256x64xf32, #tpu.memory_space<vmem>>, vector<1x1x16xf32>,
            %swap3A_863 = vector.shape_cast %swap3A_862 : vector<1x1x16xf32> to vector<16xf32>
            %swap3A_864 = vector.shape_cast %broadcast_in_dim3A_689 : vector<16xf32> to vector<1x1x16xf32>
            tpu.vector_store %arg6[%swap3A_859, %swap3A_860, %swap3A_861], %swap3A_864 {strides = array<i32>} : memref<4x256x64xf32, #tpu.memory_space<vmem>>, vector<1x1x16xf32>,
            %swap3A_865 = arith.constant 1 : i32
            %swap3A_866 = arith.index_cast %swap3A_865 : i32 to index
            %swap3A_867 = arith.index_cast %add3A_851 : i32 to index
            %swap3A_868 = arith.constant 32 : index
            %swap3A_869 = tpu.vector_load %arg6[%swap3A_866, %swap3A_867, %swap3A_868] {strides = array<i32>} : memref<4x256x64xf32, #tpu.memory_space<vmem>>, vector<1x1x16xf32>,
            %swap3A_870 = vector.shape_cast %swap3A_869 : vector<1x1x16xf32> to vector<16xf32>
            %swap3A_871 = vector.shape_cast %broadcast_in_dim3A_689 : vector<16xf32> to vector<1x1x16xf32>
            tpu.vector_store %arg6[%swap3A_866, %swap3A_867, %swap3A_868], %swap3A_871 {strides = array<i32>} : memref<4x256x64xf32, #tpu.memory_space<vmem>>, vector<1x1x16xf32>,
            %swap3A_872 = arith.constant 1 : i32
            %swap3A_873 = arith.index_cast %swap3A_872 : i32 to index
            %swap3A_874 = arith.index_cast %add3A_851 : i32 to index
            %swap3A_875 = arith.constant 48 : index
            %swap3A_876 = tpu.vector_load %arg6[%swap3A_873, %swap3A_874, %swap3A_875] {strides = array<i32>} : memref<4x256x64xf32, #tpu.memory_space<vmem>>, vector<1x1x16xf32>,
            %swap3A_877 = vector.shape_cast %swap3A_876 : vector<1x1x16xf32> to vector<16xf32>
            %swap3A_878 = vector.shape_cast %broadcast_in_dim3A_689 : vector<16xf32> to vector<1x1x16xf32>
            tpu.vector_store %arg6[%swap3A_873, %swap3A_874, %swap3A_875], %swap3A_878 {strides = array<i32>} : memref<4x256x64xf32, #tpu.memory_space<vmem>>, vector<1x1x16xf32>,
          } else {
          }
          %slice3A_799 = vector.extract_strided_slice %get3A_735 {offsets = [9], sizes = [1], strides = [1]} : vector<16xi32> to vector<1xi32>
          %squeeze3A_800 = vector.extract %slice3A_799[0] : i32 from vector<1xi32>
          %eq3A_801 = arith.constant 0 : i32
          %eq3A_802 = arith.cmpi eq, %squeeze3A_800, %eq3A_801 : i32
          %convert_element_type3A_803 = arith.extui %eq3A_802 : i1 to i32
          %cond3A_804 = arith.constant 0 : i32
          %cond3A_805 = arith.cmpi ne, %convert_element_type3A_803, %cond3A_804 : i32
          scf.if %cond3A_805 {
            %mul3A_848 = arith.constant 16 : i32
            %mul3A_849 = arith.muli %scan3A_696, %mul3A_848 : i32
            %add3A_850 = arith.constant 9 : i32
            %add3A_851 = arith.addi %mul3A_849, %add3A_850 : i32
            %swap3A = arith.constant 1 : i32
            %swap3A_852 = arith.index_cast %swap3A : i32 to index
            %swap3A_853 = arith.index_cast %add3A_851 : i32 to index
            %swap3A_854 = arith.constant 0 : index
            %swap3A_855 = tpu.vector_load %arg6[%swap3A_852, %swap3A_853, %swap3A_854] {strides = array<i32>} : memref<4x256x64xf32, #tpu.memory_space<vmem>>, vector<1x1x16xf32>,
            %swap3A_856 = vector.shape_cast %swap3A_855 : vector<1x1x16xf32> to vector<16xf32>
            %swap3A_857 = vector.shape_cast %broadcast_in_dim3A_689 : vector<16xf32> to vector<1x1x16xf32>
            tpu.vector_store %arg6[%swap3A_852, %swap3A_853, %swap3A_854], %swap3A_857 {strides = array<i32>} : memref<4x256x64xf32, #tpu.memory_space<vmem>>, vector<1x1x16xf32>,
            %swap3A_858 = arith.constant 1 : i32
            %swap3A_859 = arith.index_cast %swap3A_858 : i32 to index
            %swap3A_860 = arith.index_cast %add3A_851 : i32 to index
            %swap3A_861 = arith.constant 16 : index
            %swap3A_862 = tpu.vector_load %arg6[%swap3A_859, %swap3A_860, %swap3A_861] {strides = array<i32>} : memref<4x256x64xf32, #tpu.memory_space<vmem>>, vector<1x1x16xf32>,
            %swap3A_863 = vector.shape_cast %swap3A_862 : vector<1x1x16xf32> to vector<16xf32>
            %swap3A_864 = vector.shape_cast %broadcast_in_dim3A_689 : vector<16xf32> to vector<1x1x16xf32>
            tpu.vector_store %arg6[%swap3A_859, %swap3A_860, %swap3A_861], %swap3A_864 {strides = array<i32>} : memref<4x256x64xf32, #tpu.memory_space<vmem>>, vector<1x1x16xf32>,
            %swap3A_865 = arith.constant 1 : i32
            %swap3A_866 = arith.index_cast %swap3A_865 : i32 to index
            %swap3A_867 = arith.index_cast %add3A_851 : i32 to index
            %swap3A_868 = arith.constant 32 : index
            %swap3A_869 = tpu.vector_load %arg6[%swap3A_866, %swap3A_867, %swap3A_868] {strides = array<i32>} : memref<4x256x64xf32, #tpu.memory_space<vmem>>, vector<1x1x16xf32>,
            %swap3A_870 = vector.shape_cast %swap3A_869 : vector<1x1x16xf32> to vector<16xf32>
            %swap3A_871 = vector.shape_cast %broadcast_in_dim3A_689 : vector<16xf32> to vector<1x1x16xf32>
            tpu.vector_store %arg6[%swap3A_866, %swap3A_867, %swap3A_868], %swap3A_871 {strides = array<i32>} : memref<4x256x64xf32, #tpu.memory_space<vmem>>, vector<1x1x16xf32>,
            %swap3A_872 = arith.constant 1 : i32
            %swap3A_873 = arith.index_cast %swap3A_872 : i32 to index
            %swap3A_874 = arith.index_cast %add3A_851 : i32 to index
            %swap3A_875 = arith.constant 48 : index
            %swap3A_876 = tpu.vector_load %arg6[%swap3A_873, %swap3A_874, %swap3A_875] {strides = array<i32>} : memref<4x256x64xf32, #tpu.memory_space<vmem>>, vector<1x1x16xf32>,
            %swap3A_877 = vector.shape_cast %swap3A_876 : vector<1x1x16xf32> to vector<16xf32>
            %swap3A_878 = vector.shape_cast %broadcast_in_dim3A_689 : vector<16xf32> to vector<1x1x16xf32>
            tpu.vector_store %arg6[%swap3A_873, %swap3A_874, %swap3A_875], %swap3A_878 {strides = array<i32>} : memref<4x256x64xf32, #tpu.memory_space<vmem>>, vector<1x1x16xf32>,
          } else {
          }
          %slice3A_806 = vector.extract_strided_slice %get3A_735 {offsets = [10], sizes = [1], strides = [1]} : vector<16xi32> to vector<1xi32>
          %squeeze3A_807 = vector.extract %slice3A_806[0] : i32 from vector<1xi32>
          %eq3A_808 = arith.constant 0 : i32
          %eq3A_809 = arith.cmpi eq, %squeeze3A_807, %eq3A_808 : i32
          %convert_element_type3A_810 = arith.extui %eq3A_809 : i1 to i32
          %cond3A_811 = arith.constant 0 : i32
          %cond3A_812 = arith.cmpi ne, %convert_element_type3A_810, %cond3A_811 : i32
          scf.if %cond3A_812 {
            %mul3A_848 = arith.constant 16 : i32
            %mul3A_849 = arith.muli %scan3A_696, %mul3A_848 : i32
            %add3A_850 = arith.constant 10 : i32
            %add3A_851 = arith.addi %mul3A_849, %add3A_850 : i32
            %swap3A = arith.constant 1 : i32
            %swap3A_852 = arith.index_cast %swap3A : i32 to index
            %swap3A_853 = arith.index_cast %add3A_851 : i32 to index
            %swap3A_854 = arith.constant 0 : index
            %swap3A_855 = tpu.vector_load %arg6[%swap3A_852, %swap3A_853, %swap3A_854] {strides = array<i32>} : memref<4x256x64xf32, #tpu.memory_space<vmem>>, vector<1x1x16xf32>,
            %swap3A_856 = vector.shape_cast %swap3A_855 : vector<1x1x16xf32> to vector<16xf32>
            %swap3A_857 = vector.shape_cast %broadcast_in_dim3A_689 : vector<16xf32> to vector<1x1x16xf32>
            tpu.vector_store %arg6[%swap3A_852, %swap3A_853, %swap3A_854], %swap3A_857 {strides = array<i32>} : memref<4x256x64xf32, #tpu.memory_space<vmem>>, vector<1x1x16xf32>,
            %swap3A_858 = arith.constant 1 : i32
            %swap3A_859 = arith.index_cast %swap3A_858 : i32 to index
            %swap3A_860 = arith.index_cast %add3A_851 : i32 to index
            %swap3A_861 = arith.constant 16 : index
            %swap3A_862 = tpu.vector_load %arg6[%swap3A_859, %swap3A_860, %swap3A_861] {strides = array<i32>} : memref<4x256x64xf32, #tpu.memory_space<vmem>>, vector<1x1x16xf32>,
            %swap3A_863 = vector.shape_cast %swap3A_862 : vector<1x1x16xf32> to vector<16xf32>
            %swap3A_864 = vector.shape_cast %broadcast_in_dim3A_689 : vector<16xf32> to vector<1x1x16xf32>
            tpu.vector_store %arg6[%swap3A_859, %swap3A_860, %swap3A_861], %swap3A_864 {strides = array<i32>} : memref<4x256x64xf32, #tpu.memory_space<vmem>>, vector<1x1x16xf32>,
            %swap3A_865 = arith.constant 1 : i32
            %swap3A_866 = arith.index_cast %swap3A_865 : i32 to index
            %swap3A_867 = arith.index_cast %add3A_851 : i32 to index
            %swap3A_868 = arith.constant 32 : index
            %swap3A_869 = tpu.vector_load %arg6[%swap3A_866, %swap3A_867, %swap3A_868] {strides = array<i32>} : memref<4x256x64xf32, #tpu.memory_space<vmem>>, vector<1x1x16xf32>,
            %swap3A_870 = vector.shape_cast %swap3A_869 : vector<1x1x16xf32> to vector<16xf32>
            %swap3A_871 = vector.shape_cast %broadcast_in_dim3A_689 : vector<16xf32> to vector<1x1x16xf32>
            tpu.vector_store %arg6[%swap3A_866, %swap3A_867, %swap3A_868], %swap3A_871 {strides = array<i32>} : memref<4x256x64xf32, #tpu.memory_space<vmem>>, vector<1x1x16xf32>,
            %swap3A_872 = arith.constant 1 : i32
            %swap3A_873 = arith.index_cast %swap3A_872 : i32 to index
            %swap3A_874 = arith.index_cast %add3A_851 : i32 to index
            %swap3A_875 = arith.constant 48 : index
            %swap3A_876 = tpu.vector_load %arg6[%swap3A_873, %swap3A_874, %swap3A_875] {strides = array<i32>} : memref<4x256x64xf32, #tpu.memory_space<vmem>>, vector<1x1x16xf32>,
            %swap3A_877 = vector.shape_cast %swap3A_876 : vector<1x1x16xf32> to vector<16xf32>
            %swap3A_878 = vector.shape_cast %broadcast_in_dim3A_689 : vector<16xf32> to vector<1x1x16xf32>
            tpu.vector_store %arg6[%swap3A_873, %swap3A_874, %swap3A_875], %swap3A_878 {strides = array<i32>} : memref<4x256x64xf32, #tpu.memory_space<vmem>>, vector<1x1x16xf32>,
          } else {
          }
          %slice3A_813 = vector.extract_strided_slice %get3A_735 {offsets = [11], sizes = [1], strides = [1]} : vector<16xi32> to vector<1xi32>
          %squeeze3A_814 = vector.extract %slice3A_813[0] : i32 from vector<1xi32>
          %eq3A_815 = arith.constant 0 : i32
          %eq3A_816 = arith.cmpi eq, %squeeze3A_814, %eq3A_815 : i32
          %convert_element_type3A_817 = arith.extui %eq3A_816 : i1 to i32
          %cond3A_818 = arith.constant 0 : i32
          %cond3A_819 = arith.cmpi ne, %convert_element_type3A_817, %cond3A_818 : i32
          scf.if %cond3A_819 {
            %mul3A_848 = arith.constant 16 : i32
            %mul3A_849 = arith.muli %scan3A_696, %mul3A_848 : i32
            %add3A_850 = arith.constant 11 : i32
            %add3A_851 = arith.addi %mul3A_849, %add3A_850 : i32
            %swap3A = arith.constant 1 : i32
            %swap3A_852 = arith.index_cast %swap3A : i32 to index
            %swap3A_853 = arith.index_cast %add3A_851 : i32 to index
            %swap3A_854 = arith.constant 0 : index
            %swap3A_855 = tpu.vector_load %arg6[%swap3A_852, %swap3A_853, %swap3A_854] {strides = array<i32>} : memref<4x256x64xf32, #tpu.memory_space<vmem>>, vector<1x1x16xf32>,
            %swap3A_856 = vector.shape_cast %swap3A_855 : vector<1x1x16xf32> to vector<16xf32>
            %swap3A_857 = vector.shape_cast %broadcast_in_dim3A_689 : vector<16xf32> to vector<1x1x16xf32>
            tpu.vector_store %arg6[%swap3A_852, %swap3A_853, %swap3A_854], %swap3A_857 {strides = array<i32>} : memref<4x256x64xf32, #tpu.memory_space<vmem>>, vector<1x1x16xf32>,
            %swap3A_858 = arith.constant 1 : i32
            %swap3A_859 = arith.index_cast %swap3A_858 : i32 to index
            %swap3A_860 = arith.index_cast %add3A_851 : i32 to index
            %swap3A_861 = arith.constant 16 : index
            %swap3A_862 = tpu.vector_load %arg6[%swap3A_859, %swap3A_860, %swap3A_861] {strides = array<i32>} : memref<4x256x64xf32, #tpu.memory_space<vmem>>, vector<1x1x16xf32>,
            %swap3A_863 = vector.shape_cast %swap3A_862 : vector<1x1x16xf32> to vector<16xf32>
            %swap3A_864 = vector.shape_cast %broadcast_in_dim3A_689 : vector<16xf32> to vector<1x1x16xf32>
            tpu.vector_store %arg6[%swap3A_859, %swap3A_860, %swap3A_861], %swap3A_864 {strides = array<i32>} : memref<4x256x64xf32, #tpu.memory_space<vmem>>, vector<1x1x16xf32>,
            %swap3A_865 = arith.constant 1 : i32
            %swap3A_866 = arith.index_cast %swap3A_865 : i32 to index
            %swap3A_867 = arith.index_cast %add3A_851 : i32 to index
            %swap3A_868 = arith.constant 32 : index
            %swap3A_869 = tpu.vector_load %arg6[%swap3A_866, %swap3A_867, %swap3A_868] {strides = array<i32>} : memref<4x256x64xf32, #tpu.memory_space<vmem>>, vector<1x1x16xf32>,
            %swap3A_870 = vector.shape_cast %swap3A_869 : vector<1x1x16xf32> to vector<16xf32>
            %swap3A_871 = vector.shape_cast %broadcast_in_dim3A_689 : vector<16xf32> to vector<1x1x16xf32>
            tpu.vector_store %arg6[%swap3A_866, %swap3A_867, %swap3A_868], %swap3A_871 {strides = array<i32>} : memref<4x256x64xf32, #tpu.memory_space<vmem>>, vector<1x1x16xf32>,
            %swap3A_872 = arith.constant 1 : i32
            %swap3A_873 = arith.index_cast %swap3A_872 : i32 to index
            %swap3A_874 = arith.index_cast %add3A_851 : i32 to index
            %swap3A_875 = arith.constant 48 : index
            %swap3A_876 = tpu.vector_load %arg6[%swap3A_873, %swap3A_874, %swap3A_875] {strides = array<i32>} : memref<4x256x64xf32, #tpu.memory_space<vmem>>, vector<1x1x16xf32>,
            %swap3A_877 = vector.shape_cast %swap3A_876 : vector<1x1x16xf32> to vector<16xf32>
            %swap3A_878 = vector.shape_cast %broadcast_in_dim3A_689 : vector<16xf32> to vector<1x1x16xf32>
            tpu.vector_store %arg6[%swap3A_873, %swap3A_874, %swap3A_875], %swap3A_878 {strides = array<i32>} : memref<4x256x64xf32, #tpu.memory_space<vmem>>, vector<1x1x16xf32>,
          } else {
          }
          %slice3A_820 = vector.extract_strided_slice %get3A_735 {offsets = [12], sizes = [1], strides = [1]} : vector<16xi32> to vector<1xi32>
          %squeeze3A_821 = vector.extract %slice3A_820[0] : i32 from vector<1xi32>
          %eq3A_822 = arith.constant 0 : i32
          %eq3A_823 = arith.cmpi eq, %squeeze3A_821, %eq3A_822 : i32
          %convert_element_type3A_824 = arith.extui %eq3A_823 : i1 to i32
          %cond3A_825 = arith.constant 0 : i32
          %cond3A_826 = arith.cmpi ne, %convert_element_type3A_824, %cond3A_825 : i32
          scf.if %cond3A_826 {
            %mul3A_848 = arith.constant 16 : i32
            %mul3A_849 = arith.muli %scan3A_696, %mul3A_848 : i32
            %add3A_850 = arith.constant 12 : i32
            %add3A_851 = arith.addi %mul3A_849, %add3A_850 : i32
            %swap3A = arith.constant 1 : i32
            %swap3A_852 = arith.index_cast %swap3A : i32 to index
            %swap3A_853 = arith.index_cast %add3A_851 : i32 to index
            %swap3A_854 = arith.constant 0 : index
            %swap3A_855 = tpu.vector_load %arg6[%swap3A_852, %swap3A_853, %swap3A_854] {strides = array<i32>} : memref<4x256x64xf32, #tpu.memory_space<vmem>>, vector<1x1x16xf32>,
            %swap3A_856 = vector.shape_cast %swap3A_855 : vector<1x1x16xf32> to vector<16xf32>
            %swap3A_857 = vector.shape_cast %broadcast_in_dim3A_689 : vector<16xf32> to vector<1x1x16xf32>
            tpu.vector_store %arg6[%swap3A_852, %swap3A_853, %swap3A_854], %swap3A_857 {strides = array<i32>} : memref<4x256x64xf32, #tpu.memory_space<vmem>>, vector<1x1x16xf32>,
            %swap3A_858 = arith.constant 1 : i32
            %swap3A_859 = arith.index_cast %swap3A_858 : i32 to index
            %swap3A_860 = arith.index_cast %add3A_851 : i32 to index
            %swap3A_861 = arith.constant 16 : index
            %swap3A_862 = tpu.vector_load %arg6[%swap3A_859, %swap3A_860, %swap3A_861] {strides = array<i32>} : memref<4x256x64xf32, #tpu.memory_space<vmem>>, vector<1x1x16xf32>,
            %swap3A_863 = vector.shape_cast %swap3A_862 : vector<1x1x16xf32> to vector<16xf32>
            %swap3A_864 = vector.shape_cast %broadcast_in_dim3A_689 : vector<16xf32> to vector<1x1x16xf32>
            tpu.vector_store %arg6[%swap3A_859, %swap3A_860, %swap3A_861], %swap3A_864 {strides = array<i32>} : memref<4x256x64xf32, #tpu.memory_space<vmem>>, vector<1x1x16xf32>,
            %swap3A_865 = arith.constant 1 : i32
            %swap3A_866 = arith.index_cast %swap3A_865 : i32 to index
            %swap3A_867 = arith.index_cast %add3A_851 : i32 to index
            %swap3A_868 = arith.constant 32 : index
            %swap3A_869 = tpu.vector_load %arg6[%swap3A_866, %swap3A_867, %swap3A_868] {strides = array<i32>} : memref<4x256x64xf32, #tpu.memory_space<vmem>>, vector<1x1x16xf32>,
            %swap3A_870 = vector.shape_cast %swap3A_869 : vector<1x1x16xf32> to vector<16xf32>
            %swap3A_871 = vector.shape_cast %broadcast_in_dim3A_689 : vector<16xf32> to vector<1x1x16xf32>
            tpu.vector_store %arg6[%swap3A_866, %swap3A_867, %swap3A_868], %swap3A_871 {strides = array<i32>} : memref<4x256x64xf32, #tpu.memory_space<vmem>>, vector<1x1x16xf32>,
            %swap3A_872 = arith.constant 1 : i32
            %swap3A_873 = arith.index_cast %swap3A_872 : i32 to index
            %swap3A_874 = arith.index_cast %add3A_851 : i32 to index
            %swap3A_875 = arith.constant 48 : index
            %swap3A_876 = tpu.vector_load %arg6[%swap3A_873, %swap3A_874, %swap3A_875] {strides = array<i32>} : memref<4x256x64xf32, #tpu.memory_space<vmem>>, vector<1x1x16xf32>,
            %swap3A_877 = vector.shape_cast %swap3A_876 : vector<1x1x16xf32> to vector<16xf32>
            %swap3A_878 = vector.shape_cast %broadcast_in_dim3A_689 : vector<16xf32> to vector<1x1x16xf32>
            tpu.vector_store %arg6[%swap3A_873, %swap3A_874, %swap3A_875], %swap3A_878 {strides = array<i32>} : memref<4x256x64xf32, #tpu.memory_space<vmem>>, vector<1x1x16xf32>,
          } else {
          }
          %slice3A_827 = vector.extract_strided_slice %get3A_735 {offsets = [13], sizes = [1], strides = [1]} : vector<16xi32> to vector<1xi32>
          %squeeze3A_828 = vector.extract %slice3A_827[0] : i32 from vector<1xi32>
          %eq3A_829 = arith.constant 0 : i32
          %eq3A_830 = arith.cmpi eq, %squeeze3A_828, %eq3A_829 : i32
          %convert_element_type3A_831 = arith.extui %eq3A_830 : i1 to i32
          %cond3A_832 = arith.constant 0 : i32
          %cond3A_833 = arith.cmpi ne, %convert_element_type3A_831, %cond3A_832 : i32
          scf.if %cond3A_833 {
            %mul3A_848 = arith.constant 16 : i32
            %mul3A_849 = arith.muli %scan3A_696, %mul3A_848 : i32
            %add3A_850 = arith.constant 13 : i32
            %add3A_851 = arith.addi %mul3A_849, %add3A_850 : i32
            %swap3A = arith.constant 1 : i32
            %swap3A_852 = arith.index_cast %swap3A : i32 to index
            %swap3A_853 = arith.index_cast %add3A_851 : i32 to index
            %swap3A_854 = arith.constant 0 : index
            %swap3A_855 = tpu.vector_load %arg6[%swap3A_852, %swap3A_853, %swap3A_854] {strides = array<i32>} : memref<4x256x64xf32, #tpu.memory_space<vmem>>, vector<1x1x16xf32>,
            %swap3A_856 = vector.shape_cast %swap3A_855 : vector<1x1x16xf32> to vector<16xf32>
            %swap3A_857 = vector.shape_cast %broadcast_in_dim3A_689 : vector<16xf32> to vector<1x1x16xf32>
            tpu.vector_store %arg6[%swap3A_852, %swap3A_853, %swap3A_854], %swap3A_857 {strides = array<i32>} : memref<4x256x64xf32, #tpu.memory_space<vmem>>, vector<1x1x16xf32>,
            %swap3A_858 = arith.constant 1 : i32
            %swap3A_859 = arith.index_cast %swap3A_858 : i32 to index
            %swap3A_860 = arith.index_cast %add3A_851 : i32 to index
            %swap3A_861 = arith.constant 16 : index
            %swap3A_862 = tpu.vector_load %arg6[%swap3A_859, %swap3A_860, %swap3A_861] {strides = array<i32>} : memref<4x256x64xf32, #tpu.memory_space<vmem>>, vector<1x1x16xf32>,
            %swap3A_863 = vector.shape_cast %swap3A_862 : vector<1x1x16xf32> to vector<16xf32>
            %swap3A_864 = vector.shape_cast %broadcast_in_dim3A_689 : vector<16xf32> to vector<1x1x16xf32>
            tpu.vector_store %arg6[%swap3A_859, %swap3A_860, %swap3A_861], %swap3A_864 {strides = array<i32>} : memref<4x256x64xf32, #tpu.memory_space<vmem>>, vector<1x1x16xf32>,
            %swap3A_865 = arith.constant 1 : i32
            %swap3A_866 = arith.index_cast %swap3A_865 : i32 to index
            %swap3A_867 = arith.index_cast %add3A_851 : i32 to index
            %swap3A_868 = arith.constant 32 : index
            %swap3A_869 = tpu.vector_load %arg6[%swap3A_866, %swap3A_867, %swap3A_868] {strides = array<i32>} : memref<4x256x64xf32, #tpu.memory_space<vmem>>, vector<1x1x16xf32>,
            %swap3A_870 = vector.shape_cast %swap3A_869 : vector<1x1x16xf32> to vector<16xf32>
            %swap3A_871 = vector.shape_cast %broadcast_in_dim3A_689 : vector<16xf32> to vector<1x1x16xf32>
            tpu.vector_store %arg6[%swap3A_866, %swap3A_867, %swap3A_868], %swap3A_871 {strides = array<i32>} : memref<4x256x64xf32, #tpu.memory_space<vmem>>, vector<1x1x16xf32>,
            %swap3A_872 = arith.constant 1 : i32
            %swap3A_873 = arith.index_cast %swap3A_872 : i32 to index
            %swap3A_874 = arith.index_cast %add3A_851 : i32 to index
            %swap3A_875 = arith.constant 48 : index
            %swap3A_876 = tpu.vector_load %arg6[%swap3A_873, %swap3A_874, %swap3A_875] {strides = array<i32>} : memref<4x256x64xf32, #tpu.memory_space<vmem>>, vector<1x1x16xf32>,
            %swap3A_877 = vector.shape_cast %swap3A_876 : vector<1x1x16xf32> to vector<16xf32>
            %swap3A_878 = vector.shape_cast %broadcast_in_dim3A_689 : vector<16xf32> to vector<1x1x16xf32>
            tpu.vector_store %arg6[%swap3A_873, %swap3A_874, %swap3A_875], %swap3A_878 {strides = array<i32>} : memref<4x256x64xf32, #tpu.memory_space<vmem>>, vector<1x1x16xf32>,
          } else {
          }
          %slice3A_834 = vector.extract_strided_slice %get3A_735 {offsets = [14], sizes = [1], strides = [1]} : vector<16xi32> to vector<1xi32>
          %squeeze3A_835 = vector.extract %slice3A_834[0] : i32 from vector<1xi32>
          %eq3A_836 = arith.constant 0 : i32
          %eq3A_837 = arith.cmpi eq, %squeeze3A_835, %eq3A_836 : i32
          %convert_element_type3A_838 = arith.extui %eq3A_837 : i1 to i32
          %cond3A_839 = arith.constant 0 : i32
          %cond3A_840 = arith.cmpi ne, %convert_element_type3A_838, %cond3A_839 : i32
          scf.if %cond3A_840 {
            %mul3A_848 = arith.constant 16 : i32
            %mul3A_849 = arith.muli %scan3A_696, %mul3A_848 : i32
            %add3A_850 = arith.constant 14 : i32
            %add3A_851 = arith.addi %mul3A_849, %add3A_850 : i32
            %swap3A = arith.constant 1 : i32
            %swap3A_852 = arith.index_cast %swap3A : i32 to index
            %swap3A_853 = arith.index_cast %add3A_851 : i32 to index
            %swap3A_854 = arith.constant 0 : index
            %swap3A_855 = tpu.vector_load %arg6[%swap3A_852, %swap3A_853, %swap3A_854] {strides = array<i32>} : memref<4x256x64xf32, #tpu.memory_space<vmem>>, vector<1x1x16xf32>,
            %swap3A_856 = vector.shape_cast %swap3A_855 : vector<1x1x16xf32> to vector<16xf32>
            %swap3A_857 = vector.shape_cast %broadcast_in_dim3A_689 : vector<16xf32> to vector<1x1x16xf32>
            tpu.vector_store %arg6[%swap3A_852, %swap3A_853, %swap3A_854], %swap3A_857 {strides = array<i32>} : memref<4x256x64xf32, #tpu.memory_space<vmem>>, vector<1x1x16xf32>,
            %swap3A_858 = arith.constant 1 : i32
            %swap3A_859 = arith.index_cast %swap3A_858 : i32 to index
            %swap3A_860 = arith.index_cast %add3A_851 : i32 to index
            %swap3A_861 = arith.constant 16 : index
            %swap3A_862 = tpu.vector_load %arg6[%swap3A_859, %swap3A_860, %swap3A_861] {strides = array<i32>} : memref<4x256x64xf32, #tpu.memory_space<vmem>>, vector<1x1x16xf32>,
            %swap3A_863 = vector.shape_cast %swap3A_862 : vector<1x1x16xf32> to vector<16xf32>
            %swap3A_864 = vector.shape_cast %broadcast_in_dim3A_689 : vector<16xf32> to vector<1x1x16xf32>
            tpu.vector_store %arg6[%swap3A_859, %swap3A_860, %swap3A_861], %swap3A_864 {strides = array<i32>} : memref<4x256x64xf32, #tpu.memory_space<vmem>>, vector<1x1x16xf32>,
            %swap3A_865 = arith.constant 1 : i32
            %swap3A_866 = arith.index_cast %swap3A_865 : i32 to index
            %swap3A_867 = arith.index_cast %add3A_851 : i32 to index
            %swap3A_868 = arith.constant 32 : index
            %swap3A_869 = tpu.vector_load %arg6[%swap3A_866, %swap3A_867, %swap3A_868] {strides = array<i32>} : memref<4x256x64xf32, #tpu.memory_space<vmem>>, vector<1x1x16xf32>,
            %swap3A_870 = vector.shape_cast %swap3A_869 : vector<1x1x16xf32> to vector<16xf32>
            %swap3A_871 = vector.shape_cast %broadcast_in_dim3A_689 : vector<16xf32> to vector<1x1x16xf32>
            tpu.vector_store %arg6[%swap3A_866, %swap3A_867, %swap3A_868], %swap3A_871 {strides = array<i32>} : memref<4x256x64xf32, #tpu.memory_space<vmem>>, vector<1x1x16xf32>,
            %swap3A_872 = arith.constant 1 : i32
            %swap3A_873 = arith.index_cast %swap3A_872 : i32 to index
            %swap3A_874 = arith.index_cast %add3A_851 : i32 to index
            %swap3A_875 = arith.constant 48 : index
            %swap3A_876 = tpu.vector_load %arg6[%swap3A_873, %swap3A_874, %swap3A_875] {strides = array<i32>} : memref<4x256x64xf32, #tpu.memory_space<vmem>>, vector<1x1x16xf32>,
            %swap3A_877 = vector.shape_cast %swap3A_876 : vector<1x1x16xf32> to vector<16xf32>
            %swap3A_878 = vector.shape_cast %broadcast_in_dim3A_689 : vector<16xf32> to vector<1x1x16xf32>
            tpu.vector_store %arg6[%swap3A_873, %swap3A_874, %swap3A_875], %swap3A_878 {strides = array<i32>} : memref<4x256x64xf32, #tpu.memory_space<vmem>>, vector<1x1x16xf32>,
          } else {
          }
          %slice3A_841 = vector.extract_strided_slice %get3A_735 {offsets = [15], sizes = [1], strides = [1]} : vector<16xi32> to vector<1xi32>
          %squeeze3A_842 = vector.extract %slice3A_841[0] : i32 from vector<1xi32>
          %eq3A_843 = arith.constant 0 : i32
          %eq3A_844 = arith.cmpi eq, %squeeze3A_842, %eq3A_843 : i32
          %convert_element_type3A_845 = arith.extui %eq3A_844 : i1 to i32
          %cond3A_846 = arith.constant 0 : i32
          %cond3A_847 = arith.cmpi ne, %convert_element_type3A_845, %cond3A_846 : i32
          scf.if %cond3A_847 {
            %mul3A_848 = arith.constant 16 : i32
            %mul3A_849 = arith.muli %scan3A_696, %mul3A_848 : i32
            %add3A_850 = arith.constant 15 : i32
            %add3A_851 = arith.addi %mul3A_849, %add3A_850 : i32
            %swap3A = arith.constant 1 : i32
            %swap3A_852 = arith.index_cast %swap3A : i32 to index
            %swap3A_853 = arith.index_cast %add3A_851 : i32 to index
            %swap3A_854 = arith.constant 0 : index
            %swap3A_855 = tpu.vector_load %arg6[%swap3A_852, %swap3A_853, %swap3A_854] {strides = array<i32>} : memref<4x256x64xf32, #tpu.memory_space<vmem>>, vector<1x1x16xf32>,
            %swap3A_856 = vector.shape_cast %swap3A_855 : vector<1x1x16xf32> to vector<16xf32>
            %swap3A_857 = vector.shape_cast %broadcast_in_dim3A_689 : vector<16xf32> to vector<1x1x16xf32>
            tpu.vector_store %arg6[%swap3A_852, %swap3A_853, %swap3A_854], %swap3A_857 {strides = array<i32>} : memref<4x256x64xf32, #tpu.memory_space<vmem>>, vector<1x1x16xf32>,
            %swap3A_858 = arith.constant 1 : i32
            %swap3A_859 = arith.index_cast %swap3A_858 : i32 to index
            %swap3A_860 = arith.index_cast %add3A_851 : i32 to index
            %swap3A_861 = arith.constant 16 : index
            %swap3A_862 = tpu.vector_load %arg6[%swap3A_859, %swap3A_860, %swap3A_861] {strides = array<i32>} : memref<4x256x64xf32, #tpu.memory_space<vmem>>, vector<1x1x16xf32>,
            %swap3A_863 = vector.shape_cast %swap3A_862 : vector<1x1x16xf32> to vector<16xf32>
            %swap3A_864 = vector.shape_cast %broadcast_in_dim3A_689 : vector<16xf32> to vector<1x1x16xf32>
            tpu.vector_store %arg6[%swap3A_859, %swap3A_860, %swap3A_861], %swap3A_864 {strides = array<i32>} : memref<4x256x64xf32, #tpu.memory_space<vmem>>, vector<1x1x16xf32>,
            %swap3A_865 = arith.constant 1 : i32
            %swap3A_866 = arith.index_cast %swap3A_865 : i32 to index
            %swap3A_867 = arith.index_cast %add3A_851 : i32 to index
            %swap3A_868 = arith.constant 32 : index
            %swap3A_869 = tpu.vector_load %arg6[%swap3A_866, %swap3A_867, %swap3A_868] {strides = array<i32>} : memref<4x256x64xf32, #tpu.memory_space<vmem>>, vector<1x1x16xf32>,
            %swap3A_870 = vector.shape_cast %swap3A_869 : vector<1x1x16xf32> to vector<16xf32>
            %swap3A_871 = vector.shape_cast %broadcast_in_dim3A_689 : vector<16xf32> to vector<1x1x16xf32>
            tpu.vector_store %arg6[%swap3A_866, %swap3A_867, %swap3A_868], %swap3A_871 {strides = array<i32>} : memref<4x256x64xf32, #tpu.memory_space<vmem>>, vector<1x1x16xf32>,
            %swap3A_872 = arith.constant 1 : i32
            %swap3A_873 = arith.index_cast %swap3A_872 : i32 to index
            %swap3A_874 = arith.index_cast %add3A_851 : i32 to index
            %swap3A_875 = arith.constant 48 : index
            %swap3A_876 = tpu.vector_load %arg6[%swap3A_873, %swap3A_874, %swap3A_875] {strides = array<i32>} : memref<4x256x64xf32, #tpu.memory_space<vmem>>, vector<1x1x16xf32>,
            %swap3A_877 = vector.shape_cast %swap3A_876 : vector<1x1x16xf32> to vector<16xf32>
            %swap3A_878 = vector.shape_cast %broadcast_in_dim3A_689 : vector<16xf32> to vector<1x1x16xf32>
            tpu.vector_store %arg6[%swap3A_873, %swap3A_874, %swap3A_875], %swap3A_878 {strides = array<i32>} : memref<4x256x64xf32, #tpu.memory_space<vmem>>, vector<1x1x16xf32>,
          } else {
          }
        }
        %scan3A_695 = arith.constant 16 : i32
      } else {
      }
      %mul3A_419 = arith.constant 100 : i32
      %mul3A_420 = arith.muli %add3A, %mul3A_419 : i32
      %add3A_421 = arith.addi %mul3A_420, %add3A_322 : i32
      %mul3A_422 = arith.constant 256 : i32
      %mul3A_423 = arith.muli %add3A_421, %mul3A_422 : i32
      %dma_start3A_424 = arith.constant 1 : i32
      %dma_start3A_425 = arith.constant 0 : i32
      %dma_start3A_426 = arith.constant 0 : i32
      %dma_start3A_427 = tpu.memref_slice %arg6[%dma_start3A_424, %dma_start3A_425, %dma_start3A_426] : memref<4x256x64xf32, #tpu.memory_space<vmem>> -> memref<1x256x64xf32, #tpu.memory_space<vmem>>
      %dma_start3A_428 = tpu.memref_squeeze %dma_start3A_427 : memref<1x256x64xf32, #tpu.memory_space<vmem>> -> memref<256x64xf32, #tpu.memory_space<vmem>>
      %dma_start3A_429 = arith.constant 0 : i32
      %dma_start3A_430 = tpu.memref_slice %arg4[%mul3A_423, %dma_start3A_429] : memref<819200x64xf32, #tpu.memory_space<hbm>> -> memref<256x64xf32, #tpu.memory_space<hbm>>
      %dma_start3A_431 = arith.constant 0 : i32
      %dma_start3A_432 = tpu.memref_slice %arg4[%mul3A_423, %dma_start3A_431] : memref<819200x64xf32, #tpu.memory_space<hbm>> -> memref<256x64xf32, #tpu.memory_space<hbm>>
      %dma_start3A_433 = arith.constant 0 : i32
      %dma_start3A_434 = arith.constant 0 : i32
      %dma_start3A_435 = tpu.memref_slice %arg6[%dma_start3A_424, %dma_start3A_433, %dma_start3A_434] : memref<4x256x64xf32, #tpu.memory_space<vmem>> -> memref<1x256x64xf32, #tpu.memory_space<vmem>>
      %dma_start3A_436 = tpu.memref_squeeze %dma_start3A_435 : memref<1x256x64xf32, #tpu.memory_space<vmem>> -> memref<256x64xf32, #tpu.memory_space<vmem>>
      tpu.enqueue_dma source(%dma_start3A_436 : memref<256x64xf32, #tpu.memory_space<vmem>>) target(%dma_start3A_432 : memref<256x64xf32, #tpu.memory_space<hbm>>) target_semaphore(%arg12 : memref<!tpu.dma_semaphore, #tpu.memory_space<semaphore_mem>>)
      %lt3A_437 = arith.constant 24 : i32
      %lt3A_438 = arith.cmpi slt, %scan3A_202, %lt3A_437 : i32
      %convert_element_type3A_439 = arith.extui %lt3A_438 : i1 to i32
      %cond3A_440 = arith.constant 0 : i32
      %cond3A_441 = arith.cmpi ne, %convert_element_type3A_439, %cond3A_440 : i32
      scf.if %cond3A_441 {
        %mul3A_688 = arith.constant 100 : i32
        %mul3A_689 = arith.muli %add3A, %mul3A_688 : i32
        %add3A_690 = arith.addi %mul3A_689, %add3A_322 : i32
        %mul3A_691 = arith.constant 256 : i32
        %mul3A_692 = arith.muli %add3A_690, %mul3A_691 : i32
        %dma_wait3A_693 = arith.constant 1 : i32
        %dma_wait3A_694 = arith.constant 0 : i32
        %dma_wait3A_695 = arith.constant 0 : i32
        %dma_wait3A_696 = tpu.memref_slice %arg6[%dma_wait3A_693, %dma_wait3A_694, %dma_wait3A_695] : memref<4x256x64xf32, #tpu.memory_space<vmem>> -> memref<1x256x64xf32, #tpu.memory_space<vmem>>
        %dma_wait3A_697 = tpu.memref_squeeze %dma_wait3A_696 : memref<1x256x64xf32, #tpu.memory_space<vmem>> -> memref<256x64xf32, #tpu.memory_space<vmem>>
        %dma_wait3A_698 = arith.constant 0 : i32
        %dma_wait3A_699 = tpu.memref_slice %arg4[%mul3A_692, %dma_wait3A_698] : memref<819200x64xf32, #tpu.memory_space<hbm>> -> memref<256x64xf32, #tpu.memory_space<hbm>>
        %dma_wait3A_700 = arith.constant 0 : i32
        %dma_wait3A_701 = tpu.memref_slice %arg4[%mul3A_692, %dma_wait3A_700] : memref<819200x64xf32, #tpu.memory_space<hbm>> -> memref<256x64xf32, #tpu.memory_space<hbm>>
        %dma_wait3A_702 = arith.constant 0 : i32
        %dma_wait3A_703 = arith.constant 0 : i32
        %dma_wait3A_704 = tpu.memref_slice %arg6[%dma_wait3A_693, %dma_wait3A_702, %dma_wait3A_703] : memref<4x256x64xf32, #tpu.memory_space<vmem>> -> memref<1x256x64xf32, #tpu.memory_space<vmem>>
        %dma_wait3A_705 = tpu.memref_squeeze %dma_wait3A_704 : memref<1x256x64xf32, #tpu.memory_space<vmem>> -> memref<256x64xf32, #tpu.memory_space<vmem>>
        tpu.wait_dma2 semaphore(%arg12 : memref<!tpu.dma_semaphore, #tpu.memory_space<semaphore_mem>>) src(%dma_wait3A_705 : memref<256x64xf32, #tpu.memory_space<vmem>>) dst(%dma_wait3A_701 : memref<256x64xf32, #tpu.memory_space<hbm>>)
        %add3A_706 = arith.constant 4 : i32
        %add3A_707 = arith.addi %add3A_322, %add3A_706 : i32
        %mul3A_708 = arith.constant 2 : i32
        %mul3A_709 = arith.muli %add3A_707, %mul3A_708 : i32
        %add3A_710 = arith.constant 0 : i32
        %add3A_711 = arith.addi %mul3A_709, %add3A_710 : i32
        %dma_start3A_712 = arith.constant 1 : i32
        %dma_start3A_713 = arith.constant 0 : i32
        %dma_start3A_714 = arith.constant 0 : i32
        %dma_start3A_715 = tpu.memref_slice %arg6[%dma_start3A_712, %dma_start3A_713, %dma_start3A_714] : memref<4x256x64xf32, #tpu.memory_space<vmem>> -> memref<1x256x64xf32, #tpu.memory_space<vmem>>
        %dma_start3A_716 = tpu.memref_squeeze %dma_start3A_715 : memref<1x256x64xf32, #tpu.memory_space<vmem>> -> memref<256x64xf32, #tpu.memory_space<vmem>>
        %dma_start3A_717 = arith.constant 0 : i32
        %dma_start3A_718 = arith.constant 0 : i32
        %dma_start3A_719 = tpu.memref_slice %dma_start3A_716[%dma_start3A_717, %dma_start3A_718] : memref<256x64xf32, #tpu.memory_space<vmem>> -> memref<128x64xf32, #tpu.memory_space<vmem>>
        %dma_start3A_720 = arith.constant 0 : i32
        %dma_start3A_721 = tpu.memref_slice %arg5[%add3A_711, %dma_start3A_720] : memref<200x128xi32, #tpu.memory_space<vmem>> -> memref<1x128xi32, #tpu.memory_space<vmem>>
        %dma_start3A_722 = tpu.memref_squeeze %dma_start3A_721 : memref<1x128xi32, #tpu.memory_space<vmem>> -> memref<128xi32, #tpu.memory_space<vmem>>
        %dma_start3A_723 = arith.constant 0 : i32
        %dma_start3A_724 = arith.constant 0 : i32
        %dma_start3A_725 = tpu.memref_slice %arg3[%dma_start3A_723, %dma_start3A_724] : memref<1000000x64xf32, #tpu.memory_space<hbm>> -> memref<1000000x64xf32, #tpu.memory_space<hbm>>
        tpu.enqueue_indirect_dma source(%dma_start3A_725 : memref<1000000x64xf32, #tpu.memory_space<hbm>>) target(%dma_start3A_719 : memref<128x64xf32, #tpu.memory_space<vmem>>) offsets(%dma_start3A_722 : memref<128xi32, #tpu.memory_space<vmem>>) semaphore(%arg8 : memref<!tpu.dma_semaphore, #tpu.memory_space<semaphore_mem>>)
        %mul3A_726 = arith.constant 2 : i32
        %mul3A_727 = arith.muli %add3A_707, %mul3A_726 : i32
        %add3A_728 = arith.constant 1 : i32
        %add3A_729 = arith.addi %mul3A_727, %add3A_728 : i32
        %dma_start3A_730 = arith.constant 1 : i32
        %dma_start3A_731 = arith.constant 0 : i32
        %dma_start3A_732 = arith.constant 0 : i32
        %dma_start3A_733 = tpu.memref_slice %arg6[%dma_start3A_730, %dma_start3A_731, %dma_start3A_732] : memref<4x256x64xf32, #tpu.memory_space<vmem>> -> memref<1x256x64xf32, #tpu.memory_space<vmem>>
        %dma_start3A_734 = tpu.memref_squeeze %dma_start3A_733 : memref<1x256x64xf32, #tpu.memory_space<vmem>> -> memref<256x64xf32, #tpu.memory_space<vmem>>
        %dma_start3A_735 = arith.constant 128 : i32
        %dma_start3A_736 = arith.constant 0 : i32
        %dma_start3A_737 = tpu.memref_slice %dma_start3A_734[%dma_start3A_735, %dma_start3A_736] : memref<256x64xf32, #tpu.memory_space<vmem>> -> memref<128x64xf32, #tpu.memory_space<vmem>>
        %dma_start3A_738 = arith.constant 0 : i32
        %dma_start3A_739 = tpu.memref_slice %arg5[%add3A_729, %dma_start3A_738] : memref<200x128xi32, #tpu.memory_space<vmem>> -> memref<1x128xi32, #tpu.memory_space<vmem>>
        %dma_start3A_740 = tpu.memref_squeeze %dma_start3A_739 : memref<1x128xi32, #tpu.memory_space<vmem>> -> memref<128xi32, #tpu.memory_space<vmem>>
        %dma_start3A_741 = arith.constant 0 : i32
        %dma_start3A_742 = arith.constant 0 : i32
        %dma_start3A_743 = tpu.memref_slice %arg3[%dma_start3A_741, %dma_start3A_742] : memref<1000000x64xf32, #tpu.memory_space<hbm>> -> memref<1000000x64xf32, #tpu.memory_space<hbm>>
        tpu.enqueue_indirect_dma source(%dma_start3A_743 : memref<1000000x64xf32, #tpu.memory_space<hbm>>) target(%dma_start3A_737 : memref<128x64xf32, #tpu.memory_space<vmem>>) offsets(%dma_start3A_740 : memref<128xi32, #tpu.memory_space<vmem>>) semaphore(%arg8 : memref<!tpu.dma_semaphore, #tpu.memory_space<semaphore_mem>>)
      } else {
      }
      %mul3A_442 = arith.constant 4 : i32
      %mul3A_443 = arith.muli %scan3A_202, %mul3A_442 : i32
      %add3A_444 = arith.constant 2 : i32
      %add3A_445 = arith.addi %mul3A_443, %add3A_444 : i32
      %mul3A_446 = arith.constant 2 : i32
      %mul3A_447 = arith.muli %add3A_445, %mul3A_446 : i32
      %add3A_448 = arith.constant 0 : i32
      %add3A_449 = arith.addi %mul3A_447, %add3A_448 : i32
      %dma_wait3A_450 = arith.constant 2 : i32
      %dma_wait3A_451 = arith.constant 0 : i32
      %dma_wait3A_452 = arith.constant 0 : i32
      %dma_wait3A_453 = tpu.memref_slice %arg6[%dma_wait3A_450, %dma_wait3A_451, %dma_wait3A_452] : memref<4x256x64xf32, #tpu.memory_space<vmem>> -> memref<1x256x64xf32, #tpu.memory_space<vmem>>
      %dma_wait3A_454 = tpu.memref_squeeze %dma_wait3A_453 : memref<1x256x64xf32, #tpu.memory_space<vmem>> -> memref<256x64xf32, #tpu.memory_space<vmem>>
      %dma_wait3A_455 = arith.constant 0 : i32
      %dma_wait3A_456 = arith.constant 0 : i32
      %dma_wait3A_457 = tpu.memref_slice %dma_wait3A_454[%dma_wait3A_455, %dma_wait3A_456] : memref<256x64xf32, #tpu.memory_space<vmem>> -> memref<128x64xf32, #tpu.memory_space<vmem>>
      %dma_wait3A_458 = arith.constant 0 : i32
      %dma_wait3A_459 = tpu.memref_slice %arg5[%add3A_449, %dma_wait3A_458] : memref<200x128xi32, #tpu.memory_space<vmem>> -> memref<1x128xi32, #tpu.memory_space<vmem>>
      %dma_wait3A_460 = tpu.memref_squeeze %dma_wait3A_459 : memref<1x128xi32, #tpu.memory_space<vmem>> -> memref<128xi32, #tpu.memory_space<vmem>>
      %dma_wait3A_461 = arith.constant 0 : i32
      %dma_wait3A_462 = arith.constant 0 : i32
      %dma_wait3A_463 = tpu.memref_slice %arg3[%dma_wait3A_461, %dma_wait3A_462] : memref<1000000x64xf32, #tpu.memory_space<hbm>> -> memref<1000000x64xf32, #tpu.memory_space<hbm>>
      tpu.wait_indirect_dma semaphore(%arg9 : memref<!tpu.dma_semaphore, #tpu.memory_space<semaphore_mem>>) src(%dma_wait3A_463 : memref<1000000x64xf32, #tpu.memory_space<hbm>>) dst(%dma_wait3A_457 : memref<128x64xf32, #tpu.memory_space<vmem>>)
      %mul3A_464 = arith.constant 2 : i32
      %mul3A_465 = arith.muli %add3A_445, %mul3A_464 : i32
      %add3A_466 = arith.constant 1 : i32
      %add3A_467 = arith.addi %mul3A_465, %add3A_466 : i32
      %dma_wait3A_468 = arith.constant 2 : i32
      %dma_wait3A_469 = arith.constant 0 : i32
      %dma_wait3A_470 = arith.constant 0 : i32
      %dma_wait3A_471 = tpu.memref_slice %arg6[%dma_wait3A_468, %dma_wait3A_469, %dma_wait3A_470] : memref<4x256x64xf32, #tpu.memory_space<vmem>> -> memref<1x256x64xf32, #tpu.memory_space<vmem>>
      %dma_wait3A_472 = tpu.memref_squeeze %dma_wait3A_471 : memref<1x256x64xf32, #tpu.memory_space<vmem>> -> memref<256x64xf32, #tpu.memory_space<vmem>>
      %dma_wait3A_473 = arith.constant 128 : i32
      %dma_wait3A_474 = arith.constant 0 : i32
      %dma_wait3A_475 = tpu.memref_slice %dma_wait3A_472[%dma_wait3A_473, %dma_wait3A_474] : memref<256x64xf32, #tpu.memory_space<vmem>> -> memref<128x64xf32, #tpu.memory_space<vmem>>
      %dma_wait3A_476 = arith.constant 0 : i32
      %dma_wait3A_477 = tpu.memref_slice %arg5[%add3A_467, %dma_wait3A_476] : memref<200x128xi32, #tpu.memory_space<vmem>> -> memref<1x128xi32, #tpu.memory_space<vmem>>
      %dma_wait3A_478 = tpu.memref_squeeze %dma_wait3A_477 : memref<1x128xi32, #tpu.memory_space<vmem>> -> memref<128xi32, #tpu.memory_space<vmem>>
      %dma_wait3A_479 = arith.constant 0 : i32
      %dma_wait3A_480 = arith.constant 0 : i32
      %dma_wait3A_481 = tpu.memref_slice %arg3[%dma_wait3A_479, %dma_wait3A_480] : memref<1000000x64xf32, #tpu.memory_space<hbm>> -> memref<1000000x64xf32, #tpu.memory_space<hbm>>
      tpu.wait_indirect_dma semaphore(%arg9 : memref<!tpu.dma_semaphore, #tpu.memory_space<semaphore_mem>>) src(%dma_wait3A_481 : memref<1000000x64xf32, #tpu.memory_space<hbm>>) dst(%dma_wait3A_475 : memref<128x64xf32, #tpu.memory_space<vmem>>)
      %broadcast_in_dim3A_482 = arith.constant 0 : i32
      %broadcast_in_dim3A_483 = vector.broadcast %broadcast_in_dim3A_482 : i32 to vector<16xi32>
      %scan3A_484 = arith.constant 0 : i32
      %scan3A_485 = arith.constant 16 : i32
      %scan3A_486 = arith.addi %scan3A_484, %scan3A_485 : i32
      %scan3A_487 = arith.constant 1 : i32
      %scan3A_488 = scf.for %scan3A_688 = %scan3A_484 to %scan3A_486 step %scan3A_487 iter_args(%scan3A_689 = %broadcast_in_dim3A_483) -> (vector<16xi32>)  : i32 {
        %mul3A_690 = arith.constant 2 : i32
        %mul3A_691 = arith.muli %add3A_445, %mul3A_690 : i32
        %jit3A = arith.constant 8 : i32
        %div3A = arith.divsi %scan3A_688, %jit3A : i32
        %sign3A = arith.constant 0 : i32
        %sign3A_692 = arith.cmpi sgt, %scan3A_688, %sign3A : i32
        %sign3A_693 = arith.extui %sign3A_692 : i1 to i32
        %sign3A_694 = arith.constant 0 : i32
        %sign3A_695 = arith.cmpi slt, %scan3A_688, %sign3A_694 : i32
        %sign3A_696 = arith.extui %sign3A_695 : i1 to i32
        %sign3A_697 = arith.subi %sign3A_693, %sign3A_696 : i32
        %sign3A_698 = arith.constant 0 : i32
        %sign3A_699 = arith.cmpi sgt, %jit3A, %sign3A_698 : i32
        %sign3A_700 = arith.extui %sign3A_699 : i1 to i32
        %sign3A_701 = arith.constant 0 : i32
        %sign3A_702 = arith.cmpi slt, %jit3A, %sign3A_701 : i32
        %sign3A_703 = arith.extui %sign3A_702 : i1 to i32
        %sign3A_704 = arith.subi %sign3A_700, %sign3A_703 : i32
        %ne3A = arith.cmpi ne, %sign3A_697, %sign3A_704 : i32
        %rem3A = arith.remsi %scan3A_688, %jit3A : i32
        %ne3A_705 = arith.constant 0 : i32
        %ne3A_706 = arith.cmpi ne, %rem3A, %ne3A_705 : i32
        %and3A = arith.andi %ne3A, %ne3A_706 : i1
        %sub3A = arith.constant 1 : i32
        %sub3A_707 = arith.subi %div3A, %sub3A : i32
        %select_n3A = arith.select %and3A, %sub3A_707, %div3A : i32
        %add3A_708 = arith.addi %mul3A_691, %select_n3A : i32
        %jit3A_709 = arith.constant 8 : i32
        %eq3A = arith.constant 0 : i32
        %eq3A_710 = arith.cmpi eq, %jit3A_709, %eq3A : i32
        %jit3A_711 = arith.constant 1 : i32
        %select_n3A_712 = arith.select %eq3A_710, %jit3A_711, %jit3A_709 : i32
        %rem3A_713 = arith.remsi %scan3A_688, %select_n3A_712 : i32
        %ne3A_714 = arith.constant 0 : i32
        %ne3A_715 = arith.cmpi ne, %rem3A_713, %ne3A_714 : i32
        %lt3A_716 = arith.constant 0 : i32
        %lt3A_717 = arith.cmpi slt, %rem3A_713, %lt3A_716 : i32
        %lt3A_718 = arith.constant 0 : i32
        %lt3A_719 = arith.cmpi slt, %select_n3A_712, %lt3A_718 : i32
        %ne3A_720 = arith.xori %lt3A_717, %lt3A_719 : i1
        %and3A_721 = arith.andi %ne3A_720, %ne3A_715 : i1
        %add3A_722 = arith.addi %rem3A_713, %select_n3A_712 : i32
        %select_n3A_723 = arith.select %and3A_721, %add3A_722, %rem3A_713 : i32
        %mul3A_724 = arith.constant 16 : i32
        %mul3A_725 = arith.muli %select_n3A_723, %mul3A_724 : i32
        %get3A = arith.index_cast %add3A_708 : i32 to index
        %get3A_726 = arith.index_cast %mul3A_725 : i32 to index
        %get3A_727 = tpu.vector_load %arg5[%get3A, %get3A_726] {strides = array<i32>} : memref<200x128xi32, #tpu.memory_space<vmem>>, vector<1x16xi32>,
        %get3A_728 = vector.shape_cast %get3A_727 : vector<1x16xi32> to vector<16xi32>
        %min3A = arith.constant 1 : i32
        %min3A_729 = vector.broadcast %min3A : i32 to vector<16xi32>
        %min3A_730 = arith.minsi %get3A_728, %min3A_729 : vector<16xi32>
        %sub3A_731 = arith.constant 1 : i32
        %sub3A_732 = vector.broadcast %sub3A_731 : i32 to vector<16xi32>
        %sub3A_733 = arith.subi %sub3A_732, %min3A_730 : vector<16xi32>
        %add3A_734 = arith.addi %scan3A_689, %sub3A_733 : vector<16xi32>
        scf.yield %add3A_734 : vector<16xi32>
      }
      %scan3A_489 = arith.constant 16 : i32
      %slice3A_490 = vector.extract_strided_slice %scan3A_488 {offsets = [0], sizes = [1], strides = [1]} : vector<16xi32> to vector<1xi32>
      %squeeze3A_491 = vector.extract %slice3A_490[0] : i32 from vector<1xi32>
      %slice3A_492 = vector.extract_strided_slice %scan3A_488 {offsets = [1], sizes = [1], strides = [1]} : vector<16xi32> to vector<1xi32>
      %squeeze3A_493 = vector.extract %slice3A_492[0] : i32 from vector<1xi32>
      %add3A_494 = arith.addi %squeeze3A_491, %squeeze3A_493 : i32
      %slice3A_495 = vector.extract_strided_slice %scan3A_488 {offsets = [2], sizes = [1], strides = [1]} : vector<16xi32> to vector<1xi32>
      %squeeze3A_496 = vector.extract %slice3A_495[0] : i32 from vector<1xi32>
      %add3A_497 = arith.addi %add3A_494, %squeeze3A_496 : i32
      %slice3A_498 = vector.extract_strided_slice %scan3A_488 {offsets = [3], sizes = [1], strides = [1]} : vector<16xi32> to vector<1xi32>
      %squeeze3A_499 = vector.extract %slice3A_498[0] : i32 from vector<1xi32>
      %add3A_500 = arith.addi %add3A_497, %squeeze3A_499 : i32
      %slice3A_501 = vector.extract_strided_slice %scan3A_488 {offsets = [4], sizes = [1], strides = [1]} : vector<16xi32> to vector<1xi32>
      %squeeze3A_502 = vector.extract %slice3A_501[0] : i32 from vector<1xi32>
      %add3A_503 = arith.addi %add3A_500, %squeeze3A_502 : i32
      %slice3A_504 = vector.extract_strided_slice %scan3A_488 {offsets = [5], sizes = [1], strides = [1]} : vector<16xi32> to vector<1xi32>
      %squeeze3A_505 = vector.extract %slice3A_504[0] : i32 from vector<1xi32>
      %add3A_506 = arith.addi %add3A_503, %squeeze3A_505 : i32
      %slice3A_507 = vector.extract_strided_slice %scan3A_488 {offsets = [6], sizes = [1], strides = [1]} : vector<16xi32> to vector<1xi32>
      %squeeze3A_508 = vector.extract %slice3A_507[0] : i32 from vector<1xi32>
      %add3A_509 = arith.addi %add3A_506, %squeeze3A_508 : i32
      %slice3A_510 = vector.extract_strided_slice %scan3A_488 {offsets = [7], sizes = [1], strides = [1]} : vector<16xi32> to vector<1xi32>
      %squeeze3A_511 = vector.extract %slice3A_510[0] : i32 from vector<1xi32>
      %add3A_512 = arith.addi %add3A_509, %squeeze3A_511 : i32
      %slice3A_513 = vector.extract_strided_slice %scan3A_488 {offsets = [8], sizes = [1], strides = [1]} : vector<16xi32> to vector<1xi32>
      %squeeze3A_514 = vector.extract %slice3A_513[0] : i32 from vector<1xi32>
      %add3A_515 = arith.addi %add3A_512, %squeeze3A_514 : i32
      %slice3A_516 = vector.extract_strided_slice %scan3A_488 {offsets = [9], sizes = [1], strides = [1]} : vector<16xi32> to vector<1xi32>
      %squeeze3A_517 = vector.extract %slice3A_516[0] : i32 from vector<1xi32>
      %add3A_518 = arith.addi %add3A_515, %squeeze3A_517 : i32
      %slice3A_519 = vector.extract_strided_slice %scan3A_488 {offsets = [10], sizes = [1], strides = [1]} : vector<16xi32> to vector<1xi32>
      %squeeze3A_520 = vector.extract %slice3A_519[0] : i32 from vector<1xi32>
      %add3A_521 = arith.addi %add3A_518, %squeeze3A_520 : i32
      %slice3A_522 = vector.extract_strided_slice %scan3A_488 {offsets = [11], sizes = [1], strides = [1]} : vector<16xi32> to vector<1xi32>
      %squeeze3A_523 = vector.extract %slice3A_522[0] : i32 from vector<1xi32>
      %add3A_524 = arith.addi %add3A_521, %squeeze3A_523 : i32
      %slice3A_525 = vector.extract_strided_slice %scan3A_488 {offsets = [12], sizes = [1], strides = [1]} : vector<16xi32> to vector<1xi32>
      %squeeze3A_526 = vector.extract %slice3A_525[0] : i32 from vector<1xi32>
      %add3A_527 = arith.addi %add3A_524, %squeeze3A_526 : i32
      %slice3A_528 = vector.extract_strided_slice %scan3A_488 {offsets = [13], sizes = [1], strides = [1]} : vector<16xi32> to vector<1xi32>
      %squeeze3A_529 = vector.extract %slice3A_528[0] : i32 from vector<1xi32>
      %add3A_530 = arith.addi %add3A_527, %squeeze3A_529 : i32
      %slice3A_531 = vector.extract_strided_slice %scan3A_488 {offsets = [14], sizes = [1], strides = [1]} : vector<16xi32> to vector<1xi32>
      %squeeze3A_532 = vector.extract %slice3A_531[0] : i32 from vector<1xi32>
      %add3A_533 = arith.addi %add3A_530, %squeeze3A_532 : i32
      %slice3A_534 = vector.extract_strided_slice %scan3A_488 {offsets = [15], sizes = [1], strides = [1]} : vector<16xi32> to vector<1xi32>
      %squeeze3A_535 = vector.extract %slice3A_534[0] : i32 from vector<1xi32>
      %add3A_536 = arith.addi %add3A_533, %squeeze3A_535 : i32
      %gt3A_537 = arith.constant 0 : i32
      %gt3A_538 = arith.cmpi sgt, %add3A_536, %gt3A_537 : i32
      %convert_element_type3A_539 = arith.extui %gt3A_538 : i1 to i32
      %cond3A_540 = arith.constant 0 : i32
      %cond3A_541 = arith.cmpi ne, %convert_element_type3A_539, %cond3A_540 : i32
      scf.if %cond3A_541 {
        %broadcast_in_dim3A_688 = arith.constant 0.000000e+00 : f32
        %broadcast_in_dim3A_689 = vector.broadcast %broadcast_in_dim3A_688 : f32 to vector<16xf32>
        %scan3A_690 = arith.constant 0 : i32
        %scan3A_691 = arith.constant 0 : i32
        %scan3A_692 = arith.constant 16 : i32
        %scan3A_693 = arith.addi %scan3A_691, %scan3A_692 : i32
        %scan3A_694 = arith.constant 1 : i32
        scf.for %scan3A_696 = %scan3A_691 to %scan3A_693 step %scan3A_694  : i32 {
          %mul3A_697 = arith.constant 2 : i32
          %mul3A_698 = arith.muli %add3A_445, %mul3A_697 : i32
          %jit3A = arith.constant 8 : i32
          %div3A = arith.divsi %scan3A_696, %jit3A : i32
          %sign3A = arith.constant 0 : i32
          %sign3A_699 = arith.cmpi sgt, %scan3A_696, %sign3A : i32
          %sign3A_700 = arith.extui %sign3A_699 : i1 to i32
          %sign3A_701 = arith.constant 0 : i32
          %sign3A_702 = arith.cmpi slt, %scan3A_696, %sign3A_701 : i32
          %sign3A_703 = arith.extui %sign3A_702 : i1 to i32
          %sign3A_704 = arith.subi %sign3A_700, %sign3A_703 : i32
          %sign3A_705 = arith.constant 0 : i32
          %sign3A_706 = arith.cmpi sgt, %jit3A, %sign3A_705 : i32
          %sign3A_707 = arith.extui %sign3A_706 : i1 to i32
          %sign3A_708 = arith.constant 0 : i32
          %sign3A_709 = arith.cmpi slt, %jit3A, %sign3A_708 : i32
          %sign3A_710 = arith.extui %sign3A_709 : i1 to i32
          %sign3A_711 = arith.subi %sign3A_707, %sign3A_710 : i32
          %ne3A = arith.cmpi ne, %sign3A_704, %sign3A_711 : i32
          %rem3A = arith.remsi %scan3A_696, %jit3A : i32
          %ne3A_712 = arith.constant 0 : i32
          %ne3A_713 = arith.cmpi ne, %rem3A, %ne3A_712 : i32
          %and3A = arith.andi %ne3A, %ne3A_713 : i1
          %sub3A = arith.constant 1 : i32
          %sub3A_714 = arith.subi %div3A, %sub3A : i32
          %select_n3A = arith.select %and3A, %sub3A_714, %div3A : i32
          %add3A_715 = arith.addi %mul3A_698, %select_n3A : i32
          %jit3A_716 = arith.constant 8 : i32
          %eq3A = arith.constant 0 : i32
          %eq3A_717 = arith.cmpi eq, %jit3A_716, %eq3A : i32
          %jit3A_718 = arith.constant 1 : i32
          %select_n3A_719 = arith.select %eq3A_717, %jit3A_718, %jit3A_716 : i32
          %rem3A_720 = arith.remsi %scan3A_696, %select_n3A_719 : i32
          %ne3A_721 = arith.constant 0 : i32
          %ne3A_722 = arith.cmpi ne, %rem3A_720, %ne3A_721 : i32
          %lt3A_723 = arith.constant 0 : i32
          %lt3A_724 = arith.cmpi slt, %rem3A_720, %lt3A_723 : i32
          %lt3A_725 = arith.constant 0 : i32
          %lt3A_726 = arith.cmpi slt, %select_n3A_719, %lt3A_725 : i32
          %ne3A_727 = arith.xori %lt3A_724, %lt3A_726 : i1
          %and3A_728 = arith.andi %ne3A_727, %ne3A_722 : i1
          %add3A_729 = arith.addi %rem3A_720, %select_n3A_719 : i32
          %select_n3A_730 = arith.select %and3A_728, %add3A_729, %rem3A_720 : i32
          %mul3A_731 = arith.constant 16 : i32
          %mul3A_732 = arith.muli %select_n3A_730, %mul3A_731 : i32
          %get3A = arith.index_cast %add3A_715 : i32 to index
          %get3A_733 = arith.index_cast %mul3A_732 : i32 to index
          %get3A_734 = tpu.vector_load %arg5[%get3A, %get3A_733] {strides = array<i32>} : memref<200x128xi32, #tpu.memory_space<vmem>>, vector<1x16xi32>,
          %get3A_735 = vector.shape_cast %get3A_734 : vector<1x16xi32> to vector<16xi32>
          %slice3A_736 = vector.extract_strided_slice %get3A_735 {offsets = [0], sizes = [1], strides = [1]} : vector<16xi32> to vector<1xi32>
          %squeeze3A_737 = vector.extract %slice3A_736[0] : i32 from vector<1xi32>
          %eq3A_738 = arith.constant 0 : i32
          %eq3A_739 = arith.cmpi eq, %squeeze3A_737, %eq3A_738 : i32
          %convert_element_type3A_740 = arith.extui %eq3A_739 : i1 to i32
          %cond3A_741 = arith.constant 0 : i32
          %cond3A_742 = arith.cmpi ne, %convert_element_type3A_740, %cond3A_741 : i32
          scf.if %cond3A_742 {
            %mul3A_848 = arith.constant 16 : i32
            %mul3A_849 = arith.muli %scan3A_696, %mul3A_848 : i32
            %add3A_850 = arith.constant 0 : i32
            %add3A_851 = arith.addi %mul3A_849, %add3A_850 : i32
            %swap3A = arith.constant 2 : i32
            %swap3A_852 = arith.index_cast %swap3A : i32 to index
            %swap3A_853 = arith.index_cast %add3A_851 : i32 to index
            %swap3A_854 = arith.constant 0 : index
            %swap3A_855 = tpu.vector_load %arg6[%swap3A_852, %swap3A_853, %swap3A_854] {strides = array<i32>} : memref<4x256x64xf32, #tpu.memory_space<vmem>>, vector<1x1x16xf32>,
            %swap3A_856 = vector.shape_cast %swap3A_855 : vector<1x1x16xf32> to vector<16xf32>
            %swap3A_857 = vector.shape_cast %broadcast_in_dim3A_689 : vector<16xf32> to vector<1x1x16xf32>
            tpu.vector_store %arg6[%swap3A_852, %swap3A_853, %swap3A_854], %swap3A_857 {strides = array<i32>} : memref<4x256x64xf32, #tpu.memory_space<vmem>>, vector<1x1x16xf32>,
            %swap3A_858 = arith.constant 2 : i32
            %swap3A_859 = arith.index_cast %swap3A_858 : i32 to index
            %swap3A_860 = arith.index_cast %add3A_851 : i32 to index
            %swap3A_861 = arith.constant 16 : index
            %swap3A_862 = tpu.vector_load %arg6[%swap3A_859, %swap3A_860, %swap3A_861] {strides = array<i32>} : memref<4x256x64xf32, #tpu.memory_space<vmem>>, vector<1x1x16xf32>,
            %swap3A_863 = vector.shape_cast %swap3A_862 : vector<1x1x16xf32> to vector<16xf32>
            %swap3A_864 = vector.shape_cast %broadcast_in_dim3A_689 : vector<16xf32> to vector<1x1x16xf32>
            tpu.vector_store %arg6[%swap3A_859, %swap3A_860, %swap3A_861], %swap3A_864 {strides = array<i32>} : memref<4x256x64xf32, #tpu.memory_space<vmem>>, vector<1x1x16xf32>,
            %swap3A_865 = arith.constant 2 : i32
            %swap3A_866 = arith.index_cast %swap3A_865 : i32 to index
            %swap3A_867 = arith.index_cast %add3A_851 : i32 to index
            %swap3A_868 = arith.constant 32 : index
            %swap3A_869 = tpu.vector_load %arg6[%swap3A_866, %swap3A_867, %swap3A_868] {strides = array<i32>} : memref<4x256x64xf32, #tpu.memory_space<vmem>>, vector<1x1x16xf32>,
            %swap3A_870 = vector.shape_cast %swap3A_869 : vector<1x1x16xf32> to vector<16xf32>
            %swap3A_871 = vector.shape_cast %broadcast_in_dim3A_689 : vector<16xf32> to vector<1x1x16xf32>
            tpu.vector_store %arg6[%swap3A_866, %swap3A_867, %swap3A_868], %swap3A_871 {strides = array<i32>} : memref<4x256x64xf32, #tpu.memory_space<vmem>>, vector<1x1x16xf32>,
            %swap3A_872 = arith.constant 2 : i32
            %swap3A_873 = arith.index_cast %swap3A_872 : i32 to index
            %swap3A_874 = arith.index_cast %add3A_851 : i32 to index
            %swap3A_875 = arith.constant 48 : index
            %swap3A_876 = tpu.vector_load %arg6[%swap3A_873, %swap3A_874, %swap3A_875] {strides = array<i32>} : memref<4x256x64xf32, #tpu.memory_space<vmem>>, vector<1x1x16xf32>,
            %swap3A_877 = vector.shape_cast %swap3A_876 : vector<1x1x16xf32> to vector<16xf32>
            %swap3A_878 = vector.shape_cast %broadcast_in_dim3A_689 : vector<16xf32> to vector<1x1x16xf32>
            tpu.vector_store %arg6[%swap3A_873, %swap3A_874, %swap3A_875], %swap3A_878 {strides = array<i32>} : memref<4x256x64xf32, #tpu.memory_space<vmem>>, vector<1x1x16xf32>,
          } else {
          }
          %slice3A_743 = vector.extract_strided_slice %get3A_735 {offsets = [1], sizes = [1], strides = [1]} : vector<16xi32> to vector<1xi32>
          %squeeze3A_744 = vector.extract %slice3A_743[0] : i32 from vector<1xi32>
          %eq3A_745 = arith.constant 0 : i32
          %eq3A_746 = arith.cmpi eq, %squeeze3A_744, %eq3A_745 : i32
          %convert_element_type3A_747 = arith.extui %eq3A_746 : i1 to i32
          %cond3A_748 = arith.constant 0 : i32
          %cond3A_749 = arith.cmpi ne, %convert_element_type3A_747, %cond3A_748 : i32
          scf.if %cond3A_749 {
            %mul3A_848 = arith.constant 16 : i32
            %mul3A_849 = arith.muli %scan3A_696, %mul3A_848 : i32
            %add3A_850 = arith.constant 1 : i32
            %add3A_851 = arith.addi %mul3A_849, %add3A_850 : i32
            %swap3A = arith.constant 2 : i32
            %swap3A_852 = arith.index_cast %swap3A : i32 to index
            %swap3A_853 = arith.index_cast %add3A_851 : i32 to index
            %swap3A_854 = arith.constant 0 : index
            %swap3A_855 = tpu.vector_load %arg6[%swap3A_852, %swap3A_853, %swap3A_854] {strides = array<i32>} : memref<4x256x64xf32, #tpu.memory_space<vmem>>, vector<1x1x16xf32>,
            %swap3A_856 = vector.shape_cast %swap3A_855 : vector<1x1x16xf32> to vector<16xf32>
            %swap3A_857 = vector.shape_cast %broadcast_in_dim3A_689 : vector<16xf32> to vector<1x1x16xf32>
            tpu.vector_store %arg6[%swap3A_852, %swap3A_853, %swap3A_854], %swap3A_857 {strides = array<i32>} : memref<4x256x64xf32, #tpu.memory_space<vmem>>, vector<1x1x16xf32>,
            %swap3A_858 = arith.constant 2 : i32
            %swap3A_859 = arith.index_cast %swap3A_858 : i32 to index
            %swap3A_860 = arith.index_cast %add3A_851 : i32 to index
            %swap3A_861 = arith.constant 16 : index
            %swap3A_862 = tpu.vector_load %arg6[%swap3A_859, %swap3A_860, %swap3A_861] {strides = array<i32>} : memref<4x256x64xf32, #tpu.memory_space<vmem>>, vector<1x1x16xf32>,
            %swap3A_863 = vector.shape_cast %swap3A_862 : vector<1x1x16xf32> to vector<16xf32>
            %swap3A_864 = vector.shape_cast %broadcast_in_dim3A_689 : vector<16xf32> to vector<1x1x16xf32>
            tpu.vector_store %arg6[%swap3A_859, %swap3A_860, %swap3A_861], %swap3A_864 {strides = array<i32>} : memref<4x256x64xf32, #tpu.memory_space<vmem>>, vector<1x1x16xf32>,
            %swap3A_865 = arith.constant 2 : i32
            %swap3A_866 = arith.index_cast %swap3A_865 : i32 to index
            %swap3A_867 = arith.index_cast %add3A_851 : i32 to index
            %swap3A_868 = arith.constant 32 : index
            %swap3A_869 = tpu.vector_load %arg6[%swap3A_866, %swap3A_867, %swap3A_868] {strides = array<i32>} : memref<4x256x64xf32, #tpu.memory_space<vmem>>, vector<1x1x16xf32>,
            %swap3A_870 = vector.shape_cast %swap3A_869 : vector<1x1x16xf32> to vector<16xf32>
            %swap3A_871 = vector.shape_cast %broadcast_in_dim3A_689 : vector<16xf32> to vector<1x1x16xf32>
            tpu.vector_store %arg6[%swap3A_866, %swap3A_867, %swap3A_868], %swap3A_871 {strides = array<i32>} : memref<4x256x64xf32, #tpu.memory_space<vmem>>, vector<1x1x16xf32>,
            %swap3A_872 = arith.constant 2 : i32
            %swap3A_873 = arith.index_cast %swap3A_872 : i32 to index
            %swap3A_874 = arith.index_cast %add3A_851 : i32 to index
            %swap3A_875 = arith.constant 48 : index
            %swap3A_876 = tpu.vector_load %arg6[%swap3A_873, %swap3A_874, %swap3A_875] {strides = array<i32>} : memref<4x256x64xf32, #tpu.memory_space<vmem>>, vector<1x1x16xf32>,
            %swap3A_877 = vector.shape_cast %swap3A_876 : vector<1x1x16xf32> to vector<16xf32>
            %swap3A_878 = vector.shape_cast %broadcast_in_dim3A_689 : vector<16xf32> to vector<1x1x16xf32>
            tpu.vector_store %arg6[%swap3A_873, %swap3A_874, %swap3A_875], %swap3A_878 {strides = array<i32>} : memref<4x256x64xf32, #tpu.memory_space<vmem>>, vector<1x1x16xf32>,
          } else {
          }
          %slice3A_750 = vector.extract_strided_slice %get3A_735 {offsets = [2], sizes = [1], strides = [1]} : vector<16xi32> to vector<1xi32>
          %squeeze3A_751 = vector.extract %slice3A_750[0] : i32 from vector<1xi32>
          %eq3A_752 = arith.constant 0 : i32
          %eq3A_753 = arith.cmpi eq, %squeeze3A_751, %eq3A_752 : i32
          %convert_element_type3A_754 = arith.extui %eq3A_753 : i1 to i32
          %cond3A_755 = arith.constant 0 : i32
          %cond3A_756 = arith.cmpi ne, %convert_element_type3A_754, %cond3A_755 : i32
          scf.if %cond3A_756 {
            %mul3A_848 = arith.constant 16 : i32
            %mul3A_849 = arith.muli %scan3A_696, %mul3A_848 : i32
            %add3A_850 = arith.constant 2 : i32
            %add3A_851 = arith.addi %mul3A_849, %add3A_850 : i32
            %swap3A = arith.constant 2 : i32
            %swap3A_852 = arith.index_cast %swap3A : i32 to index
            %swap3A_853 = arith.index_cast %add3A_851 : i32 to index
            %swap3A_854 = arith.constant 0 : index
            %swap3A_855 = tpu.vector_load %arg6[%swap3A_852, %swap3A_853, %swap3A_854] {strides = array<i32>} : memref<4x256x64xf32, #tpu.memory_space<vmem>>, vector<1x1x16xf32>,
            %swap3A_856 = vector.shape_cast %swap3A_855 : vector<1x1x16xf32> to vector<16xf32>
            %swap3A_857 = vector.shape_cast %broadcast_in_dim3A_689 : vector<16xf32> to vector<1x1x16xf32>
            tpu.vector_store %arg6[%swap3A_852, %swap3A_853, %swap3A_854], %swap3A_857 {strides = array<i32>} : memref<4x256x64xf32, #tpu.memory_space<vmem>>, vector<1x1x16xf32>,
            %swap3A_858 = arith.constant 2 : i32
            %swap3A_859 = arith.index_cast %swap3A_858 : i32 to index
            %swap3A_860 = arith.index_cast %add3A_851 : i32 to index
            %swap3A_861 = arith.constant 16 : index
            %swap3A_862 = tpu.vector_load %arg6[%swap3A_859, %swap3A_860, %swap3A_861] {strides = array<i32>} : memref<4x256x64xf32, #tpu.memory_space<vmem>>, vector<1x1x16xf32>,
            %swap3A_863 = vector.shape_cast %swap3A_862 : vector<1x1x16xf32> to vector<16xf32>
            %swap3A_864 = vector.shape_cast %broadcast_in_dim3A_689 : vector<16xf32> to vector<1x1x16xf32>
            tpu.vector_store %arg6[%swap3A_859, %swap3A_860, %swap3A_861], %swap3A_864 {strides = array<i32>} : memref<4x256x64xf32, #tpu.memory_space<vmem>>, vector<1x1x16xf32>,
            %swap3A_865 = arith.constant 2 : i32
            %swap3A_866 = arith.index_cast %swap3A_865 : i32 to index
            %swap3A_867 = arith.index_cast %add3A_851 : i32 to index
            %swap3A_868 = arith.constant 32 : index
            %swap3A_869 = tpu.vector_load %arg6[%swap3A_866, %swap3A_867, %swap3A_868] {strides = array<i32>} : memref<4x256x64xf32, #tpu.memory_space<vmem>>, vector<1x1x16xf32>,
            %swap3A_870 = vector.shape_cast %swap3A_869 : vector<1x1x16xf32> to vector<16xf32>
            %swap3A_871 = vector.shape_cast %broadcast_in_dim3A_689 : vector<16xf32> to vector<1x1x16xf32>
            tpu.vector_store %arg6[%swap3A_866, %swap3A_867, %swap3A_868], %swap3A_871 {strides = array<i32>} : memref<4x256x64xf32, #tpu.memory_space<vmem>>, vector<1x1x16xf32>,
            %swap3A_872 = arith.constant 2 : i32
            %swap3A_873 = arith.index_cast %swap3A_872 : i32 to index
            %swap3A_874 = arith.index_cast %add3A_851 : i32 to index
            %swap3A_875 = arith.constant 48 : index
            %swap3A_876 = tpu.vector_load %arg6[%swap3A_873, %swap3A_874, %swap3A_875] {strides = array<i32>} : memref<4x256x64xf32, #tpu.memory_space<vmem>>, vector<1x1x16xf32>,
            %swap3A_877 = vector.shape_cast %swap3A_876 : vector<1x1x16xf32> to vector<16xf32>
            %swap3A_878 = vector.shape_cast %broadcast_in_dim3A_689 : vector<16xf32> to vector<1x1x16xf32>
            tpu.vector_store %arg6[%swap3A_873, %swap3A_874, %swap3A_875], %swap3A_878 {strides = array<i32>} : memref<4x256x64xf32, #tpu.memory_space<vmem>>, vector<1x1x16xf32>,
          } else {
          }
          %slice3A_757 = vector.extract_strided_slice %get3A_735 {offsets = [3], sizes = [1], strides = [1]} : vector<16xi32> to vector<1xi32>
          %squeeze3A_758 = vector.extract %slice3A_757[0] : i32 from vector<1xi32>
          %eq3A_759 = arith.constant 0 : i32
          %eq3A_760 = arith.cmpi eq, %squeeze3A_758, %eq3A_759 : i32
          %convert_element_type3A_761 = arith.extui %eq3A_760 : i1 to i32
          %cond3A_762 = arith.constant 0 : i32
          %cond3A_763 = arith.cmpi ne, %convert_element_type3A_761, %cond3A_762 : i32
          scf.if %cond3A_763 {
            %mul3A_848 = arith.constant 16 : i32
            %mul3A_849 = arith.muli %scan3A_696, %mul3A_848 : i32
            %add3A_850 = arith.constant 3 : i32
            %add3A_851 = arith.addi %mul3A_849, %add3A_850 : i32
            %swap3A = arith.constant 2 : i32
            %swap3A_852 = arith.index_cast %swap3A : i32 to index
            %swap3A_853 = arith.index_cast %add3A_851 : i32 to index
            %swap3A_854 = arith.constant 0 : index
            %swap3A_855 = tpu.vector_load %arg6[%swap3A_852, %swap3A_853, %swap3A_854] {strides = array<i32>} : memref<4x256x64xf32, #tpu.memory_space<vmem>>, vector<1x1x16xf32>,
            %swap3A_856 = vector.shape_cast %swap3A_855 : vector<1x1x16xf32> to vector<16xf32>
            %swap3A_857 = vector.shape_cast %broadcast_in_dim3A_689 : vector<16xf32> to vector<1x1x16xf32>
            tpu.vector_store %arg6[%swap3A_852, %swap3A_853, %swap3A_854], %swap3A_857 {strides = array<i32>} : memref<4x256x64xf32, #tpu.memory_space<vmem>>, vector<1x1x16xf32>,
            %swap3A_858 = arith.constant 2 : i32
            %swap3A_859 = arith.index_cast %swap3A_858 : i32 to index
            %swap3A_860 = arith.index_cast %add3A_851 : i32 to index
            %swap3A_861 = arith.constant 16 : index
            %swap3A_862 = tpu.vector_load %arg6[%swap3A_859, %swap3A_860, %swap3A_861] {strides = array<i32>} : memref<4x256x64xf32, #tpu.memory_space<vmem>>, vector<1x1x16xf32>,
            %swap3A_863 = vector.shape_cast %swap3A_862 : vector<1x1x16xf32> to vector<16xf32>
            %swap3A_864 = vector.shape_cast %broadcast_in_dim3A_689 : vector<16xf32> to vector<1x1x16xf32>
            tpu.vector_store %arg6[%swap3A_859, %swap3A_860, %swap3A_861], %swap3A_864 {strides = array<i32>} : memref<4x256x64xf32, #tpu.memory_space<vmem>>, vector<1x1x16xf32>,
            %swap3A_865 = arith.constant 2 : i32
            %swap3A_866 = arith.index_cast %swap3A_865 : i32 to index
            %swap3A_867 = arith.index_cast %add3A_851 : i32 to index
            %swap3A_868 = arith.constant 32 : index
            %swap3A_869 = tpu.vector_load %arg6[%swap3A_866, %swap3A_867, %swap3A_868] {strides = array<i32>} : memref<4x256x64xf32, #tpu.memory_space<vmem>>, vector<1x1x16xf32>,
            %swap3A_870 = vector.shape_cast %swap3A_869 : vector<1x1x16xf32> to vector<16xf32>
            %swap3A_871 = vector.shape_cast %broadcast_in_dim3A_689 : vector<16xf32> to vector<1x1x16xf32>
            tpu.vector_store %arg6[%swap3A_866, %swap3A_867, %swap3A_868], %swap3A_871 {strides = array<i32>} : memref<4x256x64xf32, #tpu.memory_space<vmem>>, vector<1x1x16xf32>,
            %swap3A_872 = arith.constant 2 : i32
            %swap3A_873 = arith.index_cast %swap3A_872 : i32 to index
            %swap3A_874 = arith.index_cast %add3A_851 : i32 to index
            %swap3A_875 = arith.constant 48 : index
            %swap3A_876 = tpu.vector_load %arg6[%swap3A_873, %swap3A_874, %swap3A_875] {strides = array<i32>} : memref<4x256x64xf32, #tpu.memory_space<vmem>>, vector<1x1x16xf32>,
            %swap3A_877 = vector.shape_cast %swap3A_876 : vector<1x1x16xf32> to vector<16xf32>
            %swap3A_878 = vector.shape_cast %broadcast_in_dim3A_689 : vector<16xf32> to vector<1x1x16xf32>
            tpu.vector_store %arg6[%swap3A_873, %swap3A_874, %swap3A_875], %swap3A_878 {strides = array<i32>} : memref<4x256x64xf32, #tpu.memory_space<vmem>>, vector<1x1x16xf32>,
          } else {
          }
          %slice3A_764 = vector.extract_strided_slice %get3A_735 {offsets = [4], sizes = [1], strides = [1]} : vector<16xi32> to vector<1xi32>
          %squeeze3A_765 = vector.extract %slice3A_764[0] : i32 from vector<1xi32>
          %eq3A_766 = arith.constant 0 : i32
          %eq3A_767 = arith.cmpi eq, %squeeze3A_765, %eq3A_766 : i32
          %convert_element_type3A_768 = arith.extui %eq3A_767 : i1 to i32
          %cond3A_769 = arith.constant 0 : i32
          %cond3A_770 = arith.cmpi ne, %convert_element_type3A_768, %cond3A_769 : i32
          scf.if %cond3A_770 {
            %mul3A_848 = arith.constant 16 : i32
            %mul3A_849 = arith.muli %scan3A_696, %mul3A_848 : i32
            %add3A_850 = arith.constant 4 : i32
            %add3A_851 = arith.addi %mul3A_849, %add3A_850 : i32
            %swap3A = arith.constant 2 : i32
            %swap3A_852 = arith.index_cast %swap3A : i32 to index
            %swap3A_853 = arith.index_cast %add3A_851 : i32 to index
            %swap3A_854 = arith.constant 0 : index
            %swap3A_855 = tpu.vector_load %arg6[%swap3A_852, %swap3A_853, %swap3A_854] {strides = array<i32>} : memref<4x256x64xf32, #tpu.memory_space<vmem>>, vector<1x1x16xf32>,
            %swap3A_856 = vector.shape_cast %swap3A_855 : vector<1x1x16xf32> to vector<16xf32>
            %swap3A_857 = vector.shape_cast %broadcast_in_dim3A_689 : vector<16xf32> to vector<1x1x16xf32>
            tpu.vector_store %arg6[%swap3A_852, %swap3A_853, %swap3A_854], %swap3A_857 {strides = array<i32>} : memref<4x256x64xf32, #tpu.memory_space<vmem>>, vector<1x1x16xf32>,
            %swap3A_858 = arith.constant 2 : i32
            %swap3A_859 = arith.index_cast %swap3A_858 : i32 to index
            %swap3A_860 = arith.index_cast %add3A_851 : i32 to index
            %swap3A_861 = arith.constant 16 : index
            %swap3A_862 = tpu.vector_load %arg6[%swap3A_859, %swap3A_860, %swap3A_861] {strides = array<i32>} : memref<4x256x64xf32, #tpu.memory_space<vmem>>, vector<1x1x16xf32>,
            %swap3A_863 = vector.shape_cast %swap3A_862 : vector<1x1x16xf32> to vector<16xf32>
            %swap3A_864 = vector.shape_cast %broadcast_in_dim3A_689 : vector<16xf32> to vector<1x1x16xf32>
            tpu.vector_store %arg6[%swap3A_859, %swap3A_860, %swap3A_861], %swap3A_864 {strides = array<i32>} : memref<4x256x64xf32, #tpu.memory_space<vmem>>, vector<1x1x16xf32>,
            %swap3A_865 = arith.constant 2 : i32
            %swap3A_866 = arith.index_cast %swap3A_865 : i32 to index
            %swap3A_867 = arith.index_cast %add3A_851 : i32 to index
            %swap3A_868 = arith.constant 32 : index
            %swap3A_869 = tpu.vector_load %arg6[%swap3A_866, %swap3A_867, %swap3A_868] {strides = array<i32>} : memref<4x256x64xf32, #tpu.memory_space<vmem>>, vector<1x1x16xf32>,
            %swap3A_870 = vector.shape_cast %swap3A_869 : vector<1x1x16xf32> to vector<16xf32>
            %swap3A_871 = vector.shape_cast %broadcast_in_dim3A_689 : vector<16xf32> to vector<1x1x16xf32>
            tpu.vector_store %arg6[%swap3A_866, %swap3A_867, %swap3A_868], %swap3A_871 {strides = array<i32>} : memref<4x256x64xf32, #tpu.memory_space<vmem>>, vector<1x1x16xf32>,
            %swap3A_872 = arith.constant 2 : i32
            %swap3A_873 = arith.index_cast %swap3A_872 : i32 to index
            %swap3A_874 = arith.index_cast %add3A_851 : i32 to index
            %swap3A_875 = arith.constant 48 : index
            %swap3A_876 = tpu.vector_load %arg6[%swap3A_873, %swap3A_874, %swap3A_875] {strides = array<i32>} : memref<4x256x64xf32, #tpu.memory_space<vmem>>, vector<1x1x16xf32>,
            %swap3A_877 = vector.shape_cast %swap3A_876 : vector<1x1x16xf32> to vector<16xf32>
            %swap3A_878 = vector.shape_cast %broadcast_in_dim3A_689 : vector<16xf32> to vector<1x1x16xf32>
            tpu.vector_store %arg6[%swap3A_873, %swap3A_874, %swap3A_875], %swap3A_878 {strides = array<i32>} : memref<4x256x64xf32, #tpu.memory_space<vmem>>, vector<1x1x16xf32>,
          } else {
          }
          %slice3A_771 = vector.extract_strided_slice %get3A_735 {offsets = [5], sizes = [1], strides = [1]} : vector<16xi32> to vector<1xi32>
          %squeeze3A_772 = vector.extract %slice3A_771[0] : i32 from vector<1xi32>
          %eq3A_773 = arith.constant 0 : i32
          %eq3A_774 = arith.cmpi eq, %squeeze3A_772, %eq3A_773 : i32
          %convert_element_type3A_775 = arith.extui %eq3A_774 : i1 to i32
          %cond3A_776 = arith.constant 0 : i32
          %cond3A_777 = arith.cmpi ne, %convert_element_type3A_775, %cond3A_776 : i32
          scf.if %cond3A_777 {
            %mul3A_848 = arith.constant 16 : i32
            %mul3A_849 = arith.muli %scan3A_696, %mul3A_848 : i32
            %add3A_850 = arith.constant 5 : i32
            %add3A_851 = arith.addi %mul3A_849, %add3A_850 : i32
            %swap3A = arith.constant 2 : i32
            %swap3A_852 = arith.index_cast %swap3A : i32 to index
            %swap3A_853 = arith.index_cast %add3A_851 : i32 to index
            %swap3A_854 = arith.constant 0 : index
            %swap3A_855 = tpu.vector_load %arg6[%swap3A_852, %swap3A_853, %swap3A_854] {strides = array<i32>} : memref<4x256x64xf32, #tpu.memory_space<vmem>>, vector<1x1x16xf32>,
            %swap3A_856 = vector.shape_cast %swap3A_855 : vector<1x1x16xf32> to vector<16xf32>
            %swap3A_857 = vector.shape_cast %broadcast_in_dim3A_689 : vector<16xf32> to vector<1x1x16xf32>
            tpu.vector_store %arg6[%swap3A_852, %swap3A_853, %swap3A_854], %swap3A_857 {strides = array<i32>} : memref<4x256x64xf32, #tpu.memory_space<vmem>>, vector<1x1x16xf32>,
            %swap3A_858 = arith.constant 2 : i32
            %swap3A_859 = arith.index_cast %swap3A_858 : i32 to index
            %swap3A_860 = arith.index_cast %add3A_851 : i32 to index
            %swap3A_861 = arith.constant 16 : index
            %swap3A_862 = tpu.vector_load %arg6[%swap3A_859, %swap3A_860, %swap3A_861] {strides = array<i32>} : memref<4x256x64xf32, #tpu.memory_space<vmem>>, vector<1x1x16xf32>,
            %swap3A_863 = vector.shape_cast %swap3A_862 : vector<1x1x16xf32> to vector<16xf32>
            %swap3A_864 = vector.shape_cast %broadcast_in_dim3A_689 : vector<16xf32> to vector<1x1x16xf32>
            tpu.vector_store %arg6[%swap3A_859, %swap3A_860, %swap3A_861], %swap3A_864 {strides = array<i32>} : memref<4x256x64xf32, #tpu.memory_space<vmem>>, vector<1x1x16xf32>,
            %swap3A_865 = arith.constant 2 : i32
            %swap3A_866 = arith.index_cast %swap3A_865 : i32 to index
            %swap3A_867 = arith.index_cast %add3A_851 : i32 to index
            %swap3A_868 = arith.constant 32 : index
            %swap3A_869 = tpu.vector_load %arg6[%swap3A_866, %swap3A_867, %swap3A_868] {strides = array<i32>} : memref<4x256x64xf32, #tpu.memory_space<vmem>>, vector<1x1x16xf32>,
            %swap3A_870 = vector.shape_cast %swap3A_869 : vector<1x1x16xf32> to vector<16xf32>
            %swap3A_871 = vector.shape_cast %broadcast_in_dim3A_689 : vector<16xf32> to vector<1x1x16xf32>
            tpu.vector_store %arg6[%swap3A_866, %swap3A_867, %swap3A_868], %swap3A_871 {strides = array<i32>} : memref<4x256x64xf32, #tpu.memory_space<vmem>>, vector<1x1x16xf32>,
            %swap3A_872 = arith.constant 2 : i32
            %swap3A_873 = arith.index_cast %swap3A_872 : i32 to index
            %swap3A_874 = arith.index_cast %add3A_851 : i32 to index
            %swap3A_875 = arith.constant 48 : index
            %swap3A_876 = tpu.vector_load %arg6[%swap3A_873, %swap3A_874, %swap3A_875] {strides = array<i32>} : memref<4x256x64xf32, #tpu.memory_space<vmem>>, vector<1x1x16xf32>,
            %swap3A_877 = vector.shape_cast %swap3A_876 : vector<1x1x16xf32> to vector<16xf32>
            %swap3A_878 = vector.shape_cast %broadcast_in_dim3A_689 : vector<16xf32> to vector<1x1x16xf32>
            tpu.vector_store %arg6[%swap3A_873, %swap3A_874, %swap3A_875], %swap3A_878 {strides = array<i32>} : memref<4x256x64xf32, #tpu.memory_space<vmem>>, vector<1x1x16xf32>,
          } else {
          }
          %slice3A_778 = vector.extract_strided_slice %get3A_735 {offsets = [6], sizes = [1], strides = [1]} : vector<16xi32> to vector<1xi32>
          %squeeze3A_779 = vector.extract %slice3A_778[0] : i32 from vector<1xi32>
          %eq3A_780 = arith.constant 0 : i32
          %eq3A_781 = arith.cmpi eq, %squeeze3A_779, %eq3A_780 : i32
          %convert_element_type3A_782 = arith.extui %eq3A_781 : i1 to i32
          %cond3A_783 = arith.constant 0 : i32
          %cond3A_784 = arith.cmpi ne, %convert_element_type3A_782, %cond3A_783 : i32
          scf.if %cond3A_784 {
            %mul3A_848 = arith.constant 16 : i32
            %mul3A_849 = arith.muli %scan3A_696, %mul3A_848 : i32
            %add3A_850 = arith.constant 6 : i32
            %add3A_851 = arith.addi %mul3A_849, %add3A_850 : i32
            %swap3A = arith.constant 2 : i32
            %swap3A_852 = arith.index_cast %swap3A : i32 to index
            %swap3A_853 = arith.index_cast %add3A_851 : i32 to index
            %swap3A_854 = arith.constant 0 : index
            %swap3A_855 = tpu.vector_load %arg6[%swap3A_852, %swap3A_853, %swap3A_854] {strides = array<i32>} : memref<4x256x64xf32, #tpu.memory_space<vmem>>, vector<1x1x16xf32>,
            %swap3A_856 = vector.shape_cast %swap3A_855 : vector<1x1x16xf32> to vector<16xf32>
            %swap3A_857 = vector.shape_cast %broadcast_in_dim3A_689 : vector<16xf32> to vector<1x1x16xf32>
            tpu.vector_store %arg6[%swap3A_852, %swap3A_853, %swap3A_854], %swap3A_857 {strides = array<i32>} : memref<4x256x64xf32, #tpu.memory_space<vmem>>, vector<1x1x16xf32>,
            %swap3A_858 = arith.constant 2 : i32
            %swap3A_859 = arith.index_cast %swap3A_858 : i32 to index
            %swap3A_860 = arith.index_cast %add3A_851 : i32 to index
            %swap3A_861 = arith.constant 16 : index
            %swap3A_862 = tpu.vector_load %arg6[%swap3A_859, %swap3A_860, %swap3A_861] {strides = array<i32>} : memref<4x256x64xf32, #tpu.memory_space<vmem>>, vector<1x1x16xf32>,
            %swap3A_863 = vector.shape_cast %swap3A_862 : vector<1x1x16xf32> to vector<16xf32>
            %swap3A_864 = vector.shape_cast %broadcast_in_dim3A_689 : vector<16xf32> to vector<1x1x16xf32>
            tpu.vector_store %arg6[%swap3A_859, %swap3A_860, %swap3A_861], %swap3A_864 {strides = array<i32>} : memref<4x256x64xf32, #tpu.memory_space<vmem>>, vector<1x1x16xf32>,
            %swap3A_865 = arith.constant 2 : i32
            %swap3A_866 = arith.index_cast %swap3A_865 : i32 to index
            %swap3A_867 = arith.index_cast %add3A_851 : i32 to index
            %swap3A_868 = arith.constant 32 : index
            %swap3A_869 = tpu.vector_load %arg6[%swap3A_866, %swap3A_867, %swap3A_868] {strides = array<i32>} : memref<4x256x64xf32, #tpu.memory_space<vmem>>, vector<1x1x16xf32>,
            %swap3A_870 = vector.shape_cast %swap3A_869 : vector<1x1x16xf32> to vector<16xf32>
            %swap3A_871 = vector.shape_cast %broadcast_in_dim3A_689 : vector<16xf32> to vector<1x1x16xf32>
            tpu.vector_store %arg6[%swap3A_866, %swap3A_867, %swap3A_868], %swap3A_871 {strides = array<i32>} : memref<4x256x64xf32, #tpu.memory_space<vmem>>, vector<1x1x16xf32>,
            %swap3A_872 = arith.constant 2 : i32
            %swap3A_873 = arith.index_cast %swap3A_872 : i32 to index
            %swap3A_874 = arith.index_cast %add3A_851 : i32 to index
            %swap3A_875 = arith.constant 48 : index
            %swap3A_876 = tpu.vector_load %arg6[%swap3A_873, %swap3A_874, %swap3A_875] {strides = array<i32>} : memref<4x256x64xf32, #tpu.memory_space<vmem>>, vector<1x1x16xf32>,
            %swap3A_877 = vector.shape_cast %swap3A_876 : vector<1x1x16xf32> to vector<16xf32>
            %swap3A_878 = vector.shape_cast %broadcast_in_dim3A_689 : vector<16xf32> to vector<1x1x16xf32>
            tpu.vector_store %arg6[%swap3A_873, %swap3A_874, %swap3A_875], %swap3A_878 {strides = array<i32>} : memref<4x256x64xf32, #tpu.memory_space<vmem>>, vector<1x1x16xf32>,
          } else {
          }
          %slice3A_785 = vector.extract_strided_slice %get3A_735 {offsets = [7], sizes = [1], strides = [1]} : vector<16xi32> to vector<1xi32>
          %squeeze3A_786 = vector.extract %slice3A_785[0] : i32 from vector<1xi32>
          %eq3A_787 = arith.constant 0 : i32
          %eq3A_788 = arith.cmpi eq, %squeeze3A_786, %eq3A_787 : i32
          %convert_element_type3A_789 = arith.extui %eq3A_788 : i1 to i32
          %cond3A_790 = arith.constant 0 : i32
          %cond3A_791 = arith.cmpi ne, %convert_element_type3A_789, %cond3A_790 : i32
          scf.if %cond3A_791 {
            %mul3A_848 = arith.constant 16 : i32
            %mul3A_849 = arith.muli %scan3A_696, %mul3A_848 : i32
            %add3A_850 = arith.constant 7 : i32
            %add3A_851 = arith.addi %mul3A_849, %add3A_850 : i32
            %swap3A = arith.constant 2 : i32
            %swap3A_852 = arith.index_cast %swap3A : i32 to index
            %swap3A_853 = arith.index_cast %add3A_851 : i32 to index
            %swap3A_854 = arith.constant 0 : index
            %swap3A_855 = tpu.vector_load %arg6[%swap3A_852, %swap3A_853, %swap3A_854] {strides = array<i32>} : memref<4x256x64xf32, #tpu.memory_space<vmem>>, vector<1x1x16xf32>,
            %swap3A_856 = vector.shape_cast %swap3A_855 : vector<1x1x16xf32> to vector<16xf32>
            %swap3A_857 = vector.shape_cast %broadcast_in_dim3A_689 : vector<16xf32> to vector<1x1x16xf32>
            tpu.vector_store %arg6[%swap3A_852, %swap3A_853, %swap3A_854], %swap3A_857 {strides = array<i32>} : memref<4x256x64xf32, #tpu.memory_space<vmem>>, vector<1x1x16xf32>,
            %swap3A_858 = arith.constant 2 : i32
            %swap3A_859 = arith.index_cast %swap3A_858 : i32 to index
            %swap3A_860 = arith.index_cast %add3A_851 : i32 to index
            %swap3A_861 = arith.constant 16 : index
            %swap3A_862 = tpu.vector_load %arg6[%swap3A_859, %swap3A_860, %swap3A_861] {strides = array<i32>} : memref<4x256x64xf32, #tpu.memory_space<vmem>>, vector<1x1x16xf32>,
            %swap3A_863 = vector.shape_cast %swap3A_862 : vector<1x1x16xf32> to vector<16xf32>
            %swap3A_864 = vector.shape_cast %broadcast_in_dim3A_689 : vector<16xf32> to vector<1x1x16xf32>
            tpu.vector_store %arg6[%swap3A_859, %swap3A_860, %swap3A_861], %swap3A_864 {strides = array<i32>} : memref<4x256x64xf32, #tpu.memory_space<vmem>>, vector<1x1x16xf32>,
            %swap3A_865 = arith.constant 2 : i32
            %swap3A_866 = arith.index_cast %swap3A_865 : i32 to index
            %swap3A_867 = arith.index_cast %add3A_851 : i32 to index
            %swap3A_868 = arith.constant 32 : index
            %swap3A_869 = tpu.vector_load %arg6[%swap3A_866, %swap3A_867, %swap3A_868] {strides = array<i32>} : memref<4x256x64xf32, #tpu.memory_space<vmem>>, vector<1x1x16xf32>,
            %swap3A_870 = vector.shape_cast %swap3A_869 : vector<1x1x16xf32> to vector<16xf32>
            %swap3A_871 = vector.shape_cast %broadcast_in_dim3A_689 : vector<16xf32> to vector<1x1x16xf32>
            tpu.vector_store %arg6[%swap3A_866, %swap3A_867, %swap3A_868], %swap3A_871 {strides = array<i32>} : memref<4x256x64xf32, #tpu.memory_space<vmem>>, vector<1x1x16xf32>,
            %swap3A_872 = arith.constant 2 : i32
            %swap3A_873 = arith.index_cast %swap3A_872 : i32 to index
            %swap3A_874 = arith.index_cast %add3A_851 : i32 to index
            %swap3A_875 = arith.constant 48 : index
            %swap3A_876 = tpu.vector_load %arg6[%swap3A_873, %swap3A_874, %swap3A_875] {strides = array<i32>} : memref<4x256x64xf32, #tpu.memory_space<vmem>>, vector<1x1x16xf32>,
            %swap3A_877 = vector.shape_cast %swap3A_876 : vector<1x1x16xf32> to vector<16xf32>
            %swap3A_878 = vector.shape_cast %broadcast_in_dim3A_689 : vector<16xf32> to vector<1x1x16xf32>
            tpu.vector_store %arg6[%swap3A_873, %swap3A_874, %swap3A_875], %swap3A_878 {strides = array<i32>} : memref<4x256x64xf32, #tpu.memory_space<vmem>>, vector<1x1x16xf32>,
          } else {
          }
          %slice3A_792 = vector.extract_strided_slice %get3A_735 {offsets = [8], sizes = [1], strides = [1]} : vector<16xi32> to vector<1xi32>
          %squeeze3A_793 = vector.extract %slice3A_792[0] : i32 from vector<1xi32>
          %eq3A_794 = arith.constant 0 : i32
          %eq3A_795 = arith.cmpi eq, %squeeze3A_793, %eq3A_794 : i32
          %convert_element_type3A_796 = arith.extui %eq3A_795 : i1 to i32
          %cond3A_797 = arith.constant 0 : i32
          %cond3A_798 = arith.cmpi ne, %convert_element_type3A_796, %cond3A_797 : i32
          scf.if %cond3A_798 {
            %mul3A_848 = arith.constant 16 : i32
            %mul3A_849 = arith.muli %scan3A_696, %mul3A_848 : i32
            %add3A_850 = arith.constant 8 : i32
            %add3A_851 = arith.addi %mul3A_849, %add3A_850 : i32
            %swap3A = arith.constant 2 : i32
            %swap3A_852 = arith.index_cast %swap3A : i32 to index
            %swap3A_853 = arith.index_cast %add3A_851 : i32 to index
            %swap3A_854 = arith.constant 0 : index
            %swap3A_855 = tpu.vector_load %arg6[%swap3A_852, %swap3A_853, %swap3A_854] {strides = array<i32>} : memref<4x256x64xf32, #tpu.memory_space<vmem>>, vector<1x1x16xf32>,
            %swap3A_856 = vector.shape_cast %swap3A_855 : vector<1x1x16xf32> to vector<16xf32>
            %swap3A_857 = vector.shape_cast %broadcast_in_dim3A_689 : vector<16xf32> to vector<1x1x16xf32>
            tpu.vector_store %arg6[%swap3A_852, %swap3A_853, %swap3A_854], %swap3A_857 {strides = array<i32>} : memref<4x256x64xf32, #tpu.memory_space<vmem>>, vector<1x1x16xf32>,
            %swap3A_858 = arith.constant 2 : i32
            %swap3A_859 = arith.index_cast %swap3A_858 : i32 to index
            %swap3A_860 = arith.index_cast %add3A_851 : i32 to index
            %swap3A_861 = arith.constant 16 : index
            %swap3A_862 = tpu.vector_load %arg6[%swap3A_859, %swap3A_860, %swap3A_861] {strides = array<i32>} : memref<4x256x64xf32, #tpu.memory_space<vmem>>, vector<1x1x16xf32>,
            %swap3A_863 = vector.shape_cast %swap3A_862 : vector<1x1x16xf32> to vector<16xf32>
            %swap3A_864 = vector.shape_cast %broadcast_in_dim3A_689 : vector<16xf32> to vector<1x1x16xf32>
            tpu.vector_store %arg6[%swap3A_859, %swap3A_860, %swap3A_861], %swap3A_864 {strides = array<i32>} : memref<4x256x64xf32, #tpu.memory_space<vmem>>, vector<1x1x16xf32>,
            %swap3A_865 = arith.constant 2 : i32
            %swap3A_866 = arith.index_cast %swap3A_865 : i32 to index
            %swap3A_867 = arith.index_cast %add3A_851 : i32 to index
            %swap3A_868 = arith.constant 32 : index
            %swap3A_869 = tpu.vector_load %arg6[%swap3A_866, %swap3A_867, %swap3A_868] {strides = array<i32>} : memref<4x256x64xf32, #tpu.memory_space<vmem>>, vector<1x1x16xf32>,
            %swap3A_870 = vector.shape_cast %swap3A_869 : vector<1x1x16xf32> to vector<16xf32>
            %swap3A_871 = vector.shape_cast %broadcast_in_dim3A_689 : vector<16xf32> to vector<1x1x16xf32>
            tpu.vector_store %arg6[%swap3A_866, %swap3A_867, %swap3A_868], %swap3A_871 {strides = array<i32>} : memref<4x256x64xf32, #tpu.memory_space<vmem>>, vector<1x1x16xf32>,
            %swap3A_872 = arith.constant 2 : i32
            %swap3A_873 = arith.index_cast %swap3A_872 : i32 to index
            %swap3A_874 = arith.index_cast %add3A_851 : i32 to index
            %swap3A_875 = arith.constant 48 : index
            %swap3A_876 = tpu.vector_load %arg6[%swap3A_873, %swap3A_874, %swap3A_875] {strides = array<i32>} : memref<4x256x64xf32, #tpu.memory_space<vmem>>, vector<1x1x16xf32>,
            %swap3A_877 = vector.shape_cast %swap3A_876 : vector<1x1x16xf32> to vector<16xf32>
            %swap3A_878 = vector.shape_cast %broadcast_in_dim3A_689 : vector<16xf32> to vector<1x1x16xf32>
            tpu.vector_store %arg6[%swap3A_873, %swap3A_874, %swap3A_875], %swap3A_878 {strides = array<i32>} : memref<4x256x64xf32, #tpu.memory_space<vmem>>, vector<1x1x16xf32>,
          } else {
          }
          %slice3A_799 = vector.extract_strided_slice %get3A_735 {offsets = [9], sizes = [1], strides = [1]} : vector<16xi32> to vector<1xi32>
          %squeeze3A_800 = vector.extract %slice3A_799[0] : i32 from vector<1xi32>
          %eq3A_801 = arith.constant 0 : i32
          %eq3A_802 = arith.cmpi eq, %squeeze3A_800, %eq3A_801 : i32
          %convert_element_type3A_803 = arith.extui %eq3A_802 : i1 to i32
          %cond3A_804 = arith.constant 0 : i32
          %cond3A_805 = arith.cmpi ne, %convert_element_type3A_803, %cond3A_804 : i32
          scf.if %cond3A_805 {
            %mul3A_848 = arith.constant 16 : i32
            %mul3A_849 = arith.muli %scan3A_696, %mul3A_848 : i32
            %add3A_850 = arith.constant 9 : i32
            %add3A_851 = arith.addi %mul3A_849, %add3A_850 : i32
            %swap3A = arith.constant 2 : i32
            %swap3A_852 = arith.index_cast %swap3A : i32 to index
            %swap3A_853 = arith.index_cast %add3A_851 : i32 to index
            %swap3A_854 = arith.constant 0 : index
            %swap3A_855 = tpu.vector_load %arg6[%swap3A_852, %swap3A_853, %swap3A_854] {strides = array<i32>} : memref<4x256x64xf32, #tpu.memory_space<vmem>>, vector<1x1x16xf32>,
            %swap3A_856 = vector.shape_cast %swap3A_855 : vector<1x1x16xf32> to vector<16xf32>
            %swap3A_857 = vector.shape_cast %broadcast_in_dim3A_689 : vector<16xf32> to vector<1x1x16xf32>
            tpu.vector_store %arg6[%swap3A_852, %swap3A_853, %swap3A_854], %swap3A_857 {strides = array<i32>} : memref<4x256x64xf32, #tpu.memory_space<vmem>>, vector<1x1x16xf32>,
            %swap3A_858 = arith.constant 2 : i32
            %swap3A_859 = arith.index_cast %swap3A_858 : i32 to index
            %swap3A_860 = arith.index_cast %add3A_851 : i32 to index
            %swap3A_861 = arith.constant 16 : index
            %swap3A_862 = tpu.vector_load %arg6[%swap3A_859, %swap3A_860, %swap3A_861] {strides = array<i32>} : memref<4x256x64xf32, #tpu.memory_space<vmem>>, vector<1x1x16xf32>,
            %swap3A_863 = vector.shape_cast %swap3A_862 : vector<1x1x16xf32> to vector<16xf32>
            %swap3A_864 = vector.shape_cast %broadcast_in_dim3A_689 : vector<16xf32> to vector<1x1x16xf32>
            tpu.vector_store %arg6[%swap3A_859, %swap3A_860, %swap3A_861], %swap3A_864 {strides = array<i32>} : memref<4x256x64xf32, #tpu.memory_space<vmem>>, vector<1x1x16xf32>,
            %swap3A_865 = arith.constant 2 : i32
            %swap3A_866 = arith.index_cast %swap3A_865 : i32 to index
            %swap3A_867 = arith.index_cast %add3A_851 : i32 to index
            %swap3A_868 = arith.constant 32 : index
            %swap3A_869 = tpu.vector_load %arg6[%swap3A_866, %swap3A_867, %swap3A_868] {strides = array<i32>} : memref<4x256x64xf32, #tpu.memory_space<vmem>>, vector<1x1x16xf32>,
            %swap3A_870 = vector.shape_cast %swap3A_869 : vector<1x1x16xf32> to vector<16xf32>
            %swap3A_871 = vector.shape_cast %broadcast_in_dim3A_689 : vector<16xf32> to vector<1x1x16xf32>
            tpu.vector_store %arg6[%swap3A_866, %swap3A_867, %swap3A_868], %swap3A_871 {strides = array<i32>} : memref<4x256x64xf32, #tpu.memory_space<vmem>>, vector<1x1x16xf32>,
            %swap3A_872 = arith.constant 2 : i32
            %swap3A_873 = arith.index_cast %swap3A_872 : i32 to index
            %swap3A_874 = arith.index_cast %add3A_851 : i32 to index
            %swap3A_875 = arith.constant 48 : index
            %swap3A_876 = tpu.vector_load %arg6[%swap3A_873, %swap3A_874, %swap3A_875] {strides = array<i32>} : memref<4x256x64xf32, #tpu.memory_space<vmem>>, vector<1x1x16xf32>,
            %swap3A_877 = vector.shape_cast %swap3A_876 : vector<1x1x16xf32> to vector<16xf32>
            %swap3A_878 = vector.shape_cast %broadcast_in_dim3A_689 : vector<16xf32> to vector<1x1x16xf32>
            tpu.vector_store %arg6[%swap3A_873, %swap3A_874, %swap3A_875], %swap3A_878 {strides = array<i32>} : memref<4x256x64xf32, #tpu.memory_space<vmem>>, vector<1x1x16xf32>,
          } else {
          }
          %slice3A_806 = vector.extract_strided_slice %get3A_735 {offsets = [10], sizes = [1], strides = [1]} : vector<16xi32> to vector<1xi32>
          %squeeze3A_807 = vector.extract %slice3A_806[0] : i32 from vector<1xi32>
          %eq3A_808 = arith.constant 0 : i32
          %eq3A_809 = arith.cmpi eq, %squeeze3A_807, %eq3A_808 : i32
          %convert_element_type3A_810 = arith.extui %eq3A_809 : i1 to i32
          %cond3A_811 = arith.constant 0 : i32
          %cond3A_812 = arith.cmpi ne, %convert_element_type3A_810, %cond3A_811 : i32
          scf.if %cond3A_812 {
            %mul3A_848 = arith.constant 16 : i32
            %mul3A_849 = arith.muli %scan3A_696, %mul3A_848 : i32
            %add3A_850 = arith.constant 10 : i32
            %add3A_851 = arith.addi %mul3A_849, %add3A_850 : i32
            %swap3A = arith.constant 2 : i32
            %swap3A_852 = arith.index_cast %swap3A : i32 to index
            %swap3A_853 = arith.index_cast %add3A_851 : i32 to index
            %swap3A_854 = arith.constant 0 : index
            %swap3A_855 = tpu.vector_load %arg6[%swap3A_852, %swap3A_853, %swap3A_854] {strides = array<i32>} : memref<4x256x64xf32, #tpu.memory_space<vmem>>, vector<1x1x16xf32>,
            %swap3A_856 = vector.shape_cast %swap3A_855 : vector<1x1x16xf32> to vector<16xf32>
            %swap3A_857 = vector.shape_cast %broadcast_in_dim3A_689 : vector<16xf32> to vector<1x1x16xf32>
            tpu.vector_store %arg6[%swap3A_852, %swap3A_853, %swap3A_854], %swap3A_857 {strides = array<i32>} : memref<4x256x64xf32, #tpu.memory_space<vmem>>, vector<1x1x16xf32>,
            %swap3A_858 = arith.constant 2 : i32
            %swap3A_859 = arith.index_cast %swap3A_858 : i32 to index
            %swap3A_860 = arith.index_cast %add3A_851 : i32 to index
            %swap3A_861 = arith.constant 16 : index
            %swap3A_862 = tpu.vector_load %arg6[%swap3A_859, %swap3A_860, %swap3A_861] {strides = array<i32>} : memref<4x256x64xf32, #tpu.memory_space<vmem>>, vector<1x1x16xf32>,
            %swap3A_863 = vector.shape_cast %swap3A_862 : vector<1x1x16xf32> to vector<16xf32>
            %swap3A_864 = vector.shape_cast %broadcast_in_dim3A_689 : vector<16xf32> to vector<1x1x16xf32>
            tpu.vector_store %arg6[%swap3A_859, %swap3A_860, %swap3A_861], %swap3A_864 {strides = array<i32>} : memref<4x256x64xf32, #tpu.memory_space<vmem>>, vector<1x1x16xf32>,
            %swap3A_865 = arith.constant 2 : i32
            %swap3A_866 = arith.index_cast %swap3A_865 : i32 to index
            %swap3A_867 = arith.index_cast %add3A_851 : i32 to index
            %swap3A_868 = arith.constant 32 : index
            %swap3A_869 = tpu.vector_load %arg6[%swap3A_866, %swap3A_867, %swap3A_868] {strides = array<i32>} : memref<4x256x64xf32, #tpu.memory_space<vmem>>, vector<1x1x16xf32>,
            %swap3A_870 = vector.shape_cast %swap3A_869 : vector<1x1x16xf32> to vector<16xf32>
            %swap3A_871 = vector.shape_cast %broadcast_in_dim3A_689 : vector<16xf32> to vector<1x1x16xf32>
            tpu.vector_store %arg6[%swap3A_866, %swap3A_867, %swap3A_868], %swap3A_871 {strides = array<i32>} : memref<4x256x64xf32, #tpu.memory_space<vmem>>, vector<1x1x16xf32>,
            %swap3A_872 = arith.constant 2 : i32
            %swap3A_873 = arith.index_cast %swap3A_872 : i32 to index
            %swap3A_874 = arith.index_cast %add3A_851 : i32 to index
            %swap3A_875 = arith.constant 48 : index
            %swap3A_876 = tpu.vector_load %arg6[%swap3A_873, %swap3A_874, %swap3A_875] {strides = array<i32>} : memref<4x256x64xf32, #tpu.memory_space<vmem>>, vector<1x1x16xf32>,
            %swap3A_877 = vector.shape_cast %swap3A_876 : vector<1x1x16xf32> to vector<16xf32>
            %swap3A_878 = vector.shape_cast %broadcast_in_dim3A_689 : vector<16xf32> to vector<1x1x16xf32>
            tpu.vector_store %arg6[%swap3A_873, %swap3A_874, %swap3A_875], %swap3A_878 {strides = array<i32>} : memref<4x256x64xf32, #tpu.memory_space<vmem>>, vector<1x1x16xf32>,
          } else {
          }
          %slice3A_813 = vector.extract_strided_slice %get3A_735 {offsets = [11], sizes = [1], strides = [1]} : vector<16xi32> to vector<1xi32>
          %squeeze3A_814 = vector.extract %slice3A_813[0] : i32 from vector<1xi32>
          %eq3A_815 = arith.constant 0 : i32
          %eq3A_816 = arith.cmpi eq, %squeeze3A_814, %eq3A_815 : i32
          %convert_element_type3A_817 = arith.extui %eq3A_816 : i1 to i32
          %cond3A_818 = arith.constant 0 : i32
          %cond3A_819 = arith.cmpi ne, %convert_element_type3A_817, %cond3A_818 : i32
          scf.if %cond3A_819 {
            %mul3A_848 = arith.constant 16 : i32
            %mul3A_849 = arith.muli %scan3A_696, %mul3A_848 : i32
            %add3A_850 = arith.constant 11 : i32
            %add3A_851 = arith.addi %mul3A_849, %add3A_850 : i32
            %swap3A = arith.constant 2 : i32
            %swap3A_852 = arith.index_cast %swap3A : i32 to index
            %swap3A_853 = arith.index_cast %add3A_851 : i32 to index
            %swap3A_854 = arith.constant 0 : index
            %swap3A_855 = tpu.vector_load %arg6[%swap3A_852, %swap3A_853, %swap3A_854] {strides = array<i32>} : memref<4x256x64xf32, #tpu.memory_space<vmem>>, vector<1x1x16xf32>,
            %swap3A_856 = vector.shape_cast %swap3A_855 : vector<1x1x16xf32> to vector<16xf32>
            %swap3A_857 = vector.shape_cast %broadcast_in_dim3A_689 : vector<16xf32> to vector<1x1x16xf32>
            tpu.vector_store %arg6[%swap3A_852, %swap3A_853, %swap3A_854], %swap3A_857 {strides = array<i32>} : memref<4x256x64xf32, #tpu.memory_space<vmem>>, vector<1x1x16xf32>,
            %swap3A_858 = arith.constant 2 : i32
            %swap3A_859 = arith.index_cast %swap3A_858 : i32 to index
            %swap3A_860 = arith.index_cast %add3A_851 : i32 to index
            %swap3A_861 = arith.constant 16 : index
            %swap3A_862 = tpu.vector_load %arg6[%swap3A_859, %swap3A_860, %swap3A_861] {strides = array<i32>} : memref<4x256x64xf32, #tpu.memory_space<vmem>>, vector<1x1x16xf32>,
            %swap3A_863 = vector.shape_cast %swap3A_862 : vector<1x1x16xf32> to vector<16xf32>
            %swap3A_864 = vector.shape_cast %broadcast_in_dim3A_689 : vector<16xf32> to vector<1x1x16xf32>
            tpu.vector_store %arg6[%swap3A_859, %swap3A_860, %swap3A_861], %swap3A_864 {strides = array<i32>} : memref<4x256x64xf32, #tpu.memory_space<vmem>>, vector<1x1x16xf32>,
            %swap3A_865 = arith.constant 2 : i32
            %swap3A_866 = arith.index_cast %swap3A_865 : i32 to index
            %swap3A_867 = arith.index_cast %add3A_851 : i32 to index
            %swap3A_868 = arith.constant 32 : index
            %swap3A_869 = tpu.vector_load %arg6[%swap3A_866, %swap3A_867, %swap3A_868] {strides = array<i32>} : memref<4x256x64xf32, #tpu.memory_space<vmem>>, vector<1x1x16xf32>,
            %swap3A_870 = vector.shape_cast %swap3A_869 : vector<1x1x16xf32> to vector<16xf32>
            %swap3A_871 = vector.shape_cast %broadcast_in_dim3A_689 : vector<16xf32> to vector<1x1x16xf32>
            tpu.vector_store %arg6[%swap3A_866, %swap3A_867, %swap3A_868], %swap3A_871 {strides = array<i32>} : memref<4x256x64xf32, #tpu.memory_space<vmem>>, vector<1x1x16xf32>,
            %swap3A_872 = arith.constant 2 : i32
            %swap3A_873 = arith.index_cast %swap3A_872 : i32 to index
            %swap3A_874 = arith.index_cast %add3A_851 : i32 to index
            %swap3A_875 = arith.constant 48 : index
            %swap3A_876 = tpu.vector_load %arg6[%swap3A_873, %swap3A_874, %swap3A_875] {strides = array<i32>} : memref<4x256x64xf32, #tpu.memory_space<vmem>>, vector<1x1x16xf32>,
            %swap3A_877 = vector.shape_cast %swap3A_876 : vector<1x1x16xf32> to vector<16xf32>
            %swap3A_878 = vector.shape_cast %broadcast_in_dim3A_689 : vector<16xf32> to vector<1x1x16xf32>
            tpu.vector_store %arg6[%swap3A_873, %swap3A_874, %swap3A_875], %swap3A_878 {strides = array<i32>} : memref<4x256x64xf32, #tpu.memory_space<vmem>>, vector<1x1x16xf32>,
          } else {
          }
          %slice3A_820 = vector.extract_strided_slice %get3A_735 {offsets = [12], sizes = [1], strides = [1]} : vector<16xi32> to vector<1xi32>
          %squeeze3A_821 = vector.extract %slice3A_820[0] : i32 from vector<1xi32>
          %eq3A_822 = arith.constant 0 : i32
          %eq3A_823 = arith.cmpi eq, %squeeze3A_821, %eq3A_822 : i32
          %convert_element_type3A_824 = arith.extui %eq3A_823 : i1 to i32
          %cond3A_825 = arith.constant 0 : i32
          %cond3A_826 = arith.cmpi ne, %convert_element_type3A_824, %cond3A_825 : i32
          scf.if %cond3A_826 {
            %mul3A_848 = arith.constant 16 : i32
            %mul3A_849 = arith.muli %scan3A_696, %mul3A_848 : i32
            %add3A_850 = arith.constant 12 : i32
            %add3A_851 = arith.addi %mul3A_849, %add3A_850 : i32
            %swap3A = arith.constant 2 : i32
            %swap3A_852 = arith.index_cast %swap3A : i32 to index
            %swap3A_853 = arith.index_cast %add3A_851 : i32 to index
            %swap3A_854 = arith.constant 0 : index
            %swap3A_855 = tpu.vector_load %arg6[%swap3A_852, %swap3A_853, %swap3A_854] {strides = array<i32>} : memref<4x256x64xf32, #tpu.memory_space<vmem>>, vector<1x1x16xf32>,
            %swap3A_856 = vector.shape_cast %swap3A_855 : vector<1x1x16xf32> to vector<16xf32>
            %swap3A_857 = vector.shape_cast %broadcast_in_dim3A_689 : vector<16xf32> to vector<1x1x16xf32>
            tpu.vector_store %arg6[%swap3A_852, %swap3A_853, %swap3A_854], %swap3A_857 {strides = array<i32>} : memref<4x256x64xf32, #tpu.memory_space<vmem>>, vector<1x1x16xf32>,
            %swap3A_858 = arith.constant 2 : i32
            %swap3A_859 = arith.index_cast %swap3A_858 : i32 to index
            %swap3A_860 = arith.index_cast %add3A_851 : i32 to index
            %swap3A_861 = arith.constant 16 : index
            %swap3A_862 = tpu.vector_load %arg6[%swap3A_859, %swap3A_860, %swap3A_861] {strides = array<i32>} : memref<4x256x64xf32, #tpu.memory_space<vmem>>, vector<1x1x16xf32>,
            %swap3A_863 = vector.shape_cast %swap3A_862 : vector<1x1x16xf32> to vector<16xf32>
            %swap3A_864 = vector.shape_cast %broadcast_in_dim3A_689 : vector<16xf32> to vector<1x1x16xf32>
            tpu.vector_store %arg6[%swap3A_859, %swap3A_860, %swap3A_861], %swap3A_864 {strides = array<i32>} : memref<4x256x64xf32, #tpu.memory_space<vmem>>, vector<1x1x16xf32>,
            %swap3A_865 = arith.constant 2 : i32
            %swap3A_866 = arith.index_cast %swap3A_865 : i32 to index
            %swap3A_867 = arith.index_cast %add3A_851 : i32 to index
            %swap3A_868 = arith.constant 32 : index
            %swap3A_869 = tpu.vector_load %arg6[%swap3A_866, %swap3A_867, %swap3A_868] {strides = array<i32>} : memref<4x256x64xf32, #tpu.memory_space<vmem>>, vector<1x1x16xf32>,
            %swap3A_870 = vector.shape_cast %swap3A_869 : vector<1x1x16xf32> to vector<16xf32>
            %swap3A_871 = vector.shape_cast %broadcast_in_dim3A_689 : vector<16xf32> to vector<1x1x16xf32>
            tpu.vector_store %arg6[%swap3A_866, %swap3A_867, %swap3A_868], %swap3A_871 {strides = array<i32>} : memref<4x256x64xf32, #tpu.memory_space<vmem>>, vector<1x1x16xf32>,
            %swap3A_872 = arith.constant 2 : i32
            %swap3A_873 = arith.index_cast %swap3A_872 : i32 to index
            %swap3A_874 = arith.index_cast %add3A_851 : i32 to index
            %swap3A_875 = arith.constant 48 : index
            %swap3A_876 = tpu.vector_load %arg6[%swap3A_873, %swap3A_874, %swap3A_875] {strides = array<i32>} : memref<4x256x64xf32, #tpu.memory_space<vmem>>, vector<1x1x16xf32>,
            %swap3A_877 = vector.shape_cast %swap3A_876 : vector<1x1x16xf32> to vector<16xf32>
            %swap3A_878 = vector.shape_cast %broadcast_in_dim3A_689 : vector<16xf32> to vector<1x1x16xf32>
            tpu.vector_store %arg6[%swap3A_873, %swap3A_874, %swap3A_875], %swap3A_878 {strides = array<i32>} : memref<4x256x64xf32, #tpu.memory_space<vmem>>, vector<1x1x16xf32>,
          } else {
          }
          %slice3A_827 = vector.extract_strided_slice %get3A_735 {offsets = [13], sizes = [1], strides = [1]} : vector<16xi32> to vector<1xi32>
          %squeeze3A_828 = vector.extract %slice3A_827[0] : i32 from vector<1xi32>
          %eq3A_829 = arith.constant 0 : i32
          %eq3A_830 = arith.cmpi eq, %squeeze3A_828, %eq3A_829 : i32
          %convert_element_type3A_831 = arith.extui %eq3A_830 : i1 to i32
          %cond3A_832 = arith.constant 0 : i32
          %cond3A_833 = arith.cmpi ne, %convert_element_type3A_831, %cond3A_832 : i32
          scf.if %cond3A_833 {
            %mul3A_848 = arith.constant 16 : i32
            %mul3A_849 = arith.muli %scan3A_696, %mul3A_848 : i32
            %add3A_850 = arith.constant 13 : i32
            %add3A_851 = arith.addi %mul3A_849, %add3A_850 : i32
            %swap3A = arith.constant 2 : i32
            %swap3A_852 = arith.index_cast %swap3A : i32 to index
            %swap3A_853 = arith.index_cast %add3A_851 : i32 to index
            %swap3A_854 = arith.constant 0 : index
            %swap3A_855 = tpu.vector_load %arg6[%swap3A_852, %swap3A_853, %swap3A_854] {strides = array<i32>} : memref<4x256x64xf32, #tpu.memory_space<vmem>>, vector<1x1x16xf32>,
            %swap3A_856 = vector.shape_cast %swap3A_855 : vector<1x1x16xf32> to vector<16xf32>
            %swap3A_857 = vector.shape_cast %broadcast_in_dim3A_689 : vector<16xf32> to vector<1x1x16xf32>
            tpu.vector_store %arg6[%swap3A_852, %swap3A_853, %swap3A_854], %swap3A_857 {strides = array<i32>} : memref<4x256x64xf32, #tpu.memory_space<vmem>>, vector<1x1x16xf32>,
            %swap3A_858 = arith.constant 2 : i32
            %swap3A_859 = arith.index_cast %swap3A_858 : i32 to index
            %swap3A_860 = arith.index_cast %add3A_851 : i32 to index
            %swap3A_861 = arith.constant 16 : index
            %swap3A_862 = tpu.vector_load %arg6[%swap3A_859, %swap3A_860, %swap3A_861] {strides = array<i32>} : memref<4x256x64xf32, #tpu.memory_space<vmem>>, vector<1x1x16xf32>,
            %swap3A_863 = vector.shape_cast %swap3A_862 : vector<1x1x16xf32> to vector<16xf32>
            %swap3A_864 = vector.shape_cast %broadcast_in_dim3A_689 : vector<16xf32> to vector<1x1x16xf32>
            tpu.vector_store %arg6[%swap3A_859, %swap3A_860, %swap3A_861], %swap3A_864 {strides = array<i32>} : memref<4x256x64xf32, #tpu.memory_space<vmem>>, vector<1x1x16xf32>,
            %swap3A_865 = arith.constant 2 : i32
            %swap3A_866 = arith.index_cast %swap3A_865 : i32 to index
            %swap3A_867 = arith.index_cast %add3A_851 : i32 to index
            %swap3A_868 = arith.constant 32 : index
            %swap3A_869 = tpu.vector_load %arg6[%swap3A_866, %swap3A_867, %swap3A_868] {strides = array<i32>} : memref<4x256x64xf32, #tpu.memory_space<vmem>>, vector<1x1x16xf32>,
            %swap3A_870 = vector.shape_cast %swap3A_869 : vector<1x1x16xf32> to vector<16xf32>
            %swap3A_871 = vector.shape_cast %broadcast_in_dim3A_689 : vector<16xf32> to vector<1x1x16xf32>
            tpu.vector_store %arg6[%swap3A_866, %swap3A_867, %swap3A_868], %swap3A_871 {strides = array<i32>} : memref<4x256x64xf32, #tpu.memory_space<vmem>>, vector<1x1x16xf32>,
            %swap3A_872 = arith.constant 2 : i32
            %swap3A_873 = arith.index_cast %swap3A_872 : i32 to index
            %swap3A_874 = arith.index_cast %add3A_851 : i32 to index
            %swap3A_875 = arith.constant 48 : index
            %swap3A_876 = tpu.vector_load %arg6[%swap3A_873, %swap3A_874, %swap3A_875] {strides = array<i32>} : memref<4x256x64xf32, #tpu.memory_space<vmem>>, vector<1x1x16xf32>,
            %swap3A_877 = vector.shape_cast %swap3A_876 : vector<1x1x16xf32> to vector<16xf32>
            %swap3A_878 = vector.shape_cast %broadcast_in_dim3A_689 : vector<16xf32> to vector<1x1x16xf32>
            tpu.vector_store %arg6[%swap3A_873, %swap3A_874, %swap3A_875], %swap3A_878 {strides = array<i32>} : memref<4x256x64xf32, #tpu.memory_space<vmem>>, vector<1x1x16xf32>,
          } else {
          }
          %slice3A_834 = vector.extract_strided_slice %get3A_735 {offsets = [14], sizes = [1], strides = [1]} : vector<16xi32> to vector<1xi32>
          %squeeze3A_835 = vector.extract %slice3A_834[0] : i32 from vector<1xi32>
          %eq3A_836 = arith.constant 0 : i32
          %eq3A_837 = arith.cmpi eq, %squeeze3A_835, %eq3A_836 : i32
          %convert_element_type3A_838 = arith.extui %eq3A_837 : i1 to i32
          %cond3A_839 = arith.constant 0 : i32
          %cond3A_840 = arith.cmpi ne, %convert_element_type3A_838, %cond3A_839 : i32
          scf.if %cond3A_840 {
            %mul3A_848 = arith.constant 16 : i32
            %mul3A_849 = arith.muli %scan3A_696, %mul3A_848 : i32
            %add3A_850 = arith.constant 14 : i32
            %add3A_851 = arith.addi %mul3A_849, %add3A_850 : i32
            %swap3A = arith.constant 2 : i32
            %swap3A_852 = arith.index_cast %swap3A : i32 to index
            %swap3A_853 = arith.index_cast %add3A_851 : i32 to index
            %swap3A_854 = arith.constant 0 : index
            %swap3A_855 = tpu.vector_load %arg6[%swap3A_852, %swap3A_853, %swap3A_854] {strides = array<i32>} : memref<4x256x64xf32, #tpu.memory_space<vmem>>, vector<1x1x16xf32>,
            %swap3A_856 = vector.shape_cast %swap3A_855 : vector<1x1x16xf32> to vector<16xf32>
            %swap3A_857 = vector.shape_cast %broadcast_in_dim3A_689 : vector<16xf32> to vector<1x1x16xf32>
            tpu.vector_store %arg6[%swap3A_852, %swap3A_853, %swap3A_854], %swap3A_857 {strides = array<i32>} : memref<4x256x64xf32, #tpu.memory_space<vmem>>, vector<1x1x16xf32>,
            %swap3A_858 = arith.constant 2 : i32
            %swap3A_859 = arith.index_cast %swap3A_858 : i32 to index
            %swap3A_860 = arith.index_cast %add3A_851 : i32 to index
            %swap3A_861 = arith.constant 16 : index
            %swap3A_862 = tpu.vector_load %arg6[%swap3A_859, %swap3A_860, %swap3A_861] {strides = array<i32>} : memref<4x256x64xf32, #tpu.memory_space<vmem>>, vector<1x1x16xf32>,
            %swap3A_863 = vector.shape_cast %swap3A_862 : vector<1x1x16xf32> to vector<16xf32>
            %swap3A_864 = vector.shape_cast %broadcast_in_dim3A_689 : vector<16xf32> to vector<1x1x16xf32>
            tpu.vector_store %arg6[%swap3A_859, %swap3A_860, %swap3A_861], %swap3A_864 {strides = array<i32>} : memref<4x256x64xf32, #tpu.memory_space<vmem>>, vector<1x1x16xf32>,
            %swap3A_865 = arith.constant 2 : i32
            %swap3A_866 = arith.index_cast %swap3A_865 : i32 to index
            %swap3A_867 = arith.index_cast %add3A_851 : i32 to index
            %swap3A_868 = arith.constant 32 : index
            %swap3A_869 = tpu.vector_load %arg6[%swap3A_866, %swap3A_867, %swap3A_868] {strides = array<i32>} : memref<4x256x64xf32, #tpu.memory_space<vmem>>, vector<1x1x16xf32>,
            %swap3A_870 = vector.shape_cast %swap3A_869 : vector<1x1x16xf32> to vector<16xf32>
            %swap3A_871 = vector.shape_cast %broadcast_in_dim3A_689 : vector<16xf32> to vector<1x1x16xf32>
            tpu.vector_store %arg6[%swap3A_866, %swap3A_867, %swap3A_868], %swap3A_871 {strides = array<i32>} : memref<4x256x64xf32, #tpu.memory_space<vmem>>, vector<1x1x16xf32>,
            %swap3A_872 = arith.constant 2 : i32
            %swap3A_873 = arith.index_cast %swap3A_872 : i32 to index
            %swap3A_874 = arith.index_cast %add3A_851 : i32 to index
            %swap3A_875 = arith.constant 48 : index
            %swap3A_876 = tpu.vector_load %arg6[%swap3A_873, %swap3A_874, %swap3A_875] {strides = array<i32>} : memref<4x256x64xf32, #tpu.memory_space<vmem>>, vector<1x1x16xf32>,
            %swap3A_877 = vector.shape_cast %swap3A_876 : vector<1x1x16xf32> to vector<16xf32>
            %swap3A_878 = vector.shape_cast %broadcast_in_dim3A_689 : vector<16xf32> to vector<1x1x16xf32>
            tpu.vector_store %arg6[%swap3A_873, %swap3A_874, %swap3A_875], %swap3A_878 {strides = array<i32>} : memref<4x256x64xf32, #tpu.memory_space<vmem>>, vector<1x1x16xf32>,
          } else {
          }
          %slice3A_841 = vector.extract_strided_slice %get3A_735 {offsets = [15], sizes = [1], strides = [1]} : vector<16xi32> to vector<1xi32>
          %squeeze3A_842 = vector.extract %slice3A_841[0] : i32 from vector<1xi32>
          %eq3A_843 = arith.constant 0 : i32
          %eq3A_844 = arith.cmpi eq, %squeeze3A_842, %eq3A_843 : i32
          %convert_element_type3A_845 = arith.extui %eq3A_844 : i1 to i32
          %cond3A_846 = arith.constant 0 : i32
          %cond3A_847 = arith.cmpi ne, %convert_element_type3A_845, %cond3A_846 : i32
          scf.if %cond3A_847 {
            %mul3A_848 = arith.constant 16 : i32
            %mul3A_849 = arith.muli %scan3A_696, %mul3A_848 : i32
            %add3A_850 = arith.constant 15 : i32
            %add3A_851 = arith.addi %mul3A_849, %add3A_850 : i32
            %swap3A = arith.constant 2 : i32
            %swap3A_852 = arith.index_cast %swap3A : i32 to index
            %swap3A_853 = arith.index_cast %add3A_851 : i32 to index
            %swap3A_854 = arith.constant 0 : index
            %swap3A_855 = tpu.vector_load %arg6[%swap3A_852, %swap3A_853, %swap3A_854] {strides = array<i32>} : memref<4x256x64xf32, #tpu.memory_space<vmem>>, vector<1x1x16xf32>,
            %swap3A_856 = vector.shape_cast %swap3A_855 : vector<1x1x16xf32> to vector<16xf32>
            %swap3A_857 = vector.shape_cast %broadcast_in_dim3A_689 : vector<16xf32> to vector<1x1x16xf32>
            tpu.vector_store %arg6[%swap3A_852, %swap3A_853, %swap3A_854], %swap3A_857 {strides = array<i32>} : memref<4x256x64xf32, #tpu.memory_space<vmem>>, vector<1x1x16xf32>,
            %swap3A_858 = arith.constant 2 : i32
            %swap3A_859 = arith.index_cast %swap3A_858 : i32 to index
            %swap3A_860 = arith.index_cast %add3A_851 : i32 to index
            %swap3A_861 = arith.constant 16 : index
            %swap3A_862 = tpu.vector_load %arg6[%swap3A_859, %swap3A_860, %swap3A_861] {strides = array<i32>} : memref<4x256x64xf32, #tpu.memory_space<vmem>>, vector<1x1x16xf32>,
            %swap3A_863 = vector.shape_cast %swap3A_862 : vector<1x1x16xf32> to vector<16xf32>
            %swap3A_864 = vector.shape_cast %broadcast_in_dim3A_689 : vector<16xf32> to vector<1x1x16xf32>
            tpu.vector_store %arg6[%swap3A_859, %swap3A_860, %swap3A_861], %swap3A_864 {strides = array<i32>} : memref<4x256x64xf32, #tpu.memory_space<vmem>>, vector<1x1x16xf32>,
            %swap3A_865 = arith.constant 2 : i32
            %swap3A_866 = arith.index_cast %swap3A_865 : i32 to index
            %swap3A_867 = arith.index_cast %add3A_851 : i32 to index
            %swap3A_868 = arith.constant 32 : index
            %swap3A_869 = tpu.vector_load %arg6[%swap3A_866, %swap3A_867, %swap3A_868] {strides = array<i32>} : memref<4x256x64xf32, #tpu.memory_space<vmem>>, vector<1x1x16xf32>,
            %swap3A_870 = vector.shape_cast %swap3A_869 : vector<1x1x16xf32> to vector<16xf32>
            %swap3A_871 = vector.shape_cast %broadcast_in_dim3A_689 : vector<16xf32> to vector<1x1x16xf32>
            tpu.vector_store %arg6[%swap3A_866, %swap3A_867, %swap3A_868], %swap3A_871 {strides = array<i32>} : memref<4x256x64xf32, #tpu.memory_space<vmem>>, vector<1x1x16xf32>,
            %swap3A_872 = arith.constant 2 : i32
            %swap3A_873 = arith.index_cast %swap3A_872 : i32 to index
            %swap3A_874 = arith.index_cast %add3A_851 : i32 to index
            %swap3A_875 = arith.constant 48 : index
            %swap3A_876 = tpu.vector_load %arg6[%swap3A_873, %swap3A_874, %swap3A_875] {strides = array<i32>} : memref<4x256x64xf32, #tpu.memory_space<vmem>>, vector<1x1x16xf32>,
            %swap3A_877 = vector.shape_cast %swap3A_876 : vector<1x1x16xf32> to vector<16xf32>
            %swap3A_878 = vector.shape_cast %broadcast_in_dim3A_689 : vector<16xf32> to vector<1x1x16xf32>
            tpu.vector_store %arg6[%swap3A_873, %swap3A_874, %swap3A_875], %swap3A_878 {strides = array<i32>} : memref<4x256x64xf32, #tpu.memory_space<vmem>>, vector<1x1x16xf32>,
          } else {
          }
        }
        %scan3A_695 = arith.constant 16 : i32
      } else {
      }
      %mul3A_542 = arith.constant 100 : i32
      %mul3A_543 = arith.muli %add3A, %mul3A_542 : i32
      %add3A_544 = arith.addi %mul3A_543, %add3A_445 : i32
      %mul3A_545 = arith.constant 256 : i32
      %mul3A_546 = arith.muli %add3A_544, %mul3A_545 : i32
      %dma_start3A_547 = arith.constant 2 : i32
      %dma_start3A_548 = arith.constant 0 : i32
      %dma_start3A_549 = arith.constant 0 : i32
      %dma_start3A_550 = tpu.memref_slice %arg6[%dma_start3A_547, %dma_start3A_548, %dma_start3A_549] : memref<4x256x64xf32, #tpu.memory_space<vmem>> -> memref<1x256x64xf32, #tpu.memory_space<vmem>>
      %dma_start3A_551 = tpu.memref_squeeze %dma_start3A_550 : memref<1x256x64xf32, #tpu.memory_space<vmem>> -> memref<256x64xf32, #tpu.memory_space<vmem>>
      %dma_start3A_552 = arith.constant 0 : i32
      %dma_start3A_553 = tpu.memref_slice %arg4[%mul3A_546, %dma_start3A_552] : memref<819200x64xf32, #tpu.memory_space<hbm>> -> memref<256x64xf32, #tpu.memory_space<hbm>>
      %dma_start3A_554 = arith.constant 0 : i32
      %dma_start3A_555 = tpu.memref_slice %arg4[%mul3A_546, %dma_start3A_554] : memref<819200x64xf32, #tpu.memory_space<hbm>> -> memref<256x64xf32, #tpu.memory_space<hbm>>
      %dma_start3A_556 = arith.constant 0 : i32
      %dma_start3A_557 = arith.constant 0 : i32
      %dma_start3A_558 = tpu.memref_slice %arg6[%dma_start3A_547, %dma_start3A_556, %dma_start3A_557] : memref<4x256x64xf32, #tpu.memory_space<vmem>> -> memref<1x256x64xf32, #tpu.memory_space<vmem>>
      %dma_start3A_559 = tpu.memref_squeeze %dma_start3A_558 : memref<1x256x64xf32, #tpu.memory_space<vmem>> -> memref<256x64xf32, #tpu.memory_space<vmem>>
      tpu.enqueue_dma source(%dma_start3A_559 : memref<256x64xf32, #tpu.memory_space<vmem>>) target(%dma_start3A_555 : memref<256x64xf32, #tpu.memory_space<hbm>>) target_semaphore(%arg13 : memref<!tpu.dma_semaphore, #tpu.memory_space<semaphore_mem>>)
      %lt3A_560 = arith.constant 24 : i32
      %lt3A_561 = arith.cmpi slt, %scan3A_202, %lt3A_560 : i32
      %convert_element_type3A_562 = arith.extui %lt3A_561 : i1 to i32
      %cond3A_563 = arith.constant 0 : i32
      %cond3A_564 = arith.cmpi ne, %convert_element_type3A_562, %cond3A_563 : i32
      scf.if %cond3A_564 {
        %mul3A_688 = arith.constant 100 : i32
        %mul3A_689 = arith.muli %add3A, %mul3A_688 : i32
        %add3A_690 = arith.addi %mul3A_689, %add3A_445 : i32
        %mul3A_691 = arith.constant 256 : i32
        %mul3A_692 = arith.muli %add3A_690, %mul3A_691 : i32
        %dma_wait3A_693 = arith.constant 2 : i32
        %dma_wait3A_694 = arith.constant 0 : i32
        %dma_wait3A_695 = arith.constant 0 : i32
        %dma_wait3A_696 = tpu.memref_slice %arg6[%dma_wait3A_693, %dma_wait3A_694, %dma_wait3A_695] : memref<4x256x64xf32, #tpu.memory_space<vmem>> -> memref<1x256x64xf32, #tpu.memory_space<vmem>>
        %dma_wait3A_697 = tpu.memref_squeeze %dma_wait3A_696 : memref<1x256x64xf32, #tpu.memory_space<vmem>> -> memref<256x64xf32, #tpu.memory_space<vmem>>
        %dma_wait3A_698 = arith.constant 0 : i32
        %dma_wait3A_699 = tpu.memref_slice %arg4[%mul3A_692, %dma_wait3A_698] : memref<819200x64xf32, #tpu.memory_space<hbm>> -> memref<256x64xf32, #tpu.memory_space<hbm>>
        %dma_wait3A_700 = arith.constant 0 : i32
        %dma_wait3A_701 = tpu.memref_slice %arg4[%mul3A_692, %dma_wait3A_700] : memref<819200x64xf32, #tpu.memory_space<hbm>> -> memref<256x64xf32, #tpu.memory_space<hbm>>
        %dma_wait3A_702 = arith.constant 0 : i32
        %dma_wait3A_703 = arith.constant 0 : i32
        %dma_wait3A_704 = tpu.memref_slice %arg6[%dma_wait3A_693, %dma_wait3A_702, %dma_wait3A_703] : memref<4x256x64xf32, #tpu.memory_space<vmem>> -> memref<1x256x64xf32, #tpu.memory_space<vmem>>
        %dma_wait3A_705 = tpu.memref_squeeze %dma_wait3A_704 : memref<1x256x64xf32, #tpu.memory_space<vmem>> -> memref<256x64xf32, #tpu.memory_space<vmem>>
        tpu.wait_dma2 semaphore(%arg13 : memref<!tpu.dma_semaphore, #tpu.memory_space<semaphore_mem>>) src(%dma_wait3A_705 : memref<256x64xf32, #tpu.memory_space<vmem>>) dst(%dma_wait3A_701 : memref<256x64xf32, #tpu.memory_space<hbm>>)
        %add3A_706 = arith.constant 4 : i32
        %add3A_707 = arith.addi %add3A_445, %add3A_706 : i32
        %mul3A_708 = arith.constant 2 : i32
        %mul3A_709 = arith.muli %add3A_707, %mul3A_708 : i32
        %add3A_710 = arith.constant 0 : i32
        %add3A_711 = arith.addi %mul3A_709, %add3A_710 : i32
        %dma_start3A_712 = arith.constant 2 : i32
        %dma_start3A_713 = arith.constant 0 : i32
        %dma_start3A_714 = arith.constant 0 : i32
        %dma_start3A_715 = tpu.memref_slice %arg6[%dma_start3A_712, %dma_start3A_713, %dma_start3A_714] : memref<4x256x64xf32, #tpu.memory_space<vmem>> -> memref<1x256x64xf32, #tpu.memory_space<vmem>>
        %dma_start3A_716 = tpu.memref_squeeze %dma_start3A_715 : memref<1x256x64xf32, #tpu.memory_space<vmem>> -> memref<256x64xf32, #tpu.memory_space<vmem>>
        %dma_start3A_717 = arith.constant 0 : i32
        %dma_start3A_718 = arith.constant 0 : i32
        %dma_start3A_719 = tpu.memref_slice %dma_start3A_716[%dma_start3A_717, %dma_start3A_718] : memref<256x64xf32, #tpu.memory_space<vmem>> -> memref<128x64xf32, #tpu.memory_space<vmem>>
        %dma_start3A_720 = arith.constant 0 : i32
        %dma_start3A_721 = tpu.memref_slice %arg5[%add3A_711, %dma_start3A_720] : memref<200x128xi32, #tpu.memory_space<vmem>> -> memref<1x128xi32, #tpu.memory_space<vmem>>
        %dma_start3A_722 = tpu.memref_squeeze %dma_start3A_721 : memref<1x128xi32, #tpu.memory_space<vmem>> -> memref<128xi32, #tpu.memory_space<vmem>>
        %dma_start3A_723 = arith.constant 0 : i32
        %dma_start3A_724 = arith.constant 0 : i32
        %dma_start3A_725 = tpu.memref_slice %arg3[%dma_start3A_723, %dma_start3A_724] : memref<1000000x64xf32, #tpu.memory_space<hbm>> -> memref<1000000x64xf32, #tpu.memory_space<hbm>>
        tpu.enqueue_indirect_dma source(%dma_start3A_725 : memref<1000000x64xf32, #tpu.memory_space<hbm>>) target(%dma_start3A_719 : memref<128x64xf32, #tpu.memory_space<vmem>>) offsets(%dma_start3A_722 : memref<128xi32, #tpu.memory_space<vmem>>) semaphore(%arg9 : memref<!tpu.dma_semaphore, #tpu.memory_space<semaphore_mem>>)
        %mul3A_726 = arith.constant 2 : i32
        %mul3A_727 = arith.muli %add3A_707, %mul3A_726 : i32
        %add3A_728 = arith.constant 1 : i32
        %add3A_729 = arith.addi %mul3A_727, %add3A_728 : i32
        %dma_start3A_730 = arith.constant 2 : i32
        %dma_start3A_731 = arith.constant 0 : i32
        %dma_start3A_732 = arith.constant 0 : i32
        %dma_start3A_733 = tpu.memref_slice %arg6[%dma_start3A_730, %dma_start3A_731, %dma_start3A_732] : memref<4x256x64xf32, #tpu.memory_space<vmem>> -> memref<1x256x64xf32, #tpu.memory_space<vmem>>
        %dma_start3A_734 = tpu.memref_squeeze %dma_start3A_733 : memref<1x256x64xf32, #tpu.memory_space<vmem>> -> memref<256x64xf32, #tpu.memory_space<vmem>>
        %dma_start3A_735 = arith.constant 128 : i32
        %dma_start3A_736 = arith.constant 0 : i32
        %dma_start3A_737 = tpu.memref_slice %dma_start3A_734[%dma_start3A_735, %dma_start3A_736] : memref<256x64xf32, #tpu.memory_space<vmem>> -> memref<128x64xf32, #tpu.memory_space<vmem>>
        %dma_start3A_738 = arith.constant 0 : i32
        %dma_start3A_739 = tpu.memref_slice %arg5[%add3A_729, %dma_start3A_738] : memref<200x128xi32, #tpu.memory_space<vmem>> -> memref<1x128xi32, #tpu.memory_space<vmem>>
        %dma_start3A_740 = tpu.memref_squeeze %dma_start3A_739 : memref<1x128xi32, #tpu.memory_space<vmem>> -> memref<128xi32, #tpu.memory_space<vmem>>
        %dma_start3A_741 = arith.constant 0 : i32
        %dma_start3A_742 = arith.constant 0 : i32
        %dma_start3A_743 = tpu.memref_slice %arg3[%dma_start3A_741, %dma_start3A_742] : memref<1000000x64xf32, #tpu.memory_space<hbm>> -> memref<1000000x64xf32, #tpu.memory_space<hbm>>
        tpu.enqueue_indirect_dma source(%dma_start3A_743 : memref<1000000x64xf32, #tpu.memory_space<hbm>>) target(%dma_start3A_737 : memref<128x64xf32, #tpu.memory_space<vmem>>) offsets(%dma_start3A_740 : memref<128xi32, #tpu.memory_space<vmem>>) semaphore(%arg9 : memref<!tpu.dma_semaphore, #tpu.memory_space<semaphore_mem>>)
      } else {
      }
      %mul3A_565 = arith.constant 4 : i32
      %mul3A_566 = arith.muli %scan3A_202, %mul3A_565 : i32
      %add3A_567 = arith.constant 3 : i32
      %add3A_568 = arith.addi %mul3A_566, %add3A_567 : i32
      %mul3A_569 = arith.constant 2 : i32
      %mul3A_570 = arith.muli %add3A_568, %mul3A_569 : i32
      %add3A_571 = arith.constant 0 : i32
      %add3A_572 = arith.addi %mul3A_570, %add3A_571 : i32
      %dma_wait3A_573 = arith.constant 3 : i32
      %dma_wait3A_574 = arith.constant 0 : i32
      %dma_wait3A_575 = arith.constant 0 : i32
      %dma_wait3A_576 = tpu.memref_slice %arg6[%dma_wait3A_573, %dma_wait3A_574, %dma_wait3A_575] : memref<4x256x64xf32, #tpu.memory_space<vmem>> -> memref<1x256x64xf32, #tpu.memory_space<vmem>>
      %dma_wait3A_577 = tpu.memref_squeeze %dma_wait3A_576 : memref<1x256x64xf32, #tpu.memory_space<vmem>> -> memref<256x64xf32, #tpu.memory_space<vmem>>
      %dma_wait3A_578 = arith.constant 0 : i32
      %dma_wait3A_579 = arith.constant 0 : i32
      %dma_wait3A_580 = tpu.memref_slice %dma_wait3A_577[%dma_wait3A_578, %dma_wait3A_579] : memref<256x64xf32, #tpu.memory_space<vmem>> -> memref<128x64xf32, #tpu.memory_space<vmem>>
      %dma_wait3A_581 = arith.constant 0 : i32
      %dma_wait3A_582 = tpu.memref_slice %arg5[%add3A_572, %dma_wait3A_581] : memref<200x128xi32, #tpu.memory_space<vmem>> -> memref<1x128xi32, #tpu.memory_space<vmem>>
      %dma_wait3A_583 = tpu.memref_squeeze %dma_wait3A_582 : memref<1x128xi32, #tpu.memory_space<vmem>> -> memref<128xi32, #tpu.memory_space<vmem>>
      %dma_wait3A_584 = arith.constant 0 : i32
      %dma_wait3A_585 = arith.constant 0 : i32
      %dma_wait3A_586 = tpu.memref_slice %arg3[%dma_wait3A_584, %dma_wait3A_585] : memref<1000000x64xf32, #tpu.memory_space<hbm>> -> memref<1000000x64xf32, #tpu.memory_space<hbm>>
      tpu.wait_indirect_dma semaphore(%arg10 : memref<!tpu.dma_semaphore, #tpu.memory_space<semaphore_mem>>) src(%dma_wait3A_586 : memref<1000000x64xf32, #tpu.memory_space<hbm>>) dst(%dma_wait3A_580 : memref<128x64xf32, #tpu.memory_space<vmem>>)
      %mul3A_587 = arith.constant 2 : i32
      %mul3A_588 = arith.muli %add3A_568, %mul3A_587 : i32
      %add3A_589 = arith.constant 1 : i32
      %add3A_590 = arith.addi %mul3A_588, %add3A_589 : i32
      %dma_wait3A_591 = arith.constant 3 : i32
      %dma_wait3A_592 = arith.constant 0 : i32
      %dma_wait3A_593 = arith.constant 0 : i32
      %dma_wait3A_594 = tpu.memref_slice %arg6[%dma_wait3A_591, %dma_wait3A_592, %dma_wait3A_593] : memref<4x256x64xf32, #tpu.memory_space<vmem>> -> memref<1x256x64xf32, #tpu.memory_space<vmem>>
      %dma_wait3A_595 = tpu.memref_squeeze %dma_wait3A_594 : memref<1x256x64xf32, #tpu.memory_space<vmem>> -> memref<256x64xf32, #tpu.memory_space<vmem>>
      %dma_wait3A_596 = arith.constant 128 : i32
      %dma_wait3A_597 = arith.constant 0 : i32
      %dma_wait3A_598 = tpu.memref_slice %dma_wait3A_595[%dma_wait3A_596, %dma_wait3A_597] : memref<256x64xf32, #tpu.memory_space<vmem>> -> memref<128x64xf32, #tpu.memory_space<vmem>>
      %dma_wait3A_599 = arith.constant 0 : i32
      %dma_wait3A_600 = tpu.memref_slice %arg5[%add3A_590, %dma_wait3A_599] : memref<200x128xi32, #tpu.memory_space<vmem>> -> memref<1x128xi32, #tpu.memory_space<vmem>>
      %dma_wait3A_601 = tpu.memref_squeeze %dma_wait3A_600 : memref<1x128xi32, #tpu.memory_space<vmem>> -> memref<128xi32, #tpu.memory_space<vmem>>
      %dma_wait3A_602 = arith.constant 0 : i32
      %dma_wait3A_603 = arith.constant 0 : i32
      %dma_wait3A_604 = tpu.memref_slice %arg3[%dma_wait3A_602, %dma_wait3A_603] : memref<1000000x64xf32, #tpu.memory_space<hbm>> -> memref<1000000x64xf32, #tpu.memory_space<hbm>>
      tpu.wait_indirect_dma semaphore(%arg10 : memref<!tpu.dma_semaphore, #tpu.memory_space<semaphore_mem>>) src(%dma_wait3A_604 : memref<1000000x64xf32, #tpu.memory_space<hbm>>) dst(%dma_wait3A_598 : memref<128x64xf32, #tpu.memory_space<vmem>>)
      %broadcast_in_dim3A_605 = arith.constant 0 : i32
      %broadcast_in_dim3A_606 = vector.broadcast %broadcast_in_dim3A_605 : i32 to vector<16xi32>
      %scan3A_607 = arith.constant 0 : i32
      %scan3A_608 = arith.constant 16 : i32
      %scan3A_609 = arith.addi %scan3A_607, %scan3A_608 : i32
      %scan3A_610 = arith.constant 1 : i32
      %scan3A_611 = scf.for %scan3A_688 = %scan3A_607 to %scan3A_609 step %scan3A_610 iter_args(%scan3A_689 = %broadcast_in_dim3A_606) -> (vector<16xi32>)  : i32 {
        %mul3A_690 = arith.constant 2 : i32
        %mul3A_691 = arith.muli %add3A_568, %mul3A_690 : i32
        %jit3A = arith.constant 8 : i32
        %div3A = arith.divsi %scan3A_688, %jit3A : i32
        %sign3A = arith.constant 0 : i32
        %sign3A_692 = arith.cmpi sgt, %scan3A_688, %sign3A : i32
        %sign3A_693 = arith.extui %sign3A_692 : i1 to i32
        %sign3A_694 = arith.constant 0 : i32
        %sign3A_695 = arith.cmpi slt, %scan3A_688, %sign3A_694 : i32
        %sign3A_696 = arith.extui %sign3A_695 : i1 to i32
        %sign3A_697 = arith.subi %sign3A_693, %sign3A_696 : i32
        %sign3A_698 = arith.constant 0 : i32
        %sign3A_699 = arith.cmpi sgt, %jit3A, %sign3A_698 : i32
        %sign3A_700 = arith.extui %sign3A_699 : i1 to i32
        %sign3A_701 = arith.constant 0 : i32
        %sign3A_702 = arith.cmpi slt, %jit3A, %sign3A_701 : i32
        %sign3A_703 = arith.extui %sign3A_702 : i1 to i32
        %sign3A_704 = arith.subi %sign3A_700, %sign3A_703 : i32
        %ne3A = arith.cmpi ne, %sign3A_697, %sign3A_704 : i32
        %rem3A = arith.remsi %scan3A_688, %jit3A : i32
        %ne3A_705 = arith.constant 0 : i32
        %ne3A_706 = arith.cmpi ne, %rem3A, %ne3A_705 : i32
        %and3A = arith.andi %ne3A, %ne3A_706 : i1
        %sub3A = arith.constant 1 : i32
        %sub3A_707 = arith.subi %div3A, %sub3A : i32
        %select_n3A = arith.select %and3A, %sub3A_707, %div3A : i32
        %add3A_708 = arith.addi %mul3A_691, %select_n3A : i32
        %jit3A_709 = arith.constant 8 : i32
        %eq3A = arith.constant 0 : i32
        %eq3A_710 = arith.cmpi eq, %jit3A_709, %eq3A : i32
        %jit3A_711 = arith.constant 1 : i32
        %select_n3A_712 = arith.select %eq3A_710, %jit3A_711, %jit3A_709 : i32
        %rem3A_713 = arith.remsi %scan3A_688, %select_n3A_712 : i32
        %ne3A_714 = arith.constant 0 : i32
        %ne3A_715 = arith.cmpi ne, %rem3A_713, %ne3A_714 : i32
        %lt3A_716 = arith.constant 0 : i32
        %lt3A_717 = arith.cmpi slt, %rem3A_713, %lt3A_716 : i32
        %lt3A_718 = arith.constant 0 : i32
        %lt3A_719 = arith.cmpi slt, %select_n3A_712, %lt3A_718 : i32
        %ne3A_720 = arith.xori %lt3A_717, %lt3A_719 : i1
        %and3A_721 = arith.andi %ne3A_720, %ne3A_715 : i1
        %add3A_722 = arith.addi %rem3A_713, %select_n3A_712 : i32
        %select_n3A_723 = arith.select %and3A_721, %add3A_722, %rem3A_713 : i32
        %mul3A_724 = arith.constant 16 : i32
        %mul3A_725 = arith.muli %select_n3A_723, %mul3A_724 : i32
        %get3A = arith.index_cast %add3A_708 : i32 to index
        %get3A_726 = arith.index_cast %mul3A_725 : i32 to index
        %get3A_727 = tpu.vector_load %arg5[%get3A, %get3A_726] {strides = array<i32>} : memref<200x128xi32, #tpu.memory_space<vmem>>, vector<1x16xi32>,
        %get3A_728 = vector.shape_cast %get3A_727 : vector<1x16xi32> to vector<16xi32>
        %min3A = arith.constant 1 : i32
        %min3A_729 = vector.broadcast %min3A : i32 to vector<16xi32>
        %min3A_730 = arith.minsi %get3A_728, %min3A_729 : vector<16xi32>
        %sub3A_731 = arith.constant 1 : i32
        %sub3A_732 = vector.broadcast %sub3A_731 : i32 to vector<16xi32>
        %sub3A_733 = arith.subi %sub3A_732, %min3A_730 : vector<16xi32>
        %add3A_734 = arith.addi %scan3A_689, %sub3A_733 : vector<16xi32>
        scf.yield %add3A_734 : vector<16xi32>
      }
      %scan3A_612 = arith.constant 16 : i32
      %slice3A_613 = vector.extract_strided_slice %scan3A_611 {offsets = [0], sizes = [1], strides = [1]} : vector<16xi32> to vector<1xi32>
      %squeeze3A_614 = vector.extract %slice3A_613[0] : i32 from vector<1xi32>
      %slice3A_615 = vector.extract_strided_slice %scan3A_611 {offsets = [1], sizes = [1], strides = [1]} : vector<16xi32> to vector<1xi32>
      %squeeze3A_616 = vector.extract %slice3A_615[0] : i32 from vector<1xi32>
      %add3A_617 = arith.addi %squeeze3A_614, %squeeze3A_616 : i32
      %slice3A_618 = vector.extract_strided_slice %scan3A_611 {offsets = [2], sizes = [1], strides = [1]} : vector<16xi32> to vector<1xi32>
      %squeeze3A_619 = vector.extract %slice3A_618[0] : i32 from vector<1xi32>
      %add3A_620 = arith.addi %add3A_617, %squeeze3A_619 : i32
      %slice3A_621 = vector.extract_strided_slice %scan3A_611 {offsets = [3], sizes = [1], strides = [1]} : vector<16xi32> to vector<1xi32>
      %squeeze3A_622 = vector.extract %slice3A_621[0] : i32 from vector<1xi32>
      %add3A_623 = arith.addi %add3A_620, %squeeze3A_622 : i32
      %slice3A_624 = vector.extract_strided_slice %scan3A_611 {offsets = [4], sizes = [1], strides = [1]} : vector<16xi32> to vector<1xi32>
      %squeeze3A_625 = vector.extract %slice3A_624[0] : i32 from vector<1xi32>
      %add3A_626 = arith.addi %add3A_623, %squeeze3A_625 : i32
      %slice3A_627 = vector.extract_strided_slice %scan3A_611 {offsets = [5], sizes = [1], strides = [1]} : vector<16xi32> to vector<1xi32>
      %squeeze3A_628 = vector.extract %slice3A_627[0] : i32 from vector<1xi32>
      %add3A_629 = arith.addi %add3A_626, %squeeze3A_628 : i32
      %slice3A_630 = vector.extract_strided_slice %scan3A_611 {offsets = [6], sizes = [1], strides = [1]} : vector<16xi32> to vector<1xi32>
      %squeeze3A_631 = vector.extract %slice3A_630[0] : i32 from vector<1xi32>
      %add3A_632 = arith.addi %add3A_629, %squeeze3A_631 : i32
      %slice3A_633 = vector.extract_strided_slice %scan3A_611 {offsets = [7], sizes = [1], strides = [1]} : vector<16xi32> to vector<1xi32>
      %squeeze3A_634 = vector.extract %slice3A_633[0] : i32 from vector<1xi32>
      %add3A_635 = arith.addi %add3A_632, %squeeze3A_634 : i32
      %slice3A_636 = vector.extract_strided_slice %scan3A_611 {offsets = [8], sizes = [1], strides = [1]} : vector<16xi32> to vector<1xi32>
      %squeeze3A_637 = vector.extract %slice3A_636[0] : i32 from vector<1xi32>
      %add3A_638 = arith.addi %add3A_635, %squeeze3A_637 : i32
      %slice3A_639 = vector.extract_strided_slice %scan3A_611 {offsets = [9], sizes = [1], strides = [1]} : vector<16xi32> to vector<1xi32>
      %squeeze3A_640 = vector.extract %slice3A_639[0] : i32 from vector<1xi32>
      %add3A_641 = arith.addi %add3A_638, %squeeze3A_640 : i32
      %slice3A_642 = vector.extract_strided_slice %scan3A_611 {offsets = [10], sizes = [1], strides = [1]} : vector<16xi32> to vector<1xi32>
      %squeeze3A_643 = vector.extract %slice3A_642[0] : i32 from vector<1xi32>
      %add3A_644 = arith.addi %add3A_641, %squeeze3A_643 : i32
      %slice3A_645 = vector.extract_strided_slice %scan3A_611 {offsets = [11], sizes = [1], strides = [1]} : vector<16xi32> to vector<1xi32>
      %squeeze3A_646 = vector.extract %slice3A_645[0] : i32 from vector<1xi32>
      %add3A_647 = arith.addi %add3A_644, %squeeze3A_646 : i32
      %slice3A_648 = vector.extract_strided_slice %scan3A_611 {offsets = [12], sizes = [1], strides = [1]} : vector<16xi32> to vector<1xi32>
      %squeeze3A_649 = vector.extract %slice3A_648[0] : i32 from vector<1xi32>
      %add3A_650 = arith.addi %add3A_647, %squeeze3A_649 : i32
      %slice3A_651 = vector.extract_strided_slice %scan3A_611 {offsets = [13], sizes = [1], strides = [1]} : vector<16xi32> to vector<1xi32>
      %squeeze3A_652 = vector.extract %slice3A_651[0] : i32 from vector<1xi32>
      %add3A_653 = arith.addi %add3A_650, %squeeze3A_652 : i32
      %slice3A_654 = vector.extract_strided_slice %scan3A_611 {offsets = [14], sizes = [1], strides = [1]} : vector<16xi32> to vector<1xi32>
      %squeeze3A_655 = vector.extract %slice3A_654[0] : i32 from vector<1xi32>
      %add3A_656 = arith.addi %add3A_653, %squeeze3A_655 : i32
      %slice3A_657 = vector.extract_strided_slice %scan3A_611 {offsets = [15], sizes = [1], strides = [1]} : vector<16xi32> to vector<1xi32>
      %squeeze3A_658 = vector.extract %slice3A_657[0] : i32 from vector<1xi32>
      %add3A_659 = arith.addi %add3A_656, %squeeze3A_658 : i32
      %gt3A_660 = arith.constant 0 : i32
      %gt3A_661 = arith.cmpi sgt, %add3A_659, %gt3A_660 : i32
      %convert_element_type3A_662 = arith.extui %gt3A_661 : i1 to i32
      %cond3A_663 = arith.constant 0 : i32
      %cond3A_664 = arith.cmpi ne, %convert_element_type3A_662, %cond3A_663 : i32
      scf.if %cond3A_664 {
        %broadcast_in_dim3A_688 = arith.constant 0.000000e+00 : f32
        %broadcast_in_dim3A_689 = vector.broadcast %broadcast_in_dim3A_688 : f32 to vector<16xf32>
        %scan3A_690 = arith.constant 0 : i32
        %scan3A_691 = arith.constant 0 : i32
        %scan3A_692 = arith.constant 16 : i32
        %scan3A_693 = arith.addi %scan3A_691, %scan3A_692 : i32
        %scan3A_694 = arith.constant 1 : i32
        scf.for %scan3A_696 = %scan3A_691 to %scan3A_693 step %scan3A_694  : i32 {
          %mul3A_697 = arith.constant 2 : i32
          %mul3A_698 = arith.muli %add3A_568, %mul3A_697 : i32
          %jit3A = arith.constant 8 : i32
          %div3A = arith.divsi %scan3A_696, %jit3A : i32
          %sign3A = arith.constant 0 : i32
          %sign3A_699 = arith.cmpi sgt, %scan3A_696, %sign3A : i32
          %sign3A_700 = arith.extui %sign3A_699 : i1 to i32
          %sign3A_701 = arith.constant 0 : i32
          %sign3A_702 = arith.cmpi slt, %scan3A_696, %sign3A_701 : i32
          %sign3A_703 = arith.extui %sign3A_702 : i1 to i32
          %sign3A_704 = arith.subi %sign3A_700, %sign3A_703 : i32
          %sign3A_705 = arith.constant 0 : i32
          %sign3A_706 = arith.cmpi sgt, %jit3A, %sign3A_705 : i32
          %sign3A_707 = arith.extui %sign3A_706 : i1 to i32
          %sign3A_708 = arith.constant 0 : i32
          %sign3A_709 = arith.cmpi slt, %jit3A, %sign3A_708 : i32
          %sign3A_710 = arith.extui %sign3A_709 : i1 to i32
          %sign3A_711 = arith.subi %sign3A_707, %sign3A_710 : i32
          %ne3A = arith.cmpi ne, %sign3A_704, %sign3A_711 : i32
          %rem3A = arith.remsi %scan3A_696, %jit3A : i32
          %ne3A_712 = arith.constant 0 : i32
          %ne3A_713 = arith.cmpi ne, %rem3A, %ne3A_712 : i32
          %and3A = arith.andi %ne3A, %ne3A_713 : i1
          %sub3A = arith.constant 1 : i32
          %sub3A_714 = arith.subi %div3A, %sub3A : i32
          %select_n3A = arith.select %and3A, %sub3A_714, %div3A : i32
          %add3A_715 = arith.addi %mul3A_698, %select_n3A : i32
          %jit3A_716 = arith.constant 8 : i32
          %eq3A = arith.constant 0 : i32
          %eq3A_717 = arith.cmpi eq, %jit3A_716, %eq3A : i32
          %jit3A_718 = arith.constant 1 : i32
          %select_n3A_719 = arith.select %eq3A_717, %jit3A_718, %jit3A_716 : i32
          %rem3A_720 = arith.remsi %scan3A_696, %select_n3A_719 : i32
          %ne3A_721 = arith.constant 0 : i32
          %ne3A_722 = arith.cmpi ne, %rem3A_720, %ne3A_721 : i32
          %lt3A_723 = arith.constant 0 : i32
          %lt3A_724 = arith.cmpi slt, %rem3A_720, %lt3A_723 : i32
          %lt3A_725 = arith.constant 0 : i32
          %lt3A_726 = arith.cmpi slt, %select_n3A_719, %lt3A_725 : i32
          %ne3A_727 = arith.xori %lt3A_724, %lt3A_726 : i1
          %and3A_728 = arith.andi %ne3A_727, %ne3A_722 : i1
          %add3A_729 = arith.addi %rem3A_720, %select_n3A_719 : i32
          %select_n3A_730 = arith.select %and3A_728, %add3A_729, %rem3A_720 : i32
          %mul3A_731 = arith.constant 16 : i32
          %mul3A_732 = arith.muli %select_n3A_730, %mul3A_731 : i32
          %get3A = arith.index_cast %add3A_715 : i32 to index
          %get3A_733 = arith.index_cast %mul3A_732 : i32 to index
          %get3A_734 = tpu.vector_load %arg5[%get3A, %get3A_733] {strides = array<i32>} : memref<200x128xi32, #tpu.memory_space<vmem>>, vector<1x16xi32>,
          %get3A_735 = vector.shape_cast %get3A_734 : vector<1x16xi32> to vector<16xi32>
          %slice3A_736 = vector.extract_strided_slice %get3A_735 {offsets = [0], sizes = [1], strides = [1]} : vector<16xi32> to vector<1xi32>
          %squeeze3A_737 = vector.extract %slice3A_736[0] : i32 from vector<1xi32>
          %eq3A_738 = arith.constant 0 : i32
          %eq3A_739 = arith.cmpi eq, %squeeze3A_737, %eq3A_738 : i32
          %convert_element_type3A_740 = arith.extui %eq3A_739 : i1 to i32
          %cond3A_741 = arith.constant 0 : i32
          %cond3A_742 = arith.cmpi ne, %convert_element_type3A_740, %cond3A_741 : i32
          scf.if %cond3A_742 {
            %mul3A_848 = arith.constant 16 : i32
            %mul3A_849 = arith.muli %scan3A_696, %mul3A_848 : i32
            %add3A_850 = arith.constant 0 : i32
            %add3A_851 = arith.addi %mul3A_849, %add3A_850 : i32
            %swap3A = arith.constant 3 : i32
            %swap3A_852 = arith.index_cast %swap3A : i32 to index
            %swap3A_853 = arith.index_cast %add3A_851 : i32 to index
            %swap3A_854 = arith.constant 0 : index
            %swap3A_855 = tpu.vector_load %arg6[%swap3A_852, %swap3A_853, %swap3A_854] {strides = array<i32>} : memref<4x256x64xf32, #tpu.memory_space<vmem>>, vector<1x1x16xf32>,
            %swap3A_856 = vector.shape_cast %swap3A_855 : vector<1x1x16xf32> to vector<16xf32>
            %swap3A_857 = vector.shape_cast %broadcast_in_dim3A_689 : vector<16xf32> to vector<1x1x16xf32>
            tpu.vector_store %arg6[%swap3A_852, %swap3A_853, %swap3A_854], %swap3A_857 {strides = array<i32>} : memref<4x256x64xf32, #tpu.memory_space<vmem>>, vector<1x1x16xf32>,
            %swap3A_858 = arith.constant 3 : i32
            %swap3A_859 = arith.index_cast %swap3A_858 : i32 to index
            %swap3A_860 = arith.index_cast %add3A_851 : i32 to index
            %swap3A_861 = arith.constant 16 : index
            %swap3A_862 = tpu.vector_load %arg6[%swap3A_859, %swap3A_860, %swap3A_861] {strides = array<i32>} : memref<4x256x64xf32, #tpu.memory_space<vmem>>, vector<1x1x16xf32>,
            %swap3A_863 = vector.shape_cast %swap3A_862 : vector<1x1x16xf32> to vector<16xf32>
            %swap3A_864 = vector.shape_cast %broadcast_in_dim3A_689 : vector<16xf32> to vector<1x1x16xf32>
            tpu.vector_store %arg6[%swap3A_859, %swap3A_860, %swap3A_861], %swap3A_864 {strides = array<i32>} : memref<4x256x64xf32, #tpu.memory_space<vmem>>, vector<1x1x16xf32>,
            %swap3A_865 = arith.constant 3 : i32
            %swap3A_866 = arith.index_cast %swap3A_865 : i32 to index
            %swap3A_867 = arith.index_cast %add3A_851 : i32 to index
            %swap3A_868 = arith.constant 32 : index
            %swap3A_869 = tpu.vector_load %arg6[%swap3A_866, %swap3A_867, %swap3A_868] {strides = array<i32>} : memref<4x256x64xf32, #tpu.memory_space<vmem>>, vector<1x1x16xf32>,
            %swap3A_870 = vector.shape_cast %swap3A_869 : vector<1x1x16xf32> to vector<16xf32>
            %swap3A_871 = vector.shape_cast %broadcast_in_dim3A_689 : vector<16xf32> to vector<1x1x16xf32>
            tpu.vector_store %arg6[%swap3A_866, %swap3A_867, %swap3A_868], %swap3A_871 {strides = array<i32>} : memref<4x256x64xf32, #tpu.memory_space<vmem>>, vector<1x1x16xf32>,
            %swap3A_872 = arith.constant 3 : i32
            %swap3A_873 = arith.index_cast %swap3A_872 : i32 to index
            %swap3A_874 = arith.index_cast %add3A_851 : i32 to index
            %swap3A_875 = arith.constant 48 : index
            %swap3A_876 = tpu.vector_load %arg6[%swap3A_873, %swap3A_874, %swap3A_875] {strides = array<i32>} : memref<4x256x64xf32, #tpu.memory_space<vmem>>, vector<1x1x16xf32>,
            %swap3A_877 = vector.shape_cast %swap3A_876 : vector<1x1x16xf32> to vector<16xf32>
            %swap3A_878 = vector.shape_cast %broadcast_in_dim3A_689 : vector<16xf32> to vector<1x1x16xf32>
            tpu.vector_store %arg6[%swap3A_873, %swap3A_874, %swap3A_875], %swap3A_878 {strides = array<i32>} : memref<4x256x64xf32, #tpu.memory_space<vmem>>, vector<1x1x16xf32>,
          } else {
          }
          %slice3A_743 = vector.extract_strided_slice %get3A_735 {offsets = [1], sizes = [1], strides = [1]} : vector<16xi32> to vector<1xi32>
          %squeeze3A_744 = vector.extract %slice3A_743[0] : i32 from vector<1xi32>
          %eq3A_745 = arith.constant 0 : i32
          %eq3A_746 = arith.cmpi eq, %squeeze3A_744, %eq3A_745 : i32
          %convert_element_type3A_747 = arith.extui %eq3A_746 : i1 to i32
          %cond3A_748 = arith.constant 0 : i32
          %cond3A_749 = arith.cmpi ne, %convert_element_type3A_747, %cond3A_748 : i32
          scf.if %cond3A_749 {
            %mul3A_848 = arith.constant 16 : i32
            %mul3A_849 = arith.muli %scan3A_696, %mul3A_848 : i32
            %add3A_850 = arith.constant 1 : i32
            %add3A_851 = arith.addi %mul3A_849, %add3A_850 : i32
            %swap3A = arith.constant 3 : i32
            %swap3A_852 = arith.index_cast %swap3A : i32 to index
            %swap3A_853 = arith.index_cast %add3A_851 : i32 to index
            %swap3A_854 = arith.constant 0 : index
            %swap3A_855 = tpu.vector_load %arg6[%swap3A_852, %swap3A_853, %swap3A_854] {strides = array<i32>} : memref<4x256x64xf32, #tpu.memory_space<vmem>>, vector<1x1x16xf32>,
            %swap3A_856 = vector.shape_cast %swap3A_855 : vector<1x1x16xf32> to vector<16xf32>
            %swap3A_857 = vector.shape_cast %broadcast_in_dim3A_689 : vector<16xf32> to vector<1x1x16xf32>
            tpu.vector_store %arg6[%swap3A_852, %swap3A_853, %swap3A_854], %swap3A_857 {strides = array<i32>} : memref<4x256x64xf32, #tpu.memory_space<vmem>>, vector<1x1x16xf32>,
            %swap3A_858 = arith.constant 3 : i32
            %swap3A_859 = arith.index_cast %swap3A_858 : i32 to index
            %swap3A_860 = arith.index_cast %add3A_851 : i32 to index
            %swap3A_861 = arith.constant 16 : index
            %swap3A_862 = tpu.vector_load %arg6[%swap3A_859, %swap3A_860, %swap3A_861] {strides = array<i32>} : memref<4x256x64xf32, #tpu.memory_space<vmem>>, vector<1x1x16xf32>,
            %swap3A_863 = vector.shape_cast %swap3A_862 : vector<1x1x16xf32> to vector<16xf32>
            %swap3A_864 = vector.shape_cast %broadcast_in_dim3A_689 : vector<16xf32> to vector<1x1x16xf32>
            tpu.vector_store %arg6[%swap3A_859, %swap3A_860, %swap3A_861], %swap3A_864 {strides = array<i32>} : memref<4x256x64xf32, #tpu.memory_space<vmem>>, vector<1x1x16xf32>,
            %swap3A_865 = arith.constant 3 : i32
            %swap3A_866 = arith.index_cast %swap3A_865 : i32 to index
            %swap3A_867 = arith.index_cast %add3A_851 : i32 to index
            %swap3A_868 = arith.constant 32 : index
            %swap3A_869 = tpu.vector_load %arg6[%swap3A_866, %swap3A_867, %swap3A_868] {strides = array<i32>} : memref<4x256x64xf32, #tpu.memory_space<vmem>>, vector<1x1x16xf32>,
            %swap3A_870 = vector.shape_cast %swap3A_869 : vector<1x1x16xf32> to vector<16xf32>
            %swap3A_871 = vector.shape_cast %broadcast_in_dim3A_689 : vector<16xf32> to vector<1x1x16xf32>
            tpu.vector_store %arg6[%swap3A_866, %swap3A_867, %swap3A_868], %swap3A_871 {strides = array<i32>} : memref<4x256x64xf32, #tpu.memory_space<vmem>>, vector<1x1x16xf32>,
            %swap3A_872 = arith.constant 3 : i32
            %swap3A_873 = arith.index_cast %swap3A_872 : i32 to index
            %swap3A_874 = arith.index_cast %add3A_851 : i32 to index
            %swap3A_875 = arith.constant 48 : index
            %swap3A_876 = tpu.vector_load %arg6[%swap3A_873, %swap3A_874, %swap3A_875] {strides = array<i32>} : memref<4x256x64xf32, #tpu.memory_space<vmem>>, vector<1x1x16xf32>,
            %swap3A_877 = vector.shape_cast %swap3A_876 : vector<1x1x16xf32> to vector<16xf32>
            %swap3A_878 = vector.shape_cast %broadcast_in_dim3A_689 : vector<16xf32> to vector<1x1x16xf32>
            tpu.vector_store %arg6[%swap3A_873, %swap3A_874, %swap3A_875], %swap3A_878 {strides = array<i32>} : memref<4x256x64xf32, #tpu.memory_space<vmem>>, vector<1x1x16xf32>,
          } else {
          }
          %slice3A_750 = vector.extract_strided_slice %get3A_735 {offsets = [2], sizes = [1], strides = [1]} : vector<16xi32> to vector<1xi32>
          %squeeze3A_751 = vector.extract %slice3A_750[0] : i32 from vector<1xi32>
          %eq3A_752 = arith.constant 0 : i32
          %eq3A_753 = arith.cmpi eq, %squeeze3A_751, %eq3A_752 : i32
          %convert_element_type3A_754 = arith.extui %eq3A_753 : i1 to i32
          %cond3A_755 = arith.constant 0 : i32
          %cond3A_756 = arith.cmpi ne, %convert_element_type3A_754, %cond3A_755 : i32
          scf.if %cond3A_756 {
            %mul3A_848 = arith.constant 16 : i32
            %mul3A_849 = arith.muli %scan3A_696, %mul3A_848 : i32
            %add3A_850 = arith.constant 2 : i32
            %add3A_851 = arith.addi %mul3A_849, %add3A_850 : i32
            %swap3A = arith.constant 3 : i32
            %swap3A_852 = arith.index_cast %swap3A : i32 to index
            %swap3A_853 = arith.index_cast %add3A_851 : i32 to index
            %swap3A_854 = arith.constant 0 : index
            %swap3A_855 = tpu.vector_load %arg6[%swap3A_852, %swap3A_853, %swap3A_854] {strides = array<i32>} : memref<4x256x64xf32, #tpu.memory_space<vmem>>, vector<1x1x16xf32>,
            %swap3A_856 = vector.shape_cast %swap3A_855 : vector<1x1x16xf32> to vector<16xf32>
            %swap3A_857 = vector.shape_cast %broadcast_in_dim3A_689 : vector<16xf32> to vector<1x1x16xf32>
            tpu.vector_store %arg6[%swap3A_852, %swap3A_853, %swap3A_854], %swap3A_857 {strides = array<i32>} : memref<4x256x64xf32, #tpu.memory_space<vmem>>, vector<1x1x16xf32>,
            %swap3A_858 = arith.constant 3 : i32
            %swap3A_859 = arith.index_cast %swap3A_858 : i32 to index
            %swap3A_860 = arith.index_cast %add3A_851 : i32 to index
            %swap3A_861 = arith.constant 16 : index
            %swap3A_862 = tpu.vector_load %arg6[%swap3A_859, %swap3A_860, %swap3A_861] {strides = array<i32>} : memref<4x256x64xf32, #tpu.memory_space<vmem>>, vector<1x1x16xf32>,
            %swap3A_863 = vector.shape_cast %swap3A_862 : vector<1x1x16xf32> to vector<16xf32>
            %swap3A_864 = vector.shape_cast %broadcast_in_dim3A_689 : vector<16xf32> to vector<1x1x16xf32>
            tpu.vector_store %arg6[%swap3A_859, %swap3A_860, %swap3A_861], %swap3A_864 {strides = array<i32>} : memref<4x256x64xf32, #tpu.memory_space<vmem>>, vector<1x1x16xf32>,
            %swap3A_865 = arith.constant 3 : i32
            %swap3A_866 = arith.index_cast %swap3A_865 : i32 to index
            %swap3A_867 = arith.index_cast %add3A_851 : i32 to index
            %swap3A_868 = arith.constant 32 : index
            %swap3A_869 = tpu.vector_load %arg6[%swap3A_866, %swap3A_867, %swap3A_868] {strides = array<i32>} : memref<4x256x64xf32, #tpu.memory_space<vmem>>, vector<1x1x16xf32>,
            %swap3A_870 = vector.shape_cast %swap3A_869 : vector<1x1x16xf32> to vector<16xf32>
            %swap3A_871 = vector.shape_cast %broadcast_in_dim3A_689 : vector<16xf32> to vector<1x1x16xf32>
            tpu.vector_store %arg6[%swap3A_866, %swap3A_867, %swap3A_868], %swap3A_871 {strides = array<i32>} : memref<4x256x64xf32, #tpu.memory_space<vmem>>, vector<1x1x16xf32>,
            %swap3A_872 = arith.constant 3 : i32
            %swap3A_873 = arith.index_cast %swap3A_872 : i32 to index
            %swap3A_874 = arith.index_cast %add3A_851 : i32 to index
            %swap3A_875 = arith.constant 48 : index
            %swap3A_876 = tpu.vector_load %arg6[%swap3A_873, %swap3A_874, %swap3A_875] {strides = array<i32>} : memref<4x256x64xf32, #tpu.memory_space<vmem>>, vector<1x1x16xf32>,
            %swap3A_877 = vector.shape_cast %swap3A_876 : vector<1x1x16xf32> to vector<16xf32>
            %swap3A_878 = vector.shape_cast %broadcast_in_dim3A_689 : vector<16xf32> to vector<1x1x16xf32>
            tpu.vector_store %arg6[%swap3A_873, %swap3A_874, %swap3A_875], %swap3A_878 {strides = array<i32>} : memref<4x256x64xf32, #tpu.memory_space<vmem>>, vector<1x1x16xf32>,
          } else {
          }
          %slice3A_757 = vector.extract_strided_slice %get3A_735 {offsets = [3], sizes = [1], strides = [1]} : vector<16xi32> to vector<1xi32>
          %squeeze3A_758 = vector.extract %slice3A_757[0] : i32 from vector<1xi32>
          %eq3A_759 = arith.constant 0 : i32
          %eq3A_760 = arith.cmpi eq, %squeeze3A_758, %eq3A_759 : i32
          %convert_element_type3A_761 = arith.extui %eq3A_760 : i1 to i32
          %cond3A_762 = arith.constant 0 : i32
          %cond3A_763 = arith.cmpi ne, %convert_element_type3A_761, %cond3A_762 : i32
          scf.if %cond3A_763 {
            %mul3A_848 = arith.constant 16 : i32
            %mul3A_849 = arith.muli %scan3A_696, %mul3A_848 : i32
            %add3A_850 = arith.constant 3 : i32
            %add3A_851 = arith.addi %mul3A_849, %add3A_850 : i32
            %swap3A = arith.constant 3 : i32
            %swap3A_852 = arith.index_cast %swap3A : i32 to index
            %swap3A_853 = arith.index_cast %add3A_851 : i32 to index
            %swap3A_854 = arith.constant 0 : index
            %swap3A_855 = tpu.vector_load %arg6[%swap3A_852, %swap3A_853, %swap3A_854] {strides = array<i32>} : memref<4x256x64xf32, #tpu.memory_space<vmem>>, vector<1x1x16xf32>,
            %swap3A_856 = vector.shape_cast %swap3A_855 : vector<1x1x16xf32> to vector<16xf32>
            %swap3A_857 = vector.shape_cast %broadcast_in_dim3A_689 : vector<16xf32> to vector<1x1x16xf32>
            tpu.vector_store %arg6[%swap3A_852, %swap3A_853, %swap3A_854], %swap3A_857 {strides = array<i32>} : memref<4x256x64xf32, #tpu.memory_space<vmem>>, vector<1x1x16xf32>,
            %swap3A_858 = arith.constant 3 : i32
            %swap3A_859 = arith.index_cast %swap3A_858 : i32 to index
            %swap3A_860 = arith.index_cast %add3A_851 : i32 to index
            %swap3A_861 = arith.constant 16 : index
            %swap3A_862 = tpu.vector_load %arg6[%swap3A_859, %swap3A_860, %swap3A_861] {strides = array<i32>} : memref<4x256x64xf32, #tpu.memory_space<vmem>>, vector<1x1x16xf32>,
            %swap3A_863 = vector.shape_cast %swap3A_862 : vector<1x1x16xf32> to vector<16xf32>
            %swap3A_864 = vector.shape_cast %broadcast_in_dim3A_689 : vector<16xf32> to vector<1x1x16xf32>
            tpu.vector_store %arg6[%swap3A_859, %swap3A_860, %swap3A_861], %swap3A_864 {strides = array<i32>} : memref<4x256x64xf32, #tpu.memory_space<vmem>>, vector<1x1x16xf32>,
            %swap3A_865 = arith.constant 3 : i32
            %swap3A_866 = arith.index_cast %swap3A_865 : i32 to index
            %swap3A_867 = arith.index_cast %add3A_851 : i32 to index
            %swap3A_868 = arith.constant 32 : index
            %swap3A_869 = tpu.vector_load %arg6[%swap3A_866, %swap3A_867, %swap3A_868] {strides = array<i32>} : memref<4x256x64xf32, #tpu.memory_space<vmem>>, vector<1x1x16xf32>,
            %swap3A_870 = vector.shape_cast %swap3A_869 : vector<1x1x16xf32> to vector<16xf32>
            %swap3A_871 = vector.shape_cast %broadcast_in_dim3A_689 : vector<16xf32> to vector<1x1x16xf32>
            tpu.vector_store %arg6[%swap3A_866, %swap3A_867, %swap3A_868], %swap3A_871 {strides = array<i32>} : memref<4x256x64xf32, #tpu.memory_space<vmem>>, vector<1x1x16xf32>,
            %swap3A_872 = arith.constant 3 : i32
            %swap3A_873 = arith.index_cast %swap3A_872 : i32 to index
            %swap3A_874 = arith.index_cast %add3A_851 : i32 to index
            %swap3A_875 = arith.constant 48 : index
            %swap3A_876 = tpu.vector_load %arg6[%swap3A_873, %swap3A_874, %swap3A_875] {strides = array<i32>} : memref<4x256x64xf32, #tpu.memory_space<vmem>>, vector<1x1x16xf32>,
            %swap3A_877 = vector.shape_cast %swap3A_876 : vector<1x1x16xf32> to vector<16xf32>
            %swap3A_878 = vector.shape_cast %broadcast_in_dim3A_689 : vector<16xf32> to vector<1x1x16xf32>
            tpu.vector_store %arg6[%swap3A_873, %swap3A_874, %swap3A_875], %swap3A_878 {strides = array<i32>} : memref<4x256x64xf32, #tpu.memory_space<vmem>>, vector<1x1x16xf32>,
          } else {
          }
          %slice3A_764 = vector.extract_strided_slice %get3A_735 {offsets = [4], sizes = [1], strides = [1]} : vector<16xi32> to vector<1xi32>
          %squeeze3A_765 = vector.extract %slice3A_764[0] : i32 from vector<1xi32>
          %eq3A_766 = arith.constant 0 : i32
          %eq3A_767 = arith.cmpi eq, %squeeze3A_765, %eq3A_766 : i32
          %convert_element_type3A_768 = arith.extui %eq3A_767 : i1 to i32
          %cond3A_769 = arith.constant 0 : i32
          %cond3A_770 = arith.cmpi ne, %convert_element_type3A_768, %cond3A_769 : i32
          scf.if %cond3A_770 {
            %mul3A_848 = arith.constant 16 : i32
            %mul3A_849 = arith.muli %scan3A_696, %mul3A_848 : i32
            %add3A_850 = arith.constant 4 : i32
            %add3A_851 = arith.addi %mul3A_849, %add3A_850 : i32
            %swap3A = arith.constant 3 : i32
            %swap3A_852 = arith.index_cast %swap3A : i32 to index
            %swap3A_853 = arith.index_cast %add3A_851 : i32 to index
            %swap3A_854 = arith.constant 0 : index
            %swap3A_855 = tpu.vector_load %arg6[%swap3A_852, %swap3A_853, %swap3A_854] {strides = array<i32>} : memref<4x256x64xf32, #tpu.memory_space<vmem>>, vector<1x1x16xf32>,
            %swap3A_856 = vector.shape_cast %swap3A_855 : vector<1x1x16xf32> to vector<16xf32>
            %swap3A_857 = vector.shape_cast %broadcast_in_dim3A_689 : vector<16xf32> to vector<1x1x16xf32>
            tpu.vector_store %arg6[%swap3A_852, %swap3A_853, %swap3A_854], %swap3A_857 {strides = array<i32>} : memref<4x256x64xf32, #tpu.memory_space<vmem>>, vector<1x1x16xf32>,
            %swap3A_858 = arith.constant 3 : i32
            %swap3A_859 = arith.index_cast %swap3A_858 : i32 to index
            %swap3A_860 = arith.index_cast %add3A_851 : i32 to index
            %swap3A_861 = arith.constant 16 : index
            %swap3A_862 = tpu.vector_load %arg6[%swap3A_859, %swap3A_860, %swap3A_861] {strides = array<i32>} : memref<4x256x64xf32, #tpu.memory_space<vmem>>, vector<1x1x16xf32>,
            %swap3A_863 = vector.shape_cast %swap3A_862 : vector<1x1x16xf32> to vector<16xf32>
            %swap3A_864 = vector.shape_cast %broadcast_in_dim3A_689 : vector<16xf32> to vector<1x1x16xf32>
            tpu.vector_store %arg6[%swap3A_859, %swap3A_860, %swap3A_861], %swap3A_864 {strides = array<i32>} : memref<4x256x64xf32, #tpu.memory_space<vmem>>, vector<1x1x16xf32>,
            %swap3A_865 = arith.constant 3 : i32
            %swap3A_866 = arith.index_cast %swap3A_865 : i32 to index
            %swap3A_867 = arith.index_cast %add3A_851 : i32 to index
            %swap3A_868 = arith.constant 32 : index
            %swap3A_869 = tpu.vector_load %arg6[%swap3A_866, %swap3A_867, %swap3A_868] {strides = array<i32>} : memref<4x256x64xf32, #tpu.memory_space<vmem>>, vector<1x1x16xf32>,
            %swap3A_870 = vector.shape_cast %swap3A_869 : vector<1x1x16xf32> to vector<16xf32>
            %swap3A_871 = vector.shape_cast %broadcast_in_dim3A_689 : vector<16xf32> to vector<1x1x16xf32>
            tpu.vector_store %arg6[%swap3A_866, %swap3A_867, %swap3A_868], %swap3A_871 {strides = array<i32>} : memref<4x256x64xf32, #tpu.memory_space<vmem>>, vector<1x1x16xf32>,
            %swap3A_872 = arith.constant 3 : i32
            %swap3A_873 = arith.index_cast %swap3A_872 : i32 to index
            %swap3A_874 = arith.index_cast %add3A_851 : i32 to index
            %swap3A_875 = arith.constant 48 : index
            %swap3A_876 = tpu.vector_load %arg6[%swap3A_873, %swap3A_874, %swap3A_875] {strides = array<i32>} : memref<4x256x64xf32, #tpu.memory_space<vmem>>, vector<1x1x16xf32>,
            %swap3A_877 = vector.shape_cast %swap3A_876 : vector<1x1x16xf32> to vector<16xf32>
            %swap3A_878 = vector.shape_cast %broadcast_in_dim3A_689 : vector<16xf32> to vector<1x1x16xf32>
            tpu.vector_store %arg6[%swap3A_873, %swap3A_874, %swap3A_875], %swap3A_878 {strides = array<i32>} : memref<4x256x64xf32, #tpu.memory_space<vmem>>, vector<1x1x16xf32>,
          } else {
          }
          %slice3A_771 = vector.extract_strided_slice %get3A_735 {offsets = [5], sizes = [1], strides = [1]} : vector<16xi32> to vector<1xi32>
          %squeeze3A_772 = vector.extract %slice3A_771[0] : i32 from vector<1xi32>
          %eq3A_773 = arith.constant 0 : i32
          %eq3A_774 = arith.cmpi eq, %squeeze3A_772, %eq3A_773 : i32
          %convert_element_type3A_775 = arith.extui %eq3A_774 : i1 to i32
          %cond3A_776 = arith.constant 0 : i32
          %cond3A_777 = arith.cmpi ne, %convert_element_type3A_775, %cond3A_776 : i32
          scf.if %cond3A_777 {
            %mul3A_848 = arith.constant 16 : i32
            %mul3A_849 = arith.muli %scan3A_696, %mul3A_848 : i32
            %add3A_850 = arith.constant 5 : i32
            %add3A_851 = arith.addi %mul3A_849, %add3A_850 : i32
            %swap3A = arith.constant 3 : i32
            %swap3A_852 = arith.index_cast %swap3A : i32 to index
            %swap3A_853 = arith.index_cast %add3A_851 : i32 to index
            %swap3A_854 = arith.constant 0 : index
            %swap3A_855 = tpu.vector_load %arg6[%swap3A_852, %swap3A_853, %swap3A_854] {strides = array<i32>} : memref<4x256x64xf32, #tpu.memory_space<vmem>>, vector<1x1x16xf32>,
            %swap3A_856 = vector.shape_cast %swap3A_855 : vector<1x1x16xf32> to vector<16xf32>
            %swap3A_857 = vector.shape_cast %broadcast_in_dim3A_689 : vector<16xf32> to vector<1x1x16xf32>
            tpu.vector_store %arg6[%swap3A_852, %swap3A_853, %swap3A_854], %swap3A_857 {strides = array<i32>} : memref<4x256x64xf32, #tpu.memory_space<vmem>>, vector<1x1x16xf32>,
            %swap3A_858 = arith.constant 3 : i32
            %swap3A_859 = arith.index_cast %swap3A_858 : i32 to index
            %swap3A_860 = arith.index_cast %add3A_851 : i32 to index
            %swap3A_861 = arith.constant 16 : index
            %swap3A_862 = tpu.vector_load %arg6[%swap3A_859, %swap3A_860, %swap3A_861] {strides = array<i32>} : memref<4x256x64xf32, #tpu.memory_space<vmem>>, vector<1x1x16xf32>,
            %swap3A_863 = vector.shape_cast %swap3A_862 : vector<1x1x16xf32> to vector<16xf32>
            %swap3A_864 = vector.shape_cast %broadcast_in_dim3A_689 : vector<16xf32> to vector<1x1x16xf32>
            tpu.vector_store %arg6[%swap3A_859, %swap3A_860, %swap3A_861], %swap3A_864 {strides = array<i32>} : memref<4x256x64xf32, #tpu.memory_space<vmem>>, vector<1x1x16xf32>,
            %swap3A_865 = arith.constant 3 : i32
            %swap3A_866 = arith.index_cast %swap3A_865 : i32 to index
            %swap3A_867 = arith.index_cast %add3A_851 : i32 to index
            %swap3A_868 = arith.constant 32 : index
            %swap3A_869 = tpu.vector_load %arg6[%swap3A_866, %swap3A_867, %swap3A_868] {strides = array<i32>} : memref<4x256x64xf32, #tpu.memory_space<vmem>>, vector<1x1x16xf32>,
            %swap3A_870 = vector.shape_cast %swap3A_869 : vector<1x1x16xf32> to vector<16xf32>
            %swap3A_871 = vector.shape_cast %broadcast_in_dim3A_689 : vector<16xf32> to vector<1x1x16xf32>
            tpu.vector_store %arg6[%swap3A_866, %swap3A_867, %swap3A_868], %swap3A_871 {strides = array<i32>} : memref<4x256x64xf32, #tpu.memory_space<vmem>>, vector<1x1x16xf32>,
            %swap3A_872 = arith.constant 3 : i32
            %swap3A_873 = arith.index_cast %swap3A_872 : i32 to index
            %swap3A_874 = arith.index_cast %add3A_851 : i32 to index
            %swap3A_875 = arith.constant 48 : index
            %swap3A_876 = tpu.vector_load %arg6[%swap3A_873, %swap3A_874, %swap3A_875] {strides = array<i32>} : memref<4x256x64xf32, #tpu.memory_space<vmem>>, vector<1x1x16xf32>,
            %swap3A_877 = vector.shape_cast %swap3A_876 : vector<1x1x16xf32> to vector<16xf32>
            %swap3A_878 = vector.shape_cast %broadcast_in_dim3A_689 : vector<16xf32> to vector<1x1x16xf32>
            tpu.vector_store %arg6[%swap3A_873, %swap3A_874, %swap3A_875], %swap3A_878 {strides = array<i32>} : memref<4x256x64xf32, #tpu.memory_space<vmem>>, vector<1x1x16xf32>,
          } else {
          }
          %slice3A_778 = vector.extract_strided_slice %get3A_735 {offsets = [6], sizes = [1], strides = [1]} : vector<16xi32> to vector<1xi32>
          %squeeze3A_779 = vector.extract %slice3A_778[0] : i32 from vector<1xi32>
          %eq3A_780 = arith.constant 0 : i32
          %eq3A_781 = arith.cmpi eq, %squeeze3A_779, %eq3A_780 : i32
          %convert_element_type3A_782 = arith.extui %eq3A_781 : i1 to i32
          %cond3A_783 = arith.constant 0 : i32
          %cond3A_784 = arith.cmpi ne, %convert_element_type3A_782, %cond3A_783 : i32
          scf.if %cond3A_784 {
            %mul3A_848 = arith.constant 16 : i32
            %mul3A_849 = arith.muli %scan3A_696, %mul3A_848 : i32
            %add3A_850 = arith.constant 6 : i32
            %add3A_851 = arith.addi %mul3A_849, %add3A_850 : i32
            %swap3A = arith.constant 3 : i32
            %swap3A_852 = arith.index_cast %swap3A : i32 to index
            %swap3A_853 = arith.index_cast %add3A_851 : i32 to index
            %swap3A_854 = arith.constant 0 : index
            %swap3A_855 = tpu.vector_load %arg6[%swap3A_852, %swap3A_853, %swap3A_854] {strides = array<i32>} : memref<4x256x64xf32, #tpu.memory_space<vmem>>, vector<1x1x16xf32>,
            %swap3A_856 = vector.shape_cast %swap3A_855 : vector<1x1x16xf32> to vector<16xf32>
            %swap3A_857 = vector.shape_cast %broadcast_in_dim3A_689 : vector<16xf32> to vector<1x1x16xf32>
            tpu.vector_store %arg6[%swap3A_852, %swap3A_853, %swap3A_854], %swap3A_857 {strides = array<i32>} : memref<4x256x64xf32, #tpu.memory_space<vmem>>, vector<1x1x16xf32>,
            %swap3A_858 = arith.constant 3 : i32
            %swap3A_859 = arith.index_cast %swap3A_858 : i32 to index
            %swap3A_860 = arith.index_cast %add3A_851 : i32 to index
            %swap3A_861 = arith.constant 16 : index
            %swap3A_862 = tpu.vector_load %arg6[%swap3A_859, %swap3A_860, %swap3A_861] {strides = array<i32>} : memref<4x256x64xf32, #tpu.memory_space<vmem>>, vector<1x1x16xf32>,
            %swap3A_863 = vector.shape_cast %swap3A_862 : vector<1x1x16xf32> to vector<16xf32>
            %swap3A_864 = vector.shape_cast %broadcast_in_dim3A_689 : vector<16xf32> to vector<1x1x16xf32>
            tpu.vector_store %arg6[%swap3A_859, %swap3A_860, %swap3A_861], %swap3A_864 {strides = array<i32>} : memref<4x256x64xf32, #tpu.memory_space<vmem>>, vector<1x1x16xf32>,
            %swap3A_865 = arith.constant 3 : i32
            %swap3A_866 = arith.index_cast %swap3A_865 : i32 to index
            %swap3A_867 = arith.index_cast %add3A_851 : i32 to index
            %swap3A_868 = arith.constant 32 : index
            %swap3A_869 = tpu.vector_load %arg6[%swap3A_866, %swap3A_867, %swap3A_868] {strides = array<i32>} : memref<4x256x64xf32, #tpu.memory_space<vmem>>, vector<1x1x16xf32>,
            %swap3A_870 = vector.shape_cast %swap3A_869 : vector<1x1x16xf32> to vector<16xf32>
            %swap3A_871 = vector.shape_cast %broadcast_in_dim3A_689 : vector<16xf32> to vector<1x1x16xf32>
            tpu.vector_store %arg6[%swap3A_866, %swap3A_867, %swap3A_868], %swap3A_871 {strides = array<i32>} : memref<4x256x64xf32, #tpu.memory_space<vmem>>, vector<1x1x16xf32>,
            %swap3A_872 = arith.constant 3 : i32
            %swap3A_873 = arith.index_cast %swap3A_872 : i32 to index
            %swap3A_874 = arith.index_cast %add3A_851 : i32 to index
            %swap3A_875 = arith.constant 48 : index
            %swap3A_876 = tpu.vector_load %arg6[%swap3A_873, %swap3A_874, %swap3A_875] {strides = array<i32>} : memref<4x256x64xf32, #tpu.memory_space<vmem>>, vector<1x1x16xf32>,
            %swap3A_877 = vector.shape_cast %swap3A_876 : vector<1x1x16xf32> to vector<16xf32>
            %swap3A_878 = vector.shape_cast %broadcast_in_dim3A_689 : vector<16xf32> to vector<1x1x16xf32>
            tpu.vector_store %arg6[%swap3A_873, %swap3A_874, %swap3A_875], %swap3A_878 {strides = array<i32>} : memref<4x256x64xf32, #tpu.memory_space<vmem>>, vector<1x1x16xf32>,
          } else {
          }
          %slice3A_785 = vector.extract_strided_slice %get3A_735 {offsets = [7], sizes = [1], strides = [1]} : vector<16xi32> to vector<1xi32>
          %squeeze3A_786 = vector.extract %slice3A_785[0] : i32 from vector<1xi32>
          %eq3A_787 = arith.constant 0 : i32
          %eq3A_788 = arith.cmpi eq, %squeeze3A_786, %eq3A_787 : i32
          %convert_element_type3A_789 = arith.extui %eq3A_788 : i1 to i32
          %cond3A_790 = arith.constant 0 : i32
          %cond3A_791 = arith.cmpi ne, %convert_element_type3A_789, %cond3A_790 : i32
          scf.if %cond3A_791 {
            %mul3A_848 = arith.constant 16 : i32
            %mul3A_849 = arith.muli %scan3A_696, %mul3A_848 : i32
            %add3A_850 = arith.constant 7 : i32
            %add3A_851 = arith.addi %mul3A_849, %add3A_850 : i32
            %swap3A = arith.constant 3 : i32
            %swap3A_852 = arith.index_cast %swap3A : i32 to index
            %swap3A_853 = arith.index_cast %add3A_851 : i32 to index
            %swap3A_854 = arith.constant 0 : index
            %swap3A_855 = tpu.vector_load %arg6[%swap3A_852, %swap3A_853, %swap3A_854] {strides = array<i32>} : memref<4x256x64xf32, #tpu.memory_space<vmem>>, vector<1x1x16xf32>,
            %swap3A_856 = vector.shape_cast %swap3A_855 : vector<1x1x16xf32> to vector<16xf32>
            %swap3A_857 = vector.shape_cast %broadcast_in_dim3A_689 : vector<16xf32> to vector<1x1x16xf32>
            tpu.vector_store %arg6[%swap3A_852, %swap3A_853, %swap3A_854], %swap3A_857 {strides = array<i32>} : memref<4x256x64xf32, #tpu.memory_space<vmem>>, vector<1x1x16xf32>,
            %swap3A_858 = arith.constant 3 : i32
            %swap3A_859 = arith.index_cast %swap3A_858 : i32 to index
            %swap3A_860 = arith.index_cast %add3A_851 : i32 to index
            %swap3A_861 = arith.constant 16 : index
            %swap3A_862 = tpu.vector_load %arg6[%swap3A_859, %swap3A_860, %swap3A_861] {strides = array<i32>} : memref<4x256x64xf32, #tpu.memory_space<vmem>>, vector<1x1x16xf32>,
            %swap3A_863 = vector.shape_cast %swap3A_862 : vector<1x1x16xf32> to vector<16xf32>
            %swap3A_864 = vector.shape_cast %broadcast_in_dim3A_689 : vector<16xf32> to vector<1x1x16xf32>
            tpu.vector_store %arg6[%swap3A_859, %swap3A_860, %swap3A_861], %swap3A_864 {strides = array<i32>} : memref<4x256x64xf32, #tpu.memory_space<vmem>>, vector<1x1x16xf32>,
            %swap3A_865 = arith.constant 3 : i32
            %swap3A_866 = arith.index_cast %swap3A_865 : i32 to index
            %swap3A_867 = arith.index_cast %add3A_851 : i32 to index
            %swap3A_868 = arith.constant 32 : index
            %swap3A_869 = tpu.vector_load %arg6[%swap3A_866, %swap3A_867, %swap3A_868] {strides = array<i32>} : memref<4x256x64xf32, #tpu.memory_space<vmem>>, vector<1x1x16xf32>,
            %swap3A_870 = vector.shape_cast %swap3A_869 : vector<1x1x16xf32> to vector<16xf32>
            %swap3A_871 = vector.shape_cast %broadcast_in_dim3A_689 : vector<16xf32> to vector<1x1x16xf32>
            tpu.vector_store %arg6[%swap3A_866, %swap3A_867, %swap3A_868], %swap3A_871 {strides = array<i32>} : memref<4x256x64xf32, #tpu.memory_space<vmem>>, vector<1x1x16xf32>,
            %swap3A_872 = arith.constant 3 : i32
            %swap3A_873 = arith.index_cast %swap3A_872 : i32 to index
            %swap3A_874 = arith.index_cast %add3A_851 : i32 to index
            %swap3A_875 = arith.constant 48 : index
            %swap3A_876 = tpu.vector_load %arg6[%swap3A_873, %swap3A_874, %swap3A_875] {strides = array<i32>} : memref<4x256x64xf32, #tpu.memory_space<vmem>>, vector<1x1x16xf32>,
            %swap3A_877 = vector.shape_cast %swap3A_876 : vector<1x1x16xf32> to vector<16xf32>
            %swap3A_878 = vector.shape_cast %broadcast_in_dim3A_689 : vector<16xf32> to vector<1x1x16xf32>
            tpu.vector_store %arg6[%swap3A_873, %swap3A_874, %swap3A_875], %swap3A_878 {strides = array<i32>} : memref<4x256x64xf32, #tpu.memory_space<vmem>>, vector<1x1x16xf32>,
          } else {
          }
          %slice3A_792 = vector.extract_strided_slice %get3A_735 {offsets = [8], sizes = [1], strides = [1]} : vector<16xi32> to vector<1xi32>
          %squeeze3A_793 = vector.extract %slice3A_792[0] : i32 from vector<1xi32>
          %eq3A_794 = arith.constant 0 : i32
          %eq3A_795 = arith.cmpi eq, %squeeze3A_793, %eq3A_794 : i32
          %convert_element_type3A_796 = arith.extui %eq3A_795 : i1 to i32
          %cond3A_797 = arith.constant 0 : i32
          %cond3A_798 = arith.cmpi ne, %convert_element_type3A_796, %cond3A_797 : i32
          scf.if %cond3A_798 {
            %mul3A_848 = arith.constant 16 : i32
            %mul3A_849 = arith.muli %scan3A_696, %mul3A_848 : i32
            %add3A_850 = arith.constant 8 : i32
            %add3A_851 = arith.addi %mul3A_849, %add3A_850 : i32
            %swap3A = arith.constant 3 : i32
            %swap3A_852 = arith.index_cast %swap3A : i32 to index
            %swap3A_853 = arith.index_cast %add3A_851 : i32 to index
            %swap3A_854 = arith.constant 0 : index
            %swap3A_855 = tpu.vector_load %arg6[%swap3A_852, %swap3A_853, %swap3A_854] {strides = array<i32>} : memref<4x256x64xf32, #tpu.memory_space<vmem>>, vector<1x1x16xf32>,
            %swap3A_856 = vector.shape_cast %swap3A_855 : vector<1x1x16xf32> to vector<16xf32>
            %swap3A_857 = vector.shape_cast %broadcast_in_dim3A_689 : vector<16xf32> to vector<1x1x16xf32>
            tpu.vector_store %arg6[%swap3A_852, %swap3A_853, %swap3A_854], %swap3A_857 {strides = array<i32>} : memref<4x256x64xf32, #tpu.memory_space<vmem>>, vector<1x1x16xf32>,
            %swap3A_858 = arith.constant 3 : i32
            %swap3A_859 = arith.index_cast %swap3A_858 : i32 to index
            %swap3A_860 = arith.index_cast %add3A_851 : i32 to index
            %swap3A_861 = arith.constant 16 : index
            %swap3A_862 = tpu.vector_load %arg6[%swap3A_859, %swap3A_860, %swap3A_861] {strides = array<i32>} : memref<4x256x64xf32, #tpu.memory_space<vmem>>, vector<1x1x16xf32>,
            %swap3A_863 = vector.shape_cast %swap3A_862 : vector<1x1x16xf32> to vector<16xf32>
            %swap3A_864 = vector.shape_cast %broadcast_in_dim3A_689 : vector<16xf32> to vector<1x1x16xf32>
            tpu.vector_store %arg6[%swap3A_859, %swap3A_860, %swap3A_861], %swap3A_864 {strides = array<i32>} : memref<4x256x64xf32, #tpu.memory_space<vmem>>, vector<1x1x16xf32>,
            %swap3A_865 = arith.constant 3 : i32
            %swap3A_866 = arith.index_cast %swap3A_865 : i32 to index
            %swap3A_867 = arith.index_cast %add3A_851 : i32 to index
            %swap3A_868 = arith.constant 32 : index
            %swap3A_869 = tpu.vector_load %arg6[%swap3A_866, %swap3A_867, %swap3A_868] {strides = array<i32>} : memref<4x256x64xf32, #tpu.memory_space<vmem>>, vector<1x1x16xf32>,
            %swap3A_870 = vector.shape_cast %swap3A_869 : vector<1x1x16xf32> to vector<16xf32>
            %swap3A_871 = vector.shape_cast %broadcast_in_dim3A_689 : vector<16xf32> to vector<1x1x16xf32>
            tpu.vector_store %arg6[%swap3A_866, %swap3A_867, %swap3A_868], %swap3A_871 {strides = array<i32>} : memref<4x256x64xf32, #tpu.memory_space<vmem>>, vector<1x1x16xf32>,
            %swap3A_872 = arith.constant 3 : i32
            %swap3A_873 = arith.index_cast %swap3A_872 : i32 to index
            %swap3A_874 = arith.index_cast %add3A_851 : i32 to index
            %swap3A_875 = arith.constant 48 : index
            %swap3A_876 = tpu.vector_load %arg6[%swap3A_873, %swap3A_874, %swap3A_875] {strides = array<i32>} : memref<4x256x64xf32, #tpu.memory_space<vmem>>, vector<1x1x16xf32>,
            %swap3A_877 = vector.shape_cast %swap3A_876 : vector<1x1x16xf32> to vector<16xf32>
            %swap3A_878 = vector.shape_cast %broadcast_in_dim3A_689 : vector<16xf32> to vector<1x1x16xf32>
            tpu.vector_store %arg6[%swap3A_873, %swap3A_874, %swap3A_875], %swap3A_878 {strides = array<i32>} : memref<4x256x64xf32, #tpu.memory_space<vmem>>, vector<1x1x16xf32>,
          } else {
          }
          %slice3A_799 = vector.extract_strided_slice %get3A_735 {offsets = [9], sizes = [1], strides = [1]} : vector<16xi32> to vector<1xi32>
          %squeeze3A_800 = vector.extract %slice3A_799[0] : i32 from vector<1xi32>
          %eq3A_801 = arith.constant 0 : i32
          %eq3A_802 = arith.cmpi eq, %squeeze3A_800, %eq3A_801 : i32
          %convert_element_type3A_803 = arith.extui %eq3A_802 : i1 to i32
          %cond3A_804 = arith.constant 0 : i32
          %cond3A_805 = arith.cmpi ne, %convert_element_type3A_803, %cond3A_804 : i32
          scf.if %cond3A_805 {
            %mul3A_848 = arith.constant 16 : i32
            %mul3A_849 = arith.muli %scan3A_696, %mul3A_848 : i32
            %add3A_850 = arith.constant 9 : i32
            %add3A_851 = arith.addi %mul3A_849, %add3A_850 : i32
            %swap3A = arith.constant 3 : i32
            %swap3A_852 = arith.index_cast %swap3A : i32 to index
            %swap3A_853 = arith.index_cast %add3A_851 : i32 to index
            %swap3A_854 = arith.constant 0 : index
            %swap3A_855 = tpu.vector_load %arg6[%swap3A_852, %swap3A_853, %swap3A_854] {strides = array<i32>} : memref<4x256x64xf32, #tpu.memory_space<vmem>>, vector<1x1x16xf32>,
            %swap3A_856 = vector.shape_cast %swap3A_855 : vector<1x1x16xf32> to vector<16xf32>
            %swap3A_857 = vector.shape_cast %broadcast_in_dim3A_689 : vector<16xf32> to vector<1x1x16xf32>
            tpu.vector_store %arg6[%swap3A_852, %swap3A_853, %swap3A_854], %swap3A_857 {strides = array<i32>} : memref<4x256x64xf32, #tpu.memory_space<vmem>>, vector<1x1x16xf32>,
            %swap3A_858 = arith.constant 3 : i32
            %swap3A_859 = arith.index_cast %swap3A_858 : i32 to index
            %swap3A_860 = arith.index_cast %add3A_851 : i32 to index
            %swap3A_861 = arith.constant 16 : index
            %swap3A_862 = tpu.vector_load %arg6[%swap3A_859, %swap3A_860, %swap3A_861] {strides = array<i32>} : memref<4x256x64xf32, #tpu.memory_space<vmem>>, vector<1x1x16xf32>,
            %swap3A_863 = vector.shape_cast %swap3A_862 : vector<1x1x16xf32> to vector<16xf32>
            %swap3A_864 = vector.shape_cast %broadcast_in_dim3A_689 : vector<16xf32> to vector<1x1x16xf32>
            tpu.vector_store %arg6[%swap3A_859, %swap3A_860, %swap3A_861], %swap3A_864 {strides = array<i32>} : memref<4x256x64xf32, #tpu.memory_space<vmem>>, vector<1x1x16xf32>,
            %swap3A_865 = arith.constant 3 : i32
            %swap3A_866 = arith.index_cast %swap3A_865 : i32 to index
            %swap3A_867 = arith.index_cast %add3A_851 : i32 to index
            %swap3A_868 = arith.constant 32 : index
            %swap3A_869 = tpu.vector_load %arg6[%swap3A_866, %swap3A_867, %swap3A_868] {strides = array<i32>} : memref<4x256x64xf32, #tpu.memory_space<vmem>>, vector<1x1x16xf32>,
            %swap3A_870 = vector.shape_cast %swap3A_869 : vector<1x1x16xf32> to vector<16xf32>
            %swap3A_871 = vector.shape_cast %broadcast_in_dim3A_689 : vector<16xf32> to vector<1x1x16xf32>
            tpu.vector_store %arg6[%swap3A_866, %swap3A_867, %swap3A_868], %swap3A_871 {strides = array<i32>} : memref<4x256x64xf32, #tpu.memory_space<vmem>>, vector<1x1x16xf32>,
            %swap3A_872 = arith.constant 3 : i32
            %swap3A_873 = arith.index_cast %swap3A_872 : i32 to index
            %swap3A_874 = arith.index_cast %add3A_851 : i32 to index
            %swap3A_875 = arith.constant 48 : index
            %swap3A_876 = tpu.vector_load %arg6[%swap3A_873, %swap3A_874, %swap3A_875] {strides = array<i32>} : memref<4x256x64xf32, #tpu.memory_space<vmem>>, vector<1x1x16xf32>,
            %swap3A_877 = vector.shape_cast %swap3A_876 : vector<1x1x16xf32> to vector<16xf32>
            %swap3A_878 = vector.shape_cast %broadcast_in_dim3A_689 : vector<16xf32> to vector<1x1x16xf32>
            tpu.vector_store %arg6[%swap3A_873, %swap3A_874, %swap3A_875], %swap3A_878 {strides = array<i32>} : memref<4x256x64xf32, #tpu.memory_space<vmem>>, vector<1x1x16xf32>,
          } else {
          }
          %slice3A_806 = vector.extract_strided_slice %get3A_735 {offsets = [10], sizes = [1], strides = [1]} : vector<16xi32> to vector<1xi32>
          %squeeze3A_807 = vector.extract %slice3A_806[0] : i32 from vector<1xi32>
          %eq3A_808 = arith.constant 0 : i32
          %eq3A_809 = arith.cmpi eq, %squeeze3A_807, %eq3A_808 : i32
          %convert_element_type3A_810 = arith.extui %eq3A_809 : i1 to i32
          %cond3A_811 = arith.constant 0 : i32
          %cond3A_812 = arith.cmpi ne, %convert_element_type3A_810, %cond3A_811 : i32
          scf.if %cond3A_812 {
            %mul3A_848 = arith.constant 16 : i32
            %mul3A_849 = arith.muli %scan3A_696, %mul3A_848 : i32
            %add3A_850 = arith.constant 10 : i32
            %add3A_851 = arith.addi %mul3A_849, %add3A_850 : i32
            %swap3A = arith.constant 3 : i32
            %swap3A_852 = arith.index_cast %swap3A : i32 to index
            %swap3A_853 = arith.index_cast %add3A_851 : i32 to index
            %swap3A_854 = arith.constant 0 : index
            %swap3A_855 = tpu.vector_load %arg6[%swap3A_852, %swap3A_853, %swap3A_854] {strides = array<i32>} : memref<4x256x64xf32, #tpu.memory_space<vmem>>, vector<1x1x16xf32>,
            %swap3A_856 = vector.shape_cast %swap3A_855 : vector<1x1x16xf32> to vector<16xf32>
            %swap3A_857 = vector.shape_cast %broadcast_in_dim3A_689 : vector<16xf32> to vector<1x1x16xf32>
            tpu.vector_store %arg6[%swap3A_852, %swap3A_853, %swap3A_854], %swap3A_857 {strides = array<i32>} : memref<4x256x64xf32, #tpu.memory_space<vmem>>, vector<1x1x16xf32>,
            %swap3A_858 = arith.constant 3 : i32
            %swap3A_859 = arith.index_cast %swap3A_858 : i32 to index
            %swap3A_860 = arith.index_cast %add3A_851 : i32 to index
            %swap3A_861 = arith.constant 16 : index
            %swap3A_862 = tpu.vector_load %arg6[%swap3A_859, %swap3A_860, %swap3A_861] {strides = array<i32>} : memref<4x256x64xf32, #tpu.memory_space<vmem>>, vector<1x1x16xf32>,
            %swap3A_863 = vector.shape_cast %swap3A_862 : vector<1x1x16xf32> to vector<16xf32>
            %swap3A_864 = vector.shape_cast %broadcast_in_dim3A_689 : vector<16xf32> to vector<1x1x16xf32>
            tpu.vector_store %arg6[%swap3A_859, %swap3A_860, %swap3A_861], %swap3A_864 {strides = array<i32>} : memref<4x256x64xf32, #tpu.memory_space<vmem>>, vector<1x1x16xf32>,
            %swap3A_865 = arith.constant 3 : i32
            %swap3A_866 = arith.index_cast %swap3A_865 : i32 to index
            %swap3A_867 = arith.index_cast %add3A_851 : i32 to index
            %swap3A_868 = arith.constant 32 : index
            %swap3A_869 = tpu.vector_load %arg6[%swap3A_866, %swap3A_867, %swap3A_868] {strides = array<i32>} : memref<4x256x64xf32, #tpu.memory_space<vmem>>, vector<1x1x16xf32>,
            %swap3A_870 = vector.shape_cast %swap3A_869 : vector<1x1x16xf32> to vector<16xf32>
            %swap3A_871 = vector.shape_cast %broadcast_in_dim3A_689 : vector<16xf32> to vector<1x1x16xf32>
            tpu.vector_store %arg6[%swap3A_866, %swap3A_867, %swap3A_868], %swap3A_871 {strides = array<i32>} : memref<4x256x64xf32, #tpu.memory_space<vmem>>, vector<1x1x16xf32>,
            %swap3A_872 = arith.constant 3 : i32
            %swap3A_873 = arith.index_cast %swap3A_872 : i32 to index
            %swap3A_874 = arith.index_cast %add3A_851 : i32 to index
            %swap3A_875 = arith.constant 48 : index
            %swap3A_876 = tpu.vector_load %arg6[%swap3A_873, %swap3A_874, %swap3A_875] {strides = array<i32>} : memref<4x256x64xf32, #tpu.memory_space<vmem>>, vector<1x1x16xf32>,
            %swap3A_877 = vector.shape_cast %swap3A_876 : vector<1x1x16xf32> to vector<16xf32>
            %swap3A_878 = vector.shape_cast %broadcast_in_dim3A_689 : vector<16xf32> to vector<1x1x16xf32>
            tpu.vector_store %arg6[%swap3A_873, %swap3A_874, %swap3A_875], %swap3A_878 {strides = array<i32>} : memref<4x256x64xf32, #tpu.memory_space<vmem>>, vector<1x1x16xf32>,
          } else {
          }
          %slice3A_813 = vector.extract_strided_slice %get3A_735 {offsets = [11], sizes = [1], strides = [1]} : vector<16xi32> to vector<1xi32>
          %squeeze3A_814 = vector.extract %slice3A_813[0] : i32 from vector<1xi32>
          %eq3A_815 = arith.constant 0 : i32
          %eq3A_816 = arith.cmpi eq, %squeeze3A_814, %eq3A_815 : i32
          %convert_element_type3A_817 = arith.extui %eq3A_816 : i1 to i32
          %cond3A_818 = arith.constant 0 : i32
          %cond3A_819 = arith.cmpi ne, %convert_element_type3A_817, %cond3A_818 : i32
          scf.if %cond3A_819 {
            %mul3A_848 = arith.constant 16 : i32
            %mul3A_849 = arith.muli %scan3A_696, %mul3A_848 : i32
            %add3A_850 = arith.constant 11 : i32
            %add3A_851 = arith.addi %mul3A_849, %add3A_850 : i32
            %swap3A = arith.constant 3 : i32
            %swap3A_852 = arith.index_cast %swap3A : i32 to index
            %swap3A_853 = arith.index_cast %add3A_851 : i32 to index
            %swap3A_854 = arith.constant 0 : index
            %swap3A_855 = tpu.vector_load %arg6[%swap3A_852, %swap3A_853, %swap3A_854] {strides = array<i32>} : memref<4x256x64xf32, #tpu.memory_space<vmem>>, vector<1x1x16xf32>,
            %swap3A_856 = vector.shape_cast %swap3A_855 : vector<1x1x16xf32> to vector<16xf32>
            %swap3A_857 = vector.shape_cast %broadcast_in_dim3A_689 : vector<16xf32> to vector<1x1x16xf32>
            tpu.vector_store %arg6[%swap3A_852, %swap3A_853, %swap3A_854], %swap3A_857 {strides = array<i32>} : memref<4x256x64xf32, #tpu.memory_space<vmem>>, vector<1x1x16xf32>,
            %swap3A_858 = arith.constant 3 : i32
            %swap3A_859 = arith.index_cast %swap3A_858 : i32 to index
            %swap3A_860 = arith.index_cast %add3A_851 : i32 to index
            %swap3A_861 = arith.constant 16 : index
            %swap3A_862 = tpu.vector_load %arg6[%swap3A_859, %swap3A_860, %swap3A_861] {strides = array<i32>} : memref<4x256x64xf32, #tpu.memory_space<vmem>>, vector<1x1x16xf32>,
            %swap3A_863 = vector.shape_cast %swap3A_862 : vector<1x1x16xf32> to vector<16xf32>
            %swap3A_864 = vector.shape_cast %broadcast_in_dim3A_689 : vector<16xf32> to vector<1x1x16xf32>
            tpu.vector_store %arg6[%swap3A_859, %swap3A_860, %swap3A_861], %swap3A_864 {strides = array<i32>} : memref<4x256x64xf32, #tpu.memory_space<vmem>>, vector<1x1x16xf32>,
            %swap3A_865 = arith.constant 3 : i32
            %swap3A_866 = arith.index_cast %swap3A_865 : i32 to index
            %swap3A_867 = arith.index_cast %add3A_851 : i32 to index
            %swap3A_868 = arith.constant 32 : index
            %swap3A_869 = tpu.vector_load %arg6[%swap3A_866, %swap3A_867, %swap3A_868] {strides = array<i32>} : memref<4x256x64xf32, #tpu.memory_space<vmem>>, vector<1x1x16xf32>,
            %swap3A_870 = vector.shape_cast %swap3A_869 : vector<1x1x16xf32> to vector<16xf32>
            %swap3A_871 = vector.shape_cast %broadcast_in_dim3A_689 : vector<16xf32> to vector<1x1x16xf32>
            tpu.vector_store %arg6[%swap3A_866, %swap3A_867, %swap3A_868], %swap3A_871 {strides = array<i32>} : memref<4x256x64xf32, #tpu.memory_space<vmem>>, vector<1x1x16xf32>,
            %swap3A_872 = arith.constant 3 : i32
            %swap3A_873 = arith.index_cast %swap3A_872 : i32 to index
            %swap3A_874 = arith.index_cast %add3A_851 : i32 to index
            %swap3A_875 = arith.constant 48 : index
            %swap3A_876 = tpu.vector_load %arg6[%swap3A_873, %swap3A_874, %swap3A_875] {strides = array<i32>} : memref<4x256x64xf32, #tpu.memory_space<vmem>>, vector<1x1x16xf32>,
            %swap3A_877 = vector.shape_cast %swap3A_876 : vector<1x1x16xf32> to vector<16xf32>
            %swap3A_878 = vector.shape_cast %broadcast_in_dim3A_689 : vector<16xf32> to vector<1x1x16xf32>
            tpu.vector_store %arg6[%swap3A_873, %swap3A_874, %swap3A_875], %swap3A_878 {strides = array<i32>} : memref<4x256x64xf32, #tpu.memory_space<vmem>>, vector<1x1x16xf32>,
          } else {
          }
          %slice3A_820 = vector.extract_strided_slice %get3A_735 {offsets = [12], sizes = [1], strides = [1]} : vector<16xi32> to vector<1xi32>
          %squeeze3A_821 = vector.extract %slice3A_820[0] : i32 from vector<1xi32>
          %eq3A_822 = arith.constant 0 : i32
          %eq3A_823 = arith.cmpi eq, %squeeze3A_821, %eq3A_822 : i32
          %convert_element_type3A_824 = arith.extui %eq3A_823 : i1 to i32
          %cond3A_825 = arith.constant 0 : i32
          %cond3A_826 = arith.cmpi ne, %convert_element_type3A_824, %cond3A_825 : i32
          scf.if %cond3A_826 {
            %mul3A_848 = arith.constant 16 : i32
            %mul3A_849 = arith.muli %scan3A_696, %mul3A_848 : i32
            %add3A_850 = arith.constant 12 : i32
            %add3A_851 = arith.addi %mul3A_849, %add3A_850 : i32
            %swap3A = arith.constant 3 : i32
            %swap3A_852 = arith.index_cast %swap3A : i32 to index
            %swap3A_853 = arith.index_cast %add3A_851 : i32 to index
            %swap3A_854 = arith.constant 0 : index
            %swap3A_855 = tpu.vector_load %arg6[%swap3A_852, %swap3A_853, %swap3A_854] {strides = array<i32>} : memref<4x256x64xf32, #tpu.memory_space<vmem>>, vector<1x1x16xf32>,
            %swap3A_856 = vector.shape_cast %swap3A_855 : vector<1x1x16xf32> to vector<16xf32>
            %swap3A_857 = vector.shape_cast %broadcast_in_dim3A_689 : vector<16xf32> to vector<1x1x16xf32>
            tpu.vector_store %arg6[%swap3A_852, %swap3A_853, %swap3A_854], %swap3A_857 {strides = array<i32>} : memref<4x256x64xf32, #tpu.memory_space<vmem>>, vector<1x1x16xf32>,
            %swap3A_858 = arith.constant 3 : i32
            %swap3A_859 = arith.index_cast %swap3A_858 : i32 to index
            %swap3A_860 = arith.index_cast %add3A_851 : i32 to index
            %swap3A_861 = arith.constant 16 : index
            %swap3A_862 = tpu.vector_load %arg6[%swap3A_859, %swap3A_860, %swap3A_861] {strides = array<i32>} : memref<4x256x64xf32, #tpu.memory_space<vmem>>, vector<1x1x16xf32>,
            %swap3A_863 = vector.shape_cast %swap3A_862 : vector<1x1x16xf32> to vector<16xf32>
            %swap3A_864 = vector.shape_cast %broadcast_in_dim3A_689 : vector<16xf32> to vector<1x1x16xf32>
            tpu.vector_store %arg6[%swap3A_859, %swap3A_860, %swap3A_861], %swap3A_864 {strides = array<i32>} : memref<4x256x64xf32, #tpu.memory_space<vmem>>, vector<1x1x16xf32>,
            %swap3A_865 = arith.constant 3 : i32
            %swap3A_866 = arith.index_cast %swap3A_865 : i32 to index
            %swap3A_867 = arith.index_cast %add3A_851 : i32 to index
            %swap3A_868 = arith.constant 32 : index
            %swap3A_869 = tpu.vector_load %arg6[%swap3A_866, %swap3A_867, %swap3A_868] {strides = array<i32>} : memref<4x256x64xf32, #tpu.memory_space<vmem>>, vector<1x1x16xf32>,
            %swap3A_870 = vector.shape_cast %swap3A_869 : vector<1x1x16xf32> to vector<16xf32>
            %swap3A_871 = vector.shape_cast %broadcast_in_dim3A_689 : vector<16xf32> to vector<1x1x16xf32>
            tpu.vector_store %arg6[%swap3A_866, %swap3A_867, %swap3A_868], %swap3A_871 {strides = array<i32>} : memref<4x256x64xf32, #tpu.memory_space<vmem>>, vector<1x1x16xf32>,
            %swap3A_872 = arith.constant 3 : i32
            %swap3A_873 = arith.index_cast %swap3A_872 : i32 to index
            %swap3A_874 = arith.index_cast %add3A_851 : i32 to index
            %swap3A_875 = arith.constant 48 : index
            %swap3A_876 = tpu.vector_load %arg6[%swap3A_873, %swap3A_874, %swap3A_875] {strides = array<i32>} : memref<4x256x64xf32, #tpu.memory_space<vmem>>, vector<1x1x16xf32>,
            %swap3A_877 = vector.shape_cast %swap3A_876 : vector<1x1x16xf32> to vector<16xf32>
            %swap3A_878 = vector.shape_cast %broadcast_in_dim3A_689 : vector<16xf32> to vector<1x1x16xf32>
            tpu.vector_store %arg6[%swap3A_873, %swap3A_874, %swap3A_875], %swap3A_878 {strides = array<i32>} : memref<4x256x64xf32, #tpu.memory_space<vmem>>, vector<1x1x16xf32>,
          } else {
          }
          %slice3A_827 = vector.extract_strided_slice %get3A_735 {offsets = [13], sizes = [1], strides = [1]} : vector<16xi32> to vector<1xi32>
          %squeeze3A_828 = vector.extract %slice3A_827[0] : i32 from vector<1xi32>
          %eq3A_829 = arith.constant 0 : i32
          %eq3A_830 = arith.cmpi eq, %squeeze3A_828, %eq3A_829 : i32
          %convert_element_type3A_831 = arith.extui %eq3A_830 : i1 to i32
          %cond3A_832 = arith.constant 0 : i32
          %cond3A_833 = arith.cmpi ne, %convert_element_type3A_831, %cond3A_832 : i32
          scf.if %cond3A_833 {
            %mul3A_848 = arith.constant 16 : i32
            %mul3A_849 = arith.muli %scan3A_696, %mul3A_848 : i32
            %add3A_850 = arith.constant 13 : i32
            %add3A_851 = arith.addi %mul3A_849, %add3A_850 : i32
            %swap3A = arith.constant 3 : i32
            %swap3A_852 = arith.index_cast %swap3A : i32 to index
            %swap3A_853 = arith.index_cast %add3A_851 : i32 to index
            %swap3A_854 = arith.constant 0 : index
            %swap3A_855 = tpu.vector_load %arg6[%swap3A_852, %swap3A_853, %swap3A_854] {strides = array<i32>} : memref<4x256x64xf32, #tpu.memory_space<vmem>>, vector<1x1x16xf32>,
            %swap3A_856 = vector.shape_cast %swap3A_855 : vector<1x1x16xf32> to vector<16xf32>
            %swap3A_857 = vector.shape_cast %broadcast_in_dim3A_689 : vector<16xf32> to vector<1x1x16xf32>
            tpu.vector_store %arg6[%swap3A_852, %swap3A_853, %swap3A_854], %swap3A_857 {strides = array<i32>} : memref<4x256x64xf32, #tpu.memory_space<vmem>>, vector<1x1x16xf32>,
            %swap3A_858 = arith.constant 3 : i32
            %swap3A_859 = arith.index_cast %swap3A_858 : i32 to index
            %swap3A_860 = arith.index_cast %add3A_851 : i32 to index
            %swap3A_861 = arith.constant 16 : index
            %swap3A_862 = tpu.vector_load %arg6[%swap3A_859, %swap3A_860, %swap3A_861] {strides = array<i32>} : memref<4x256x64xf32, #tpu.memory_space<vmem>>, vector<1x1x16xf32>,
            %swap3A_863 = vector.shape_cast %swap3A_862 : vector<1x1x16xf32> to vector<16xf32>
            %swap3A_864 = vector.shape_cast %broadcast_in_dim3A_689 : vector<16xf32> to vector<1x1x16xf32>
            tpu.vector_store %arg6[%swap3A_859, %swap3A_860, %swap3A_861], %swap3A_864 {strides = array<i32>} : memref<4x256x64xf32, #tpu.memory_space<vmem>>, vector<1x1x16xf32>,
            %swap3A_865 = arith.constant 3 : i32
            %swap3A_866 = arith.index_cast %swap3A_865 : i32 to index
            %swap3A_867 = arith.index_cast %add3A_851 : i32 to index
            %swap3A_868 = arith.constant 32 : index
            %swap3A_869 = tpu.vector_load %arg6[%swap3A_866, %swap3A_867, %swap3A_868] {strides = array<i32>} : memref<4x256x64xf32, #tpu.memory_space<vmem>>, vector<1x1x16xf32>,
            %swap3A_870 = vector.shape_cast %swap3A_869 : vector<1x1x16xf32> to vector<16xf32>
            %swap3A_871 = vector.shape_cast %broadcast_in_dim3A_689 : vector<16xf32> to vector<1x1x16xf32>
            tpu.vector_store %arg6[%swap3A_866, %swap3A_867, %swap3A_868], %swap3A_871 {strides = array<i32>} : memref<4x256x64xf32, #tpu.memory_space<vmem>>, vector<1x1x16xf32>,
            %swap3A_872 = arith.constant 3 : i32
            %swap3A_873 = arith.index_cast %swap3A_872 : i32 to index
            %swap3A_874 = arith.index_cast %add3A_851 : i32 to index
            %swap3A_875 = arith.constant 48 : index
            %swap3A_876 = tpu.vector_load %arg6[%swap3A_873, %swap3A_874, %swap3A_875] {strides = array<i32>} : memref<4x256x64xf32, #tpu.memory_space<vmem>>, vector<1x1x16xf32>,
            %swap3A_877 = vector.shape_cast %swap3A_876 : vector<1x1x16xf32> to vector<16xf32>
            %swap3A_878 = vector.shape_cast %broadcast_in_dim3A_689 : vector<16xf32> to vector<1x1x16xf32>
            tpu.vector_store %arg6[%swap3A_873, %swap3A_874, %swap3A_875], %swap3A_878 {strides = array<i32>} : memref<4x256x64xf32, #tpu.memory_space<vmem>>, vector<1x1x16xf32>,
          } else {
          }
          %slice3A_834 = vector.extract_strided_slice %get3A_735 {offsets = [14], sizes = [1], strides = [1]} : vector<16xi32> to vector<1xi32>
          %squeeze3A_835 = vector.extract %slice3A_834[0] : i32 from vector<1xi32>
          %eq3A_836 = arith.constant 0 : i32
          %eq3A_837 = arith.cmpi eq, %squeeze3A_835, %eq3A_836 : i32
          %convert_element_type3A_838 = arith.extui %eq3A_837 : i1 to i32
          %cond3A_839 = arith.constant 0 : i32
          %cond3A_840 = arith.cmpi ne, %convert_element_type3A_838, %cond3A_839 : i32
          scf.if %cond3A_840 {
            %mul3A_848 = arith.constant 16 : i32
            %mul3A_849 = arith.muli %scan3A_696, %mul3A_848 : i32
            %add3A_850 = arith.constant 14 : i32
            %add3A_851 = arith.addi %mul3A_849, %add3A_850 : i32
            %swap3A = arith.constant 3 : i32
            %swap3A_852 = arith.index_cast %swap3A : i32 to index
            %swap3A_853 = arith.index_cast %add3A_851 : i32 to index
            %swap3A_854 = arith.constant 0 : index
            %swap3A_855 = tpu.vector_load %arg6[%swap3A_852, %swap3A_853, %swap3A_854] {strides = array<i32>} : memref<4x256x64xf32, #tpu.memory_space<vmem>>, vector<1x1x16xf32>,
            %swap3A_856 = vector.shape_cast %swap3A_855 : vector<1x1x16xf32> to vector<16xf32>
            %swap3A_857 = vector.shape_cast %broadcast_in_dim3A_689 : vector<16xf32> to vector<1x1x16xf32>
            tpu.vector_store %arg6[%swap3A_852, %swap3A_853, %swap3A_854], %swap3A_857 {strides = array<i32>} : memref<4x256x64xf32, #tpu.memory_space<vmem>>, vector<1x1x16xf32>,
            %swap3A_858 = arith.constant 3 : i32
            %swap3A_859 = arith.index_cast %swap3A_858 : i32 to index
            %swap3A_860 = arith.index_cast %add3A_851 : i32 to index
            %swap3A_861 = arith.constant 16 : index
            %swap3A_862 = tpu.vector_load %arg6[%swap3A_859, %swap3A_860, %swap3A_861] {strides = array<i32>} : memref<4x256x64xf32, #tpu.memory_space<vmem>>, vector<1x1x16xf32>,
            %swap3A_863 = vector.shape_cast %swap3A_862 : vector<1x1x16xf32> to vector<16xf32>
            %swap3A_864 = vector.shape_cast %broadcast_in_dim3A_689 : vector<16xf32> to vector<1x1x16xf32>
            tpu.vector_store %arg6[%swap3A_859, %swap3A_860, %swap3A_861], %swap3A_864 {strides = array<i32>} : memref<4x256x64xf32, #tpu.memory_space<vmem>>, vector<1x1x16xf32>,
            %swap3A_865 = arith.constant 3 : i32
            %swap3A_866 = arith.index_cast %swap3A_865 : i32 to index
            %swap3A_867 = arith.index_cast %add3A_851 : i32 to index
            %swap3A_868 = arith.constant 32 : index
            %swap3A_869 = tpu.vector_load %arg6[%swap3A_866, %swap3A_867, %swap3A_868] {strides = array<i32>} : memref<4x256x64xf32, #tpu.memory_space<vmem>>, vector<1x1x16xf32>,
            %swap3A_870 = vector.shape_cast %swap3A_869 : vector<1x1x16xf32> to vector<16xf32>
            %swap3A_871 = vector.shape_cast %broadcast_in_dim3A_689 : vector<16xf32> to vector<1x1x16xf32>
            tpu.vector_store %arg6[%swap3A_866, %swap3A_867, %swap3A_868], %swap3A_871 {strides = array<i32>} : memref<4x256x64xf32, #tpu.memory_space<vmem>>, vector<1x1x16xf32>,
            %swap3A_872 = arith.constant 3 : i32
            %swap3A_873 = arith.index_cast %swap3A_872 : i32 to index
            %swap3A_874 = arith.index_cast %add3A_851 : i32 to index
            %swap3A_875 = arith.constant 48 : index
            %swap3A_876 = tpu.vector_load %arg6[%swap3A_873, %swap3A_874, %swap3A_875] {strides = array<i32>} : memref<4x256x64xf32, #tpu.memory_space<vmem>>, vector<1x1x16xf32>,
            %swap3A_877 = vector.shape_cast %swap3A_876 : vector<1x1x16xf32> to vector<16xf32>
            %swap3A_878 = vector.shape_cast %broadcast_in_dim3A_689 : vector<16xf32> to vector<1x1x16xf32>
            tpu.vector_store %arg6[%swap3A_873, %swap3A_874, %swap3A_875], %swap3A_878 {strides = array<i32>} : memref<4x256x64xf32, #tpu.memory_space<vmem>>, vector<1x1x16xf32>,
          } else {
          }
          %slice3A_841 = vector.extract_strided_slice %get3A_735 {offsets = [15], sizes = [1], strides = [1]} : vector<16xi32> to vector<1xi32>
          %squeeze3A_842 = vector.extract %slice3A_841[0] : i32 from vector<1xi32>
          %eq3A_843 = arith.constant 0 : i32
          %eq3A_844 = arith.cmpi eq, %squeeze3A_842, %eq3A_843 : i32
          %convert_element_type3A_845 = arith.extui %eq3A_844 : i1 to i32
          %cond3A_846 = arith.constant 0 : i32
          %cond3A_847 = arith.cmpi ne, %convert_element_type3A_845, %cond3A_846 : i32
          scf.if %cond3A_847 {
            %mul3A_848 = arith.constant 16 : i32
            %mul3A_849 = arith.muli %scan3A_696, %mul3A_848 : i32
            %add3A_850 = arith.constant 15 : i32
            %add3A_851 = arith.addi %mul3A_849, %add3A_850 : i32
            %swap3A = arith.constant 3 : i32
            %swap3A_852 = arith.index_cast %swap3A : i32 to index
            %swap3A_853 = arith.index_cast %add3A_851 : i32 to index
            %swap3A_854 = arith.constant 0 : index
            %swap3A_855 = tpu.vector_load %arg6[%swap3A_852, %swap3A_853, %swap3A_854] {strides = array<i32>} : memref<4x256x64xf32, #tpu.memory_space<vmem>>, vector<1x1x16xf32>,
            %swap3A_856 = vector.shape_cast %swap3A_855 : vector<1x1x16xf32> to vector<16xf32>
            %swap3A_857 = vector.shape_cast %broadcast_in_dim3A_689 : vector<16xf32> to vector<1x1x16xf32>
            tpu.vector_store %arg6[%swap3A_852, %swap3A_853, %swap3A_854], %swap3A_857 {strides = array<i32>} : memref<4x256x64xf32, #tpu.memory_space<vmem>>, vector<1x1x16xf32>,
            %swap3A_858 = arith.constant 3 : i32
            %swap3A_859 = arith.index_cast %swap3A_858 : i32 to index
            %swap3A_860 = arith.index_cast %add3A_851 : i32 to index
            %swap3A_861 = arith.constant 16 : index
            %swap3A_862 = tpu.vector_load %arg6[%swap3A_859, %swap3A_860, %swap3A_861] {strides = array<i32>} : memref<4x256x64xf32, #tpu.memory_space<vmem>>, vector<1x1x16xf32>,
            %swap3A_863 = vector.shape_cast %swap3A_862 : vector<1x1x16xf32> to vector<16xf32>
            %swap3A_864 = vector.shape_cast %broadcast_in_dim3A_689 : vector<16xf32> to vector<1x1x16xf32>
            tpu.vector_store %arg6[%swap3A_859, %swap3A_860, %swap3A_861], %swap3A_864 {strides = array<i32>} : memref<4x256x64xf32, #tpu.memory_space<vmem>>, vector<1x1x16xf32>,
            %swap3A_865 = arith.constant 3 : i32
            %swap3A_866 = arith.index_cast %swap3A_865 : i32 to index
            %swap3A_867 = arith.index_cast %add3A_851 : i32 to index
            %swap3A_868 = arith.constant 32 : index
            %swap3A_869 = tpu.vector_load %arg6[%swap3A_866, %swap3A_867, %swap3A_868] {strides = array<i32>} : memref<4x256x64xf32, #tpu.memory_space<vmem>>, vector<1x1x16xf32>,
            %swap3A_870 = vector.shape_cast %swap3A_869 : vector<1x1x16xf32> to vector<16xf32>
            %swap3A_871 = vector.shape_cast %broadcast_in_dim3A_689 : vector<16xf32> to vector<1x1x16xf32>
            tpu.vector_store %arg6[%swap3A_866, %swap3A_867, %swap3A_868], %swap3A_871 {strides = array<i32>} : memref<4x256x64xf32, #tpu.memory_space<vmem>>, vector<1x1x16xf32>,
            %swap3A_872 = arith.constant 3 : i32
            %swap3A_873 = arith.index_cast %swap3A_872 : i32 to index
            %swap3A_874 = arith.index_cast %add3A_851 : i32 to index
            %swap3A_875 = arith.constant 48 : index
            %swap3A_876 = tpu.vector_load %arg6[%swap3A_873, %swap3A_874, %swap3A_875] {strides = array<i32>} : memref<4x256x64xf32, #tpu.memory_space<vmem>>, vector<1x1x16xf32>,
            %swap3A_877 = vector.shape_cast %swap3A_876 : vector<1x1x16xf32> to vector<16xf32>
            %swap3A_878 = vector.shape_cast %broadcast_in_dim3A_689 : vector<16xf32> to vector<1x1x16xf32>
            tpu.vector_store %arg6[%swap3A_873, %swap3A_874, %swap3A_875], %swap3A_878 {strides = array<i32>} : memref<4x256x64xf32, #tpu.memory_space<vmem>>, vector<1x1x16xf32>,
          } else {
          }
        }
        %scan3A_695 = arith.constant 16 : i32
      } else {
      }
      %mul3A_665 = arith.constant 100 : i32
      %mul3A_666 = arith.muli %add3A, %mul3A_665 : i32
      %add3A_667 = arith.addi %mul3A_666, %add3A_568 : i32
      %mul3A_668 = arith.constant 256 : i32
      %mul3A_669 = arith.muli %add3A_667, %mul3A_668 : i32
      %dma_start3A_670 = arith.constant 3 : i32
      %dma_start3A_671 = arith.constant 0 : i32
      %dma_start3A_672 = arith.constant 0 : i32
      %dma_start3A_673 = tpu.memref_slice %arg6[%dma_start3A_670, %dma_start3A_671, %dma_start3A_672] : memref<4x256x64xf32, #tpu.memory_space<vmem>> -> memref<1x256x64xf32, #tpu.memory_space<vmem>>
      %dma_start3A_674 = tpu.memref_squeeze %dma_start3A_673 : memref<1x256x64xf32, #tpu.memory_space<vmem>> -> memref<256x64xf32, #tpu.memory_space<vmem>>
      %dma_start3A_675 = arith.constant 0 : i32
      %dma_start3A_676 = tpu.memref_slice %arg4[%mul3A_669, %dma_start3A_675] : memref<819200x64xf32, #tpu.memory_space<hbm>> -> memref<256x64xf32, #tpu.memory_space<hbm>>
      %dma_start3A_677 = arith.constant 0 : i32
      %dma_start3A_678 = tpu.memref_slice %arg4[%mul3A_669, %dma_start3A_677] : memref<819200x64xf32, #tpu.memory_space<hbm>> -> memref<256x64xf32, #tpu.memory_space<hbm>>
      %dma_start3A_679 = arith.constant 0 : i32
      %dma_start3A_680 = arith.constant 0 : i32
      %dma_start3A_681 = tpu.memref_slice %arg6[%dma_start3A_670, %dma_start3A_679, %dma_start3A_680] : memref<4x256x64xf32, #tpu.memory_space<vmem>> -> memref<1x256x64xf32, #tpu.memory_space<vmem>>
      %dma_start3A_682 = tpu.memref_squeeze %dma_start3A_681 : memref<1x256x64xf32, #tpu.memory_space<vmem>> -> memref<256x64xf32, #tpu.memory_space<vmem>>
      tpu.enqueue_dma source(%dma_start3A_682 : memref<256x64xf32, #tpu.memory_space<vmem>>) target(%dma_start3A_678 : memref<256x64xf32, #tpu.memory_space<hbm>>) target_semaphore(%arg14 : memref<!tpu.dma_semaphore, #tpu.memory_space<semaphore_mem>>)
      %lt3A_683 = arith.constant 24 : i32
      %lt3A_684 = arith.cmpi slt, %scan3A_202, %lt3A_683 : i32
      %convert_element_type3A_685 = arith.extui %lt3A_684 : i1 to i32
      %cond3A_686 = arith.constant 0 : i32
      %cond3A_687 = arith.cmpi ne, %convert_element_type3A_685, %cond3A_686 : i32
      scf.if %cond3A_687 {
        %mul3A_688 = arith.constant 100 : i32
        %mul3A_689 = arith.muli %add3A, %mul3A_688 : i32
        %add3A_690 = arith.addi %mul3A_689, %add3A_568 : i32
        %mul3A_691 = arith.constant 256 : i32
        %mul3A_692 = arith.muli %add3A_690, %mul3A_691 : i32
        %dma_wait3A_693 = arith.constant 3 : i32
        %dma_wait3A_694 = arith.constant 0 : i32
        %dma_wait3A_695 = arith.constant 0 : i32
        %dma_wait3A_696 = tpu.memref_slice %arg6[%dma_wait3A_693, %dma_wait3A_694, %dma_wait3A_695] : memref<4x256x64xf32, #tpu.memory_space<vmem>> -> memref<1x256x64xf32, #tpu.memory_space<vmem>>
        %dma_wait3A_697 = tpu.memref_squeeze %dma_wait3A_696 : memref<1x256x64xf32, #tpu.memory_space<vmem>> -> memref<256x64xf32, #tpu.memory_space<vmem>>
        %dma_wait3A_698 = arith.constant 0 : i32
        %dma_wait3A_699 = tpu.memref_slice %arg4[%mul3A_692, %dma_wait3A_698] : memref<819200x64xf32, #tpu.memory_space<hbm>> -> memref<256x64xf32, #tpu.memory_space<hbm>>
        %dma_wait3A_700 = arith.constant 0 : i32
        %dma_wait3A_701 = tpu.memref_slice %arg4[%mul3A_692, %dma_wait3A_700] : memref<819200x64xf32, #tpu.memory_space<hbm>> -> memref<256x64xf32, #tpu.memory_space<hbm>>
        %dma_wait3A_702 = arith.constant 0 : i32
        %dma_wait3A_703 = arith.constant 0 : i32
        %dma_wait3A_704 = tpu.memref_slice %arg6[%dma_wait3A_693, %dma_wait3A_702, %dma_wait3A_703] : memref<4x256x64xf32, #tpu.memory_space<vmem>> -> memref<1x256x64xf32, #tpu.memory_space<vmem>>
        %dma_wait3A_705 = tpu.memref_squeeze %dma_wait3A_704 : memref<1x256x64xf32, #tpu.memory_space<vmem>> -> memref<256x64xf32, #tpu.memory_space<vmem>>
        tpu.wait_dma2 semaphore(%arg14 : memref<!tpu.dma_semaphore, #tpu.memory_space<semaphore_mem>>) src(%dma_wait3A_705 : memref<256x64xf32, #tpu.memory_space<vmem>>) dst(%dma_wait3A_701 : memref<256x64xf32, #tpu.memory_space<hbm>>)
        %add3A_706 = arith.constant 4 : i32
        %add3A_707 = arith.addi %add3A_568, %add3A_706 : i32
        %mul3A_708 = arith.constant 2 : i32
        %mul3A_709 = arith.muli %add3A_707, %mul3A_708 : i32
        %add3A_710 = arith.constant 0 : i32
        %add3A_711 = arith.addi %mul3A_709, %add3A_710 : i32
        %dma_start3A_712 = arith.constant 3 : i32
        %dma_start3A_713 = arith.constant 0 : i32
        %dma_start3A_714 = arith.constant 0 : i32
        %dma_start3A_715 = tpu.memref_slice %arg6[%dma_start3A_712, %dma_start3A_713, %dma_start3A_714] : memref<4x256x64xf32, #tpu.memory_space<vmem>> -> memref<1x256x64xf32, #tpu.memory_space<vmem>>
        %dma_start3A_716 = tpu.memref_squeeze %dma_start3A_715 : memref<1x256x64xf32, #tpu.memory_space<vmem>> -> memref<256x64xf32, #tpu.memory_space<vmem>>
        %dma_start3A_717 = arith.constant 0 : i32
        %dma_start3A_718 = arith.constant 0 : i32
        %dma_start3A_719 = tpu.memref_slice %dma_start3A_716[%dma_start3A_717, %dma_start3A_718] : memref<256x64xf32, #tpu.memory_space<vmem>> -> memref<128x64xf32, #tpu.memory_space<vmem>>
        %dma_start3A_720 = arith.constant 0 : i32
        %dma_start3A_721 = tpu.memref_slice %arg5[%add3A_711, %dma_start3A_720] : memref<200x128xi32, #tpu.memory_space<vmem>> -> memref<1x128xi32, #tpu.memory_space<vmem>>
        %dma_start3A_722 = tpu.memref_squeeze %dma_start3A_721 : memref<1x128xi32, #tpu.memory_space<vmem>> -> memref<128xi32, #tpu.memory_space<vmem>>
        %dma_start3A_723 = arith.constant 0 : i32
        %dma_start3A_724 = arith.constant 0 : i32
        %dma_start3A_725 = tpu.memref_slice %arg3[%dma_start3A_723, %dma_start3A_724] : memref<1000000x64xf32, #tpu.memory_space<hbm>> -> memref<1000000x64xf32, #tpu.memory_space<hbm>>
        tpu.enqueue_indirect_dma source(%dma_start3A_725 : memref<1000000x64xf32, #tpu.memory_space<hbm>>) target(%dma_start3A_719 : memref<128x64xf32, #tpu.memory_space<vmem>>) offsets(%dma_start3A_722 : memref<128xi32, #tpu.memory_space<vmem>>) semaphore(%arg10 : memref<!tpu.dma_semaphore, #tpu.memory_space<semaphore_mem>>)
        %mul3A_726 = arith.constant 2 : i32
        %mul3A_727 = arith.muli %add3A_707, %mul3A_726 : i32
        %add3A_728 = arith.constant 1 : i32
        %add3A_729 = arith.addi %mul3A_727, %add3A_728 : i32
        %dma_start3A_730 = arith.constant 3 : i32
        %dma_start3A_731 = arith.constant 0 : i32
        %dma_start3A_732 = arith.constant 0 : i32
        %dma_start3A_733 = tpu.memref_slice %arg6[%dma_start3A_730, %dma_start3A_731, %dma_start3A_732] : memref<4x256x64xf32, #tpu.memory_space<vmem>> -> memref<1x256x64xf32, #tpu.memory_space<vmem>>
        %dma_start3A_734 = tpu.memref_squeeze %dma_start3A_733 : memref<1x256x64xf32, #tpu.memory_space<vmem>> -> memref<256x64xf32, #tpu.memory_space<vmem>>
        %dma_start3A_735 = arith.constant 128 : i32
        %dma_start3A_736 = arith.constant 0 : i32
        %dma_start3A_737 = tpu.memref_slice %dma_start3A_734[%dma_start3A_735, %dma_start3A_736] : memref<256x64xf32, #tpu.memory_space<vmem>> -> memref<128x64xf32, #tpu.memory_space<vmem>>
        %dma_start3A_738 = arith.constant 0 : i32
        %dma_start3A_739 = tpu.memref_slice %arg5[%add3A_729, %dma_start3A_738] : memref<200x128xi32, #tpu.memory_space<vmem>> -> memref<1x128xi32, #tpu.memory_space<vmem>>
        %dma_start3A_740 = tpu.memref_squeeze %dma_start3A_739 : memref<1x128xi32, #tpu.memory_space<vmem>> -> memref<128xi32, #tpu.memory_space<vmem>>
        %dma_start3A_741 = arith.constant 0 : i32
        %dma_start3A_742 = arith.constant 0 : i32
        %dma_start3A_743 = tpu.memref_slice %arg3[%dma_start3A_741, %dma_start3A_742] : memref<1000000x64xf32, #tpu.memory_space<hbm>> -> memref<1000000x64xf32, #tpu.memory_space<hbm>>
        tpu.enqueue_indirect_dma source(%dma_start3A_743 : memref<1000000x64xf32, #tpu.memory_space<hbm>>) target(%dma_start3A_737 : memref<128x64xf32, #tpu.memory_space<vmem>>) offsets(%dma_start3A_740 : memref<128xi32, #tpu.memory_space<vmem>>) semaphore(%arg10 : memref<!tpu.dma_semaphore, #tpu.memory_space<semaphore_mem>>)
      } else {
      }
    }
    %scan3A_126 = arith.constant 25 : i32
    %mul3A_127 = arith.constant 100 : i32
    %mul3A_128 = arith.muli %add3A, %mul3A_127 : i32
    %add3A_129 = arith.constant 96 : i32
    %add3A_130 = arith.addi %mul3A_128, %add3A_129 : i32
    %mul3A_131 = arith.constant 256 : i32
    %mul3A_132 = arith.muli %add3A_130, %mul3A_131 : i32
    %dma_wait3A = arith.constant 0 : i32
    %dma_wait3A_133 = arith.constant 0 : i32
    %dma_wait3A_134 = arith.constant 0 : i32
    %dma_wait3A_135 = tpu.memref_slice %arg6[%dma_wait3A, %dma_wait3A_133, %dma_wait3A_134] : memref<4x256x64xf32, #tpu.memory_space<vmem>> -> memref<1x256x64xf32, #tpu.memory_space<vmem>>
    %dma_wait3A_136 = tpu.memref_squeeze %dma_wait3A_135 : memref<1x256x64xf32, #tpu.memory_space<vmem>> -> memref<256x64xf32, #tpu.memory_space<vmem>>
    %dma_wait3A_137 = arith.constant 0 : i32
    %dma_wait3A_138 = tpu.memref_slice %arg4[%mul3A_132, %dma_wait3A_137] : memref<819200x64xf32, #tpu.memory_space<hbm>> -> memref<256x64xf32, #tpu.memory_space<hbm>>
    %dma_wait3A_139 = arith.constant 0 : i32
    %dma_wait3A_140 = tpu.memref_slice %arg4[%mul3A_132, %dma_wait3A_139] : memref<819200x64xf32, #tpu.memory_space<hbm>> -> memref<256x64xf32, #tpu.memory_space<hbm>>
    %dma_wait3A_141 = arith.constant 0 : i32
    %dma_wait3A_142 = arith.constant 0 : i32
    %dma_wait3A_143 = tpu.memref_slice %arg6[%dma_wait3A, %dma_wait3A_141, %dma_wait3A_142] : memref<4x256x64xf32, #tpu.memory_space<vmem>> -> memref<1x256x64xf32, #tpu.memory_space<vmem>>
    %dma_wait3A_144 = tpu.memref_squeeze %dma_wait3A_143 : memref<1x256x64xf32, #tpu.memory_space<vmem>> -> memref<256x64xf32, #tpu.memory_space<vmem>>
    tpu.wait_dma2 semaphore(%arg11 : memref<!tpu.dma_semaphore, #tpu.memory_space<semaphore_mem>>) src(%dma_wait3A_144 : memref<256x64xf32, #tpu.memory_space<vmem>>) dst(%dma_wait3A_140 : memref<256x64xf32, #tpu.memory_space<hbm>>)
    %mul3A_145 = arith.constant 100 : i32
    %mul3A_146 = arith.muli %add3A, %mul3A_145 : i32
    %add3A_147 = arith.constant 97 : i32
    %add3A_148 = arith.addi %mul3A_146, %add3A_147 : i32
    %mul3A_149 = arith.constant 256 : i32
    %mul3A_150 = arith.muli %add3A_148, %mul3A_149 : i32
    %dma_wait3A_151 = arith.constant 1 : i32
    %dma_wait3A_152 = arith.constant 0 : i32
    %dma_wait3A_153 = arith.constant 0 : i32
    %dma_wait3A_154 = tpu.memref_slice %arg6[%dma_wait3A_151, %dma_wait3A_152, %dma_wait3A_153] : memref<4x256x64xf32, #tpu.memory_space<vmem>> -> memref<1x256x64xf32, #tpu.memory_space<vmem>>
    %dma_wait3A_155 = tpu.memref_squeeze %dma_wait3A_154 : memref<1x256x64xf32, #tpu.memory_space<vmem>> -> memref<256x64xf32, #tpu.memory_space<vmem>>
    %dma_wait3A_156 = arith.constant 0 : i32
    %dma_wait3A_157 = tpu.memref_slice %arg4[%mul3A_150, %dma_wait3A_156] : memref<819200x64xf32, #tpu.memory_space<hbm>> -> memref<256x64xf32, #tpu.memory_space<hbm>>
    %dma_wait3A_158 = arith.constant 0 : i32
    %dma_wait3A_159 = tpu.memref_slice %arg4[%mul3A_150, %dma_wait3A_158] : memref<819200x64xf32, #tpu.memory_space<hbm>> -> memref<256x64xf32, #tpu.memory_space<hbm>>
    %dma_wait3A_160 = arith.constant 0 : i32
    %dma_wait3A_161 = arith.constant 0 : i32
    %dma_wait3A_162 = tpu.memref_slice %arg6[%dma_wait3A_151, %dma_wait3A_160, %dma_wait3A_161] : memref<4x256x64xf32, #tpu.memory_space<vmem>> -> memref<1x256x64xf32, #tpu.memory_space<vmem>>
    %dma_wait3A_163 = tpu.memref_squeeze %dma_wait3A_162 : memref<1x256x64xf32, #tpu.memory_space<vmem>> -> memref<256x64xf32, #tpu.memory_space<vmem>>
    tpu.wait_dma2 semaphore(%arg12 : memref<!tpu.dma_semaphore, #tpu.memory_space<semaphore_mem>>) src(%dma_wait3A_163 : memref<256x64xf32, #tpu.memory_space<vmem>>) dst(%dma_wait3A_159 : memref<256x64xf32, #tpu.memory_space<hbm>>)
    %mul3A_164 = arith.constant 100 : i32
    %mul3A_165 = arith.muli %add3A, %mul3A_164 : i32
    %add3A_166 = arith.constant 98 : i32
    %add3A_167 = arith.addi %mul3A_165, %add3A_166 : i32
    %mul3A_168 = arith.constant 256 : i32
    %mul3A_169 = arith.muli %add3A_167, %mul3A_168 : i32
    %dma_wait3A_170 = arith.constant 2 : i32
    %dma_wait3A_171 = arith.constant 0 : i32
    %dma_wait3A_172 = arith.constant 0 : i32
    %dma_wait3A_173 = tpu.memref_slice %arg6[%dma_wait3A_170, %dma_wait3A_171, %dma_wait3A_172] : memref<4x256x64xf32, #tpu.memory_space<vmem>> -> memref<1x256x64xf32, #tpu.memory_space<vmem>>
    %dma_wait3A_174 = tpu.memref_squeeze %dma_wait3A_173 : memref<1x256x64xf32, #tpu.memory_space<vmem>> -> memref<256x64xf32, #tpu.memory_space<vmem>>
    %dma_wait3A_175 = arith.constant 0 : i32
    %dma_wait3A_176 = tpu.memref_slice %arg4[%mul3A_169, %dma_wait3A_175] : memref<819200x64xf32, #tpu.memory_space<hbm>> -> memref<256x64xf32, #tpu.memory_space<hbm>>
    %dma_wait3A_177 = arith.constant 0 : i32
    %dma_wait3A_178 = tpu.memref_slice %arg4[%mul3A_169, %dma_wait3A_177] : memref<819200x64xf32, #tpu.memory_space<hbm>> -> memref<256x64xf32, #tpu.memory_space<hbm>>
    %dma_wait3A_179 = arith.constant 0 : i32
    %dma_wait3A_180 = arith.constant 0 : i32
    %dma_wait3A_181 = tpu.memref_slice %arg6[%dma_wait3A_170, %dma_wait3A_179, %dma_wait3A_180] : memref<4x256x64xf32, #tpu.memory_space<vmem>> -> memref<1x256x64xf32, #tpu.memory_space<vmem>>
    %dma_wait3A_182 = tpu.memref_squeeze %dma_wait3A_181 : memref<1x256x64xf32, #tpu.memory_space<vmem>> -> memref<256x64xf32, #tpu.memory_space<vmem>>
    tpu.wait_dma2 semaphore(%arg13 : memref<!tpu.dma_semaphore, #tpu.memory_space<semaphore_mem>>) src(%dma_wait3A_182 : memref<256x64xf32, #tpu.memory_space<vmem>>) dst(%dma_wait3A_178 : memref<256x64xf32, #tpu.memory_space<hbm>>)
    %mul3A_183 = arith.constant 100 : i32
    %mul3A_184 = arith.muli %add3A, %mul3A_183 : i32
    %add3A_185 = arith.constant 99 : i32
    %add3A_186 = arith.addi %mul3A_184, %add3A_185 : i32
    %mul3A_187 = arith.constant 256 : i32
    %mul3A_188 = arith.muli %add3A_186, %mul3A_187 : i32
    %dma_wait3A_189 = arith.constant 3 : i32
    %dma_wait3A_190 = arith.constant 0 : i32
    %dma_wait3A_191 = arith.constant 0 : i32
    %dma_wait3A_192 = tpu.memref_slice %arg6[%dma_wait3A_189, %dma_wait3A_190, %dma_wait3A_191] : memref<4x256x64xf32, #tpu.memory_space<vmem>> -> memref<1x256x64xf32, #tpu.memory_space<vmem>>
    %dma_wait3A_193 = tpu.memref_squeeze %dma_wait3A_192 : memref<1x256x64xf32, #tpu.memory_space<vmem>> -> memref<256x64xf32, #tpu.memory_space<vmem>>
    %dma_wait3A_194 = arith.constant 0 : i32
    %dma_wait3A_195 = tpu.memref_slice %arg4[%mul3A_188, %dma_wait3A_194] : memref<819200x64xf32, #tpu.memory_space<hbm>> -> memref<256x64xf32, #tpu.memory_space<hbm>>
    %dma_wait3A_196 = arith.constant 0 : i32
    %dma_wait3A_197 = tpu.memref_slice %arg4[%mul3A_188, %dma_wait3A_196] : memref<819200x64xf32, #tpu.memory_space<hbm>> -> memref<256x64xf32, #tpu.memory_space<hbm>>
    %dma_wait3A_198 = arith.constant 0 : i32
    %dma_wait3A_199 = arith.constant 0 : i32
    %dma_wait3A_200 = tpu.memref_slice %arg6[%dma_wait3A_189, %dma_wait3A_198, %dma_wait3A_199] : memref<4x256x64xf32, #tpu.memory_space<vmem>> -> memref<1x256x64xf32, #tpu.memory_space<vmem>>
    %dma_wait3A_201 = tpu.memref_squeeze %dma_wait3A_200 : memref<1x256x64xf32, #tpu.memory_space<vmem>> -> memref<256x64xf32, #tpu.memory_space<vmem>>
    tpu.wait_dma2 semaphore(%arg14 : memref<!tpu.dma_semaphore, #tpu.memory_space<semaphore_mem>>) src(%dma_wait3A_201 : memref<256x64xf32, #tpu.memory_space<vmem>>) dst(%dma_wait3A_197 : memref<256x64xf32, #tpu.memory_space<hbm>>)
    return
  }
}

</mosaic_0001>

<sc_bundles>
// kernel: kernel.3.cloned.1.call-start
scs
__scs_entry_jumppad:
0x0: {  	(pc) =	sbr.rel $0x88, $3  }
0x1: {  	(tag) =	ssettag $0x0;
	lr =	simm.s32 $0x1  }
0x2: {  	[smem:$0x3F9F] =	sst lr;
	_ =	strace $0xD0000000  }
0x3: {  	_ = 	snop  }
0x4: {  	_ = 	snop  }
0x5: {  	_ = 	snop  }
0x6: {  	_ = 	snop  }
0x7: {  	_ = 	snop  }
__scs_overlays_trampoline_lowered:
0x8: {  	[smem:$0x3FAE] =	sst s0  }
0x9: {  	[smem:$0x3FAF] =	sst s1  }
0xa: {  	[smem:$0x3FB0] =	sst s2  }
0xb: {  	[smem:$0x3FB1] =	sst s3  }
0xc: {  	[smem:$0x3FB2] =	sst s4  }
0xd: {  	[smem:$0x3FB3] =	sst s5  }
0xe: {  	[smem:$0x3FB4] =	sst s6  }
0xf: {  	[smem:$0x3FB5] =	sst s7  }
0x10: {  	[smem:$0x3FB6] =	sst s8  }
0x11: {  	[smem:$0x3FB7] =	sst s9;
	s0 =	simm.s32 @!p0 $0x0  }
0x12: {  	s1 =	sld [smem:$0x3F9D];
	s0 =	simm.s32 @p0 $0x1  }
0x13: {  	[smem:$0x3FB8] =	sst s0;
	s0 =	simm.s32 @!p1 $0x0  }
0x14: {  	s2 =	sld [smem:$0x3F9C];
	s0 =	simm.s32 @p1 $0x1  }
0x15: {  	[smem:$0x3FB9] =	sst s0;
	s0 =	simm.s32 @!p2 $0x0  }
0x16: {  	s3 =	sld [smem:$0x3FDB];
	s0 =	simm.s32 @p2 $0x1  }
0x17: {  	s4 =	simm.s32 $0x1BF5;
	[smem:$0x3FBB] =	sst s0  }
0x18: {  	s0 =	sld [smem:$0x3F9E];
	_ =	swait.ge [sflag:s4], $0x0  }
0x19: {  	s7 =	sld [smem:$0x3F9F]  }
0x1a: {  	s8 =	sadd.s32 $0xFFFFE003, lr  }
0x1b: {  	s9 =	sadd.s32 $0xFFFFFEF7, lr;
	s5 =	simm.s32 $0xFFFFFFFF;
	p2 =	slt.u32 s8, $0xFFFFF086  }
0x1c: {  	p1 =	slt.u32 s9, $0xF7A;
	s5 =	simm.s32 @!p2 $0x0  }
0x1d: {  	s5 =	simm.s32 @p1 $0x1;
	p0 =	seq.s32 s7, s2  }
0x1e: {  	s7 =	smul.u32 @!p0 $0xF7A, s2;
	p2 =	seq.s32 @!p0 s5, $0x0  }
0x1f: {  	s9 =	smul.u32 $0xF7A, s1;
	s8 =	simm.s32 @!p0 $0x1BF5;
	p2 =	por !p2, p0  }
0x20: {  	[sflag:s8] =	ssyncset.s32 @!p0 $0xFFFFF086;
	s6 =	sadd.s32 @!p0 s3, s7;
	s7 =	simm.s32 @!p0 $0x108  }
0x21: {  	s3 =	sadd.s32 s3, s9;
	s6 =	sadd.s32 @!p0 $0x88, s6;
	s7 =	simm.s32 @p2 $0x1082  }
0x22: {  	[simem:s7], [sflag:s8] =	dma.local @!p0 [hbm:s6], $0xF7A  }
0x23: {  	s9 =	sor.u32 $0xD0000000, s2;
	s6 =	simm.s32 $0x108;
	_ =	swait.ge @!p0 [sflag:s8], $0x0  }
0x24: {  	s3 =	sadd.s32 $0x88, s3;
	s6 =	simm.s32 @!p1 $0x1082;
	[sflag:s4] =	ssyncset.s32 $0xFFFFF086  }
0x25: {  	[simem:s6], [sflag:s4] =	dma.local [hbm:s3], $0xF7A  }
0x26: {  	[smem:$0x3F9F] =	sst s1;
	(tag) =	ssettag s2;
	_ =	strace s9  }
0x27: {  	s1 =	sld [smem:$0x3FAF]  }
0x28: {  	s2 =	sld [smem:$0x3FB0]  }
0x29: {  	s4 =	sld [smem:$0x3FB2]  }
0x2a: {  	p0 =	seq.s32 s5, $0x0;
	s5 =	sld [smem:$0x3FB3]  }
0x2b: {  	s6 =	sld [smem:$0x3FB4]  }
0x2c: {  	s7 =	sld [smem:$0x3FB5]  }
0x2d: {  	s3 =	simm.s32 $0x108;
	s8 =	sld [smem:$0x3FB6]  }
0x2e: {  	s3 =	simm.s32 @!p0 $0x1082;
	s9 =	sld [smem:$0x3FB7]  }
0x2f: {  	lr =	sadd.s32 s0, s3;
	s0 =	sld [smem:$0x3FAE]  }
0x30: {  	s3 =	sld [smem:$0x3FB1]  }
0x31: {  	[smem:$0x3FBA] =	sst s10  }
0x32: {  	s10 =	sld [smem:$0x3FB8];
	_ =	sdelay $0x3  }
0x33: {  	p0 =	seq.s32 s10, $0x1;
	s10 =	sld [smem:$0x3FBA];
	_ =	sdelay $0x3  }
0x34: {  	[smem:$0x3FBA] =	sst s10  }
0x35: {  	s10 =	sld [smem:$0x3FB9];
	_ =	sdelay $0x3  }
0x36: {  	p1 =	seq.s32 s10, $0x1;
	s10 =	sld [smem:$0x3FBA];
	_ =	sdelay $0x3  }
0x37: {  	[smem:$0x3FBA] =	sst s10  }
0x38: {  	s10 =	sld [smem:$0x3FBB]  }
0x39: {  	_ = 	snop;
	(pc) =	sbr.ind lr, $3  }
0x3a: {  	_ = 	snop  }
0x3b: {  	_ = 	snop  }
0x3c: {  	p2 =	seq.s32 s10, $0x1;
	s10 =	sld [smem:$0x3FBA]  }
0x3d: {  	_ =	shalt  }
0x3e: {  	_ =	shalt  }
0x3f: {  	_ =	shalt  }
0x40: {  	_ =	shalt  }
0x41: {  	_ =	shalt  }
0x42: {  	_ =	shalt  }
0x43: {  	_ =	shalt  }
0x44: {  	_ =	shalt  }
0x45: {  	_ =	shalt  }
0x46: {  	_ =	shalt  }
0x47: {  	_ =	shalt  }
0x48: {  	_ =	shalt  }
0x49: {  	_ =	shalt  }
0x4a: {  	_ =	shalt  }
0x4b: {  	_ =	shalt  }
0x4c: {  	_ =	shalt  }
0x4d: {  	_ =	shalt  }
0x4e: {  	_ =	shalt  }
0x4f: {  	_ =	shalt  }
0x50: {  	_ =	shalt  }
0x51: {  	_ =	shalt  }
0x52: {  	_ =	shalt  }
0x53: {  	_ =	shalt  }
0x54: {  	_ =	shalt  }
0x55: {  	_ =	shalt  }
0x56: {  	_ =	shalt  }
0x57: {  	_ =	shalt  }
0x58: {  	_ =	shalt  }
0x59: {  	_ =	shalt  }
0x5a: {  	_ =	shalt  }
0x5b: {  	_ =	shalt  }
0x5c: {  	_ =	shalt  }
0x5d: {  	_ =	shalt  }
0x5e: {  	_ =	shalt  }
0x5f: {  	_ =	shalt  }
0x60: {  	_ =	shalt  }
0x61: {  	_ =	shalt  }
0x62: {  	_ =	shalt  }
0x63: {  	_ =	shalt  }
0x64: {  	_ =	shalt  }
0x65: {  	_ =	shalt  }
0x66: {  	_ =	shalt  }
0x67: {  	_ =	shalt  }
0x68: {  	_ =	shalt  }
0x69: {  	_ =	shalt  }
0x6a: {  	_ =	shalt  }
0x6b: {  	_ =	shalt  }
0x6c: {  	_ =	shalt  }
0x6d: {  	_ =	shalt  }
0x6e: {  	_ =	shalt  }
0x6f: {  	_ =	shalt  }
0x70: {  	_ =	shalt  }
0x71: {  	_ =	shalt  }
0x72: {  	_ =	shalt  }
0x73: {  	_ =	shalt  }
0x74: {  	_ =	shalt  }
0x75: {  	_ =	shalt  }
0x76: {  	_ =	shalt  }
0x77: {  	_ =	shalt  }
0x78: {  	_ =	shalt  }
0x79: {  	_ =	shalt  }
0x7a: {  	_ =	shalt  }
0x7b: {  	_ =	shalt  }
0x7c: {  	_ =	shalt  }
0x7d: {  	_ =	shalt  }
0x7e: {  	_ =	shalt  }
0x7f: {  	_ =	shalt  }
0x80: {  	_ =	shalt  }
0x81: {  	_ =	shalt  }
0x82: {  	_ =	shalt  }
0x83: {  	_ =	shalt  }
0x84: {  	_ =	shalt  }
0x85: {  	_ =	shalt  }
0x86: {  	_ =	shalt  }
0x87: {  	_ =	shalt  }
.Lfunc_end0:
.L_simem_size_0:
called_computation.1_lowered:
.L_overlay_start_0:
0x88: {  	s2 =	sld [smem:$0x3FD9]  }
0x89: {  	s3 =	sld [smem:$0x3FFE];
	_ =	sdelay $0x1  }
0x8a: {  	s1 =	srdreg.scid  }
0x8b: {  	s0 =	sand.u32 $0x1, s1  }
0x8c: {  	s17 =	sshll.u32 s0, $0xA;
	s2 =	sadd.s32 s3, s2  }
0x8d: {  	s2 =	sadd.s32 s2, s17  }
0x8e: {  	[smem:$0x3FC6] =	sst s2  }
0x8f: {  	_ = 	snop  }
0x90: {  	s2 =	sld [smem:$0x3FD0];
	(tm) =	ssettm $0x1  }
0x91: {  	s18 =	sld [smem:$0x3FFB];
	_ =	sdelay $0x3  }
0x92: {  	_ =	strace s18  }
0x93: {  	s3 =	sld [smem:$0x3FFC];
	_ =	sdelay $0x3  }
0x94: {  	_ =	strace s3  }
0x95: {  	s3 =	sld [smem:$0x3FFD];
	_ =	sdelay $0x3  }
0x96: {  	_ =	strace s3  }
0x97: {  	_ =	strace $0x8FFFFFFF  }
0x98: {  	s19 =	sld [smem:$0x3FDB];
	_ =	sdelay $0x1  }
0x99: {  	s4 =	simm.s32 $_scs_section_size  }
0x9a: {  	s5 =	simm.s32 $_size__tile_overlayer_lowered;
	s6 =	simm.s32 $_tile_overlayer_lowered  }
0x9b: {  	s22 =	simm.s32 $0x1BFF;
	s21 =	sshll.u32 s6, $0x1;
	s3 =	sadd.s32 s4, s19  }
0x9c: {  	s7 =	simm.s32 $0x0;
	s20 =	sshll.u32 s5, $0x1;
	s5 =	sadd.s32 s21, s3  }
0x9d: {  	[timem:s7], [sflag:s22] =	dma.local [hbm:s5], s20  }
0x9e: {  	_ =	swait.ge [sflag:s22], s20  }
0x9f: {  	s4 =	ssub.s32 $0x0, s20;
	[sflag:s22] =	ssyncset.done $0x0  }
0xa0: {  	[sflag:s22] =	ssyncadd.s32 s4;
	_ =	sdelay $0x1  }
0xa1: {  	s23 =	simm.s32 $0x1B8B  }
0xa2: {  	_ =	swait.ge [sflag:s23], $0x1  }
0xa3: {  	[sflag:s23] =	ssyncset.done $0x0  }
0xa4: {  	s25 =	simm.s32 $0x1B8E;
	s24 =	sld [smem:$0x3FFE];
	[sflag:s23] =	ssyncadd.s32 $0xFFFFFFFF  }
0xa5: {  	s26 =	simm.s32 $execute0_lowered;
	[smem:$0x3FD2] =	sst s25  }
0xa6: {  	s5 =	sshll.u32 s26, $0x1;
	_ =	strace $0x80000046;
	[dreg:$0x1] =	wrdreg $0xFFFFFFFF  }
0xa7: {  	s28 =	simm.s32 $_size_execute0_lowered;
	s3 =	sadd.s32 s3, s5;
	[dreg:$0x0] =	wrdreg $0x0  }
0xa8: {  	s5 =	sshll.u32 s28, $0x1;
	[dreg:$0x2] =	wrdreg s3  }
0xa9: {  	[dreg:$0x3] =	wrdreg s5  }
0xaa: {  	[dreg:$0x4] =	wrdreg $0xC0  }
0xab: {  	_ =	task [dreg:s7], $0x5FFFF  }
0xac: {  	[dreg:$0x1] =	wrdreg $0xFFFFFFFF  }
0xad: {  	[dreg:$0x0] =	wrdreg $0x60  }
0xae: {  	[dreg:$0x2] =	wrdreg s24  }
0xaf: {  	[dreg:$0x3] =	wrdreg s2  }
0xb0: {  	[dreg:$0x4] =	wrdreg $0x9  }
0xb1: {  	_ =	task.clear_ibuf [dreg:s7], $0x5FFFF;
	_ =	strace $0x90000046  }
0xb2: {  	s29 =	simm.s32 $0x9;
	_ =	strace $0x80000048  }
0xb3: {  	_ =	swait.ge [sflag:s29], $0x1  }
0xb4: {  	[sflag:s29] =	ssyncadd.s32 $0xFFFFFFFF  }
0xb5: {  	_ =	strace $0x90000048  }
0xb6: {  	_ =	sfence  }
0xb7: {  	s30 =	sld [smem:$0x0];
	_ =	sdelay $0x2  }
0xb8: {  	s31 =	sshll.u32 s1, $0xD;
	s1 =	sshrl.u32 s1, $0x2  }
0xb9: {  	s3 =	sand.u32 $0x4000, s31;
	s1 =	sadd.s32 s1, s30  }
0xba: {  	s0 =	sor.u32 s3, s0;
	s1 =	sshll.u32 s1, $0x11  }
0xbb: {  	s0 =	sor.u32 s1, s0  }
0xbc: {  	s0 =	sadd.s32 $0x8F2B, s0  }
0xbd: {  	[sflag:s0] =	ssyncadd.remote.s32 $0x1  }
0xbe: {  	_ =	sfence.sel $0xFFFF  }
0xbf: {  	[dreg:$0x0] =	wrdreg $0xFFFFFFFF;
	(pc) =	sbr.abs _section_cstart, $3  }
0xc0: {  	[dreg:$0x1] =	wrdreg $0xFFFFFFFF  }
0xc1: {  	_ =	task.clear_ibuf [dreg:s7], $0x2FFFF;
	_ =	strace $0x9FFFFFFF  }
0xc2: {  	(tm) =	ssettm $0x7FFFFFFF  }
0xc3: {  	_ =	shalt  }
tec
execute0_lowered:
.L_overlay_start_1:
0x0: {  	(tag) =	ssettag $0x1  }
0x1: {  	s0 =	srdreg.scid;
	s2 =	stileid.u32  }
0x2: {  	s1 =	rddreg [dreg:$0x0];
	s8 =	simm.s32 $0x12400;
	s24 =	simm.s32 $0x1  }
0x3: {  	s25 =	simm.s32 $0x2;
	s0 =	sand.u32 $0x1, s0;
	s3 =	sshll.u32 s2, $0x1  }
0x4: {  	s26 =	simm.s32 $0x3;
	s28 =	simm.s32 $0x4;
	s5 =	sor.u32 s0, s3  }
0x5: {  	s3 =	simm.s32 $0x0;
	s0 =	ssub.s32 $0x2, s0;
	s4 =	smul.u32 $0xC80, s5  }
.Ltmp0:
0x6: {  	[smem:$0x7FF] =	sst s3;
	s7 =	sshrl.u32 s0, $0x1;
	(pc) =	sbr.rel .LBB2_1-.Ltmp0, $4  }
0x7: {  	s2 =	rddreg [dreg:$0x1];
	_ =	strace $0x80000047;
	s0 =	ssub.s32 s0, s7  }
0x8: {  	s6 =	sadd.s32 s4, s1;
	s4 =	sadd.s32 $0xF42E00, s1;
	s0 =	smax.u32 s0, $0x1  }
0x9: {  	s1 =	simm.s32 $0x8;
	s31 =	sadd.s32 $0xA00, s6;
	[dreg:$0x4] =	wrdreg s0  }
0xa: {  	s6 =	smul.u32 $0x64, s5;
	s5 =	simm.s32 $0x0;
	[dreg:$0x3] =	wrdreg s31  }
.LBB2_28:
0xb: {  	s0 =	simm.s32 $0x5  }
0xc: {  	_ =	swait.ge [sflag:s0], $0x4000  }
0xd: {  	[sflag:s0] =	ssyncset.done $0x0  }
0xe: {  	s29 =	simm.s32 $0x6;
	[sflag:s0] =	ssyncadd.s32 $0xFFFFC000  }
0xf: {  	_ =	swait.ge [sflag:s29], $0x4000  }
0x10: {  	[sflag:s29] =	ssyncset.done $0x0  }
0x11: {  	s30 =	simm.s32 $0x7;
	[sflag:s29] =	ssyncadd.s32 $0xFFFFC000  }
0x12: {  	_ =	swait.ge [sflag:s30], $0x4000  }
0x13: {  	[sflag:s30] =	ssyncset.done $0x0  }
0x14: {  	[sflag:s30] =	ssyncadd.s32 $0xFFFFC000  }
0x15: {  	_ =	swait.ge [sflag:s1], $0x4000  }
0x16: {  	s5 =	rddreg [dreg:$0x5]  }
0x17: {  	s31 =	rddreg [dreg:$0x4];
	s5 =	sadd.s32 $0x1, s5  }
0x18: {  	p0 =	sne.s32 s5, s31  }
.Ltmp1:
0x19: {  	_ = 	snop;
	(pc) =	sbr.rel @!p0 .LBB2_29-.Ltmp1, $3  }
0x1a: {  	_ =	sdelay $0x1  }
0x1b: {  	[sflag:s1] =	ssyncset.done $0x0  }
0x1c: {  	[sflag:s1] =	ssyncadd.s32 $0xFFFFC000  }
.LBB2_1:
0x1d: {  	[dreg:$0x5] =	wrdreg s5  }
0x1e: {  	s0 =	rddreg [dreg:$0x3];
	s13 =	simm.s32 $0x9  }
0x1f: {  	[tilespmem:s3], [sflag:$0x9] =	stream.linear.gather [hbm4b:s0+s3], $0x6400, $0x38;
	[tilespmem:$0x16400] =	vst v63  }
0x20: {  	_ =	swait.ge [sflag:s13], $0x6400  }
0x21: {  	[sflag:s13] =	ssyncset.done $0x0  }
0x22: {  	s14 =	simm.s32 $0x80;
	s15 =	simm.s32 $0x6400;
	[sflag:s13] =	ssyncadd.s32 $0xFFFF9C00  }
0x23: {  	[tilespmem:s15], [sflag:$0x1] =	stream.indirect.gather [hbm4b:s4+s14], $0x40, s3, s14, $0xb8;
	[tilespmem:$0x16400] =	vst v63  }
0x24: {  	s16 =	simm.s32 $0x8400  }
0x25: {  	[tilespmem:s16], [sflag:$0x1] =	stream.indirect.gather [hbm4b:s4+s14], $0x40, s14, s14, $0xb8;
	[tilespmem:$0x16400] =	vst v63  }
0x26: {  	s17 =	simm.s32 $0x100;
	s7 =	simm.s32 $0xA400  }
0x27: {  	[tilespmem:s7], [sflag:$0x2] =	stream.indirect.gather [hbm4b:s4+s14], $0x40, s17, s14, $0xb8;
	[tilespmem:$0x16400] =	vst v63  }
0x28: {  	s18 =	simm.s32 $0x180;
	s19 =	simm.s32 $0xC400  }
0x29: {  	[tilespmem:s19], [sflag:$0x2] =	stream.indirect.gather [hbm4b:s4+s14], $0x40, s18, s14, $0xb8;
	[tilespmem:$0x16400] =	vst v63  }
0x2a: {  	s20 =	simm.s32 $0x200;
	s21 =	simm.s32 $0xE400  }
0x2b: {  	[tilespmem:s21], [sflag:$0x3] =	stream.indirect.gather [hbm4b:s4+s14], $0x40, s20, s14, $0xb8;
	[tilespmem:$0x16400] =	vst v63  }
0x2c: {  	s22 =	simm.s32 $0x280;
	s23 =	simm.s32 $0x10400  }
0x2d: {  	[tilespmem:s23], [sflag:$0x3] =	stream.indirect.gather [hbm4b:s4+s14], $0x40, s22, s14, $0xb8;
	[tilespmem:$0x16400] =	vst v63  }
0x2e: {  	s29 =	simm.s32 $0x300  }
0x2f: {  	[tilespmem:s8], [sflag:$0x4] =	stream.indirect.gather [hbm4b:s4+s14], $0x40, s29, s14, $0xb8;
	[tilespmem:$0x16400] =	vst v63  }
0x30: {  	s30 =	simm.s32 $0x380;
	s31 =	simm.s32 $0x14400;
	s11 =	simm.s32 $0x0  }
0x31: {  	[tilespmem:s31], [sflag:$0x4] =	stream.indirect.gather [hbm4b:s4+s14], $0x40, s30, s14, $0xb8;
	[tilespmem:$0x16400] =	vst v63  }
.LBB2_2:
0x32: {  	_ =	swait.ge [sflag:s24], $0x2000  }
0x33: {  	s0 =	simm.s32 $0x0;
	[sflag:s24] =	ssyncset.done $0x0  }
0x34: {  	s5 =	sshll.u32 s11, $0xA;
	s7 =	sand.u32 $0x200, s0;
	[sflag:s24] =	ssyncadd.s32 $0xFFFFE000  }
0x35: {  	s12 =	sand.u32 $0x3FFFFC00, s5;
	s23 =	sshrl.u32 s7, $0x2;
	_ =	swait.ge [sflag:s24], $0x2000  }
0x36: {  	s0 =	sand.u32 $0x70, s0;
	s5 =	sadd.s32 s23, s12;
	[sflag:s24] =	ssyncset.done $0x0  }
0x37: {  	s0 =	sadd.s32 s0, s5;
	[sflag:s24] =	ssyncadd.s32 $0xFFFFE000  }
0x38: {  	v0 =	vld [tilespmem:s0+$0x0]  }
0x39: {  	s29 =	simm.s32 $0x40  }
0x3a: {  	s0 =	sand.u32 $0x200, s29  }
0x3b: {  	s30 =	sshrl.u32 s0, $0x2;
	s0 =	simm.s32 $0x10  }
0x3c: {  	s31 =	sand.u32 $0x70, s0;
	s5 =	sadd.s32 s30, s12  }
0x3d: {  	s7 =	sadd.s32 s31, s5;
	vm0 =	vlt.s32 v0, $0x1  }
0x3e: {  	v1 =	vimm.s32 $0x0;
	v2 =	vnsel vm0, $0x1, v0;
	v0 =	vld [tilespmem:s7+$0x0]  }
0x3f: {  	s5 =	simm.s32 $0x80;
	v1 =	vsub.s32 v1, v2  }
.LBB2_3:
0x40: {  	s7 =	sand.u32 $0x200, s5;
	p0 =	sne.s32 s5, $0x3C0;
	s5 =	sadd.s32 $0x40, s5;
	v1 =	vadd.s32 $0x1, v1  }
.Ltmp2:
0x41: {  	s0 =	sadd.s32 $0x10, s0;
	s7 =	sshrl.u32 s7, $0x2;
	(pc) =	sbr.rel @p0 .LBB2_3-.Ltmp2, $4  }
0x42: {  	s8 =	sand.u32 $0x70, s0;
	s7 =	sadd.s32 s7, s12  }
0x43: {  	s7 =	sadd.s32 s8, s7;
	vm0 =	vlt.s32 v0, $0x1  }
0x44: {  	v2 =	vnsel vm0, $0x1, v0;
	v0 =	vld [tilespmem:s7+$0x0]  }
0x45: {  	v1 =	vsub.s32 v1, v2  }
0x46: {  	_ =	sdelay $0x2  }
0x47: {  	vm0 =	vlt.s32 v0, $0x1  }
0x48: {  	v1 =	vadd.s32 $0x1, v1;
	v0 =	vnsel vm0, $0x1, v0  }
0x49: {  	v0 =	vsub.s32 v1, v0  }
0x4a: {  	v0 =	vadd.s32 $0x1, v0  }
0x4b: {  	(v2sf) =	vpush v0, $0x0  }
0x4c: {  	(v2sf) =	vpush v0, $0x1  }
0x4d: {  	(v2sf) =	vpush v0, $0x2  }
0x4e: {  	(v2sf) =	vpush v0, $0x3  }
0x4f: {  	(v2sf) =	vpush v0, $0x4  }
0x50: {  	(v2sf) =	vpush v0, $0x5  }
0x51: {  	(v2sf) =	vpush v0, $0x6  }
0x52: {  	(v2sf) =	vpush v0, $0x7  }
0x53: {  	(v2sf) =	vpush v0, $0x8  }
0x54: {  	(v2sf) =	vpush v0, $0x9  }
0x55: {  	(v2sf) =	vpush v0, $0xA  }
0x56: {  	(v2sf) =	vpush v0, $0xB  }
0x57: {  	(v2sf) =	vpush v0, $0xC  }
0x58: {  	(v2sf) =	vpush v0, $0xD  }
0x59: {  	(v2sf) =	vpush v0, $0xE  }
0x5a: {  	s0 =	spop (v2sf);
	(v2sf) =	vpush v0, $0xF  }
0x5b: {  	s5 =	spop (v2sf)  }
0x5c: {  	s0 =	sadd.s32 s5, s0;
	s13 =	spop (v2sf)  }
0x5d: {  	s0 =	sadd.s32 s13, s0;
	s14 =	spop (v2sf)  }
0x5e: {  	s0 =	sadd.s32 s14, s0;
	s15 =	spop (v2sf)  }
0x5f: {  	s0 =	sadd.s32 s15, s0;
	s16 =	spop (v2sf)  }
0x60: {  	s0 =	sadd.s32 s16, s0;
	s17 =	spop (v2sf)  }
0x61: {  	s0 =	sadd.s32 s17, s0;
	s18 =	spop (v2sf)  }
0x62: {  	s0 =	sadd.s32 s18, s0;
	s19 =	spop (v2sf)  }
0x63: {  	s0 =	sadd.s32 s19, s0;
	s20 =	spop (v2sf)  }
0x64: {  	s0 =	sadd.s32 s20, s0;
	s21 =	spop (v2sf)  }
0x65: {  	s0 =	sadd.s32 s21, s0;
	s22 =	spop (v2sf)  }
0x66: {  	s0 =	sadd.s32 s22, s0;
	s23 =	spop (v2sf)  }
0x67: {  	s0 =	sadd.s32 s23, s0;
	s29 =	spop (v2sf)  }
0x68: {  	s0 =	sadd.s32 s29, s0;
	s30 =	spop (v2sf)  }
0x69: {  	s0 =	sadd.s32 s30, s0;
	s31 =	spop (v2sf)  }
0x6a: {  	s0 =	sadd.s32 s31, s0  }
0x6b: {  	p0 =	slt.s32 s0, $0x1  }
.Ltmp3:
0x6c: {  	_ = 	snop;
	(pc) =	sbr.rel @p0 .LBB2_8-.Ltmp3, $1  }
0x6d: {  	_ =	sdelay $0x3  }
0x6e: {  	s14 =	simm.s32 $0x0  }
0x6f: {  	s0 =	sand.u32 $0x200, s14  }
0x70: {  	s0 =	sshrl.u32 s0, $0x2  }
0x71: {  	s5 =	sand.u32 $0x70, s14;
	s0 =	sadd.s32 s0, s12  }
0x72: {  	s0 =	sadd.s32 s5, s0  }
0x73: {  	v0 =	vld [tilespmem:s0+$0x0];
	_ =	sdelay $0x4  }
0x74: {  	(v2sf) =	vpush v0, $0x0;
	_ =	sdelay $0x3  }
0x75: {  	(v2sf) =	vpush v0, $0x1;
	_ =	sdelay $0x3  }
0x76: {  	(v2sf) =	vpush v0, $0x2;
	_ =	sdelay $0x3  }
0x77: {  	(v2sf) =	vpush v0, $0x3;
	_ =	sdelay $0x2  }
0x78: {  	s7 =	spop (v2sf)  }
0x79: {  	(v2sf) =	vpush v0, $0x4;
	p0 =	sne.s32 s7, $0x0  }
0x7a: {  	s15 =	simm.s32 $0x6600;
	v1 =	vimm.f32 @!p0 $0.0e+00  }
0x7b: {  	[tilespmem:s15+$0xFFFFFE00] =	vst @!p0 v1  }
0x7c: {  	s8 =	spop (v2sf);
	[tilespmem:s15+$0xFFFFFE10] =	vst @!p0 v1  }
0x7d: {  	(v2sf) =	vpush v0, $0x5;
	p1 =	sne.s32 s8, $0x0;
	[tilespmem:s15+$0xFFFFFE20] =	vst @!p0 v1  }
0x7e: {  	v2 =	vimm.f32 @!p1 $0.0e+00;
	[tilespmem:s15+$0xFFFFFE30] =	vst @!p0 v1  }
0x7f: {  	[tilespmem:s15+$0xFFFFFE40] =	vst @!p1 v2  }
0x80: {  	s9 =	spop (v2sf);
	[tilespmem:s15+$0xFFFFFE50] =	vst @!p1 v2  }
0x81: {  	(v2sf) =	vpush v0, $0x6;
	p0 =	sne.s32 s9, $0x0;
	[tilespmem:s15+$0xFFFFFE60] =	vst @!p1 v2  }
0x82: {  	v1 =	vimm.f32 @!p0 $0.0e+00;
	[tilespmem:s15+$0xFFFFFE70] =	vst @!p1 v2  }
0x83: {  	[tilespmem:s15+$0xFFFFFE80] =	vst @!p0 v1  }
0x84: {  	s10 =	spop (v2sf);
	[tilespmem:s15+$0xFFFFFE90] =	vst @!p0 v1  }
0x85: {  	(v2sf) =	vpush v0, $0x7;
	p1 =	sne.s32 s10, $0x0;
	[tilespmem:s15+$0xFFFFFEA0] =	vst @!p0 v1  }
0x86: {  	v2 =	vimm.f32 @!p1 $0.0e+00;
	[tilespmem:s15+$0xFFFFFEB0] =	vst @!p0 v1  }
0x87: {  	[tilespmem:s15+$0xFFFFFEC0] =	vst @!p1 v2  }
0x88: {  	[tilespmem:s15+$0xFFFFFED0] =	vst @!p1 v2;
	s13 =	spop (v2sf)  }
0x89: {  	[tilespmem:s15+$0xFFFFFEE0] =	vst @!p1 v2;
	(v2sf) =	vpush v0, $0x8;
	p0 =	sne.s32 s13, $0x0  }
0x8a: {  	[tilespmem:s15+$0xFFFFFEF0] =	vst @!p1 v2;
	v1 =	vimm.f32 @!p0 $0.0e+00  }
0x8b: {  	[tilespmem:s15+$0xFFFFFF00] =	vst @!p0 v1  }
0x8c: {  	s16 =	spop (v2sf);
	[tilespmem:s15+$0xFFFFFF10] =	vst @!p0 v1  }
0x8d: {  	(v2sf) =	vpush v0, $0x9;
	p1 =	sne.s32 s16, $0x0;
	[tilespmem:s15+$0xFFFFFF20] =	vst @!p0 v1  }
0x8e: {  	v2 =	vimm.f32 @!p1 $0.0e+00;
	[tilespmem:s15+$0xFFFFFF30] =	vst @!p0 v1  }
0x8f: {  	[tilespmem:s15+$0xFFFFFF40] =	vst @!p1 v2  }
0x90: {  	s17 =	spop (v2sf);
	[tilespmem:s15+$0xFFFFFF50] =	vst @!p1 v2  }
0x91: {  	(v2sf) =	vpush v0, $0xA;
	p0 =	sne.s32 s17, $0x0;
	[tilespmem:s15+$0xFFFFFF60] =	vst @!p1 v2  }
0x92: {  	v1 =	vimm.f32 @!p0 $0.0e+00;
	[tilespmem:s15+$0xFFFFFF70] =	vst @!p1 v2  }
0x93: {  	[tilespmem:s15+$0xFFFFFF80] =	vst @!p0 v1  }
0x94: {  	s18 =	spop (v2sf);
	[tilespmem:s15+$0xFFFFFF90] =	vst @!p0 v1  }
0x95: {  	(v2sf) =	vpush v0, $0xB;
	p1 =	sne.s32 s18, $0x0;
	[tilespmem:s15+$0xFFFFFFA0] =	vst @!p0 v1  }
0x96: {  	v2 =	vimm.f32 @!p1 $0.0e+00;
	[tilespmem:s15+$0xFFFFFFB0] =	vst @!p0 v1  }
0x97: {  	[tilespmem:s15+$0xFFFFFFC0] =	vst @!p1 v2  }
0x98: {  	[tilespmem:s15+$0xFFFFFFD0] =	vst @!p1 v2;
	s19 =	spop (v2sf)  }
0x99: {  	[tilespmem:s15+$0xFFFFFFE0] =	vst @!p1 v2;
	(v2sf) =	vpush v0, $0xC;
	p0 =	sne.s32 s19, $0x0  }
0x9a: {  	[tilespmem:s15+$0xFFFFFFF0] =	vst @!p1 v2;
	v1 =	vimm.f32 @!p0 $0.0e+00  }
0x9b: {  	[tilespmem:s15+$0x0] =	vst @!p0 v1  }
0x9c: {  	s20 =	spop (v2sf);
	[tilespmem:s15+$0x10] =	vst @!p0 v1  }
0x9d: {  	(v2sf) =	vpush v0, $0xD;
	p1 =	sne.s32 s20, $0x0;
	[tilespmem:s15+$0x20] =	vst @!p0 v1  }
0x9e: {  	v2 =	vimm.f32 @!p1 $0.0e+00;
	[tilespmem:s15+$0x30] =	vst @!p0 v1  }
0x9f: {  	[tilespmem:s15+$0x40] =	vst @!p1 v2  }
0xa0: {  	s21 =	spop (v2sf);
	[tilespmem:s15+$0x50] =	vst @!p1 v2  }
0xa1: {  	(v2sf) =	vpush v0, $0xE;
	p0 =	sne.s32 s21, $0x0;
	[tilespmem:s15+$0x60] =	vst @!p1 v2  }
0xa2: {  	v1 =	vimm.f32 @!p0 $0.0e+00;
	[tilespmem:s15+$0x70] =	vst @!p1 v2  }
0xa3: {  	[tilespmem:s15+$0x80] =	vst @!p0 v1  }
0xa4: {  	s22 =	spop (v2sf);
	[tilespmem:s15+$0x90] =	vst @!p0 v1  }
0xa5: {  	(v2sf) =	vpush v0, $0xF;
	p1 =	sne.s32 s22, $0x0;
	[tilespmem:s15+$0xA0] =	vst @!p0 v1  }
0xa6: {  	v0 =	vimm.f32 @!p1 $0.0e+00;
	[tilespmem:s15+$0xB0] =	vst @!p0 v1  }
0xa7: {  	[tilespmem:s15+$0xC0] =	vst @!p1 v0  }
0xa8: {  	[tilespmem:s15+$0xD0] =	vst @!p1 v0;
	s23 =	spop (v2sf)  }
0xa9: {  	[tilespmem:s15+$0xE0] =	vst @!p1 v0;
	p0 =	sne.s32 s23, $0x0  }
0xaa: {  	[tilespmem:s15+$0xF0] =	vst @!p1 v0;
	v1 =	vimm.f32 @!p0 $0.0e+00  }
0xab: {  	[tilespmem:s15+$0x100] =	vst @!p0 v1  }
0xac: {  	s29 =	spop (v2sf);
	[tilespmem:s15+$0x110] =	vst @!p0 v1  }
0xad: {  	p1 =	sne.s32 s29, $0x0;
	[tilespmem:s15+$0x120] =	vst @!p0 v1  }
0xae: {  	v0 =	vimm.f32 @!p1 $0.0e+00;
	[tilespmem:s15+$0x130] =	vst @!p0 v1  }
0xaf: {  	[tilespmem:s15+$0x140] =	vst @!p1 v0  }
0xb0: {  	s30 =	spop (v2sf);
	[tilespmem:s15+$0x150] =	vst @!p1 v0  }
0xb1: {  	p0 =	sne.s32 s30, $0x0;
	[tilespmem:s15+$0x160] =	vst @!p1 v0  }
0xb2: {  	v1 =	vimm.f32 @!p0 $0.0e+00;
	[tilespmem:s15+$0x170] =	vst @!p1 v0  }
0xb3: {  	[tilespmem:s15+$0x180] =	vst @!p0 v1  }
0xb4: {  	s31 =	spop (v2sf);
	[tilespmem:s15+$0x190] =	vst @!p0 v1  }
0xb5: {  	p1 =	sne.s32 s31, $0x0;
	[tilespmem:s15+$0x1A0] =	vst @!p0 v1  }
0xb6: {  	s16 =	simm.s32 $0x40;
	[tilespmem:s15+$0x1B0] =	vst @!p0 v1;
	v0 =	vimm.f32 @!p1 $0.0e+00  }
.LBB2_6:
0xb7: {  	s0 =	sand.u32 $0x200, s16;
	[tilespmem:s15+$0x1C0] =	vst @!p1 v0  }
0xb8: {  	[tilespmem:s15+$0x1D0] =	vst @!p1 v0;
	s14 =	sadd.s32 $0x10, s14;
	s0 =	sshrl.u32 s0, $0x2  }
0xb9: {  	[tilespmem:s15+$0x1E0] =	vst @!p1 v0;
	s18 =	sand.u32 $0x70, s14;
	s0 =	sadd.s32 s0, s12  }
0xba: {  	[tilespmem:s15+$0x1F0] =	vst @!p1 v0;
	s0 =	sadd.s32 s18, s0  }
0xbb: {  	v0 =	vld [tilespmem:s0+$0x0];
	_ =	sdelay $0x4  }
0xbc: {  	(v2sf) =	vpush v0, $0x0;
	_ =	sdelay $0x2  }
0xbd: {  	(v2sf) =	vpush v0, $0x1  }
0xbe: {  	(v2sf) =	vpush v0, $0x2  }
0xbf: {  	(v2sf) =	vpush v0, $0x3  }
0xc0: {  	(v2sf) =	vpush v0, $0x4  }
0xc1: {  	(v2sf) =	vpush v0, $0x5  }
0xc2: {  	(v2sf) =	vpush v0, $0x6  }
0xc3: {  	(v2sf) =	vpush v0, $0x7  }
0xc4: {  	(v2sf) =	vpush v0, $0x8  }
0xc5: {  	(v2sf) =	vpush v0, $0x9  }
0xc6: {  	(v2sf) =	vpush v0, $0xA  }
0xc7: {  	(v2sf) =	vpush v0, $0xB  }
0xc8: {  	(v2sf) =	vpush v0, $0xC  }
0xc9: {  	(v2sf) =	vpush v0, $0xD;
	s19 =	spop (v2sf)  }
0xca: {  	(v2sf) =	vpush v0, $0xE;
	p2 =	sne.s32 s19, $0x0  }
0xcb: {  	s15 =	sadd.s32 $0x400, s15;
	(v2sf) =	vpush v0, $0xF;
	v0 =	vimm.f32 @!p2 $0.0e+00  }
0xcc: {  	[tilespmem:s15+$0xFFFFFE00] =	vst @!p2 v0  }
0xcd: {  	s20 =	spop (v2sf);
	[tilespmem:s15+$0xFFFFFE10] =	vst @!p2 v0  }
0xce: {  	p1 =	sne.s32 s20, $0x0;
	[tilespmem:s15+$0xFFFFFE20] =	vst @!p2 v0  }
0xcf: {  	v1 =	vimm.f32 @!p1 $0.0e+00;
	[tilespmem:s15+$0xFFFFFE30] =	vst @!p2 v0  }
0xd0: {  	[tilespmem:s15+$0xFFFFFE40] =	vst @!p1 v1  }
0xd1: {  	s21 =	spop (v2sf);
	[tilespmem:s15+$0xFFFFFE50] =	vst @!p1 v1  }
0xd2: {  	p3 =	sne.s32 s21, $0x0;
	[tilespmem:s15+$0xFFFFFE60] =	vst @!p1 v1  }
0xd3: {  	v2 =	vimm.f32 @!p3 $0.0e+00;
	[tilespmem:s15+$0xFFFFFE70] =	vst @!p1 v1  }
0xd4: {  	[tilespmem:s15+$0xFFFFFE80] =	vst @!p3 v2  }
0xd5: {  	s22 =	spop (v2sf);
	[tilespmem:s15+$0xFFFFFE90] =	vst @!p3 v2  }
0xd6: {  	p6 =	sne.s32 s22, $0x0;
	[tilespmem:s15+$0xFFFFFEA0] =	vst @!p3 v2  }
0xd7: {  	v3 =	vimm.f32 @!p6 $0.0e+00;
	[tilespmem:s15+$0xFFFFFEB0] =	vst @!p3 v2  }
0xd8: {  	[tilespmem:s15+$0xFFFFFEC0] =	vst @!p6 v3  }
0xd9: {  	s23 =	spop (v2sf);
	[tilespmem:s15+$0xFFFFFED0] =	vst @!p6 v3  }
0xda: {  	p5 =	sne.s32 s23, $0x0;
	[tilespmem:s15+$0xFFFFFEE0] =	vst @!p6 v3  }
0xdb: {  	v4 =	vimm.f32 @!p5 $0.0e+00;
	[tilespmem:s15+$0xFFFFFEF0] =	vst @!p6 v3  }
0xdc: {  	[tilespmem:s15+$0xFFFFFF00] =	vst @!p5 v4  }
0xdd: {  	s16 =	sadd.s32 $0x40, s16;
	s29 =	spop (v2sf);
	[tilespmem:s15+$0xFFFFFF10] =	vst @!p5 v4  }
0xde: {  	p0 =	sne.s32 s16, $0x400;
	p4 =	sne.s32 s29, $0x0;
	s30 =	spop (v2sf);
	[tilespmem:s15+$0xFFFFFF20] =	vst @!p5 v4  }
0xdf: {  	s5 =	simm.s32 @!p0 $0x0;
	v5 =	vimm.f32 @!p4 $0.0e+00;
	s31 =	spop (v2sf);
	[tilespmem:s15+$0xFFFFFF30] =	vst @!p5 v4  }
0xe0: {  	s5 =	simm.s32 @p0 $0x1;
	p0 =	sne.s32 s31, $0x0;
	[tilespmem:s15+$0xFFFFFF40] =	vst @!p4 v5  }
0xe1: {  	[tilespmem:s15+$0xFFFFFF50] =	vst @!p4 v5;
	s0 =	simm.s32 @!p0 $0x0  }
0xe2: {  	[smem:$0x7FD] =	sst s5;
	p2 =	sne.s32 s30, $0x0;
	[tilespmem:s15+$0xFFFFFF60] =	vst @!p4 v5;
	s0 =	simm.s32 @p0 $0x1  }
0xe3: {  	v6 =	vimm.f32 @!p2 $0.0e+00;
	s5 =	spop (v2sf);
	[tilespmem:s15+$0xFFFFFF70] =	vst @!p4 v5;
	[smem:$0x7F6] =	sst s0  }
0xe4: {  	v7 =	vimm.f32 @!p0 $0.0e+00;
	[tilespmem:s15+$0xFFFFFF80] =	vst @!p2 v6;
	p0 =	sne.s32 s5, $0x0;
	s19 =	sld [smem:$0x7F6]  }
0xe5: {  	[tilespmem:s15+$0xFFFFFF90] =	vst @!p2 v6;
	s0 =	simm.s32 @!p0 $0x0  }
0xe6: {  	[tilespmem:s15+$0xFFFFFFA0] =	vst @!p2 v6;
	s0 =	simm.s32 @p0 $0x1  }
0xe7: {  	s7 =	spop (v2sf);
	[tilespmem:s15+$0xFFFFFFB0] =	vst @!p2 v6;
	[smem:$0x7F7] =	sst s0;
	p2 =	seq.s32 s19, $0x1  }
0xe8: {  	v1 =	vimm.f32 @!p0 $0.0e+00;
	p0 =	sne.s32 s7, $0x0;
	s20 =	sld [smem:$0x7F7];
	[tilespmem:s15+$0xFFFFFFC0] =	vst @!p2 v7  }
0xe9: {  	s0 =	simm.s32 @!p0 $0x0;
	[tilespmem:s15+$0xFFFFFFD0] =	vst @!p2 v7  }
0xea: {  	s0 =	simm.s32 @p0 $0x1;
	[tilespmem:s15+$0xFFFFFFE0] =	vst @!p2 v7  }
0xeb: {  	s8 =	spop (v2sf);
	[smem:$0x7F8] =	sst s0;
	[tilespmem:s15+$0xFFFFFFF0] =	vst @!p2 v7;
	p2 =	seq.s32 s20, $0x1  }
0xec: {  	v8 =	vimm.f32 @!p0 $0.0e+00;
	p0 =	sne.s32 s8, $0x0;
	s21 =	sld [smem:$0x7F8];
	[tilespmem:s15+$0x0] =	vst @!p2 v1  }
0xed: {  	s0 =	simm.s32 @!p0 $0x0;
	[tilespmem:s15+$0x10] =	vst @!p2 v1  }
0xee: {  	s0 =	simm.s32 @p0 $0x1;
	[tilespmem:s15+$0x20] =	vst @!p2 v1  }
0xef: {  	s9 =	spop (v2sf);
	[smem:$0x7F9] =	sst s0;
	[tilespmem:s15+$0x30] =	vst @!p2 v1;
	p2 =	seq.s32 s21, $0x1  }
0xf0: {  	v9 =	vimm.f32 @!p0 $0.0e+00;
	p0 =	sne.s32 s9, $0x0;
	s22 =	sld [smem:$0x7F9];
	[tilespmem:s15+$0x40] =	vst @!p2 v8  }
0xf1: {  	s0 =	simm.s32 @!p0 $0x0;
	[tilespmem:s15+$0x50] =	vst @!p2 v8  }
0xf2: {  	s0 =	simm.s32 @p0 $0x1;
	[tilespmem:s15+$0x60] =	vst @!p2 v8  }
0xf3: {  	[smem:$0x7FA] =	sst s0;
	[tilespmem:s15+$0x70] =	vst @!p2 v8;
	p2 =	seq.s32 s22, $0x1  }
0xf4: {  	s23 =	sld [smem:$0x7FA];
	[tilespmem:s15+$0x80] =	vst @!p2 v9  }
0xf5: {  	s10 =	spop (v2sf);
	[tilespmem:s15+$0x90] =	vst @!p2 v9  }
0xf6: {  	v10 =	vimm.f32 @!p0 $0.0e+00;
	p0 =	sne.s32 s10, $0x0;
	[tilespmem:s15+$0xA0] =	vst @!p2 v9  }
0xf7: {  	s13 =	spop (v2sf);
	s0 =	simm.s32 @!p0 $0x0;
	[tilespmem:s15+$0xB0] =	vst @!p2 v9;
	p2 =	seq.s32 s23, $0x1  }
0xf8: {  	v2 =	vimm.f32 @!p0 $0.0e+00;
	s0 =	simm.s32 @p0 $0x1;
	p0 =	sne.s32 s13, $0x0;
	[tilespmem:s15+$0xC0] =	vst @!p2 v10  }
0xf9: {  	s17 =	spop (v2sf);
	[smem:$0x7FB] =	sst s0;
	s0 =	simm.s32 @!p0 $0x0;
	[tilespmem:s15+$0xD0] =	vst @!p2 v10  }
0xfa: {  	v11 =	vimm.f32 @!p0 $0.0e+00;
	s0 =	simm.s32 @p0 $0x1;
	p0 =	sne.s32 s17, $0x0;
	[tilespmem:s15+$0xE0] =	vst @!p2 v10  }
0xfb: {  	v12 =	vimm.f32 @!p0 $0.0e+00;
	[tilespmem:s15+$0xF0] =	vst @!p2 v10  }
0xfc: {  	s29 =	sld [smem:$0x7FB];
	[tilespmem:s15+$0x180] =	vst @!p0 v12  }
0xfd: {  	[tilespmem:s15+$0x190] =	vst @!p0 v12  }
0xfe: {  	s31 =	sld [smem:$0x7FD];
	[tilespmem:s15+$0x1A0] =	vst @!p0 v12  }
0xff: {  	[smem:$0x7FC] =	sst s0;
	[tilespmem:s15+$0x1B0] =	vst @!p0 v12;
	p2 =	seq.s32 s29, $0x1  }
0x100: {  	s30 =	sld [smem:$0x7FC];
	[tilespmem:s15+$0x100] =	vst @!p2 v2  }
0x101: {  	[tilespmem:s15+$0x110] =	vst @!p2 v2  }
0x102: {  	p0 =	seq.s32 s31, $0x1;
	[tilespmem:s15+$0x120] =	vst @!p2 v2  }
.Ltmp4:
0x103: {  	[tilespmem:s15+$0x130] =	vst @!p2 v2;
	p2 =	seq.s32 s30, $0x1;
	(pc) =	sbr.rel @p0 .LBB2_6-.Ltmp4, $4  }
0x104: {  	[tilespmem:s15+$0x140] =	vst @!p2 v11  }
0x105: {  	s18 =	spop (v2sf);
	[tilespmem:s15+$0x150] =	vst @!p2 v11  }
0x106: {  	p1 =	sne.s32 s18, $0x0;
	[tilespmem:s15+$0x160] =	vst @!p2 v11  }
0x107: {  	v0 =	vimm.f32 @!p1 $0.0e+00;
	[tilespmem:s15+$0x170] =	vst @!p2 v11  }
0x108: {  	[tilespmem:s15+$0x1C0] =	vst @!p1 v0  }
0x109: {  	[tilespmem:s15+$0x1D0] =	vst @!p1 v0  }
0x10a: {  	[tilespmem:s15+$0x1E0] =	vst @!p1 v0  }
0x10b: {  	[tilespmem:s15+$0x1F0] =	vst @!p1 v0  }
.LBB2_8:
0x10c: {  	s14 =	sshll.u32 s11, $0x2  }
0x10d: {  	s0 =	sadd.s32 s6, s14  }
0x10e: {  	s0 =	sshll.u32 s0, $0xB  }
0x10f: {  	s5 =	simm.s32 $0x6400;
	p0 =	seq.s32 s11, $0x18;
	s0 =	sadd.s32 s2, s0  }
0x110: {  	[hbm4b:s0+s3] =	stream.linear.scatter [tilespmem:s5], [sflag:$0x5], $0x4000, $0x38;
	[tilespmem:$0x16400] =	vst v63  }
0x111: {  	s0 =	simm.s32 @!p0 $0x5  }
0x112: {  	_ =	swait.ge @!p0 [sflag:s0], $0x4000  }
0x113: {  	s7 =	simm.s32 @!p0 $0x6400;
	[sflag:s0] =	ssyncset.done @!p0 $0x0  }
0x114: {  	s5 =	simm.s32 @!p0 $0x80;
	[sflag:s0] =	ssyncadd.s32 @!p0 $0xFFFFC000;
	s0 =	sadd.s32 @!p0 $0x400, s12  }
0x115: {  	[tilespmem:s7], [sflag:$0x1] =	stream.indirect.gather @!p0 [hbm4b:s4+s5], $0x40, s0, s5, $0xb8;
	[tilespmem:$0x16400] =	vst v63  }
0x116: {  	s0 =	sadd.s32 @!p0 $0x480, s12;
	s7 =	simm.s32 @!p0 $0x8400  }
0x117: {  	[tilespmem:s7], [sflag:$0x1] =	stream.indirect.gather @!p0 [hbm4b:s4+s5], $0x40, s0, s5, $0xb8;
	[tilespmem:$0x16400] =	vst v63  }
0x118: {  	_ =	swait.ge [sflag:s25], $0x2000  }
0x119: {  	s20 =	simm.s32 $0x0;
	s15 =	sor.u32 $0x1, s14;
	[sflag:s25] =	ssyncset.done $0x0  }
0x11a: {  	s22 =	sand.u32 $0x200, s20;
	s21 =	sshll.u32 s15, $0x8;
	[sflag:s25] =	ssyncadd.s32 $0xFFFFE000  }
0x11b: {  	s23 =	sshrl.u32 s22, $0x2;
	s16 =	sand.u32 $0x3FFFFF00, s21;
	_ =	swait.ge [sflag:s25], $0x2000  }
0x11c: {  	s0 =	sand.u32 $0x70, s20;
	s5 =	sadd.s32 s23, s16;
	[sflag:s25] =	ssyncset.done $0x0  }
0x11d: {  	s0 =	sadd.s32 s0, s5;
	[sflag:s25] =	ssyncadd.s32 $0xFFFFE000  }
0x11e: {  	v0 =	vld [tilespmem:s0+$0x0]  }
0x11f: {  	s29 =	simm.s32 $0x40  }
0x120: {  	s0 =	sand.u32 $0x200, s29  }
0x121: {  	s30 =	sshrl.u32 s0, $0x2;
	s0 =	simm.s32 $0x10  }
0x122: {  	s31 =	sand.u32 $0x70, s0;
	s5 =	sadd.s32 s30, s16  }
0x123: {  	s7 =	sadd.s32 s31, s5;
	vm0 =	vlt.s32 v0, $0x1  }
0x124: {  	v1 =	vimm.s32 $0x0;
	v2 =	vnsel vm0, $0x1, v0;
	v0 =	vld [tilespmem:s7+$0x0]  }
0x125: {  	s5 =	simm.s32 $0x80;
	v1 =	vsub.s32 v1, v2  }
.LBB2_9:
0x126: {  	s7 =	sand.u32 $0x200, s5;
	p1 =	sne.s32 s5, $0x3C0;
	s5 =	sadd.s32 $0x40, s5;
	v1 =	vadd.s32 $0x1, v1  }
.Ltmp5:
0x127: {  	s0 =	sadd.s32 $0x10, s0;
	s7 =	sshrl.u32 s7, $0x2;
	(pc) =	sbr.rel @p1 .LBB2_9-.Ltmp5, $4  }
0x128: {  	s8 =	sand.u32 $0x70, s0;
	s7 =	sadd.s32 s7, s16  }
0x129: {  	s7 =	sadd.s32 s8, s7;
	vm0 =	vlt.s32 v0, $0x1  }
0x12a: {  	v2 =	vnsel vm0, $0x1, v0;
	v0 =	vld [tilespmem:s7+$0x0]  }
0x12b: {  	v1 =	vsub.s32 v1, v2  }
0x12c: {  	_ =	sdelay $0x2  }
0x12d: {  	vm0 =	vlt.s32 v0, $0x1  }
0x12e: {  	v1 =	vadd.s32 $0x1, v1;
	v0 =	vnsel vm0, $0x1, v0  }
0x12f: {  	v0 =	vsub.s32 v1, v0  }
0x130: {  	v0 =	vadd.s32 $0x1, v0  }
0x131: {  	(v2sf) =	vpush v0, $0x0  }
0x132: {  	(v2sf) =	vpush v0, $0x1  }
0x133: {  	(v2sf) =	vpush v0, $0x2  }
0x134: {  	(v2sf) =	vpush v0, $0x3  }
0x135: {  	(v2sf) =	vpush v0, $0x4  }
0x136: {  	(v2sf) =	vpush v0, $0x5  }
0x137: {  	(v2sf) =	vpush v0, $0x6  }
0x138: {  	(v2sf) =	vpush v0, $0x7  }
0x139: {  	(v2sf) =	vpush v0, $0x8  }
0x13a: {  	(v2sf) =	vpush v0, $0x9  }
0x13b: {  	(v2sf) =	vpush v0, $0xA  }
0x13c: {  	(v2sf) =	vpush v0, $0xB  }
0x13d: {  	(v2sf) =	vpush v0, $0xC  }
0x13e: {  	(v2sf) =	vpush v0, $0xD  }
0x13f: {  	(v2sf) =	vpush v0, $0xE  }
0x140: {  	s0 =	spop (v2sf);
	(v2sf) =	vpush v0, $0xF  }
0x141: {  	s5 =	spop (v2sf)  }
0x142: {  	s0 =	sadd.s32 s5, s0;
	s8 =	spop (v2sf)  }
0x143: {  	s0 =	sadd.s32 s8, s0;
	s9 =	spop (v2sf)  }
0x144: {  	s0 =	sadd.s32 s9, s0;
	s10 =	spop (v2sf)  }
0x145: {  	s0 =	sadd.s32 s10, s0;
	s13 =	spop (v2sf)  }
0x146: {  	s0 =	sadd.s32 s13, s0;
	s17 =	spop (v2sf)  }
0x147: {  	s0 =	sadd.s32 s17, s0;
	s18 =	spop (v2sf)  }
0x148: {  	s0 =	sadd.s32 s18, s0;
	s19 =	spop (v2sf)  }
0x149: {  	s0 =	sadd.s32 s19, s0;
	s20 =	spop (v2sf)  }
0x14a: {  	s0 =	sadd.s32 s20, s0;
	s21 =	spop (v2sf)  }
0x14b: {  	s0 =	sadd.s32 s21, s0;
	s22 =	spop (v2sf)  }
0x14c: {  	s0 =	sadd.s32 s22, s0;
	s23 =	spop (v2sf)  }
0x14d: {  	s0 =	sadd.s32 s23, s0;
	s29 =	spop (v2sf)  }
0x14e: {  	s0 =	sadd.s32 s29, s0;
	s30 =	spop (v2sf)  }
0x14f: {  	s0 =	sadd.s32 s30, s0;
	s31 =	spop (v2sf)  }
0x150: {  	s0 =	sadd.s32 s31, s0  }
0x151: {  	p1 =	slt.s32 s0, $0x1  }
.Ltmp6:
0x152: {  	_ = 	snop;
	(pc) =	sbr.rel @p1 .LBB2_14-.Ltmp6, $2  }
0x153: {  	_ =	sdelay $0x2  }
0x154: {  	s18 =	simm.s32 $0x0  }
0x155: {  	s0 =	sand.u32 $0x200, s18  }
0x156: {  	s0 =	sshrl.u32 s0, $0x2  }
0x157: {  	s5 =	sand.u32 $0x70, s18;
	s0 =	sadd.s32 s0, s16  }
0x158: {  	s0 =	sadd.s32 s5, s0  }
0x159: {  	v0 =	vld [tilespmem:s0+$0x0];
	_ =	sdelay $0x4  }
0x15a: {  	(v2sf) =	vpush v0, $0x0;
	_ =	sdelay $0x2  }
0x15b: {  	(v2sf) =	vpush v0, $0x1  }
0x15c: {  	(v2sf) =	vpush v0, $0x2  }
0x15d: {  	(v2sf) =	vpush v0, $0x3  }
0x15e: {  	(v2sf) =	vpush v0, $0x4  }
0x15f: {  	(v2sf) =	vpush v0, $0x5  }
0x160: {  	(v2sf) =	vpush v0, $0x6  }
0x161: {  	(v2sf) =	vpush v0, $0x7  }
0x162: {  	(v2sf) =	vpush v0, $0x8  }
0x163: {  	(v2sf) =	vpush v0, $0x9  }
0x164: {  	(v2sf) =	vpush v0, $0xA  }
0x165: {  	(v2sf) =	vpush v0, $0xB  }
0x166: {  	(v2sf) =	vpush v0, $0xC  }
0x167: {  	(v2sf) =	vpush v0, $0xD;
	s22 =	spop (v2sf)  }
0x168: {  	(v2sf) =	vpush v0, $0xE;
	p1 =	sne.s32 s22, $0x0  }
0x169: {  	(v2sf) =	vpush v0, $0xF;
	s5 =	simm.s32 @!p1 $0x0;
	v0 =	vimm.f32 @!p1 $0.0e+00  }
0x16a: {  	s23 =	spop (v2sf);
	[tilespmem:s5+$0xA430] =	vst @!p1 v0  }
0x16b: {  	s7 =	spop (v2sf);
	[tilespmem:s5+$0xA420] =	vst @!p1 v0  }
0x16c: {  	p2 =	sne.s32 s23, $0x0;
	s8 =	spop (v2sf);
	[tilespmem:s5+$0xA400] =	vst @!p1 v0  }
0x16d: {  	[tilespmem:s5+$0xA410] =	vst @!p1 v0;
	s5 =	simm.s32 @!p2 $0x0;
	v0 =	vimm.f32 @!p2 $0.0e+00;
	s20 =	spop (v2sf)  }
0x16e: {  	[tilespmem:s5+$0xA440] =	vst @!p2 v0;
	s21 =	spop (v2sf)  }
0x16f: {  	[tilespmem:s5+$0xA450] =	vst @!p2 v0;
	s17 =	spop (v2sf)  }
0x170: {  	p1 =	sne.s32 s7, $0x0;
	[tilespmem:s5+$0xA470] =	vst @!p2 v0;
	s10 =	spop (v2sf)  }
0x171: {  	[tilespmem:s5+$0xA460] =	vst @!p2 v0;
	s5 =	simm.s32 @!p1 $0x0;
	v0 =	vimm.f32 @!p1 $0.0e+00;
	s23 =	spop (v2sf)  }
0x172: {  	[tilespmem:s5+$0xA490] =	vst @!p1 v0;
	s0 =	spop (v2sf)  }
0x173: {  	[tilespmem:s5+$0xA4B0] =	vst @!p1 v0;
	s31 =	spop (v2sf)  }
0x174: {  	p2 =	sne.s32 s8, $0x0;
	[tilespmem:s5+$0xA480] =	vst @!p1 v0;
	s30 =	spop (v2sf)  }
0x175: {  	[tilespmem:s5+$0xA4A0] =	vst @!p1 v0;
	s13 =	simm.s32 @!p2 $0x0;
	v0 =	vimm.f32 @!p2 $0.0e+00;
	s29 =	spop (v2sf)  }
0x176: {  	[tilespmem:s13+$0xA4C0] =	vst @!p2 v0;
	s8 =	spop (v2sf)  }
0x177: {  	s19 =	simm.s32 $0x1000;
	s22 =	simm.s32 $0x0;
	[tilespmem:s13+$0xA4D0] =	vst @!p2 v0;
	s7 =	spop (v2sf)  }
0x178: {  	p3 =	sne.s32 s20, $0x0;
	s20 =	simm.s32 $0x40;
	[tilespmem:s13+$0xA4E0] =	vst @!p2 v0;
	s5 =	spop (v2sf)  }
.LBB2_12:
0x179: {  	s9 =	sshra.s32 @!p3 s18, $0x2  }
0x17a: {  	[tilespmem:s13+$0xA4F0] =	vst @!p2 v0;
	v0 =	vimm.f32 @!p3 $0.0e+00;
	s22 =	sadd.s32 $0x10, s22;
	s13 =	smov.u32 s19;
	s19 =	sadd.s32 $0x1000, s19  }
0x17b: {  	p1 =	sne.s32 s19, $0x10000;
	[tilespmem:s9+$0xA530] =	vst @!p3 v0;
	_ =	sdelay $0x1  }
0x17c: {  	[tilespmem:s9+$0xA520] =	vst @!p3 v0  }
0x17d: {  	p2 =	sne.s32 s21, $0x0;
	[tilespmem:s9+$0xA510] =	vst @!p3 v0  }
0x17e: {  	[tilespmem:s9+$0xA500] =	vst @!p3 v0;
	s9 =	sshra.s32 @!p2 s18, $0x2;
	v0 =	vimm.f32 @!p2 $0.0e+00  }
0x17f: {  	[tilespmem:s9+$0xA570] =	vst @!p2 v0  }
0x180: {  	[tilespmem:s9+$0xA560] =	vst @!p2 v0  }
0x181: {  	p3 =	sne.s32 s17, $0x0;
	[tilespmem:s9+$0xA540] =	vst @!p2 v0  }
0x182: {  	[tilespmem:s9+$0xA550] =	vst @!p2 v0;
	s9 =	sshra.s32 @!p3 s18, $0x2;
	v0 =	vimm.f32 @!p3 $0.0e+00  }
0x183: {  	[tilespmem:s9+$0xA580] =	vst @!p3 v0  }
0x184: {  	[tilespmem:s9+$0xA590] =	vst @!p3 v0  }
0x185: {  	p2 =	sne.s32 s10, $0x0;
	[tilespmem:s9+$0xA5B0] =	vst @!p3 v0  }
0x186: {  	[tilespmem:s9+$0xA5A0] =	vst @!p3 v0;
	s9 =	sshra.s32 @!p2 s18, $0x2;
	v0 =	vimm.f32 @!p2 $0.0e+00  }
0x187: {  	[tilespmem:s9+$0xA5D0] =	vst @!p2 v0  }
0x188: {  	[tilespmem:s9+$0xA5F0] =	vst @!p2 v0  }
0x189: {  	p3 =	sne.s32 s23, $0x0;
	[tilespmem:s9+$0xA5C0] =	vst @!p2 v0  }
0x18a: {  	[tilespmem:s9+$0xA5E0] =	vst @!p2 v0;
	s9 =	sshra.s32 @!p3 s18, $0x2;
	v0 =	vimm.f32 @!p3 $0.0e+00  }
0x18b: {  	[tilespmem:s9+$0xA610] =	vst @!p3 v0  }
0x18c: {  	[tilespmem:s9+$0xA630] =	vst @!p3 v0  }
0x18d: {  	p2 =	sne.s32 s0, $0x0;
	[tilespmem:s9+$0xA600] =	vst @!p3 v0  }
0x18e: {  	s0 =	sshra.s32 @!p2 s18, $0x2;
	[tilespmem:s9+$0xA620] =	vst @!p3 v0;
	v0 =	vimm.f32 @!p2 $0.0e+00  }
0x18f: {  	[tilespmem:s0+$0xA650] =	vst @!p2 v0  }
0x190: {  	[tilespmem:s0+$0xA640] =	vst @!p2 v0  }
0x191: {  	p3 =	sne.s32 s31, $0x0;
	[tilespmem:s0+$0xA670] =	vst @!p2 v0  }
0x192: {  	[tilespmem:s0+$0xA660] =	vst @!p2 v0;
	s0 =	sshra.s32 @!p3 s18, $0x2;
	v0 =	vimm.f32 @!p3 $0.0e+00  }
0x193: {  	[tilespmem:s0+$0xA690] =	vst @!p3 v0  }
0x194: {  	[tilespmem:s0+$0xA6B0] =	vst @!p3 v0  }
0x195: {  	p2 =	sne.s32 s30, $0x0;
	[tilespmem:s0+$0xA680] =	vst @!p3 v0  }
0x196: {  	[tilespmem:s0+$0xA6A0] =	vst @!p3 v0;
	s0 =	sshra.s32 @!p2 s18, $0x2;
	v0 =	vimm.f32 @!p2 $0.0e+00  }
0x197: {  	[tilespmem:s0+$0xA6D0] =	vst @!p2 v0  }
0x198: {  	[tilespmem:s0+$0xA6C0] =	vst @!p2 v0  }
0x199: {  	p3 =	sne.s32 s29, $0x0;
	[tilespmem:s0+$0xA6F0] =	vst @!p2 v0  }
0x19a: {  	[tilespmem:s0+$0xA6E0] =	vst @!p2 v0;
	s0 =	sshra.s32 @!p3 s18, $0x2;
	v0 =	vimm.f32 @!p3 $0.0e+00  }
0x19b: {  	[tilespmem:s0+$0xA710] =	vst @!p3 v0  }
0x19c: {  	[tilespmem:s0+$0xA730] =	vst @!p3 v0  }
0x19d: {  	p2 =	sne.s32 s8, $0x0;
	[tilespmem:s0+$0xA700] =	vst @!p3 v0  }
0x19e: {  	[tilespmem:s0+$0xA720] =	vst @!p3 v0;
	s0 =	sshra.s32 @!p2 s18, $0x2;
	v0 =	vimm.f32 @!p2 $0.0e+00  }
0x19f: {  	[tilespmem:s0+$0xA750] =	vst @!p2 v0  }
0x1a0: {  	[tilespmem:s0+$0xA770] =	vst @!p2 v0  }
0x1a1: {  	p3 =	sne.s32 s7, $0x0;
	[tilespmem:s0+$0xA740] =	vst @!p2 v0  }
0x1a2: {  	[tilespmem:s0+$0xA760] =	vst @!p2 v0;
	s0 =	sshra.s32 @!p3 s18, $0x2;
	v0 =	vimm.f32 @!p3 $0.0e+00  }
0x1a3: {  	[tilespmem:s0+$0xA790] =	vst @!p3 v0  }
0x1a4: {  	[tilespmem:s0+$0xA7A0] =	vst @!p3 v0  }
0x1a5: {  	p2 =	sne.s32 s5, $0x0;
	[tilespmem:s0+$0xA780] =	vst @!p3 v0  }
0x1a6: {  	[tilespmem:s0+$0xA7B0] =	vst @!p3 v0;
	s0 =	sshra.s32 @!p2 s18, $0x2;
	v0 =	vimm.f32 @!p2 $0.0e+00;
	s18 =	smov.u32 s13  }
0x1a7: {  	s5 =	sand.u32 $0x200, s20;
	[tilespmem:s0+$0xA7C0] =	vst @!p2 v0  }
0x1a8: {  	s5 =	sshrl.u32 s5, $0x2;
	[tilespmem:s0+$0xA7F0] =	vst @!p2 v0  }
0x1a9: {  	s7 =	sand.u32 $0x70, s22;
	s5 =	sadd.s32 s5, s16;
	[tilespmem:s0+$0xA7E0] =	vst @!p2 v0  }
0x1aa: {  	s5 =	sadd.s32 s7, s5;
	[tilespmem:s0+$0xA7D0] =	vst @!p2 v0  }
0x1ab: {  	v0 =	vld [tilespmem:s5+$0x0];
	_ =	sdelay $0x4  }
0x1ac: {  	(v2sf) =	vpush v0, $0x0  }
0x1ad: {  	(v2sf) =	vpush v0, $0x1  }
0x1ae: {  	(v2sf) =	vpush v0, $0x2  }
0x1af: {  	(v2sf) =	vpush v0, $0x3  }
0x1b0: {  	(v2sf) =	vpush v0, $0x4  }
0x1b1: {  	(v2sf) =	vpush v0, $0x5  }
0x1b2: {  	(v2sf) =	vpush v0, $0x6  }
0x1b3: {  	(v2sf) =	vpush v0, $0x7  }
0x1b4: {  	(v2sf) =	vpush v0, $0x8  }
0x1b5: {  	(v2sf) =	vpush v0, $0x9  }
0x1b6: {  	(v2sf) =	vpush v0, $0xA  }
0x1b7: {  	(v2sf) =	vpush v0, $0xB  }
0x1b8: {  	(v2sf) =	vpush v0, $0xC  }
0x1b9: {  	(v2sf) =	vpush v0, $0xD  }
0x1ba: {  	(v2sf) =	vpush v0, $0xE  }
0x1bb: {  	s0 =	spop (v2sf);
	(v2sf) =	vpush v0, $0xF  }
0x1bc: {  	p3 =	sne.s32 s0, $0x0;
	s0 =	spop (v2sf)  }
0x1bd: {  	s5 =	sshra.s32 @!p3 s18, $0x2;
	v0 =	vimm.f32 @!p3 $0.0e+00;
	s7 =	spop (v2sf)  }
0x1be: {  	[tilespmem:s5+$0xA430] =	vst @!p3 v0;
	s8 =	spop (v2sf)  }
0x1bf: {  	[tilespmem:s5+$0xA420] =	vst @!p3 v0;
	s9 =	spop (v2sf)  }
0x1c0: {  	p2 =	sne.s32 s0, $0x0;
	[tilespmem:s5+$0xA400] =	vst @!p3 v0;
	s21 =	spop (v2sf)  }
0x1c1: {  	[tilespmem:s5+$0xA410] =	vst @!p3 v0;
	s5 =	sshra.s32 @!p2 s18, $0x2;
	v0 =	vimm.f32 @!p2 $0.0e+00;
	s17 =	spop (v2sf)  }
0x1c2: {  	[tilespmem:s5+$0xA440] =	vst @!p2 v0;
	s10 =	spop (v2sf)  }
0x1c3: {  	[tilespmem:s5+$0xA450] =	vst @!p2 v0;
	s23 =	spop (v2sf)  }
0x1c4: {  	p3 =	sne.s32 s7, $0x0;
	[tilespmem:s5+$0xA470] =	vst @!p2 v0;
	s0 =	spop (v2sf)  }
0x1c5: {  	[tilespmem:s5+$0xA460] =	vst @!p2 v0;
	s5 =	sshra.s32 @!p3 s18, $0x2;
	v0 =	vimm.f32 @!p3 $0.0e+00;
	s31 =	spop (v2sf)  }
0x1c6: {  	[tilespmem:s5+$0xA490] =	vst @!p3 v0;
	s30 =	spop (v2sf)  }
0x1c7: {  	[tilespmem:s5+$0xA4B0] =	vst @!p3 v0;
	s29 =	spop (v2sf)  }
.Ltmp7:
0x1c8: {  	p2 =	sne.s32 s8, $0x0;
	[tilespmem:s5+$0xA480] =	vst @!p3 v0;
	s8 =	spop (v2sf);
	(pc) =	sbr.rel @p1 .LBB2_12-.Ltmp7, $4  }
0x1c9: {  	s13 =	sshra.s32 @!p2 s18, $0x2;
	[tilespmem:s5+$0xA4A0] =	vst @!p3 v0;
	v0 =	vimm.f32 @!p2 $0.0e+00;
	s7 =	spop (v2sf)  }
0x1ca: {  	[tilespmem:s13+$0xA4C0] =	vst @!p2 v0;
	s5 =	spop (v2sf)  }
0x1cb: {  	[tilespmem:s13+$0xA4D0] =	vst @!p2 v0  }
0x1cc: {  	s20 =	sadd.s32 $0x40, s20;
	p3 =	sne.s32 s9, $0x0;
	[tilespmem:s13+$0xA4E0] =	vst @!p2 v0  }
0x1cd: {  	[tilespmem:s13+$0xA4F0] =	vst @!p2 v0;
	s9 =	sshra.s32 @!p3 s18, $0x2;
	v0 =	vimm.f32 @!p3 $0.0e+00  }
0x1ce: {  	[tilespmem:s9+$0xA530] =	vst @!p3 v0  }
0x1cf: {  	[tilespmem:s9+$0xA520] =	vst @!p3 v0  }
0x1d0: {  	p1 =	sne.s32 s21, $0x0;
	[tilespmem:s9+$0xA510] =	vst @!p3 v0  }
0x1d1: {  	[tilespmem:s9+$0xA500] =	vst @!p3 v0;
	s9 =	sshra.s32 @!p1 s18, $0x2;
	v0 =	vimm.f32 @!p1 $0.0e+00  }
0x1d2: {  	[tilespmem:s9+$0xA570] =	vst @!p1 v0  }
0x1d3: {  	[tilespmem:s9+$0xA560] =	vst @!p1 v0  }
0x1d4: {  	p2 =	sne.s32 s17, $0x0;
	[tilespmem:s9+$0xA540] =	vst @!p1 v0  }
0x1d5: {  	[tilespmem:s9+$0xA550] =	vst @!p1 v0;
	s9 =	sshra.s32 @!p2 s18, $0x2;
	v0 =	vimm.f32 @!p2 $0.0e+00  }
0x1d6: {  	[tilespmem:s9+$0xA580] =	vst @!p2 v0  }
0x1d7: {  	[tilespmem:s9+$0xA590] =	vst @!p2 v0  }
0x1d8: {  	p1 =	sne.s32 s10, $0x0;
	[tilespmem:s9+$0xA5B0] =	vst @!p2 v0  }
0x1d9: {  	[tilespmem:s9+$0xA5A0] =	vst @!p2 v0;
	s9 =	sshra.s32 @!p1 s18, $0x2;
	v0 =	vimm.f32 @!p1 $0.0e+00  }
0x1da: {  	[tilespmem:s9+$0xA5D0] =	vst @!p1 v0  }
0x1db: {  	[tilespmem:s9+$0xA5F0] =	vst @!p1 v0  }
0x1dc: {  	p2 =	sne.s32 s23, $0x0;
	[tilespmem:s9+$0xA5C0] =	vst @!p1 v0  }
0x1dd: {  	[tilespmem:s9+$0xA5E0] =	vst @!p1 v0;
	s9 =	sshra.s32 @!p2 s18, $0x2;
	v0 =	vimm.f32 @!p2 $0.0e+00  }
0x1de: {  	[tilespmem:s9+$0xA610] =	vst @!p2 v0  }
0x1df: {  	[tilespmem:s9+$0xA630] =	vst @!p2 v0  }
0x1e0: {  	p1 =	sne.s32 s0, $0x0;
	[tilespmem:s9+$0xA600] =	vst @!p2 v0  }
0x1e1: {  	[tilespmem:s9+$0xA620] =	vst @!p2 v0;
	s0 =	sshra.s32 @!p1 s18, $0x2;
	v0 =	vimm.f32 @!p1 $0.0e+00  }
0x1e2: {  	[tilespmem:s0+$0xA650] =	vst @!p1 v0  }
0x1e3: {  	[tilespmem:s0+$0xA640] =	vst @!p1 v0  }
0x1e4: {  	p2 =	sne.s32 s31, $0x0;
	[tilespmem:s0+$0xA670] =	vst @!p1 v0  }
0x1e5: {  	[tilespmem:s0+$0xA660] =	vst @!p1 v0;
	s0 =	sshra.s32 @!p2 s18, $0x2;
	v0 =	vimm.f32 @!p2 $0.0e+00  }
0x1e6: {  	[tilespmem:s0+$0xA690] =	vst @!p2 v0  }
0x1e7: {  	[tilespmem:s0+$0xA6B0] =	vst @!p2 v0  }
0x1e8: {  	p1 =	sne.s32 s30, $0x0;
	[tilespmem:s0+$0xA680] =	vst @!p2 v0  }
0x1e9: {  	[tilespmem:s0+$0xA6A0] =	vst @!p2 v0;
	s0 =	sshra.s32 @!p1 s18, $0x2;
	v0 =	vimm.f32 @!p1 $0.0e+00  }
0x1ea: {  	[tilespmem:s0+$0xA6D0] =	vst @!p1 v0  }
0x1eb: {  	[tilespmem:s0+$0xA6C0] =	vst @!p1 v0  }
0x1ec: {  	p2 =	sne.s32 s29, $0x0;
	[tilespmem:s0+$0xA6F0] =	vst @!p1 v0  }
0x1ed: {  	[tilespmem:s0+$0xA6E0] =	vst @!p1 v0;
	s0 =	sshra.s32 @!p2 s18, $0x2;
	v0 =	vimm.f32 @!p2 $0.0e+00  }
0x1ee: {  	[tilespmem:s0+$0xA710] =	vst @!p2 v0  }
0x1ef: {  	[tilespmem:s0+$0xA730] =	vst @!p2 v0  }
0x1f0: {  	p1 =	sne.s32 s8, $0x0;
	[tilespmem:s0+$0xA700] =	vst @!p2 v0  }
0x1f1: {  	[tilespmem:s0+$0xA720] =	vst @!p2 v0;
	s0 =	sshra.s32 @!p1 s18, $0x2;
	v0 =	vimm.f32 @!p1 $0.0e+00  }
0x1f2: {  	[tilespmem:s0+$0xA750] =	vst @!p1 v0  }
0x1f3: {  	[tilespmem:s0+$0xA770] =	vst @!p1 v0  }
0x1f4: {  	p2 =	sne.s32 s7, $0x0;
	[tilespmem:s0+$0xA740] =	vst @!p1 v0  }
0x1f5: {  	[tilespmem:s0+$0xA760] =	vst @!p1 v0;
	s0 =	sshra.s32 @!p2 s18, $0x2;
	v0 =	vimm.f32 @!p2 $0.0e+00  }
0x1f6: {  	[tilespmem:s0+$0xA790] =	vst @!p2 v0  }
0x1f7: {  	[tilespmem:s0+$0xA7A0] =	vst @!p2 v0  }
0x1f8: {  	p1 =	sne.s32 s5, $0x0;
	[tilespmem:s0+$0xA780] =	vst @!p2 v0  }
0x1f9: {  	[tilespmem:s0+$0xA7B0] =	vst @!p2 v0;
	s0 =	sshra.s32 @!p1 s18, $0x2;
	v0 =	vimm.f32 @!p1 $0.0e+00  }
0x1fa: {  	[tilespmem:s0+$0xA7C0] =	vst @!p1 v0  }
0x1fb: {  	[tilespmem:s0+$0xA7F0] =	vst @!p1 v0  }
0x1fc: {  	[tilespmem:s0+$0xA7E0] =	vst @!p1 v0  }
0x1fd: {  	[tilespmem:s0+$0xA7D0] =	vst @!p1 v0  }
.LBB2_14:
0x1fe: {  	s0 =	sadd.s32 s6, s15  }
0x1ff: {  	s0 =	sshll.u32 s0, $0xB  }
0x200: {  	s0 =	sand.u32 $0x1FFFE800, s0  }
0x201: {  	s5 =	simm.s32 $0xA400;
	s0 =	sadd.s32 s2, s0  }
0x202: {  	[hbm4b:s0+s3] =	stream.linear.scatter [tilespmem:s5], [sflag:$0x6], $0x4000, $0x38;
	[tilespmem:$0x16400] =	vst v63  }
0x203: {  	s0 =	simm.s32 @!p0 $0x6  }
0x204: {  	_ =	swait.ge @!p0 [sflag:s0], $0x4000  }
0x205: {  	s7 =	simm.s32 @!p0 $0xA400;
	[sflag:s0] =	ssyncset.done @!p0 $0x0  }
0x206: {  	s5 =	simm.s32 @!p0 $0x80;
	[sflag:s0] =	ssyncadd.s32 @!p0 $0xFFFFC000;
	s0 =	sadd.s32 @!p0 $0x500, s12  }
0x207: {  	[tilespmem:s7], [sflag:$0x2] =	stream.indirect.gather @!p0 [hbm4b:s4+s5], $0x40, s0, s5, $0xb8;
	[tilespmem:$0x16400] =	vst v63  }
0x208: {  	s0 =	sadd.s32 @!p0 $0x580, s12;
	s7 =	simm.s32 @!p0 $0xC400  }
0x209: {  	[tilespmem:s7], [sflag:$0x2] =	stream.indirect.gather @!p0 [hbm4b:s4+s5], $0x40, s0, s5, $0xb8;
	[tilespmem:$0x16400] =	vst v63  }
0x20a: {  	_ =	swait.ge [sflag:s26], $0x2000  }
0x20b: {  	s15 =	sor.u32 $0x2, s14;
	s20 =	simm.s32 $0x0;
	[sflag:s26] =	ssyncset.done $0x0  }
0x20c: {  	s21 =	sshll.u32 s15, $0x8;
	s22 =	sand.u32 $0x200, s20;
	[sflag:s26] =	ssyncadd.s32 $0xFFFFE000  }
0x20d: {  	s16 =	sand.u32 $0x3FFFFF00, s21;
	s23 =	sshrl.u32 s22, $0x2;
	_ =	swait.ge [sflag:s26], $0x2000  }
0x20e: {  	s0 =	sand.u32 $0x70, s20;
	s5 =	sadd.s32 s23, s16;
	[sflag:s26] =	ssyncset.done $0x0  }
0x20f: {  	s0 =	sadd.s32 s0, s5;
	[sflag:s26] =	ssyncadd.s32 $0xFFFFE000  }
0x210: {  	v0 =	vld [tilespmem:s0+$0x0]  }
0x211: {  	s29 =	simm.s32 $0x40  }
0x212: {  	s0 =	sand.u32 $0x200, s29  }
0x213: {  	s30 =	sshrl.u32 s0, $0x2;
	s0 =	simm.s32 $0x10  }
0x214: {  	s31 =	sand.u32 $0x70, s0;
	s5 =	sadd.s32 s30, s16  }
0x215: {  	s7 =	sadd.s32 s31, s5;
	vm0 =	vlt.s32 v0, $0x1  }
0x216: {  	v1 =	vimm.s32 $0x0;
	v2 =	vnsel vm0, $0x1, v0;
	v0 =	vld [tilespmem:s7+$0x0]  }
0x217: {  	s5 =	simm.s32 $0x80;
	v1 =	vsub.s32 v1, v2  }
.LBB2_15:
0x218: {  	s7 =	sand.u32 $0x200, s5;
	p1 =	sne.s32 s5, $0x3C0;
	s5 =	sadd.s32 $0x40, s5;
	v1 =	vadd.s32 $0x1, v1  }
.Ltmp8:
0x219: {  	s0 =	sadd.s32 $0x10, s0;
	s7 =	sshrl.u32 s7, $0x2;
	(pc) =	sbr.rel @p1 .LBB2_15-.Ltmp8, $4  }
0x21a: {  	s8 =	sand.u32 $0x70, s0;
	s7 =	sadd.s32 s7, s16  }
0x21b: {  	s7 =	sadd.s32 s8, s7;
	vm0 =	vlt.s32 v0, $0x1  }
0x21c: {  	v2 =	vnsel vm0, $0x1, v0;
	v0 =	vld [tilespmem:s7+$0x0]  }
0x21d: {  	v1 =	vsub.s32 v1, v2  }
0x21e: {  	_ =	sdelay $0x2  }
0x21f: {  	vm0 =	vlt.s32 v0, $0x1  }
0x220: {  	v1 =	vadd.s32 $0x1, v1;
	v0 =	vnsel vm0, $0x1, v0  }
0x221: {  	v0 =	vsub.s32 v1, v0  }
0x222: {  	v0 =	vadd.s32 $0x1, v0  }
0x223: {  	(v2sf) =	vpush v0, $0x0  }
0x224: {  	(v2sf) =	vpush v0, $0x1  }
0x225: {  	(v2sf) =	vpush v0, $0x2  }
0x226: {  	(v2sf) =	vpush v0, $0x3  }
0x227: {  	(v2sf) =	vpush v0, $0x4  }
0x228: {  	(v2sf) =	vpush v0, $0x5  }
0x229: {  	(v2sf) =	vpush v0, $0x6  }
0x22a: {  	(v2sf) =	vpush v0, $0x7  }
0x22b: {  	(v2sf) =	vpush v0, $0x8  }
0x22c: {  	(v2sf) =	vpush v0, $0x9  }
0x22d: {  	(v2sf) =	vpush v0, $0xA  }
0x22e: {  	(v2sf) =	vpush v0, $0xB  }
0x22f: {  	(v2sf) =	vpush v0, $0xC  }
0x230: {  	(v2sf) =	vpush v0, $0xD  }
0x231: {  	(v2sf) =	vpush v0, $0xE  }
0x232: {  	s0 =	spop (v2sf);
	(v2sf) =	vpush v0, $0xF  }
0x233: {  	s5 =	spop (v2sf)  }
0x234: {  	s0 =	sadd.s32 s5, s0;
	s8 =	spop (v2sf)  }
0x235: {  	s0 =	sadd.s32 s8, s0;
	s9 =	spop (v2sf)  }
0x236: {  	s0 =	sadd.s32 s9, s0;
	s10 =	spop (v2sf)  }
0x237: {  	s0 =	sadd.s32 s10, s0;
	s13 =	spop (v2sf)  }
0x238: {  	s0 =	sadd.s32 s13, s0;
	s17 =	spop (v2sf)  }
0x239: {  	s0 =	sadd.s32 s17, s0;
	s18 =	spop (v2sf)  }
0x23a: {  	s0 =	sadd.s32 s18, s0;
	s19 =	spop (v2sf)  }
0x23b: {  	s0 =	sadd.s32 s19, s0;
	s20 =	spop (v2sf)  }
0x23c: {  	s0 =	sadd.s32 s20, s0;
	s21 =	spop (v2sf)  }
0x23d: {  	s0 =	sadd.s32 s21, s0;
	s22 =	spop (v2sf)  }
0x23e: {  	s0 =	sadd.s32 s22, s0;
	s23 =	spop (v2sf)  }
0x23f: {  	s0 =	sadd.s32 s23, s0;
	s29 =	spop (v2sf)  }
0x240: {  	s0 =	sadd.s32 s29, s0;
	s30 =	spop (v2sf)  }
0x241: {  	s0 =	sadd.s32 s30, s0;
	s31 =	spop (v2sf)  }
0x242: {  	s0 =	sadd.s32 s31, s0  }
0x243: {  	p1 =	slt.s32 s0, $0x1  }
.Ltmp9:
0x244: {  	_ = 	snop;
	(pc) =	sbr.rel @p1 .LBB2_20-.Ltmp9, $2  }
0x245: {  	_ =	sdelay $0x2  }
0x246: {  	s18 =	simm.s32 $0x0  }
0x247: {  	s0 =	sand.u32 $0x200, s18  }
0x248: {  	s0 =	sshrl.u32 s0, $0x2  }
0x249: {  	s5 =	sand.u32 $0x70, s18;
	s0 =	sadd.s32 s0, s16  }
0x24a: {  	s0 =	sadd.s32 s5, s0  }
0x24b: {  	v0 =	vld [tilespmem:s0+$0x0];
	_ =	sdelay $0x4  }
0x24c: {  	(v2sf) =	vpush v0, $0x0;
	_ =	sdelay $0x2  }
0x24d: {  	(v2sf) =	vpush v0, $0x1  }
0x24e: {  	(v2sf) =	vpush v0, $0x2  }
0x24f: {  	(v2sf) =	vpush v0, $0x3  }
0x250: {  	(v2sf) =	vpush v0, $0x4  }
0x251: {  	(v2sf) =	vpush v0, $0x5  }
0x252: {  	(v2sf) =	vpush v0, $0x6  }
0x253: {  	(v2sf) =	vpush v0, $0x7  }
0x254: {  	(v2sf) =	vpush v0, $0x8  }
0x255: {  	(v2sf) =	vpush v0, $0x9  }
0x256: {  	(v2sf) =	vpush v0, $0xA  }
0x257: {  	(v2sf) =	vpush v0, $0xB  }
0x258: {  	(v2sf) =	vpush v0, $0xC  }
0x259: {  	(v2sf) =	vpush v0, $0xD;
	s22 =	spop (v2sf)  }
0x25a: {  	(v2sf) =	vpush v0, $0xE;
	p1 =	sne.s32 s22, $0x0  }
0x25b: {  	(v2sf) =	vpush v0, $0xF;
	s5 =	simm.s32 @!p1 $0x0;
	v0 =	vimm.f32 @!p1 $0.0e+00  }
0x25c: {  	s23 =	spop (v2sf);
	[tilespmem:s5+$0xE430] =	vst @!p1 v0  }
0x25d: {  	s7 =	spop (v2sf);
	[tilespmem:s5+$0xE420] =	vst @!p1 v0  }
0x25e: {  	p2 =	sne.s32 s23, $0x0;
	s8 =	spop (v2sf);
	[tilespmem:s5+$0xE400] =	vst @!p1 v0  }
0x25f: {  	[tilespmem:s5+$0xE410] =	vst @!p1 v0;
	s5 =	simm.s32 @!p2 $0x0;
	v0 =	vimm.f32 @!p2 $0.0e+00;
	s9 =	spop (v2sf)  }
0x260: {  	[tilespmem:s5+$0xE440] =	vst @!p2 v0;
	s21 =	spop (v2sf)  }
0x261: {  	[tilespmem:s5+$0xE450] =	vst @!p2 v0;
	s17 =	spop (v2sf)  }
0x262: {  	p1 =	sne.s32 s7, $0x0;
	[tilespmem:s5+$0xE470] =	vst @!p2 v0;
	s10 =	spop (v2sf)  }
0x263: {  	[tilespmem:s5+$0xE460] =	vst @!p2 v0;
	s5 =	simm.s32 @!p1 $0x0;
	v0 =	vimm.f32 @!p1 $0.0e+00;
	s23 =	spop (v2sf)  }
0x264: {  	[tilespmem:s5+$0xE490] =	vst @!p1 v0;
	s0 =	spop (v2sf)  }
0x265: {  	[tilespmem:s5+$0xE4B0] =	vst @!p1 v0;
	s31 =	spop (v2sf)  }
0x266: {  	p2 =	sne.s32 s8, $0x0;
	[tilespmem:s5+$0xE480] =	vst @!p1 v0;
	s30 =	spop (v2sf)  }
0x267: {  	[tilespmem:s5+$0xE4A0] =	vst @!p1 v0;
	s13 =	simm.s32 @!p2 $0x0;
	v0 =	vimm.f32 @!p2 $0.0e+00;
	s29 =	spop (v2sf)  }
0x268: {  	[tilespmem:s13+$0xE4C0] =	vst @!p2 v0;
	s8 =	spop (v2sf)  }
0x269: {  	s19 =	simm.s32 $0x1000;
	s20 =	simm.s32 $0x40;
	[tilespmem:s13+$0xE4D0] =	vst @!p2 v0;
	s7 =	spop (v2sf)  }
0x26a: {  	s22 =	simm.s32 $0x0;
	p3 =	sne.s32 s9, $0x0;
	[tilespmem:s13+$0xE4E0] =	vst @!p2 v0;
	s5 =	spop (v2sf)  }
.LBB2_18:
0x26b: {  	s9 =	sshra.s32 @!p3 s18, $0x2  }
0x26c: {  	[tilespmem:s13+$0xE4F0] =	vst @!p2 v0;
	v0 =	vimm.f32 @!p3 $0.0e+00;
	s22 =	sadd.s32 $0x10, s22;
	s13 =	smov.u32 s19;
	s19 =	sadd.s32 $0x1000, s19  }
0x26d: {  	p1 =	sne.s32 s19, $0x10000;
	[tilespmem:s9+$0xE530] =	vst @!p3 v0;
	_ =	sdelay $0x1  }
0x26e: {  	[tilespmem:s9+$0xE520] =	vst @!p3 v0  }
0x26f: {  	p2 =	sne.s32 s21, $0x0;
	[tilespmem:s9+$0xE510] =	vst @!p3 v0  }
0x270: {  	[tilespmem:s9+$0xE500] =	vst @!p3 v0;
	s9 =	sshra.s32 @!p2 s18, $0x2;
	v0 =	vimm.f32 @!p2 $0.0e+00  }
0x271: {  	[tilespmem:s9+$0xE570] =	vst @!p2 v0  }
0x272: {  	[tilespmem:s9+$0xE560] =	vst @!p2 v0  }
0x273: {  	p3 =	sne.s32 s17, $0x0;
	[tilespmem:s9+$0xE540] =	vst @!p2 v0  }
0x274: {  	[tilespmem:s9+$0xE550] =	vst @!p2 v0;
	s9 =	sshra.s32 @!p3 s18, $0x2;
	v0 =	vimm.f32 @!p3 $0.0e+00  }
0x275: {  	[tilespmem:s9+$0xE580] =	vst @!p3 v0  }
0x276: {  	[tilespmem:s9+$0xE590] =	vst @!p3 v0  }
0x277: {  	p2 =	sne.s32 s10, $0x0;
	[tilespmem:s9+$0xE5B0] =	vst @!p3 v0  }
0x278: {  	[tilespmem:s9+$0xE5A0] =	vst @!p3 v0;
	s9 =	sshra.s32 @!p2 s18, $0x2;
	v0 =	vimm.f32 @!p2 $0.0e+00  }
0x279: {  	[tilespmem:s9+$0xE5D0] =	vst @!p2 v0  }
0x27a: {  	[tilespmem:s9+$0xE5F0] =	vst @!p2 v0  }
0x27b: {  	p3 =	sne.s32 s23, $0x0;
	[tilespmem:s9+$0xE5C0] =	vst @!p2 v0  }
0x27c: {  	[tilespmem:s9+$0xE5E0] =	vst @!p2 v0;
	s9 =	sshra.s32 @!p3 s18, $0x2;
	v0 =	vimm.f32 @!p3 $0.0e+00  }
0x27d: {  	[tilespmem:s9+$0xE610] =	vst @!p3 v0  }
0x27e: {  	[tilespmem:s9+$0xE630] =	vst @!p3 v0  }
0x27f: {  	p2 =	sne.s32 s0, $0x0;
	[tilespmem:s9+$0xE600] =	vst @!p3 v0  }
0x280: {  	s0 =	sshra.s32 @!p2 s18, $0x2;
	[tilespmem:s9+$0xE620] =	vst @!p3 v0;
	v0 =	vimm.f32 @!p2 $0.0e+00  }
0x281: {  	[tilespmem:s0+$0xE650] =	vst @!p2 v0  }
0x282: {  	[tilespmem:s0+$0xE640] =	vst @!p2 v0  }
0x283: {  	p3 =	sne.s32 s31, $0x0;
	[tilespmem:s0+$0xE670] =	vst @!p2 v0  }
0x284: {  	[tilespmem:s0+$0xE660] =	vst @!p2 v0;
	s0 =	sshra.s32 @!p3 s18, $0x2;
	v0 =	vimm.f32 @!p3 $0.0e+00  }
0x285: {  	[tilespmem:s0+$0xE690] =	vst @!p3 v0  }
0x286: {  	[tilespmem:s0+$0xE6B0] =	vst @!p3 v0  }
0x287: {  	p2 =	sne.s32 s30, $0x0;
	[tilespmem:s0+$0xE680] =	vst @!p3 v0  }
0x288: {  	[tilespmem:s0+$0xE6A0] =	vst @!p3 v0;
	s0 =	sshra.s32 @!p2 s18, $0x2;
	v0 =	vimm.f32 @!p2 $0.0e+00  }
0x289: {  	[tilespmem:s0+$0xE6D0] =	vst @!p2 v0  }
0x28a: {  	[tilespmem:s0+$0xE6C0] =	vst @!p2 v0  }
0x28b: {  	p3 =	sne.s32 s29, $0x0;
	[tilespmem:s0+$0xE6F0] =	vst @!p2 v0  }
0x28c: {  	[tilespmem:s0+$0xE6E0] =	vst @!p2 v0;
	s0 =	sshra.s32 @!p3 s18, $0x2;
	v0 =	vimm.f32 @!p3 $0.0e+00  }
0x28d: {  	[tilespmem:s0+$0xE710] =	vst @!p3 v0  }
0x28e: {  	[tilespmem:s0+$0xE730] =	vst @!p3 v0  }
0x28f: {  	p2 =	sne.s32 s8, $0x0;
	[tilespmem:s0+$0xE700] =	vst @!p3 v0  }
0x290: {  	[tilespmem:s0+$0xE720] =	vst @!p3 v0;
	s0 =	sshra.s32 @!p2 s18, $0x2;
	v0 =	vimm.f32 @!p2 $0.0e+00  }
0x291: {  	[tilespmem:s0+$0xE750] =	vst @!p2 v0  }
0x292: {  	[tilespmem:s0+$0xE770] =	vst @!p2 v0  }
0x293: {  	p3 =	sne.s32 s7, $0x0;
	[tilespmem:s0+$0xE740] =	vst @!p2 v0  }
0x294: {  	[tilespmem:s0+$0xE760] =	vst @!p2 v0;
	s0 =	sshra.s32 @!p3 s18, $0x2;
	v0 =	vimm.f32 @!p3 $0.0e+00  }
0x295: {  	[tilespmem:s0+$0xE790] =	vst @!p3 v0  }
0x296: {  	[tilespmem:s0+$0xE7A0] =	vst @!p3 v0  }
0x297: {  	p2 =	sne.s32 s5, $0x0;
	[tilespmem:s0+$0xE780] =	vst @!p3 v0  }
0x298: {  	[tilespmem:s0+$0xE7B0] =	vst @!p3 v0;
	s0 =	sshra.s32 @!p2 s18, $0x2;
	v0 =	vimm.f32 @!p2 $0.0e+00;
	s18 =	smov.u32 s13  }
0x299: {  	s5 =	sand.u32 $0x200, s20;
	[tilespmem:s0+$0xE7C0] =	vst @!p2 v0  }
0x29a: {  	s5 =	sshrl.u32 s5, $0x2;
	[tilespmem:s0+$0xE7F0] =	vst @!p2 v0  }
0x29b: {  	s7 =	sand.u32 $0x70, s22;
	s5 =	sadd.s32 s5, s16;
	[tilespmem:s0+$0xE7E0] =	vst @!p2 v0  }
0x29c: {  	s5 =	sadd.s32 s7, s5;
	[tilespmem:s0+$0xE7D0] =	vst @!p2 v0  }
0x29d: {  	v0 =	vld [tilespmem:s5+$0x0];
	_ =	sdelay $0x4  }
0x29e: {  	(v2sf) =	vpush v0, $0x0  }
0x29f: {  	(v2sf) =	vpush v0, $0x1  }
0x2a0: {  	(v2sf) =	vpush v0, $0x2  }
0x2a1: {  	(v2sf) =	vpush v0, $0x3  }
0x2a2: {  	(v2sf) =	vpush v0, $0x4  }
0x2a3: {  	(v2sf) =	vpush v0, $0x5  }
0x2a4: {  	(v2sf) =	vpush v0, $0x6  }
0x2a5: {  	(v2sf) =	vpush v0, $0x7  }
0x2a6: {  	(v2sf) =	vpush v0, $0x8  }
0x2a7: {  	(v2sf) =	vpush v0, $0x9  }
0x2a8: {  	(v2sf) =	vpush v0, $0xA  }
0x2a9: {  	(v2sf) =	vpush v0, $0xB  }
0x2aa: {  	(v2sf) =	vpush v0, $0xC  }
0x2ab: {  	(v2sf) =	vpush v0, $0xD  }
0x2ac: {  	(v2sf) =	vpush v0, $0xE  }
0x2ad: {  	s0 =	spop (v2sf);
	(v2sf) =	vpush v0, $0xF  }
0x2ae: {  	p3 =	sne.s32 s0, $0x0;
	s0 =	spop (v2sf)  }
0x2af: {  	s5 =	sshra.s32 @!p3 s18, $0x2;
	v0 =	vimm.f32 @!p3 $0.0e+00;
	s7 =	spop (v2sf)  }
0x2b0: {  	[tilespmem:s5+$0xE430] =	vst @!p3 v0;
	s8 =	spop (v2sf)  }
0x2b1: {  	[tilespmem:s5+$0xE420] =	vst @!p3 v0;
	s9 =	spop (v2sf)  }
0x2b2: {  	p2 =	sne.s32 s0, $0x0;
	[tilespmem:s5+$0xE400] =	vst @!p3 v0;
	s21 =	spop (v2sf)  }
0x2b3: {  	[tilespmem:s5+$0xE410] =	vst @!p3 v0;
	s5 =	sshra.s32 @!p2 s18, $0x2;
	v0 =	vimm.f32 @!p2 $0.0e+00;
	s17 =	spop (v2sf)  }
0x2b4: {  	[tilespmem:s5+$0xE440] =	vst @!p2 v0;
	s10 =	spop (v2sf)  }
0x2b5: {  	[tilespmem:s5+$0xE450] =	vst @!p2 v0;
	s23 =	spop (v2sf)  }
0x2b6: {  	p3 =	sne.s32 s7, $0x0;
	[tilespmem:s5+$0xE470] =	vst @!p2 v0;
	s0 =	spop (v2sf)  }
0x2b7: {  	[tilespmem:s5+$0xE460] =	vst @!p2 v0;
	s5 =	sshra.s32 @!p3 s18, $0x2;
	v0 =	vimm.f32 @!p3 $0.0e+00;
	s31 =	spop (v2sf)  }
0x2b8: {  	[tilespmem:s5+$0xE490] =	vst @!p3 v0;
	s30 =	spop (v2sf)  }
0x2b9: {  	[tilespmem:s5+$0xE4B0] =	vst @!p3 v0;
	s29 =	spop (v2sf)  }
.Ltmp10:
0x2ba: {  	p2 =	sne.s32 s8, $0x0;
	[tilespmem:s5+$0xE480] =	vst @!p3 v0;
	s8 =	spop (v2sf);
	(pc) =	sbr.rel @p1 .LBB2_18-.Ltmp10, $4  }
0x2bb: {  	s13 =	sshra.s32 @!p2 s18, $0x2;
	[tilespmem:s5+$0xE4A0] =	vst @!p3 v0;
	v0 =	vimm.f32 @!p2 $0.0e+00;
	s7 =	spop (v2sf)  }
0x2bc: {  	[tilespmem:s13+$0xE4C0] =	vst @!p2 v0;
	s5 =	spop (v2sf)  }
0x2bd: {  	[tilespmem:s13+$0xE4D0] =	vst @!p2 v0  }
0x2be: {  	s20 =	sadd.s32 $0x40, s20;
	p3 =	sne.s32 s9, $0x0;
	[tilespmem:s13+$0xE4E0] =	vst @!p2 v0  }
0x2bf: {  	[tilespmem:s13+$0xE4F0] =	vst @!p2 v0;
	s9 =	sshra.s32 @!p3 s18, $0x2;
	v0 =	vimm.f32 @!p3 $0.0e+00  }
0x2c0: {  	[tilespmem:s9+$0xE530] =	vst @!p3 v0  }
0x2c1: {  	[tilespmem:s9+$0xE520] =	vst @!p3 v0  }
0x2c2: {  	p1 =	sne.s32 s21, $0x0;
	[tilespmem:s9+$0xE510] =	vst @!p3 v0  }
0x2c3: {  	[tilespmem:s9+$0xE500] =	vst @!p3 v0;
	s9 =	sshra.s32 @!p1 s18, $0x2;
	v0 =	vimm.f32 @!p1 $0.0e+00  }
0x2c4: {  	[tilespmem:s9+$0xE570] =	vst @!p1 v0  }
0x2c5: {  	[tilespmem:s9+$0xE560] =	vst @!p1 v0  }
0x2c6: {  	p2 =	sne.s32 s17, $0x0;
	[tilespmem:s9+$0xE540] =	vst @!p1 v0  }
0x2c7: {  	[tilespmem:s9+$0xE550] =	vst @!p1 v0;
	s9 =	sshra.s32 @!p2 s18, $0x2;
	v0 =	vimm.f32 @!p2 $0.0e+00  }
0x2c8: {  	[tilespmem:s9+$0xE580] =	vst @!p2 v0  }
0x2c9: {  	[tilespmem:s9+$0xE590] =	vst @!p2 v0  }
0x2ca: {  	p1 =	sne.s32 s10, $0x0;
	[tilespmem:s9+$0xE5B0] =	vst @!p2 v0  }
0x2cb: {  	[tilespmem:s9+$0xE5A0] =	vst @!p2 v0;
	s9 =	sshra.s32 @!p1 s18, $0x2;
	v0 =	vimm.f32 @!p1 $0.0e+00  }
0x2cc: {  	[tilespmem:s9+$0xE5D0] =	vst @!p1 v0  }
0x2cd: {  	[tilespmem:s9+$0xE5F0] =	vst @!p1 v0  }
0x2ce: {  	p2 =	sne.s32 s23, $0x0;
	[tilespmem:s9+$0xE5C0] =	vst @!p1 v0  }
0x2cf: {  	[tilespmem:s9+$0xE5E0] =	vst @!p1 v0;
	s9 =	sshra.s32 @!p2 s18, $0x2;
	v0 =	vimm.f32 @!p2 $0.0e+00  }
0x2d0: {  	[tilespmem:s9+$0xE610] =	vst @!p2 v0  }
0x2d1: {  	[tilespmem:s9+$0xE630] =	vst @!p2 v0  }
0x2d2: {  	p1 =	sne.s32 s0, $0x0;
	[tilespmem:s9+$0xE600] =	vst @!p2 v0  }
0x2d3: {  	[tilespmem:s9+$0xE620] =	vst @!p2 v0;
	s0 =	sshra.s32 @!p1 s18, $0x2;
	v0 =	vimm.f32 @!p1 $0.0e+00  }
0x2d4: {  	[tilespmem:s0+$0xE650] =	vst @!p1 v0  }
0x2d5: {  	[tilespmem:s0+$0xE640] =	vst @!p1 v0  }
0x2d6: {  	p2 =	sne.s32 s31, $0x0;
	[tilespmem:s0+$0xE670] =	vst @!p1 v0  }
0x2d7: {  	[tilespmem:s0+$0xE660] =	vst @!p1 v0;
	s0 =	sshra.s32 @!p2 s18, $0x2;
	v0 =	vimm.f32 @!p2 $0.0e+00  }
0x2d8: {  	[tilespmem:s0+$0xE690] =	vst @!p2 v0  }
0x2d9: {  	[tilespmem:s0+$0xE6B0] =	vst @!p2 v0  }
0x2da: {  	p1 =	sne.s32 s30, $0x0;
	[tilespmem:s0+$0xE680] =	vst @!p2 v0  }
0x2db: {  	[tilespmem:s0+$0xE6A0] =	vst @!p2 v0;
	s0 =	sshra.s32 @!p1 s18, $0x2;
	v0 =	vimm.f32 @!p1 $0.0e+00  }
0x2dc: {  	[tilespmem:s0+$0xE6D0] =	vst @!p1 v0  }
0x2dd: {  	[tilespmem:s0+$0xE6C0] =	vst @!p1 v0  }
0x2de: {  	p2 =	sne.s32 s29, $0x0;
	[tilespmem:s0+$0xE6F0] =	vst @!p1 v0  }
0x2df: {  	[tilespmem:s0+$0xE6E0] =	vst @!p1 v0;
	s0 =	sshra.s32 @!p2 s18, $0x2;
	v0 =	vimm.f32 @!p2 $0.0e+00  }
0x2e0: {  	[tilespmem:s0+$0xE710] =	vst @!p2 v0  }
0x2e1: {  	[tilespmem:s0+$0xE730] =	vst @!p2 v0  }
0x2e2: {  	p1 =	sne.s32 s8, $0x0;
	[tilespmem:s0+$0xE700] =	vst @!p2 v0  }
0x2e3: {  	[tilespmem:s0+$0xE720] =	vst @!p2 v0;
	s0 =	sshra.s32 @!p1 s18, $0x2;
	v0 =	vimm.f32 @!p1 $0.0e+00  }
0x2e4: {  	[tilespmem:s0+$0xE750] =	vst @!p1 v0  }
0x2e5: {  	[tilespmem:s0+$0xE770] =	vst @!p1 v0  }
0x2e6: {  	p2 =	sne.s32 s7, $0x0;
	[tilespmem:s0+$0xE740] =	vst @!p1 v0  }
0x2e7: {  	[tilespmem:s0+$0xE760] =	vst @!p1 v0;
	s0 =	sshra.s32 @!p2 s18, $0x2;
	v0 =	vimm.f32 @!p2 $0.0e+00  }
0x2e8: {  	[tilespmem:s0+$0xE790] =	vst @!p2 v0  }
0x2e9: {  	[tilespmem:s0+$0xE7A0] =	vst @!p2 v0  }
0x2ea: {  	p1 =	sne.s32 s5, $0x0;
	[tilespmem:s0+$0xE780] =	vst @!p2 v0  }
0x2eb: {  	[tilespmem:s0+$0xE7B0] =	vst @!p2 v0;
	s0 =	sshra.s32 @!p1 s18, $0x2;
	v0 =	vimm.f32 @!p1 $0.0e+00  }
0x2ec: {  	[tilespmem:s0+$0xE7C0] =	vst @!p1 v0  }
0x2ed: {  	[tilespmem:s0+$0xE7F0] =	vst @!p1 v0  }
0x2ee: {  	[tilespmem:s0+$0xE7E0] =	vst @!p1 v0  }
0x2ef: {  	[tilespmem:s0+$0xE7D0] =	vst @!p1 v0  }
.LBB2_20:
0x2f0: {  	s0 =	sadd.s32 s6, s15  }
0x2f1: {  	s0 =	sshll.u32 s0, $0xB  }
0x2f2: {  	s0 =	sand.u32 $0x1FFFF000, s0  }
0x2f3: {  	s5 =	simm.s32 $0xE400;
	s0 =	sadd.s32 s2, s0  }
0x2f4: {  	[hbm4b:s0+s3] =	stream.linear.scatter [tilespmem:s5], [sflag:$0x7], $0x4000, $0x38;
	[tilespmem:$0x16400] =	vst v63  }
0x2f5: {  	s0 =	simm.s32 @!p0 $0x7  }
0x2f6: {  	_ =	swait.ge @!p0 [sflag:s0], $0x4000  }
0x2f7: {  	s7 =	simm.s32 @!p0 $0xE400;
	[sflag:s0] =	ssyncset.done @!p0 $0x0  }
0x2f8: {  	s5 =	simm.s32 @!p0 $0x80;
	[sflag:s0] =	ssyncadd.s32 @!p0 $0xFFFFC000;
	s0 =	sadd.s32 @!p0 $0x600, s12  }
0x2f9: {  	[tilespmem:s7], [sflag:$0x3] =	stream.indirect.gather @!p0 [hbm4b:s4+s5], $0x40, s0, s5, $0xb8;
	[tilespmem:$0x16400] =	vst v63  }
0x2fa: {  	s0 =	sadd.s32 @!p0 $0x680, s12;
	s7 =	simm.s32 @!p0 $0x10400  }
0x2fb: {  	[tilespmem:s7], [sflag:$0x3] =	stream.indirect.gather @!p0 [hbm4b:s4+s5], $0x40, s0, s5, $0xb8;
	[tilespmem:$0x16400] =	vst v63  }
0x2fc: {  	_ =	swait.ge [sflag:s28], $0x2000  }
0x2fd: {  	s14 =	sor.u32 $0x3, s14;
	s20 =	simm.s32 $0x0;
	[sflag:s28] =	ssyncset.done $0x0  }
0x2fe: {  	s21 =	sshll.u32 s14, $0x8;
	s22 =	sand.u32 $0x200, s20;
	[sflag:s28] =	ssyncadd.s32 $0xFFFFE000  }
0x2ff: {  	s15 =	sand.u32 $0x3FFFFF00, s21;
	s23 =	sshrl.u32 s22, $0x2;
	_ =	swait.ge [sflag:s28], $0x2000  }
0x300: {  	s0 =	sand.u32 $0x70, s20;
	s5 =	sadd.s32 s23, s15;
	[sflag:s28] =	ssyncset.done $0x0  }
0x301: {  	s0 =	sadd.s32 s0, s5;
	[sflag:s28] =	ssyncadd.s32 $0xFFFFE000  }
0x302: {  	v0 =	vld [tilespmem:s0+$0x0]  }
0x303: {  	s29 =	simm.s32 $0x40  }
0x304: {  	s0 =	sand.u32 $0x200, s29  }
0x305: {  	s30 =	sshrl.u32 s0, $0x2;
	s0 =	simm.s32 $0x10  }
0x306: {  	s31 =	sand.u32 $0x70, s0;
	s5 =	sadd.s32 s30, s15  }
0x307: {  	s7 =	sadd.s32 s31, s5;
	vm0 =	vlt.s32 v0, $0x1  }
0x308: {  	v1 =	vimm.s32 $0x0;
	v2 =	vnsel vm0, $0x1, v0;
	v0 =	vld [tilespmem:s7+$0x0]  }
0x309: {  	s5 =	simm.s32 $0x80;
	v1 =	vsub.s32 v1, v2  }
.LBB2_21:
0x30a: {  	s7 =	sand.u32 $0x200, s5;
	p1 =	sne.s32 s5, $0x3C0;
	s5 =	sadd.s32 $0x40, s5;
	v1 =	vadd.s32 $0x1, v1  }
.Ltmp11:
0x30b: {  	s0 =	sadd.s32 $0x10, s0;
	s7 =	sshrl.u32 s7, $0x2;
	(pc) =	sbr.rel @p1 .LBB2_21-.Ltmp11, $4  }
0x30c: {  	s8 =	sand.u32 $0x70, s0;
	s7 =	sadd.s32 s7, s15  }
0x30d: {  	s7 =	sadd.s32 s8, s7;
	vm0 =	vlt.s32 v0, $0x1  }
0x30e: {  	v2 =	vnsel vm0, $0x1, v0;
	v0 =	vld [tilespmem:s7+$0x0]  }
0x30f: {  	v1 =	vsub.s32 v1, v2  }
0x310: {  	_ =	sdelay $0x2  }
0x311: {  	vm0 =	vlt.s32 v0, $0x1  }
0x312: {  	v1 =	vadd.s32 $0x1, v1;
	v0 =	vnsel vm0, $0x1, v0  }
0x313: {  	v0 =	vsub.s32 v1, v0  }
0x314: {  	v0 =	vadd.s32 $0x1, v0  }
0x315: {  	(v2sf) =	vpush v0, $0x0  }
0x316: {  	(v2sf) =	vpush v0, $0x1  }
0x317: {  	(v2sf) =	vpush v0, $0x2  }
0x318: {  	(v2sf) =	vpush v0, $0x3  }
0x319: {  	(v2sf) =	vpush v0, $0x4  }
0x31a: {  	(v2sf) =	vpush v0, $0x5  }
0x31b: {  	(v2sf) =	vpush v0, $0x6  }
0x31c: {  	(v2sf) =	vpush v0, $0x7  }
0x31d: {  	(v2sf) =	vpush v0, $0x8  }
0x31e: {  	(v2sf) =	vpush v0, $0x9  }
0x31f: {  	(v2sf) =	vpush v0, $0xA  }
0x320: {  	(v2sf) =	vpush v0, $0xB  }
0x321: {  	(v2sf) =	vpush v0, $0xC  }
0x322: {  	(v2sf) =	vpush v0, $0xD  }
0x323: {  	(v2sf) =	vpush v0, $0xE  }
0x324: {  	s0 =	spop (v2sf);
	(v2sf) =	vpush v0, $0xF  }
0x325: {  	s5 =	spop (v2sf)  }
0x326: {  	s0 =	sadd.s32 s5, s0;
	s9 =	spop (v2sf)  }
0x327: {  	s0 =	sadd.s32 s9, s0;
	s10 =	spop (v2sf)  }
0x328: {  	s0 =	sadd.s32 s10, s0;
	s13 =	spop (v2sf)  }
0x329: {  	s0 =	sadd.s32 s13, s0;
	s16 =	spop (v2sf)  }
0x32a: {  	s0 =	sadd.s32 s16, s0;
	s17 =	spop (v2sf)  }
0x32b: {  	s0 =	sadd.s32 s17, s0;
	s18 =	spop (v2sf)  }
0x32c: {  	s0 =	sadd.s32 s18, s0;
	s19 =	spop (v2sf)  }
0x32d: {  	s0 =	sadd.s32 s19, s0;
	s20 =	spop (v2sf)  }
0x32e: {  	s0 =	sadd.s32 s20, s0;
	s21 =	spop (v2sf)  }
0x32f: {  	s0 =	sadd.s32 s21, s0;
	s22 =	spop (v2sf)  }
0x330: {  	s0 =	sadd.s32 s22, s0;
	s23 =	spop (v2sf)  }
0x331: {  	s0 =	sadd.s32 s23, s0;
	s29 =	spop (v2sf)  }
0x332: {  	s0 =	sadd.s32 s29, s0;
	s30 =	spop (v2sf)  }
0x333: {  	s0 =	sadd.s32 s30, s0;
	s31 =	spop (v2sf)  }
0x334: {  	s0 =	sadd.s32 s31, s0  }
0x335: {  	p1 =	slt.s32 s0, $0x1  }
.Ltmp12:
0x336: {  	_ = 	snop;
	(pc) =	sbr.rel @p1 .LBB2_26-.Ltmp12, $2  }
0x337: {  	_ =	sdelay $0x2  }
0x338: {  	s16 =	simm.s32 $0x0  }
0x339: {  	s0 =	sand.u32 $0x200, s16  }
0x33a: {  	s0 =	sshrl.u32 s0, $0x2  }
0x33b: {  	s5 =	sand.u32 $0x70, s16;
	s0 =	sadd.s32 s0, s15  }
0x33c: {  	s0 =	sadd.s32 s5, s0  }
0x33d: {  	v0 =	vld [tilespmem:s0+$0x0];
	_ =	sdelay $0x4  }
0x33e: {  	(v2sf) =	vpush v0, $0x0;
	_ =	sdelay $0x2  }
0x33f: {  	(v2sf) =	vpush v0, $0x1  }
0x340: {  	(v2sf) =	vpush v0, $0x2  }
0x341: {  	(v2sf) =	vpush v0, $0x3  }
0x342: {  	(v2sf) =	vpush v0, $0x4  }
0x343: {  	(v2sf) =	vpush v0, $0x5  }
0x344: {  	(v2sf) =	vpush v0, $0x6  }
0x345: {  	(v2sf) =	vpush v0, $0x7  }
0x346: {  	(v2sf) =	vpush v0, $0x8  }
0x347: {  	(v2sf) =	vpush v0, $0x9  }
0x348: {  	(v2sf) =	vpush v0, $0xA  }
0x349: {  	(v2sf) =	vpush v0, $0xB  }
0x34a: {  	(v2sf) =	vpush v0, $0xC  }
0x34b: {  	(v2sf) =	vpush v0, $0xD;
	s23 =	spop (v2sf)  }
0x34c: {  	(v2sf) =	vpush v0, $0xE;
	p1 =	sne.s32 s23, $0x0  }
0x34d: {  	(v2sf) =	vpush v0, $0xF;
	s5 =	simm.s32 @!p1 $0x0;
	v0 =	vimm.f32 @!p1 $0.0e+00  }
0x34e: {  	s31 =	spop (v2sf);
	[tilespmem:s5+$0x12430] =	vst @!p1 v0  }
0x34f: {  	s7 =	spop (v2sf);
	[tilespmem:s5+$0x12420] =	vst @!p1 v0  }
0x350: {  	p2 =	sne.s32 s31, $0x0;
	s8 =	spop (v2sf);
	[tilespmem:s5+$0x12400] =	vst @!p1 v0  }
0x351: {  	[tilespmem:s5+$0x12410] =	vst @!p1 v0;
	s5 =	simm.s32 @!p2 $0x0;
	v0 =	vimm.f32 @!p2 $0.0e+00;
	s9 =	spop (v2sf)  }
0x352: {  	[tilespmem:s5+$0x12440] =	vst @!p2 v0;
	s21 =	spop (v2sf)  }
0x353: {  	[tilespmem:s5+$0x12450] =	vst @!p2 v0;
	s17 =	spop (v2sf)  }
0x354: {  	p1 =	sne.s32 s7, $0x0;
	[tilespmem:s5+$0x12470] =	vst @!p2 v0;
	s10 =	spop (v2sf)  }
0x355: {  	[tilespmem:s5+$0x12460] =	vst @!p2 v0;
	s5 =	simm.s32 @!p1 $0x0;
	v0 =	vimm.f32 @!p1 $0.0e+00;
	s23 =	spop (v2sf)  }
0x356: {  	[tilespmem:s5+$0x12490] =	vst @!p1 v0;
	s0 =	spop (v2sf)  }
0x357: {  	[tilespmem:s5+$0x124B0] =	vst @!p1 v0;
	s30 =	spop (v2sf)  }
0x358: {  	p2 =	sne.s32 s8, $0x0;
	[tilespmem:s5+$0x12480] =	vst @!p1 v0;
	s29 =	spop (v2sf)  }
0x359: {  	[tilespmem:s5+$0x124A0] =	vst @!p1 v0;
	s13 =	simm.s32 @!p2 $0x0;
	v0 =	vimm.f32 @!p2 $0.0e+00;
	s22 =	spop (v2sf)  }
0x35a: {  	[tilespmem:s13+$0x124C0] =	vst @!p2 v0;
	s8 =	spop (v2sf)  }
0x35b: {  	s18 =	simm.s32 $0x1000;
	s19 =	simm.s32 $0x40;
	[tilespmem:s13+$0x124D0] =	vst @!p2 v0;
	s7 =	spop (v2sf)  }
0x35c: {  	s20 =	simm.s32 $0x0;
	p3 =	sne.s32 s9, $0x0;
	[tilespmem:s13+$0x124E0] =	vst @!p2 v0;
	s5 =	spop (v2sf)  }
.LBB2_24:
0x35d: {  	s9 =	sshra.s32 @!p3 s16, $0x2  }
0x35e: {  	[tilespmem:s13+$0x124F0] =	vst @!p2 v0;
	v0 =	vimm.f32 @!p3 $0.0e+00;
	s20 =	sadd.s32 $0x10, s20;
	s13 =	smov.u32 s18;
	s18 =	sadd.s32 $0x1000, s18  }
0x35f: {  	p1 =	sne.s32 s18, $0x10000;
	[tilespmem:s9+$0x12530] =	vst @!p3 v0;
	_ =	sdelay $0x1  }
0x360: {  	[tilespmem:s9+$0x12520] =	vst @!p3 v0  }
0x361: {  	p2 =	sne.s32 s21, $0x0;
	[tilespmem:s9+$0x12510] =	vst @!p3 v0  }
0x362: {  	[tilespmem:s9+$0x12500] =	vst @!p3 v0;
	s9 =	sshra.s32 @!p2 s16, $0x2;
	v0 =	vimm.f32 @!p2 $0.0e+00  }
0x363: {  	[tilespmem:s9+$0x12570] =	vst @!p2 v0  }
0x364: {  	[tilespmem:s9+$0x12560] =	vst @!p2 v0  }
0x365: {  	p3 =	sne.s32 s17, $0x0;
	[tilespmem:s9+$0x12540] =	vst @!p2 v0  }
0x366: {  	[tilespmem:s9+$0x12550] =	vst @!p2 v0;
	s9 =	sshra.s32 @!p3 s16, $0x2;
	v0 =	vimm.f32 @!p3 $0.0e+00  }
0x367: {  	[tilespmem:s9+$0x12580] =	vst @!p3 v0  }
0x368: {  	[tilespmem:s9+$0x12590] =	vst @!p3 v0  }
0x369: {  	p2 =	sne.s32 s10, $0x0;
	[tilespmem:s9+$0x125B0] =	vst @!p3 v0  }
0x36a: {  	[tilespmem:s9+$0x125A0] =	vst @!p3 v0;
	s9 =	sshra.s32 @!p2 s16, $0x2;
	v0 =	vimm.f32 @!p2 $0.0e+00  }
0x36b: {  	[tilespmem:s9+$0x125D0] =	vst @!p2 v0  }
0x36c: {  	[tilespmem:s9+$0x125F0] =	vst @!p2 v0  }
0x36d: {  	p3 =	sne.s32 s23, $0x0;
	[tilespmem:s9+$0x125C0] =	vst @!p2 v0  }
0x36e: {  	[tilespmem:s9+$0x125E0] =	vst @!p2 v0;
	s9 =	sshra.s32 @!p3 s16, $0x2;
	v0 =	vimm.f32 @!p3 $0.0e+00  }
0x36f: {  	[tilespmem:s9+$0x12610] =	vst @!p3 v0  }
0x370: {  	[tilespmem:s9+$0x12630] =	vst @!p3 v0  }
0x371: {  	p2 =	sne.s32 s0, $0x0;
	[tilespmem:s9+$0x12600] =	vst @!p3 v0  }
0x372: {  	s0 =	sshra.s32 @!p2 s16, $0x2;
	[tilespmem:s9+$0x12620] =	vst @!p3 v0;
	v0 =	vimm.f32 @!p2 $0.0e+00  }
0x373: {  	[tilespmem:s0+$0x12650] =	vst @!p2 v0  }
0x374: {  	[tilespmem:s0+$0x12640] =	vst @!p2 v0  }
0x375: {  	p3 =	sne.s32 s30, $0x0;
	[tilespmem:s0+$0x12670] =	vst @!p2 v0  }
0x376: {  	[tilespmem:s0+$0x12660] =	vst @!p2 v0;
	s0 =	sshra.s32 @!p3 s16, $0x2;
	v0 =	vimm.f32 @!p3 $0.0e+00  }
0x377: {  	[tilespmem:s0+$0x12690] =	vst @!p3 v0  }
0x378: {  	[tilespmem:s0+$0x126B0] =	vst @!p3 v0  }
0x379: {  	p2 =	sne.s32 s29, $0x0;
	[tilespmem:s0+$0x12680] =	vst @!p3 v0  }
0x37a: {  	[tilespmem:s0+$0x126A0] =	vst @!p3 v0;
	s0 =	sshra.s32 @!p2 s16, $0x2;
	v0 =	vimm.f32 @!p2 $0.0e+00  }
0x37b: {  	[tilespmem:s0+$0x126D0] =	vst @!p2 v0  }
0x37c: {  	[tilespmem:s0+$0x126C0] =	vst @!p2 v0  }
0x37d: {  	p3 =	sne.s32 s22, $0x0;
	[tilespmem:s0+$0x126F0] =	vst @!p2 v0  }
0x37e: {  	[tilespmem:s0+$0x126E0] =	vst @!p2 v0;
	s0 =	sshra.s32 @!p3 s16, $0x2;
	v0 =	vimm.f32 @!p3 $0.0e+00  }
0x37f: {  	[tilespmem:s0+$0x12710] =	vst @!p3 v0  }
0x380: {  	[tilespmem:s0+$0x12730] =	vst @!p3 v0  }
0x381: {  	p2 =	sne.s32 s8, $0x0;
	[tilespmem:s0+$0x12700] =	vst @!p3 v0  }
0x382: {  	[tilespmem:s0+$0x12720] =	vst @!p3 v0;
	s0 =	sshra.s32 @!p2 s16, $0x2;
	v0 =	vimm.f32 @!p2 $0.0e+00  }
0x383: {  	[tilespmem:s0+$0x12750] =	vst @!p2 v0  }
0x384: {  	[tilespmem:s0+$0x12770] =	vst @!p2 v0  }
0x385: {  	p3 =	sne.s32 s7, $0x0;
	[tilespmem:s0+$0x12740] =	vst @!p2 v0  }
0x386: {  	[tilespmem:s0+$0x12760] =	vst @!p2 v0;
	s0 =	sshra.s32 @!p3 s16, $0x2;
	v0 =	vimm.f32 @!p3 $0.0e+00  }
0x387: {  	[tilespmem:s0+$0x12790] =	vst @!p3 v0  }
0x388: {  	[tilespmem:s0+$0x127A0] =	vst @!p3 v0  }
0x389: {  	p2 =	sne.s32 s5, $0x0;
	[tilespmem:s0+$0x12780] =	vst @!p3 v0  }
0x38a: {  	[tilespmem:s0+$0x127B0] =	vst @!p3 v0;
	s0 =	sshra.s32 @!p2 s16, $0x2;
	v0 =	vimm.f32 @!p2 $0.0e+00;
	s16 =	smov.u32 s13  }
0x38b: {  	s5 =	sand.u32 $0x200, s19;
	[tilespmem:s0+$0x127C0] =	vst @!p2 v0  }
0x38c: {  	s5 =	sshrl.u32 s5, $0x2;
	[tilespmem:s0+$0x127F0] =	vst @!p2 v0  }
0x38d: {  	s7 =	sand.u32 $0x70, s20;
	s5 =	sadd.s32 s5, s15;
	[tilespmem:s0+$0x127E0] =	vst @!p2 v0  }
0x38e: {  	s5 =	sadd.s32 s7, s5;
	[tilespmem:s0+$0x127D0] =	vst @!p2 v0  }
0x38f: {  	v0 =	vld [tilespmem:s5+$0x0];
	_ =	sdelay $0x4  }
0x390: {  	(v2sf) =	vpush v0, $0x0  }
0x391: {  	(v2sf) =	vpush v0, $0x1  }
0x392: {  	(v2sf) =	vpush v0, $0x2  }
0x393: {  	(v2sf) =	vpush v0, $0x3  }
0x394: {  	(v2sf) =	vpush v0, $0x4  }
0x395: {  	(v2sf) =	vpush v0, $0x5  }
0x396: {  	(v2sf) =	vpush v0, $0x6  }
0x397: {  	(v2sf) =	vpush v0, $0x7  }
0x398: {  	(v2sf) =	vpush v0, $0x8  }
0x399: {  	(v2sf) =	vpush v0, $0x9  }
0x39a: {  	(v2sf) =	vpush v0, $0xA  }
0x39b: {  	(v2sf) =	vpush v0, $0xB  }
0x39c: {  	(v2sf) =	vpush v0, $0xC  }
0x39d: {  	(v2sf) =	vpush v0, $0xD  }
0x39e: {  	(v2sf) =	vpush v0, $0xE  }
0x39f: {  	s0 =	spop (v2sf);
	(v2sf) =	vpush v0, $0xF  }
0x3a0: {  	p3 =	sne.s32 s0, $0x0;
	s0 =	spop (v2sf)  }
0x3a1: {  	s5 =	sshra.s32 @!p3 s16, $0x2;
	v0 =	vimm.f32 @!p3 $0.0e+00;
	s7 =	spop (v2sf)  }
0x3a2: {  	[tilespmem:s5+$0x12430] =	vst @!p3 v0;
	s8 =	spop (v2sf)  }
0x3a3: {  	[tilespmem:s5+$0x12420] =	vst @!p3 v0;
	s9 =	spop (v2sf)  }
0x3a4: {  	p2 =	sne.s32 s0, $0x0;
	[tilespmem:s5+$0x12400] =	vst @!p3 v0;
	s21 =	spop (v2sf)  }
0x3a5: {  	[tilespmem:s5+$0x12410] =	vst @!p3 v0;
	s5 =	sshra.s32 @!p2 s16, $0x2;
	v0 =	vimm.f32 @!p2 $0.0e+00;
	s17 =	spop (v2sf)  }
0x3a6: {  	[tilespmem:s5+$0x12440] =	vst @!p2 v0;
	s10 =	spop (v2sf)  }
0x3a7: {  	[tilespmem:s5+$0x12450] =	vst @!p2 v0;
	s23 =	spop (v2sf)  }
0x3a8: {  	p3 =	sne.s32 s7, $0x0;
	[tilespmem:s5+$0x12470] =	vst @!p2 v0;
	s0 =	spop (v2sf)  }
0x3a9: {  	[tilespmem:s5+$0x12460] =	vst @!p2 v0;
	s5 =	sshra.s32 @!p3 s16, $0x2;
	v0 =	vimm.f32 @!p3 $0.0e+00;
	s30 =	spop (v2sf)  }
0x3aa: {  	[tilespmem:s5+$0x12490] =	vst @!p3 v0;
	s29 =	spop (v2sf)  }
0x3ab: {  	[tilespmem:s5+$0x124B0] =	vst @!p3 v0;
	s22 =	spop (v2sf)  }
.Ltmp13:
0x3ac: {  	p2 =	sne.s32 s8, $0x0;
	[tilespmem:s5+$0x12480] =	vst @!p3 v0;
	s8 =	spop (v2sf);
	(pc) =	sbr.rel @p1 .LBB2_24-.Ltmp13, $4  }
0x3ad: {  	s13 =	sshra.s32 @!p2 s16, $0x2;
	[tilespmem:s5+$0x124A0] =	vst @!p3 v0;
	v0 =	vimm.f32 @!p2 $0.0e+00;
	s7 =	spop (v2sf)  }
0x3ae: {  	[tilespmem:s13+$0x124C0] =	vst @!p2 v0;
	s5 =	spop (v2sf)  }
0x3af: {  	[tilespmem:s13+$0x124D0] =	vst @!p2 v0  }
0x3b0: {  	s19 =	sadd.s32 $0x40, s19;
	p3 =	sne.s32 s9, $0x0;
	[tilespmem:s13+$0x124E0] =	vst @!p2 v0  }
0x3b1: {  	[tilespmem:s13+$0x124F0] =	vst @!p2 v0;
	s9 =	sshra.s32 @!p3 s16, $0x2;
	v0 =	vimm.f32 @!p3 $0.0e+00  }
0x3b2: {  	[tilespmem:s9+$0x12530] =	vst @!p3 v0  }
0x3b3: {  	[tilespmem:s9+$0x12520] =	vst @!p3 v0  }
0x3b4: {  	p1 =	sne.s32 s21, $0x0;
	[tilespmem:s9+$0x12510] =	vst @!p3 v0  }
0x3b5: {  	[tilespmem:s9+$0x12500] =	vst @!p3 v0;
	s9 =	sshra.s32 @!p1 s16, $0x2;
	v0 =	vimm.f32 @!p1 $0.0e+00  }
0x3b6: {  	[tilespmem:s9+$0x12570] =	vst @!p1 v0  }
0x3b7: {  	[tilespmem:s9+$0x12560] =	vst @!p1 v0  }
0x3b8: {  	p2 =	sne.s32 s17, $0x0;
	[tilespmem:s9+$0x12540] =	vst @!p1 v0  }
0x3b9: {  	[tilespmem:s9+$0x12550] =	vst @!p1 v0;
	s9 =	sshra.s32 @!p2 s16, $0x2;
	v0 =	vimm.f32 @!p2 $0.0e+00  }
0x3ba: {  	[tilespmem:s9+$0x12580] =	vst @!p2 v0  }
0x3bb: {  	[tilespmem:s9+$0x12590] =	vst @!p2 v0  }
0x3bc: {  	p1 =	sne.s32 s10, $0x0;
	[tilespmem:s9+$0x125B0] =	vst @!p2 v0  }
0x3bd: {  	[tilespmem:s9+$0x125A0] =	vst @!p2 v0;
	s9 =	sshra.s32 @!p1 s16, $0x2;
	v0 =	vimm.f32 @!p1 $0.0e+00  }
0x3be: {  	[tilespmem:s9+$0x125D0] =	vst @!p1 v0  }
0x3bf: {  	[tilespmem:s9+$0x125F0] =	vst @!p1 v0  }
0x3c0: {  	p2 =	sne.s32 s23, $0x0;
	[tilespmem:s9+$0x125C0] =	vst @!p1 v0  }
0x3c1: {  	[tilespmem:s9+$0x125E0] =	vst @!p1 v0;
	s9 =	sshra.s32 @!p2 s16, $0x2;
	v0 =	vimm.f32 @!p2 $0.0e+00  }
0x3c2: {  	[tilespmem:s9+$0x12610] =	vst @!p2 v0  }
0x3c3: {  	[tilespmem:s9+$0x12630] =	vst @!p2 v0  }
0x3c4: {  	p1 =	sne.s32 s0, $0x0;
	[tilespmem:s9+$0x12600] =	vst @!p2 v0  }
0x3c5: {  	[tilespmem:s9+$0x12620] =	vst @!p2 v0;
	s0 =	sshra.s32 @!p1 s16, $0x2;
	v0 =	vimm.f32 @!p1 $0.0e+00  }
0x3c6: {  	[tilespmem:s0+$0x12650] =	vst @!p1 v0  }
0x3c7: {  	[tilespmem:s0+$0x12640] =	vst @!p1 v0  }
0x3c8: {  	p2 =	sne.s32 s30, $0x0;
	[tilespmem:s0+$0x12670] =	vst @!p1 v0  }
0x3c9: {  	[tilespmem:s0+$0x12660] =	vst @!p1 v0;
	s0 =	sshra.s32 @!p2 s16, $0x2;
	v0 =	vimm.f32 @!p2 $0.0e+00  }
0x3ca: {  	[tilespmem:s0+$0x12690] =	vst @!p2 v0  }
0x3cb: {  	[tilespmem:s0+$0x126B0] =	vst @!p2 v0  }
0x3cc: {  	p1 =	sne.s32 s29, $0x0;
	[tilespmem:s0+$0x12680] =	vst @!p2 v0  }
0x3cd: {  	[tilespmem:s0+$0x126A0] =	vst @!p2 v0;
	s0 =	sshra.s32 @!p1 s16, $0x2;
	v0 =	vimm.f32 @!p1 $0.0e+00  }
0x3ce: {  	[tilespmem:s0+$0x126D0] =	vst @!p1 v0  }
0x3cf: {  	[tilespmem:s0+$0x126C0] =	vst @!p1 v0  }
0x3d0: {  	p2 =	sne.s32 s22, $0x0;
	[tilespmem:s0+$0x126F0] =	vst @!p1 v0  }
0x3d1: {  	[tilespmem:s0+$0x126E0] =	vst @!p1 v0;
	s0 =	sshra.s32 @!p2 s16, $0x2;
	v0 =	vimm.f32 @!p2 $0.0e+00  }
0x3d2: {  	[tilespmem:s0+$0x12710] =	vst @!p2 v0  }
0x3d3: {  	[tilespmem:s0+$0x12730] =	vst @!p2 v0  }
0x3d4: {  	p1 =	sne.s32 s8, $0x0;
	[tilespmem:s0+$0x12700] =	vst @!p2 v0  }
0x3d5: {  	[tilespmem:s0+$0x12720] =	vst @!p2 v0;
	s0 =	sshra.s32 @!p1 s16, $0x2;
	v0 =	vimm.f32 @!p1 $0.0e+00  }
0x3d6: {  	[tilespmem:s0+$0x12750] =	vst @!p1 v0  }
0x3d7: {  	[tilespmem:s0+$0x12770] =	vst @!p1 v0  }
0x3d8: {  	p2 =	sne.s32 s7, $0x0;
	[tilespmem:s0+$0x12740] =	vst @!p1 v0  }
0x3d9: {  	[tilespmem:s0+$0x12760] =	vst @!p1 v0;
	s0 =	sshra.s32 @!p2 s16, $0x2;
	v0 =	vimm.f32 @!p2 $0.0e+00  }
0x3da: {  	[tilespmem:s0+$0x12790] =	vst @!p2 v0  }
0x3db: {  	[tilespmem:s0+$0x127A0] =	vst @!p2 v0  }
0x3dc: {  	p1 =	sne.s32 s5, $0x0;
	[tilespmem:s0+$0x12780] =	vst @!p2 v0  }
0x3dd: {  	[tilespmem:s0+$0x127B0] =	vst @!p2 v0;
	s0 =	sshra.s32 @!p1 s16, $0x2;
	v0 =	vimm.f32 @!p1 $0.0e+00  }
0x3de: {  	[tilespmem:s0+$0x127C0] =	vst @!p1 v0  }
0x3df: {  	[tilespmem:s0+$0x127F0] =	vst @!p1 v0  }
0x3e0: {  	[tilespmem:s0+$0x127E0] =	vst @!p1 v0  }
0x3e1: {  	[tilespmem:s0+$0x127D0] =	vst @!p1 v0  }
.LBB2_26:
.Ltmp14:
0x3e2: {  	s0 =	sadd.s32 s6, s14;
	(pc) =	sbr.rel @p0 .LBB2_28-.Ltmp14, $4  }
0x3e3: {  	s0 =	sshll.u32 s0, $0xB  }
0x3e4: {  	s0 =	sand.u32 $0x1FFFF800, s0  }
0x3e5: {  	s8 =	simm.s32 $0x12400;
	s0 =	sadd.s32 s2, s0  }
0x3e6: {  	[hbm4b:s0+s3] =	stream.linear.scatter [tilespmem:s8], [sflag:$0x8], $0x4000, $0x38;
	[tilespmem:$0x16400] =	vst v63  }
0x3e7: {  	_ =	swait.ge [sflag:s1], $0x4000  }
.Ltmp15:
0x3e8: {  	[sflag:s1] =	ssyncset.done $0x0;
	(pc) =	sbr.rel .LBB2_2-.Ltmp15, $4  }
0x3e9: {  	s0 =	sadd.s32 $0x700, s12;
	s5 =	simm.s32 $0x80;
	[sflag:s1] =	ssyncadd.s32 $0xFFFFC000  }
0x3ea: {  	[tilespmem:s8], [sflag:$0x4] =	stream.indirect.gather [hbm4b:s4+s5], $0x40, s0, s5, $0xb8;
	[tilespmem:$0x16400] =	vst v63  }
0x3eb: {  	s31 =	sadd.s32 $0x780, s12;
	s7 =	simm.s32 $0x14400;
	s11 =	sadd.s32 $0x1, s11  }
0x3ec: {  	[tilespmem:s7], [sflag:$0x4] =	stream.indirect.gather [hbm4b:s4+s5], $0x40, s31, s5, $0xb8;
	[tilespmem:$0x16400] =	vst v63  }
.LBB2_29:
0x3ed: {  	_ =	sfence.sel $0x180000  }
0x3ee: {  	[bflag:$0x0] =	sbarrier.arrive $0xFFFF  }
0x3ef: {  	_ =	strace $0x90000047  }
0x3f0: {  	s0 =	stileid.u32;
	[bflag:$0x2] =	sbarrier.arrive $0xFFFF  }
0x3f1: {  	p0 =	sne.s32 s0, $0x0;
	s0 =	rddreg [dreg:$0x2]  }
0x3f2: {  	s0 =	sadd.s32 @!p0 $0x100000, s0  }
0x3f3: {  	[sflag:s0] =	ssyncadd.tile.s32 @!p0 $0x1;
	_ =	shalt  }
.Lfunc_end2:
_tile_overlayer_lowered:
.L_overlay_start_2:
0x3f4: {  	(tag) =	ssettag $0x2  }
0x3f5: {  	s0 =	rddreg [dreg:$0x0];
	s2 =	stileid.u32  }
0x3f6: {  	s1 =	rddreg [dreg:$0x1];
	p0 =	sne.s32 s2, $0x0  }
0x3f7: {  	s3 =	rddreg [dreg:$0x2];
	[bflag:$0x3] =	sbarrier.arrive $0xFFFF;
	s2 =	simm.s32 @!p0 $0x1C09  }
0x3f8: {  	[timem:s3], [sflag:s2] =	dma.local @!p0 [hbm:s0], s1  }
0x3f9: {  	s0 =	simm.s32 @!p0 $0x9  }
0x3fa: {  	_ =	swait.ge @!p0 [sflag:s0], s1  }
0x3fb: {  	s1 =	ssub.s32 @!p0 $0x0, s1;
	[sflag:s0] =	ssyncset.done @!p0 $0x0  }
0x3fc: {  	[sflag:s0] =	ssyncadd.s32 @!p0 s1  }
0x3fd: {  	[bflag:$0x3] =	sbarrier.arrive $0xFFFF  }
0x3fe: {  	_ =	shalt  }

// kernel: sparse-core-data-format-call.cloned.1.call-start
scs
called_computation_lowered:
.L_overlay_start_0:
0x0: {  	s2 =	sld [smem:$0x3FD9]  }
0x1: {  	s3 =	sld [smem:$0x3FFE];
	_ =	sdelay $0x1  }
0x2: {  	s1 =	srdreg.scid  }
0x3: {  	s0 =	sand.u32 $0x1, s1  }
0x4: {  	s18 =	sshll.u32 s0, $0xA;
	s2 =	sadd.s32 s3, s2  }
0x5: {  	s2 =	sadd.s32 s2, s18  }
0x6: {  	[smem:$0x3FC6] =	sst s2  }
0x7: {  	_ = 	snop  }
0x8: {  	s2 =	sld [smem:$0x3FD0];
	(tm) =	ssettm $0x1  }
0x9: {  	s19 =	sld [smem:$0x3FFB];
	_ =	sdelay $0x3  }
0xa: {  	_ =	strace s19  }
0xb: {  	s3 =	sld [smem:$0x3FFC];
	_ =	sdelay $0x3  }
0xc: {  	_ =	strace s3  }
0xd: {  	s3 =	sld [smem:$0x3FFD];
	_ =	sdelay $0x3  }
0xe: {  	_ =	strace s3  }
0xf: {  	_ =	strace $0x8FFFFFFF  }
0x10: {  	s20 =	sld [smem:$0x3FDB];
	_ =	sdelay $0x1  }
0x11: {  	s4 =	simm.s32 $_scs_section_size  }
0x12: {  	s5 =	simm.s32 $_size__tile_overlayer_lowered;
	s6 =	simm.s32 $_tile_overlayer_lowered  }
0x13: {  	s23 =	simm.s32 $0x1BFF;
	s22 =	sshll.u32 s6, $0x1;
	s3 =	sadd.s32 s4, s20  }
0x14: {  	s7 =	simm.s32 $0x0;
	s21 =	sshll.u32 s5, $0x1;
	s5 =	sadd.s32 s22, s3  }
0x15: {  	[timem:s7], [sflag:s23] =	dma.local [hbm:s5], s21  }
0x16: {  	_ =	swait.ge [sflag:s23], s21  }
0x17: {  	s4 =	ssub.s32 $0x0, s21;
	[sflag:s23] =	ssyncset.done $0x0  }
0x18: {  	[sflag:s23] =	ssyncadd.s32 s4;
	_ =	sdelay $0x1  }
0x19: {  	s24 =	simm.s32 $0x1B8B  }
0x1a: {  	_ =	swait.ge [sflag:s24], $0x1  }
0x1b: {  	[sflag:s24] =	ssyncset.done $0x0  }
0x1c: {  	s26 =	simm.s32 $0x1B8E;
	s25 =	sld [smem:$0x3FFE];
	[sflag:s24] =	ssyncadd.s32 $0xFFFFFFFF  }
0x1d: {  	s27 =	simm.s32 $execute0_lowered;
	[smem:$0x3FD2] =	sst s26  }
0x1e: {  	s5 =	sshll.u32 s27, $0x1;
	_ =	strace $0x80000049;
	[dreg:$0x1] =	wrdreg $0xFFFFFFFF  }
0x1f: {  	s28 =	simm.s32 $_size_execute0_lowered;
	s3 =	sadd.s32 s3, s5;
	[dreg:$0x0] =	wrdreg $0x0  }
0x20: {  	s5 =	sshll.u32 s28, $0x1;
	[dreg:$0x2] =	wrdreg s3  }
0x21: {  	[dreg:$0x3] =	wrdreg s5  }
0x22: {  	[dreg:$0x4] =	wrdreg $0xC0  }
0x23: {  	_ =	task [dreg:s7], $0x5FFFF  }
0x24: {  	[dreg:$0x1] =	wrdreg $0xFFFFFFFF  }
0x25: {  	[dreg:$0x0] =	wrdreg $0x60  }
0x26: {  	[dreg:$0x2] =	wrdreg s25  }
0x27: {  	[dreg:$0x3] =	wrdreg s2  }
0x28: {  	[dreg:$0x4] =	wrdreg $0x9  }
0x29: {  	_ =	task.clear_ibuf [dreg:s7], $0x5FFFF;
	_ =	strace $0x90000049  }
0x2a: {  	s29 =	simm.s32 $0x9;
	_ =	strace $0x8000004B  }
0x2b: {  	_ =	swait.ge [sflag:s29], $0x1  }
0x2c: {  	[sflag:s29] =	ssyncadd.s32 $0xFFFFFFFF  }
0x2d: {  	_ =	strace $0x9000004B  }
0x2e: {  	_ =	sfence  }
0x2f: {  	s30 =	sld [smem:$0x0];
	_ =	sdelay $0x2  }
0x30: {  	s31 =	sshll.u32 s1, $0xD;
	s1 =	sshrl.u32 s1, $0x2  }
0x31: {  	s3 =	sand.u32 $0x4000, s31;
	s1 =	sadd.s32 s1, s30  }
0x32: {  	s0 =	sor.u32 s3, s0;
	s1 =	sshll.u32 s1, $0x11  }
0x33: {  	s0 =	sor.u32 s1, s0  }
0x34: {  	s0 =	sadd.s32 $0x8F2B, s0  }
0x35: {  	[sflag:s0] =	ssyncadd.remote.s32 $0x1  }
0x36: {  	_ =	sfence.sel $0xFFFF  }
0x37: {  	[dreg:$0x0] =	wrdreg $0xFFFFFFFF;
	(pc) =	sbr.abs _section_cstart, $3  }
0x38: {  	[dreg:$0x1] =	wrdreg $0xFFFFFFFF  }
0x39: {  	_ =	task.clear_ibuf [dreg:s7], $0x2FFFF;
	_ =	strace $0x9FFFFFFF  }
0x3a: {  	(tm) =	ssettm $0x7FFFFFFF  }
0x3b: {  	_ =	shalt  }
tec
execute0_lowered:
.L_overlay_start_1:
0x0: {  	(tag) =	ssettag $0x1  }
0x1: {  	s0 =	srdreg.scid  }
0x2: {  	s1 =	sshll.u32 s0, $0x4  }
0x3: {  	s0 =	stileid.u32;
	s1 =	sand.u32 $0x10, s1  }
0x4: {  	s7 =	rddreg [dreg:$0x0];
	s1 =	sor.u32 s0, s1  }
0x5: {  	s4 =	simm.s32 $0x1;
	s8 =	simm.s32 $0x2;
	s2 =	sshll.u32 s1, $0x7  }
0x6: {  	s13 =	simm.s32 $0x0;
	s9 =	simm.s32 $0x20000;
	s1 =	ssub.s32 $0x4000, s2  }
0x7: {  	s14 =	simm.s32 $0x0;
	s11 =	simm.s32 $0x0;
	s3 =	sand.u32 $0xF80, s1  }
0x8: {  	s12 =	simm.s32 $0x0;
	s5 =	sshrl.u32 s1, $0xC;
	p0 =	sne.s32 s3, $0x0  }
.Ltmp0:
0x9: {  	s1 =	rddreg [dreg:$0x2];
	s4 =	simm.s32 @!p0 $0x0;
	(pc) =	sbr.rel .LBB1_1-.Ltmp0, $4  }
0xa: {  	s6 =	sadd.s32 $0xA00, s7;
	s3 =	rddreg [dreg:$0x1];
	s5 =	sadd.s32 s4, s5  }
0xb: {  	_ =	strace $0x8000004A;
	s4 =	simm.s32 $0x1;
	s5 =	smul.u32 $0x19, s5  }
0xc: {  	s7 =	sadd.s32 $0x40A00, s7;
	s10 =	smov.u32 s2;
	[sflag:s4] =	ssyncpa.u1 $0x0  }
0xd: {  	p0 =	por $0x0, $0x0;
	[sflag:s8] =	ssyncpa.u1 $0x0;
	s8 =	sadd.s32 $0x1, s5  }
.LBB1_7:
0xe: {  	s15 =	sadd.s32 $0x1000, s10  }
0xf: {  	s13 =	sadd.s32 $0x2, s11;
	s17 =	smov.u32 s11;
	p2 =	sgt.s32 s15, $0x3FFF  }
0x10: {  	s17 =	smov.u32 @p2 s13  }
0x11: {  	s15 =	smov.u32 @p2 s2;
	p2 =	sgt.s32 s17, $0x31  }
0x12: {  	s17 =	simm.s32 @p2 $0x0;
	p2 =	sne.s32 s12, s8  }
.Ltmp1:
0x13: {  	p1 =	slt.u32 s12, $0x2;
	(pc) =	sbr.rel @!p2 .LBB1_8-.Ltmp1, $4  }
0x14: {  	s16 =	simm.s32 @!p1 $0x2  }
0x15: {  	s14 =	smov.u32 s11;
	p0 =	por !p0, !p0;
	_ =	swait.ge @!p1 [sflag:s16], $0x4000  }
0x16: {  	s13 =	smov.u32 s10;
	[sflag:s16] =	ssyncset.done @!p1 $0x0;
	s10 =	smov.u32 s15  }
0x17: {  	s12 =	sadd.s32 $0x1, s12;
	[sflag:s16] =	ssyncadd.s32 @!p1 $0xFFFFC000;
	s11 =	smov.u32 s17  }
.LBB1_1:
0x18: {  	p1 =	sge.u32 s12, s5  }
0x19: {  	s15 =	sxor.u32 @!p1 $0xFFFFFFFF, s12;
	s16 =	sshll.u32 @!p1 s11, $0x12  }
0x1a: {  	s17 =	sshll.u32 @!p1 s10, $0x4;
	s19 =	simm.s32 @!p1 $0x40;
	s20 =	simm.s32 @!p1 $0x80  }
0x1b: {  	s15 =	sshll.u32 @!p1 s15, $0xE;
	s17 =	sand.u32 @!p1 $0x3FFF0, s17;
	s18 =	sadd.s32 @!p1 s6, s16  }
0x1c: {  	s16 =	sadd.s32 @!p1 s16, s7;
	s15 =	sand.u32 @!p1 $0x4000, s15;
	s18 =	sadd.s32 @!p1 s17, s18  }
0x1d: {  	[tilespmem:s15], [sflag:$0x1] =	stream.strided.gather @!p1 [hbm4b:s18+s19], $0x2000, s20, s19, $0x38;
	[tilespmem:$0x10100] =	vst v63  }
0x1e: {  	s31 =	sadd.s32 $0xFFFFFFFF, s12;
	s16 =	sadd.s32 @!p1 s17, s16;
	s15 =	sor.u32 @!p1 $0x2000, s15  }
0x1f: {  	[tilespmem:s15], [sflag:$0x1] =	stream.strided.gather @!p1 [hbm4b:s16+s19], $0x2000, s20, s19, $0x38;
	[tilespmem:$0x10100] =	vst v63  }
0x20: {  	p1 =	sge.u32 s31, s5  }
.Ltmp2:
0x21: {  	_ = 	snop;
	(pc) =	sbr.rel @p1 .LBB1_7-.Ltmp2, $1  }
0x22: {  	_ =	sdelay $0x3  }
0x23: {  	s15 =	simm.s32 $0x1;
	s17 =	sand.u32 $0x1, s12  }
0x24: {  	_ =	swait.ge [sflag:s4], $0x4000;
	s15 =	simm.s32 @!p0 $0x0;
	s17 =	smul.u32 $0x10200, s17  }
0x25: {  	p2 =	por $0x1, $0x1;
	[sflag:s4] =	ssyncset.done $0x0;
	s16 =	smul.u32 $0x10200, s15  }
0x26: {  	s18 =	sshll.u32 s15, $0x10;
	[sflag:s4] =	ssyncadd.s32 $0xFFFFC000;
	s30 =	sshrl.u32 s17, $0x2  }
0x27: {  	s31 =	sshrl.u32 s18, $0x2;
	s18 =	simm.s32 $0x0;
	s16 =	sshrl.u32 s16, $0x2  }
0x28: {  	s15 =	sor.u32 $0x8000, s30;
	s17 =	sadd.s32 $0x20, s31;
	s16 =	sor.u32 $0x8000, s16  }
.LBB1_3:
0x29: {  	s19 =	sshll.u32 s18, $0xD  }
0x2a: {  	s19 =	sand.u32 $0x3FFFE000, s19  }
0x2b: {  	s21 =	sadd.s32 s19, s17  }
0x2c: {  	s31 =	smul.u32 $0x8100, s18;
	v3 =	vld [tilespmem:s21+$0x10]  }
0x2d: {  	v1 =	vld [tilespmem:s21+$0xFFFFFFF0]  }
0x2e: {  	s18 =	sshra.s32 s31, $0x2;
	v0 =	vld [tilespmem:s21+$0x0]  }
0x2f: {  	s18 =	sadd.s32 s18, s16;
	v2 =	vld [tilespmem:s21+$0xFFFFFFE0]  }
0x30: {  	s19 =	sadd.s32 $0x0, s18  }
0x31: {  	p1 =	por p2, p2;
	s20 =	simm.s32 $0x4;
	s21 =	sadd.s32 $0x40, s21;
	[tilespmem:s19+$0x1830 ss:$0x81] =	vst.msk $0xffff, v3  }
.LBB1_4:
0x32: {  	v3 =	vld [tilespmem:s21+$0x10];
	p2 =	sne.s32 s20, $0x1FC;
	[tilespmem:s19+$0x810 ss:$0x81] =	vst.msk $0xffff, v1;
	s22 =	smov.u32 s20;
	s20 =	sadd.s32 $0x4, s20  }
.Ltmp3:
0x33: {  	v1 =	vld [tilespmem:s21+$0xFFFFFFF0];
	[tilespmem:s19+$0x1020 ss:$0x81] =	vst.msk $0xffff, v0;
	(pc) =	sbr.rel @p2 .LBB1_4-.Ltmp3, $4  }
0x34: {  	v0 =	vld [tilespmem:s21+$0x0];
	[tilespmem:s19+$0x0 ss:$0x81] =	vst.msk $0xffff, v2  }
0x35: {  	s19 =	sshra.s32 s22, $0x2;
	v2 =	vld [tilespmem:s21+$0xFFFFFFE0]  }
0x36: {  	s19 =	sadd.s32 s19, s18  }
0x37: {  	s21 =	sadd.s32 $0x40, s21;
	[tilespmem:s19+$0x1830 ss:$0x81] =	vst.msk $0xffff, v3  }
.Ltmp4:
0x38: {  	(pc) =	sbr.rel @p1 .LBB1_3-.Ltmp4, $4  }
0x39: {  	_ = 	snop  }
0x3a: {  	[tilespmem:s19+$0x810 ss:$0x81] =	vst.msk $0xffff, v1  }
0x3b: {  	[tilespmem:s19+$0x1020 ss:$0x81] =	vst.msk $0xffff, v0  }
0x3c: {  	s18 =	simm.s32 $0x1;
	p2 =	por $0x0, $0x0;
	[tilespmem:s19+$0x0 ss:$0x81] =	vst.msk $0xffff, v2  }
0x3d: {  	s16 =	sshll.u32 s13, $0x3;
	s17 =	sand.u32 $0x78, s13;
	s14 =	sshll.u32 s14, $0x11  }
.Ltmp5:
0x3e: {  	s30 =	sand.u32 $0x1F800, s13;
	s16 =	sand.u32 $0x3C00, s16;
	(pc) =	sbr.rel .LBB1_7-.Ltmp5, $4  }
0x3f: {  	s31 =	sand.u32 $0x7, s13;
	s14 =	sadd.s32 s3, s14;
	s16 =	sor.u32 s17, s16  }
0x40: {  	s13 =	sshll.u32 s31, $0x12;
	s14 =	sadd.s32 s30, s14;
	s16 =	sshrl.u32 s16, $0x3  }
0x41: {  	s13 =	sor.u32 $0x400, s13;
	s14 =	sadd.s32 s16, s14  }
0x42: {  	[hbm4b:s14+s13] =	stream.strided.scatter [tilespmem:s15], [sflag:$0x2], $0x4000, s9, s13, $0x20;
	[tilespmem:$0x10100] =	vst v63  }
.LBB1_8:
0x43: {  	_ =	sfence.sel $0x180000  }
0x44: {  	s2 =	simm.s32 $0x1;
	[bflag:$0x0] =	sbarrier.arrive $0xFFFF  }
0x45: {  	s31 =	simm.s32 $0x2;
	[sflag:s2] =	ssyncpa.u1 $0x1  }
0x46: {  	[sflag:s31] =	ssyncpa.u1 $0x1  }
0x47: {  	p0 =	sne.s32 s0, $0x0;
	_ =	strace $0x9000004A  }
0x48: {  	s0 =	sadd.s32 @!p0 $0x100000, s1;
	[bflag:$0x2] =	sbarrier.arrive $0xFFFF  }
0x49: {  	[sflag:s0] =	ssyncadd.tile.s32 @!p0 $0x1;
	_ =	shalt  }
.Lfunc_end1:
_tile_overlayer_lowered:
.L_overlay_start_2:
0x4a: {  	(tag) =	ssettag $0x2  }
0x4b: {  	s0 =	rddreg [dreg:$0x0];
	s2 =	stileid.u32  }
0x4c: {  	s1 =	rddreg [dreg:$0x1];
	p0 =	sne.s32 s2, $0x0  }
0x4d: {  	s3 =	rddreg [dreg:$0x2];
	[bflag:$0x3] =	sbarrier.arrive $0xFFFF;
	s2 =	simm.s32 @!p0 $0x1C01  }
0x4e: {  	[timem:s3], [sflag:s2] =	dma.local @!p0 [hbm:s0], s1  }
0x4f: {  	s0 =	simm.s32 @!p0 $0x1  }
0x50: {  	_ =	swait.ge @!p0 [sflag:s0], s1  }
0x51: {  	s1 =	ssub.s32 @!p0 $0x0, s1;
	[sflag:s0] =	ssyncset.done @!p0 $0x0  }
0x52: {  	[sflag:s0] =	ssyncadd.s32 @!p0 s1  }
0x53: {  	[bflag:$0x3] =	sbarrier.arrive $0xFFFF  }
0x54: {  	_ =	shalt  }

</sc_bundles>
